<compile_context>
chip_gen: v7x
topology: tpu7x:2x2x1
jax: 0.10.2.dev20260603
libtpu: 0.0.44.dev20260713+nightly
codegen_flags: <defaults>
</compile_context>

<pallas_src>
import jax
import jax.numpy as jnp
from jax import lax
from jax.experimental import pallas as pl
from jax.experimental.pallas import tpu as pltpu
from jax.experimental.pallas import tpu_sc as plsc

L = 16

B, C, H, W = 4, 3, 384, 384
M = 32
NPLANE = B * C
NW = 32
RS = 8
CS = 128
GPB = RS * CS // L
NROW = H // RS
NCOL = W // CS
CPP = NROW * NCOL
NCH = NPLANE * CPP
CPW = NCH // NW


def _adv(p, r, c):
    c2 = c + 1
    cw = c2 >= NCOL
    r2 = jnp.where(cw, r + 1, r)
    rw = r2 >= NROW
    return (jnp.where(rw, p + 1, p), jnp.where(rw, 0, r2),
            jnp.where(cw, 0, c2))


def _quant(x16):
    return jnp.clip((x16 * 255.0).astype(jnp.int32), 0, 255)


def _body(x_hbm, emb_hbm, out_hbm, emb_v, bt_v, x_v, out_v,
          xs0, xs1, os0, os1):
    nc = 2
    wid = lax.axis_index("s") * nc + lax.axis_index("c")
    xsems = (xs0, xs1)
    osems = (os0, os1)

    pltpu.sync_copy(emb_hbm, emb_v)

    lane = lax.iota(jnp.int32, L)

    for mp in range(M // 2):
        def build_g(g, _, mp=mp):
            vidx = (g * L + lane) * M + 2 * mp
            e0 = plsc.load_gather(emb_v, [vidx])
            e1 = plsc.load_gather(emb_v, [vidx + 1])
            b0 = plsc.bitcast((jnp.sign(e0) + 1.0) * 0.5, jnp.int32)
            b1 = plsc.bitcast((jnp.sign(e1) + 1.0) * 0.5, jnp.int32)
            bt_v[pl.ds(mp * 256 + g * L, L)] = (
                (b0 >> 16) | (b1 & jnp.int32(-65536)))
            return 0

        lax.fori_loop(0, 256 // L, build_g, 0)

    start = wid * CPW
    p0 = (start * 29128) >> 22
    rem = start - p0 * CPP
    r0 = (rem * 21846) >> 16
    c0 = rem - r0 * NCOL

    pa, ra, ca = p0, r0, c0
    for bb in range(2):
        pltpu.async_copy(
            x_hbm.at[pa, pl.ds(ra * RS, RS), pl.ds(ca * CS, CS)],
            x_v.at[bb], xsems[bb])
        pa, ra, ca = _adv(pa, ra, ca)

    def step(t, carry):
        p, r, c = carry
        for bb in range(2):
            pltpu.make_async_copy(
                x_hbm.at[0, pl.ds(0, RS), pl.ds(0, CS)],
                x_v.at[bb], xsems[bb]).wait()

            @pl.when(t > 0)
            def _wait_out(bb=bb):
                pltpu.make_async_copy(
                    out_v.at[bb],
                    out_hbm.at[0, :, pl.ds(0, RS), pl.ds(0, CS)],
                    osems[bb]).wait()

            idx0 = _quant(x_v[bb, 0, pl.ds(0, L)])

            @plsc.parallel_loop(0, GPB, carry=idx0)
            def grp(g, idxc, bb=bb):
                g2 = jnp.minimum(g + 1, GPB - 1)
                row2 = g2 >> 3
                cb2 = (g2 & 7) * L
                idxn = _quant(x_v[bb, row2, pl.ds(cb2, L)])

                row = g >> 3
                cb = (g & 7) * L
                packed = [plsc.load_gather(bt_v, [idxc + (mp * 256)])
                          for mp in range(M // 2)]
                for mp in range(M // 2):
                    v = packed[mp]
                    out_v[bb, 2 * mp, row, pl.ds(cb, L)] = plsc.bitcast(
                        v << 16, jnp.float32)
                    out_v[bb, 2 * mp + 1, row, pl.ds(cb, L)] = plsc.bitcast(
                        v & jnp.int32(-65536), jnp.float32)
                return idxn

            pltpu.async_copy(
                out_v.at[bb],
                out_hbm.at[p, :, pl.ds(r * RS, RS), pl.ds(c * CS, CS)],
                osems[bb])

            pn, rn, cn = _adv(p, r, c)
            p2, r2, c2 = _adv(pn, rn, cn)
            s_next = t * 2 + bb + 2
            @pl.when(s_next < CPW)
            def _prefetch(bb=bb, p2=p2, r2=r2, c2=c2):
                pltpu.async_copy(
                    x_hbm.at[p2, pl.ds(r2 * RS, RS), pl.ds(c2 * CS, CS)],
                    x_v.at[bb], xsems[bb])

            p, r, c = pn, rn, cn
        return p, r, c

    lax.fori_loop(0, CPW // 2, step, (p0, r0, c0))

    for bb in range(2):
        pltpu.make_async_copy(
            out_v.at[bb], out_hbm.at[0, :, pl.ds(0, RS), pl.ds(0, CS)],
            osems[bb]).wait()


@jax.jit
def kernel(x, embedding):
    x3 = x.reshape(NPLANE, H, W)
    emb_flat = embedding.reshape(-1)
    mesh = plsc.VectorSubcoreMesh(core_axis_name="c", subcore_axis_name="s")
    out = pl.kernel(
        _body,
        out_type=jax.ShapeDtypeStruct((NPLANE, M, H, W), jnp.float32),
        mesh=mesh,
        compiler_params=pltpu.CompilerParams(needs_layout_passes=False),
        scratch_types=[
            pltpu.VMEM((256 * M,), jnp.float32),
            pltpu.VMEM((M // 2 * 256,), jnp.int32),
            pltpu.VMEM((2, RS, CS), jnp.float32),
            pltpu.VMEM((2, M, RS, CS), jnp.float32),
            pltpu.SemaphoreType.DMA,
            pltpu.SemaphoreType.DMA,
            pltpu.SemaphoreType.DMA,
            pltpu.SemaphoreType.DMA,
        ],
    )(x3, emb_flat)
    return out.reshape(B, C * M, H, W)

# --- scband reference (transcript-rebuilt; emitter-appended) ---
"""Pipeline reference for scband-p2-be-57234734187212 (READ-ONLY COPY).

The authoritative reference and input builder live on the scoring server;
editing this copy changes nothing except your own understanding.
"""

import jax, jax.numpy as jnp
import numpy as np


def ste(x):
    # straight-through estimator with binary (sign) forward
    return x + jax.lax.stop_gradient(jnp.sign(x) - x)


def setup_inputs(seed: int = 0) -> dict:
    key = jax.random.key(seed)
    k1, k2 = jax.random.split(key)
    x = jax.random.uniform(k1, (4, 3, 384, 384), dtype=jnp.float32)
    # learned parameter: embedding table (init='normal')
    embedding = jax.random.normal(k2, (256, 32), dtype=jnp.float32)
    return {"x": x, "embedding": embedding}


def reference(x, embedding):
    b, c, h, w = x.shape
    m = embedding.shape[1]
    idx = jnp.clip((x * 255.0).astype(jnp.int32), 0, 255).reshape(-1)
    e = jnp.take(embedding, idx, axis=0).reshape(b, c, h, w, m)
    e = jnp.transpose(e, (0, 1, 4, 2, 3)).reshape(b, c * m, h, w)
    e = ste(e)
    return (e + 1.0) / 2.0

if __name__ == "__main__":
    import jax
    _d = setup_inputs()
    print(jax.jit(kernel)(*tuple(_d.values())))

</pallas_src>

<mosaic_0001>
#map = affine_map<(d0, d1) -> (0, 0, 0)>
#map1 = affine_map<(d0, d1) -> (0)>
#map2 = affine_map<(d0, d1) -> (0, 0, 0, 0)>
module attributes {stable_mosaic.version = 14 : i64} {
  func.func @_body(%arg0: i32, %arg1: i32, %arg2: memref<12x384x384xf32, #tpu.memory_space<hbm>>, %arg3: memref<8192xf32, #tpu.memory_space<hbm>>, %arg4: memref<12x32x384x384xf32, #tpu.memory_space<hbm>>, %arg5: memref<8192xf32, #tpu.memory_space<vmem>>, %arg6: memref<4096xi32, #tpu.memory_space<vmem>>, %arg7: memref<2x8x128xf32, #tpu.memory_space<vmem>>, %arg8: memref<2x32x8x128xf32, #tpu.memory_space<vmem>>, %arg9: memref<!tpu.dma_semaphore, #tpu.memory_space<semaphore_mem>>, %arg10: memref<!tpu.dma_semaphore, #tpu.memory_space<semaphore_mem>>, %arg11: memref<!tpu.dma_semaphore, #tpu.memory_space<semaphore_mem>>, %arg12: memref<!tpu.dma_semaphore, #tpu.memory_space<semaphore_mem>>) attributes {dimension_semantics = [#tpu.dimension_semantics<core_parallel>, #tpu.dimension_semantics<subcore_parallel>], iteration_bounds = array<i64: 2, 16>, scalar_prefetch = 0 : i64, scratch_operands = 8 : i64, tpu.core_type = #tpu.core_type<sc_vector_subcore>, window_params = [{transform_indices = #map}, {transform_indices = #map1}, {transform_indices = #map2}]} {
    %mul3A = arith.constant 2 : i32
    %mul3A_0 = arith.muli %arg1, %mul3A : i32
    %add3A = arith.addi %mul3A_0, %arg0 : i32
    "tpu.region"() ({
      %run_scoped3A = tpu.sem_alloc : memref<!tpu.dma_semaphore, #tpu.memory_space<semaphore_mem>>
      tpu.enqueue_dma source(%arg3 : memref<8192xf32, #tpu.memory_space<hbm>>) target(%arg5 : memref<8192xf32, #tpu.memory_space<vmem>>) target_semaphore(%run_scoped3A : memref<!tpu.dma_semaphore, #tpu.memory_space<semaphore_mem>>)
      tpu.wait_dma2 semaphore(%run_scoped3A : memref<!tpu.dma_semaphore, #tpu.memory_space<semaphore_mem>>) src(%arg3 : memref<8192xf32, #tpu.memory_space<hbm>>) dst(%arg5 : memref<8192xf32, #tpu.memory_space<vmem>>)
      tpu.yield
    }) : () -> ()
    %iota3A = tpu.iota {dimensions = array<i32: 0>} : vector<16xi32>
    %scan3A = arith.constant 0 : i32
    %scan3A_1 = arith.constant 0 : i32
    %scan3A_2 = arith.constant 16 : i32
    %scan3A_3 = arith.addi %scan3A_1, %scan3A_2 : i32
    %scan3A_4 = arith.constant 1 : i32
    %scan3A_5 = scf.for %scan3A_237 = %scan3A_1 to %scan3A_3 step %scan3A_4 iter_args(%scan3A_238 = %scan3A) -> (i32)  : i32 {
      %mul3A_239 = arith.constant 16 : i32
      %mul3A_240 = arith.muli %scan3A_237, %mul3A_239 : i32
      %add3A_241 = vector.broadcast %mul3A_240 : i32 to vector<16xi32>
      %add3A_242 = arith.addi %add3A_241, %iota3A : vector<16xi32>
      %mul3A_243 = arith.constant 32 : i32
      %mul3A_244 = vector.broadcast %mul3A_243 : i32 to vector<16xi32>
      %mul3A_245 = arith.muli %add3A_242, %mul3A_244 : vector<16xi32>
      %add3A_246 = arith.constant 0 : i32
      %add3A_247 = vector.broadcast %add3A_246 : i32 to vector<16xi32>
      %add3A_248 = arith.addi %mul3A_245, %add3A_247 : vector<16xi32>
      %gather3A = tpu.vector_load_idx %arg5[%add3A_248] : memref<8192xf32, #tpu.memory_space<vmem>>[vector<16xi32>], vector<16xf32>,
      %add3A_249 = arith.constant 1 : i32
      %add3A_250 = vector.broadcast %add3A_249 : i32 to vector<16xi32>
      %add3A_251 = arith.addi %add3A_248, %add3A_250 : vector<16xi32>
      %gather3A_252 = tpu.vector_load_idx %arg5[%add3A_251] : memref<8192xf32, #tpu.memory_space<vmem>>[vector<16xi32>], vector<16xf32>,
      %sign3A = tpu.bitcast %gather3A : vector<16xf32> -> vector<16xi32>
      %sign3A_253 = arith.constant -2147483648 : i32
      %sign3A_254 = vector.broadcast %sign3A_253 : i32 to vector<16xi32>
      %sign3A_255 = arith.andi %sign3A, %sign3A_254 : vector<16xi32>
      %sign3A_256 = arith.constant 1065353216 : i32
      %sign3A_257 = vector.broadcast %sign3A_256 : i32 to vector<16xi32>
      %sign3A_258 = arith.ori %sign3A_257, %sign3A_255 : vector<16xi32>
      %sign3A_259 = tpu.bitcast %sign3A_258 : vector<16xi32> -> vector<16xf32>
      %sign3A_260 = math.absf %gather3A : vector<16xf32>
      %sign3A_261 = arith.constant 0.000000e+00 : f32
      %sign3A_262 = vector.broadcast %sign3A_261 : f32 to vector<16xf32>
      %sign3A_263 = arith.cmpf ogt, %sign3A_260, %sign3A_262 : vector<16xf32>
      %sign3A_264 = arith.select %sign3A_263, %sign3A_259, %gather3A : vector<16xi1>, vector<16xf32>
      %add3A_265 = arith.constant 1.000000e+00 : f32
      %add3A_266 = vector.broadcast %add3A_265 : f32 to vector<16xf32>
      %add3A_267 = arith.addf %sign3A_264, %add3A_266 : vector<16xf32>
      %mul3A_268 = arith.constant 5.000000e-01 : f32
      %mul3A_269 = vector.broadcast %mul3A_268 : f32 to vector<16xf32>
      %mul3A_270 = arith.mulf %add3A_267, %mul3A_269 : vector<16xf32>
      %bitcast3A = vector.bitcast %mul3A_270 : vector<16xf32> to vector<16xi32>
      %sign3A_271 = tpu.bitcast %gather3A_252 : vector<16xf32> -> vector<16xi32>
      %sign3A_272 = arith.constant -2147483648 : i32
      %sign3A_273 = vector.broadcast %sign3A_272 : i32 to vector<16xi32>
      %sign3A_274 = arith.andi %sign3A_271, %sign3A_273 : vector<16xi32>
      %sign3A_275 = arith.constant 1065353216 : i32
      %sign3A_276 = vector.broadcast %sign3A_275 : i32 to vector<16xi32>
      %sign3A_277 = arith.ori %sign3A_276, %sign3A_274 : vector<16xi32>
      %sign3A_278 = tpu.bitcast %sign3A_277 : vector<16xi32> -> vector<16xf32>
      %sign3A_279 = math.absf %gather3A_252 : vector<16xf32>
      %sign3A_280 = arith.constant 0.000000e+00 : f32
      %sign3A_281 = vector.broadcast %sign3A_280 : f32 to vector<16xf32>
      %sign3A_282 = arith.cmpf ogt, %sign3A_279, %sign3A_281 : vector<16xf32>
      %sign3A_283 = arith.select %sign3A_282, %sign3A_278, %gather3A_252 : vector<16xi1>, vector<16xf32>
      %add3A_284 = arith.constant 1.000000e+00 : f32
      %add3A_285 = vector.broadcast %add3A_284 : f32 to vector<16xf32>
      %add3A_286 = arith.addf %sign3A_283, %add3A_285 : vector<16xf32>
      %mul3A_287 = arith.constant 5.000000e-01 : f32
      %mul3A_288 = vector.broadcast %mul3A_287 : f32 to vector<16xf32>
      %mul3A_289 = arith.mulf %add3A_286, %mul3A_288 : vector<16xf32>
      %bitcast3A_290 = vector.bitcast %mul3A_289 : vector<16xf32> to vector<16xi32>
      %shift_right_arithmetic3A_291 = arith.constant 16 : i32
      %shift_right_arithmetic3A_292 = vector.broadcast %shift_right_arithmetic3A_291 : i32 to vector<16xi32>
      %shift_right_arithmetic3A_293 = arith.shrsi %bitcast3A, %shift_right_arithmetic3A_292 : vector<16xi32>
      %and3A = arith.constant -65536 : i32
      %and3A_294 = vector.broadcast %and3A : i32 to vector<16xi32>
      %and3A_295 = arith.andi %bitcast3A_290, %and3A_294 : vector<16xi32>
      %or3A = arith.ori %shift_right_arithmetic3A_293, %and3A_295 : vector<16xi32>
      %mul3A_296 = arith.constant 16 : i32
      %mul3A_297 = arith.muli %scan3A_237, %mul3A_296 : i32
      %add3A_298 = arith.constant 0 : i32
      %add3A_299 = arith.addi %add3A_298, %mul3A_297 : i32
      %swap3A = arith.index_cast %add3A_299 : i32 to index
      %swap3A_300 = tpu.vector_load %arg6[%swap3A] {strides = array<i32>} : memref<4096xi32, #tpu.memory_space<vmem>>, vector<16xi32>,
      tpu.vector_store %arg6[%swap3A], %or3A {strides = array<i32>} : memref<4096xi32, #tpu.memory_space<vmem>>, vector<16xi32>,
      %scan3A_301 = arith.constant 0 : i32
      scf.yield %scan3A_301 : i32
    }
    %scan3A_6 = arith.constant 16 : i32
    %scan3A_7 = arith.constant 0 : i32
    %scan3A_8 = arith.constant 0 : i32
    %scan3A_9 = arith.constant 16 : i32
    %scan3A_10 = arith.addi %scan3A_8, %scan3A_9 : i32
    %scan3A_11 = arith.constant 1 : i32
    %scan3A_12 = scf.for %scan3A_237 = %scan3A_8 to %scan3A_10 step %scan3A_11 iter_args(%scan3A_238 = %scan3A_7) -> (i32)  : i32 {
      %mul3A_239 = arith.constant 16 : i32
      %mul3A_240 = arith.muli %scan3A_237, %mul3A_239 : i32
      %add3A_241 = vector.broadcast %mul3A_240 : i32 to vector<16xi32>
      %add3A_242 = arith.addi %add3A_241, %iota3A : vector<16xi32>
      %mul3A_243 = arith.constant 32 : i32
      %mul3A_244 = vector.broadcast %mul3A_243 : i32 to vector<16xi32>
      %mul3A_245 = arith.muli %add3A_242, %mul3A_244 : vector<16xi32>
      %add3A_246 = arith.constant 2 : i32
      %add3A_247 = vector.broadcast %add3A_246 : i32 to vector<16xi32>
      %add3A_248 = arith.addi %mul3A_245, %add3A_247 : vector<16xi32>
      %gather3A = tpu.vector_load_idx %arg5[%add3A_248] : memref<8192xf32, #tpu.memory_space<vmem>>[vector<16xi32>], vector<16xf32>,
      %add3A_249 = arith.constant 1 : i32
      %add3A_250 = vector.broadcast %add3A_249 : i32 to vector<16xi32>
      %add3A_251 = arith.addi %add3A_248, %add3A_250 : vector<16xi32>
      %gather3A_252 = tpu.vector_load_idx %arg5[%add3A_251] : memref<8192xf32, #tpu.memory_space<vmem>>[vector<16xi32>], vector<16xf32>,
      %sign3A = tpu.bitcast %gather3A : vector<16xf32> -> vector<16xi32>
      %sign3A_253 = arith.constant -2147483648 : i32
      %sign3A_254 = vector.broadcast %sign3A_253 : i32 to vector<16xi32>
      %sign3A_255 = arith.andi %sign3A, %sign3A_254 : vector<16xi32>
      %sign3A_256 = arith.constant 1065353216 : i32
      %sign3A_257 = vector.broadcast %sign3A_256 : i32 to vector<16xi32>
      %sign3A_258 = arith.ori %sign3A_257, %sign3A_255 : vector<16xi32>
      %sign3A_259 = tpu.bitcast %sign3A_258 : vector<16xi32> -> vector<16xf32>
      %sign3A_260 = math.absf %gather3A : vector<16xf32>
      %sign3A_261 = arith.constant 0.000000e+00 : f32
      %sign3A_262 = vector.broadcast %sign3A_261 : f32 to vector<16xf32>
      %sign3A_263 = arith.cmpf ogt, %sign3A_260, %sign3A_262 : vector<16xf32>
      %sign3A_264 = arith.select %sign3A_263, %sign3A_259, %gather3A : vector<16xi1>, vector<16xf32>
      %add3A_265 = arith.constant 1.000000e+00 : f32
      %add3A_266 = vector.broadcast %add3A_265 : f32 to vector<16xf32>
      %add3A_267 = arith.addf %sign3A_264, %add3A_266 : vector<16xf32>
      %mul3A_268 = arith.constant 5.000000e-01 : f32
      %mul3A_269 = vector.broadcast %mul3A_268 : f32 to vector<16xf32>
      %mul3A_270 = arith.mulf %add3A_267, %mul3A_269 : vector<16xf32>
      %bitcast3A = vector.bitcast %mul3A_270 : vector<16xf32> to vector<16xi32>
      %sign3A_271 = tpu.bitcast %gather3A_252 : vector<16xf32> -> vector<16xi32>
      %sign3A_272 = arith.constant -2147483648 : i32
      %sign3A_273 = vector.broadcast %sign3A_272 : i32 to vector<16xi32>
      %sign3A_274 = arith.andi %sign3A_271, %sign3A_273 : vector<16xi32>
      %sign3A_275 = arith.constant 1065353216 : i32
      %sign3A_276 = vector.broadcast %sign3A_275 : i32 to vector<16xi32>
      %sign3A_277 = arith.ori %sign3A_276, %sign3A_274 : vector<16xi32>
      %sign3A_278 = tpu.bitcast %sign3A_277 : vector<16xi32> -> vector<16xf32>
      %sign3A_279 = math.absf %gather3A_252 : vector<16xf32>
      %sign3A_280 = arith.constant 0.000000e+00 : f32
      %sign3A_281 = vector.broadcast %sign3A_280 : f32 to vector<16xf32>
      %sign3A_282 = arith.cmpf ogt, %sign3A_279, %sign3A_281 : vector<16xf32>
      %sign3A_283 = arith.select %sign3A_282, %sign3A_278, %gather3A_252 : vector<16xi1>, vector<16xf32>
      %add3A_284 = arith.constant 1.000000e+00 : f32
      %add3A_285 = vector.broadcast %add3A_284 : f32 to vector<16xf32>
      %add3A_286 = arith.addf %sign3A_283, %add3A_285 : vector<16xf32>
      %mul3A_287 = arith.constant 5.000000e-01 : f32
      %mul3A_288 = vector.broadcast %mul3A_287 : f32 to vector<16xf32>
      %mul3A_289 = arith.mulf %add3A_286, %mul3A_288 : vector<16xf32>
      %bitcast3A_290 = vector.bitcast %mul3A_289 : vector<16xf32> to vector<16xi32>
      %shift_right_arithmetic3A_291 = arith.constant 16 : i32
      %shift_right_arithmetic3A_292 = vector.broadcast %shift_right_arithmetic3A_291 : i32 to vector<16xi32>
      %shift_right_arithmetic3A_293 = arith.shrsi %bitcast3A, %shift_right_arithmetic3A_292 : vector<16xi32>
      %and3A = arith.constant -65536 : i32
      %and3A_294 = vector.broadcast %and3A : i32 to vector<16xi32>
      %and3A_295 = arith.andi %bitcast3A_290, %and3A_294 : vector<16xi32>
      %or3A = arith.ori %shift_right_arithmetic3A_293, %and3A_295 : vector<16xi32>
      %mul3A_296 = arith.constant 16 : i32
      %mul3A_297 = arith.muli %scan3A_237, %mul3A_296 : i32
      %add3A_298 = arith.constant 256 : i32
      %add3A_299 = arith.addi %add3A_298, %mul3A_297 : i32
      %swap3A = arith.index_cast %add3A_299 : i32 to index
      %swap3A_300 = tpu.vector_load %arg6[%swap3A] {strides = array<i32>} : memref<4096xi32, #tpu.memory_space<vmem>>, vector<16xi32>,
      tpu.vector_store %arg6[%swap3A], %or3A {strides = array<i32>} : memref<4096xi32, #tpu.memory_space<vmem>>, vector<16xi32>,
      %scan3A_301 = arith.constant 0 : i32
      scf.yield %scan3A_301 : i32
    }
    %scan3A_13 = arith.constant 16 : i32
    %scan3A_14 = arith.constant 0 : i32
    %scan3A_15 = arith.constant 0 : i32
    %scan3A_16 = arith.constant 16 : i32
    %scan3A_17 = arith.addi %scan3A_15, %scan3A_16 : i32
    %scan3A_18 = arith.constant 1 : i32
    %scan3A_19 = scf.for %scan3A_237 = %scan3A_15 to %scan3A_17 step %scan3A_18 iter_args(%scan3A_238 = %scan3A_14) -> (i32)  : i32 {
      %mul3A_239 = arith.constant 16 : i32
      %mul3A_240 = arith.muli %scan3A_237, %mul3A_239 : i32
      %add3A_241 = vector.broadcast %mul3A_240 : i32 to vector<16xi32>
      %add3A_242 = arith.addi %add3A_241, %iota3A : vector<16xi32>
      %mul3A_243 = arith.constant 32 : i32
      %mul3A_244 = vector.broadcast %mul3A_243 : i32 to vector<16xi32>
      %mul3A_245 = arith.muli %add3A_242, %mul3A_244 : vector<16xi32>
      %add3A_246 = arith.constant 4 : i32
      %add3A_247 = vector.broadcast %add3A_246 : i32 to vector<16xi32>
      %add3A_248 = arith.addi %mul3A_245, %add3A_247 : vector<16xi32>
      %gather3A = tpu.vector_load_idx %arg5[%add3A_248] : memref<8192xf32, #tpu.memory_space<vmem>>[vector<16xi32>], vector<16xf32>,
      %add3A_249 = arith.constant 1 : i32
      %add3A_250 = vector.broadcast %add3A_249 : i32 to vector<16xi32>
      %add3A_251 = arith.addi %add3A_248, %add3A_250 : vector<16xi32>
      %gather3A_252 = tpu.vector_load_idx %arg5[%add3A_251] : memref<8192xf32, #tpu.memory_space<vmem>>[vector<16xi32>], vector<16xf32>,
      %sign3A = tpu.bitcast %gather3A : vector<16xf32> -> vector<16xi32>
      %sign3A_253 = arith.constant -2147483648 : i32
      %sign3A_254 = vector.broadcast %sign3A_253 : i32 to vector<16xi32>
      %sign3A_255 = arith.andi %sign3A, %sign3A_254 : vector<16xi32>
      %sign3A_256 = arith.constant 1065353216 : i32
      %sign3A_257 = vector.broadcast %sign3A_256 : i32 to vector<16xi32>
      %sign3A_258 = arith.ori %sign3A_257, %sign3A_255 : vector<16xi32>
      %sign3A_259 = tpu.bitcast %sign3A_258 : vector<16xi32> -> vector<16xf32>
      %sign3A_260 = math.absf %gather3A : vector<16xf32>
      %sign3A_261 = arith.constant 0.000000e+00 : f32
      %sign3A_262 = vector.broadcast %sign3A_261 : f32 to vector<16xf32>
      %sign3A_263 = arith.cmpf ogt, %sign3A_260, %sign3A_262 : vector<16xf32>
      %sign3A_264 = arith.select %sign3A_263, %sign3A_259, %gather3A : vector<16xi1>, vector<16xf32>
      %add3A_265 = arith.constant 1.000000e+00 : f32
      %add3A_266 = vector.broadcast %add3A_265 : f32 to vector<16xf32>
      %add3A_267 = arith.addf %sign3A_264, %add3A_266 : vector<16xf32>
      %mul3A_268 = arith.constant 5.000000e-01 : f32
      %mul3A_269 = vector.broadcast %mul3A_268 : f32 to vector<16xf32>
      %mul3A_270 = arith.mulf %add3A_267, %mul3A_269 : vector<16xf32>
      %bitcast3A = vector.bitcast %mul3A_270 : vector<16xf32> to vector<16xi32>
      %sign3A_271 = tpu.bitcast %gather3A_252 : vector<16xf32> -> vector<16xi32>
      %sign3A_272 = arith.constant -2147483648 : i32
      %sign3A_273 = vector.broadcast %sign3A_272 : i32 to vector<16xi32>
      %sign3A_274 = arith.andi %sign3A_271, %sign3A_273 : vector<16xi32>
      %sign3A_275 = arith.constant 1065353216 : i32
      %sign3A_276 = vector.broadcast %sign3A_275 : i32 to vector<16xi32>
      %sign3A_277 = arith.ori %sign3A_276, %sign3A_274 : vector<16xi32>
      %sign3A_278 = tpu.bitcast %sign3A_277 : vector<16xi32> -> vector<16xf32>
      %sign3A_279 = math.absf %gather3A_252 : vector<16xf32>
      %sign3A_280 = arith.constant 0.000000e+00 : f32
      %sign3A_281 = vector.broadcast %sign3A_280 : f32 to vector<16xf32>
      %sign3A_282 = arith.cmpf ogt, %sign3A_279, %sign3A_281 : vector<16xf32>
      %sign3A_283 = arith.select %sign3A_282, %sign3A_278, %gather3A_252 : vector<16xi1>, vector<16xf32>
      %add3A_284 = arith.constant 1.000000e+00 : f32
      %add3A_285 = vector.broadcast %add3A_284 : f32 to vector<16xf32>
      %add3A_286 = arith.addf %sign3A_283, %add3A_285 : vector<16xf32>
      %mul3A_287 = arith.constant 5.000000e-01 : f32
      %mul3A_288 = vector.broadcast %mul3A_287 : f32 to vector<16xf32>
      %mul3A_289 = arith.mulf %add3A_286, %mul3A_288 : vector<16xf32>
      %bitcast3A_290 = vector.bitcast %mul3A_289 : vector<16xf32> to vector<16xi32>
      %shift_right_arithmetic3A_291 = arith.constant 16 : i32
      %shift_right_arithmetic3A_292 = vector.broadcast %shift_right_arithmetic3A_291 : i32 to vector<16xi32>
      %shift_right_arithmetic3A_293 = arith.shrsi %bitcast3A, %shift_right_arithmetic3A_292 : vector<16xi32>
      %and3A = arith.constant -65536 : i32
      %and3A_294 = vector.broadcast %and3A : i32 to vector<16xi32>
      %and3A_295 = arith.andi %bitcast3A_290, %and3A_294 : vector<16xi32>
      %or3A = arith.ori %shift_right_arithmetic3A_293, %and3A_295 : vector<16xi32>
      %mul3A_296 = arith.constant 16 : i32
      %mul3A_297 = arith.muli %scan3A_237, %mul3A_296 : i32
      %add3A_298 = arith.constant 512 : i32
      %add3A_299 = arith.addi %add3A_298, %mul3A_297 : i32
      %swap3A = arith.index_cast %add3A_299 : i32 to index
      %swap3A_300 = tpu.vector_load %arg6[%swap3A] {strides = array<i32>} : memref<4096xi32, #tpu.memory_space<vmem>>, vector<16xi32>,
      tpu.vector_store %arg6[%swap3A], %or3A {strides = array<i32>} : memref<4096xi32, #tpu.memory_space<vmem>>, vector<16xi32>,
      %scan3A_301 = arith.constant 0 : i32
      scf.yield %scan3A_301 : i32
    }
    %scan3A_20 = arith.constant 16 : i32
    %scan3A_21 = arith.constant 0 : i32
    %scan3A_22 = arith.constant 0 : i32
    %scan3A_23 = arith.constant 16 : i32
    %scan3A_24 = arith.addi %scan3A_22, %scan3A_23 : i32
    %scan3A_25 = arith.constant 1 : i32
    %scan3A_26 = scf.for %scan3A_237 = %scan3A_22 to %scan3A_24 step %scan3A_25 iter_args(%scan3A_238 = %scan3A_21) -> (i32)  : i32 {
      %mul3A_239 = arith.constant 16 : i32
      %mul3A_240 = arith.muli %scan3A_237, %mul3A_239 : i32
      %add3A_241 = vector.broadcast %mul3A_240 : i32 to vector<16xi32>
      %add3A_242 = arith.addi %add3A_241, %iota3A : vector<16xi32>
      %mul3A_243 = arith.constant 32 : i32
      %mul3A_244 = vector.broadcast %mul3A_243 : i32 to vector<16xi32>
      %mul3A_245 = arith.muli %add3A_242, %mul3A_244 : vector<16xi32>
      %add3A_246 = arith.constant 6 : i32
      %add3A_247 = vector.broadcast %add3A_246 : i32 to vector<16xi32>
      %add3A_248 = arith.addi %mul3A_245, %add3A_247 : vector<16xi32>
      %gather3A = tpu.vector_load_idx %arg5[%add3A_248] : memref<8192xf32, #tpu.memory_space<vmem>>[vector<16xi32>], vector<16xf32>,
      %add3A_249 = arith.constant 1 : i32
      %add3A_250 = vector.broadcast %add3A_249 : i32 to vector<16xi32>
      %add3A_251 = arith.addi %add3A_248, %add3A_250 : vector<16xi32>
      %gather3A_252 = tpu.vector_load_idx %arg5[%add3A_251] : memref<8192xf32, #tpu.memory_space<vmem>>[vector<16xi32>], vector<16xf32>,
      %sign3A = tpu.bitcast %gather3A : vector<16xf32> -> vector<16xi32>
      %sign3A_253 = arith.constant -2147483648 : i32
      %sign3A_254 = vector.broadcast %sign3A_253 : i32 to vector<16xi32>
      %sign3A_255 = arith.andi %sign3A, %sign3A_254 : vector<16xi32>
      %sign3A_256 = arith.constant 1065353216 : i32
      %sign3A_257 = vector.broadcast %sign3A_256 : i32 to vector<16xi32>
      %sign3A_258 = arith.ori %sign3A_257, %sign3A_255 : vector<16xi32>
      %sign3A_259 = tpu.bitcast %sign3A_258 : vector<16xi32> -> vector<16xf32>
      %sign3A_260 = math.absf %gather3A : vector<16xf32>
      %sign3A_261 = arith.constant 0.000000e+00 : f32
      %sign3A_262 = vector.broadcast %sign3A_261 : f32 to vector<16xf32>
      %sign3A_263 = arith.cmpf ogt, %sign3A_260, %sign3A_262 : vector<16xf32>
      %sign3A_264 = arith.select %sign3A_263, %sign3A_259, %gather3A : vector<16xi1>, vector<16xf32>
      %add3A_265 = arith.constant 1.000000e+00 : f32
      %add3A_266 = vector.broadcast %add3A_265 : f32 to vector<16xf32>
      %add3A_267 = arith.addf %sign3A_264, %add3A_266 : vector<16xf32>
      %mul3A_268 = arith.constant 5.000000e-01 : f32
      %mul3A_269 = vector.broadcast %mul3A_268 : f32 to vector<16xf32>
      %mul3A_270 = arith.mulf %add3A_267, %mul3A_269 : vector<16xf32>
      %bitcast3A = vector.bitcast %mul3A_270 : vector<16xf32> to vector<16xi32>
      %sign3A_271 = tpu.bitcast %gather3A_252 : vector<16xf32> -> vector<16xi32>
      %sign3A_272 = arith.constant -2147483648 : i32
      %sign3A_273 = vector.broadcast %sign3A_272 : i32 to vector<16xi32>
      %sign3A_274 = arith.andi %sign3A_271, %sign3A_273 : vector<16xi32>
      %sign3A_275 = arith.constant 1065353216 : i32
      %sign3A_276 = vector.broadcast %sign3A_275 : i32 to vector<16xi32>
      %sign3A_277 = arith.ori %sign3A_276, %sign3A_274 : vector<16xi32>
      %sign3A_278 = tpu.bitcast %sign3A_277 : vector<16xi32> -> vector<16xf32>
      %sign3A_279 = math.absf %gather3A_252 : vector<16xf32>
      %sign3A_280 = arith.constant 0.000000e+00 : f32
      %sign3A_281 = vector.broadcast %sign3A_280 : f32 to vector<16xf32>
      %sign3A_282 = arith.cmpf ogt, %sign3A_279, %sign3A_281 : vector<16xf32>
      %sign3A_283 = arith.select %sign3A_282, %sign3A_278, %gather3A_252 : vector<16xi1>, vector<16xf32>
      %add3A_284 = arith.constant 1.000000e+00 : f32
      %add3A_285 = vector.broadcast %add3A_284 : f32 to vector<16xf32>
      %add3A_286 = arith.addf %sign3A_283, %add3A_285 : vector<16xf32>
      %mul3A_287 = arith.constant 5.000000e-01 : f32
      %mul3A_288 = vector.broadcast %mul3A_287 : f32 to vector<16xf32>
      %mul3A_289 = arith.mulf %add3A_286, %mul3A_288 : vector<16xf32>
      %bitcast3A_290 = vector.bitcast %mul3A_289 : vector<16xf32> to vector<16xi32>
      %shift_right_arithmetic3A_291 = arith.constant 16 : i32
      %shift_right_arithmetic3A_292 = vector.broadcast %shift_right_arithmetic3A_291 : i32 to vector<16xi32>
      %shift_right_arithmetic3A_293 = arith.shrsi %bitcast3A, %shift_right_arithmetic3A_292 : vector<16xi32>
      %and3A = arith.constant -65536 : i32
      %and3A_294 = vector.broadcast %and3A : i32 to vector<16xi32>
      %and3A_295 = arith.andi %bitcast3A_290, %and3A_294 : vector<16xi32>
      %or3A = arith.ori %shift_right_arithmetic3A_293, %and3A_295 : vector<16xi32>
      %mul3A_296 = arith.constant 16 : i32
      %mul3A_297 = arith.muli %scan3A_237, %mul3A_296 : i32
      %add3A_298 = arith.constant 768 : i32
      %add3A_299 = arith.addi %add3A_298, %mul3A_297 : i32
      %swap3A = arith.index_cast %add3A_299 : i32 to index
      %swap3A_300 = tpu.vector_load %arg6[%swap3A] {strides = array<i32>} : memref<4096xi32, #tpu.memory_space<vmem>>, vector<16xi32>,
      tpu.vector_store %arg6[%swap3A], %or3A {strides = array<i32>} : memref<4096xi32, #tpu.memory_space<vmem>>, vector<16xi32>,
      %scan3A_301 = arith.constant 0 : i32
      scf.yield %scan3A_301 : i32
    }
    %scan3A_27 = arith.constant 16 : i32
    %scan3A_28 = arith.constant 0 : i32
    %scan3A_29 = arith.constant 0 : i32
    %scan3A_30 = arith.constant 16 : i32
    %scan3A_31 = arith.addi %scan3A_29, %scan3A_30 : i32
    %scan3A_32 = arith.constant 1 : i32
    %scan3A_33 = scf.for %scan3A_237 = %scan3A_29 to %scan3A_31 step %scan3A_32 iter_args(%scan3A_238 = %scan3A_28) -> (i32)  : i32 {
      %mul3A_239 = arith.constant 16 : i32
      %mul3A_240 = arith.muli %scan3A_237, %mul3A_239 : i32
      %add3A_241 = vector.broadcast %mul3A_240 : i32 to vector<16xi32>
      %add3A_242 = arith.addi %add3A_241, %iota3A : vector<16xi32>
      %mul3A_243 = arith.constant 32 : i32
      %mul3A_244 = vector.broadcast %mul3A_243 : i32 to vector<16xi32>
      %mul3A_245 = arith.muli %add3A_242, %mul3A_244 : vector<16xi32>
      %add3A_246 = arith.constant 8 : i32
      %add3A_247 = vector.broadcast %add3A_246 : i32 to vector<16xi32>
      %add3A_248 = arith.addi %mul3A_245, %add3A_247 : vector<16xi32>
      %gather3A = tpu.vector_load_idx %arg5[%add3A_248] : memref<8192xf32, #tpu.memory_space<vmem>>[vector<16xi32>], vector<16xf32>,
      %add3A_249 = arith.constant 1 : i32
      %add3A_250 = vector.broadcast %add3A_249 : i32 to vector<16xi32>
      %add3A_251 = arith.addi %add3A_248, %add3A_250 : vector<16xi32>
      %gather3A_252 = tpu.vector_load_idx %arg5[%add3A_251] : memref<8192xf32, #tpu.memory_space<vmem>>[vector<16xi32>], vector<16xf32>,
      %sign3A = tpu.bitcast %gather3A : vector<16xf32> -> vector<16xi32>
      %sign3A_253 = arith.constant -2147483648 : i32
      %sign3A_254 = vector.broadcast %sign3A_253 : i32 to vector<16xi32>
      %sign3A_255 = arith.andi %sign3A, %sign3A_254 : vector<16xi32>
      %sign3A_256 = arith.constant 1065353216 : i32
      %sign3A_257 = vector.broadcast %sign3A_256 : i32 to vector<16xi32>
      %sign3A_258 = arith.ori %sign3A_257, %sign3A_255 : vector<16xi32>
      %sign3A_259 = tpu.bitcast %sign3A_258 : vector<16xi32> -> vector<16xf32>
      %sign3A_260 = math.absf %gather3A : vector<16xf32>
      %sign3A_261 = arith.constant 0.000000e+00 : f32
      %sign3A_262 = vector.broadcast %sign3A_261 : f32 to vector<16xf32>
      %sign3A_263 = arith.cmpf ogt, %sign3A_260, %sign3A_262 : vector<16xf32>
      %sign3A_264 = arith.select %sign3A_263, %sign3A_259, %gather3A : vector<16xi1>, vector<16xf32>
      %add3A_265 = arith.constant 1.000000e+00 : f32
      %add3A_266 = vector.broadcast %add3A_265 : f32 to vector<16xf32>
      %add3A_267 = arith.addf %sign3A_264, %add3A_266 : vector<16xf32>
      %mul3A_268 = arith.constant 5.000000e-01 : f32
      %mul3A_269 = vector.broadcast %mul3A_268 : f32 to vector<16xf32>
      %mul3A_270 = arith.mulf %add3A_267, %mul3A_269 : vector<16xf32>
      %bitcast3A = vector.bitcast %mul3A_270 : vector<16xf32> to vector<16xi32>
      %sign3A_271 = tpu.bitcast %gather3A_252 : vector<16xf32> -> vector<16xi32>
      %sign3A_272 = arith.constant -2147483648 : i32
      %sign3A_273 = vector.broadcast %sign3A_272 : i32 to vector<16xi32>
      %sign3A_274 = arith.andi %sign3A_271, %sign3A_273 : vector<16xi32>
      %sign3A_275 = arith.constant 1065353216 : i32
      %sign3A_276 = vector.broadcast %sign3A_275 : i32 to vector<16xi32>
      %sign3A_277 = arith.ori %sign3A_276, %sign3A_274 : vector<16xi32>
      %sign3A_278 = tpu.bitcast %sign3A_277 : vector<16xi32> -> vector<16xf32>
      %sign3A_279 = math.absf %gather3A_252 : vector<16xf32>
      %sign3A_280 = arith.constant 0.000000e+00 : f32
      %sign3A_281 = vector.broadcast %sign3A_280 : f32 to vector<16xf32>
      %sign3A_282 = arith.cmpf ogt, %sign3A_279, %sign3A_281 : vector<16xf32>
      %sign3A_283 = arith.select %sign3A_282, %sign3A_278, %gather3A_252 : vector<16xi1>, vector<16xf32>
      %add3A_284 = arith.constant 1.000000e+00 : f32
      %add3A_285 = vector.broadcast %add3A_284 : f32 to vector<16xf32>
      %add3A_286 = arith.addf %sign3A_283, %add3A_285 : vector<16xf32>
      %mul3A_287 = arith.constant 5.000000e-01 : f32
      %mul3A_288 = vector.broadcast %mul3A_287 : f32 to vector<16xf32>
      %mul3A_289 = arith.mulf %add3A_286, %mul3A_288 : vector<16xf32>
      %bitcast3A_290 = vector.bitcast %mul3A_289 : vector<16xf32> to vector<16xi32>
      %shift_right_arithmetic3A_291 = arith.constant 16 : i32
      %shift_right_arithmetic3A_292 = vector.broadcast %shift_right_arithmetic3A_291 : i32 to vector<16xi32>
      %shift_right_arithmetic3A_293 = arith.shrsi %bitcast3A, %shift_right_arithmetic3A_292 : vector<16xi32>
      %and3A = arith.constant -65536 : i32
      %and3A_294 = vector.broadcast %and3A : i32 to vector<16xi32>
      %and3A_295 = arith.andi %bitcast3A_290, %and3A_294 : vector<16xi32>
      %or3A = arith.ori %shift_right_arithmetic3A_293, %and3A_295 : vector<16xi32>
      %mul3A_296 = arith.constant 16 : i32
      %mul3A_297 = arith.muli %scan3A_237, %mul3A_296 : i32
      %add3A_298 = arith.constant 1024 : i32
      %add3A_299 = arith.addi %add3A_298, %mul3A_297 : i32
      %swap3A = arith.index_cast %add3A_299 : i32 to index
      %swap3A_300 = tpu.vector_load %arg6[%swap3A] {strides = array<i32>} : memref<4096xi32, #tpu.memory_space<vmem>>, vector<16xi32>,
      tpu.vector_store %arg6[%swap3A], %or3A {strides = array<i32>} : memref<4096xi32, #tpu.memory_space<vmem>>, vector<16xi32>,
      %scan3A_301 = arith.constant 0 : i32
      scf.yield %scan3A_301 : i32
    }
    %scan3A_34 = arith.constant 16 : i32
    %scan3A_35 = arith.constant 0 : i32
    %scan3A_36 = arith.constant 0 : i32
    %scan3A_37 = arith.constant 16 : i32
    %scan3A_38 = arith.addi %scan3A_36, %scan3A_37 : i32
    %scan3A_39 = arith.constant 1 : i32
    %scan3A_40 = scf.for %scan3A_237 = %scan3A_36 to %scan3A_38 step %scan3A_39 iter_args(%scan3A_238 = %scan3A_35) -> (i32)  : i32 {
      %mul3A_239 = arith.constant 16 : i32
      %mul3A_240 = arith.muli %scan3A_237, %mul3A_239 : i32
      %add3A_241 = vector.broadcast %mul3A_240 : i32 to vector<16xi32>
      %add3A_242 = arith.addi %add3A_241, %iota3A : vector<16xi32>
      %mul3A_243 = arith.constant 32 : i32
      %mul3A_244 = vector.broadcast %mul3A_243 : i32 to vector<16xi32>
      %mul3A_245 = arith.muli %add3A_242, %mul3A_244 : vector<16xi32>
      %add3A_246 = arith.constant 10 : i32
      %add3A_247 = vector.broadcast %add3A_246 : i32 to vector<16xi32>
      %add3A_248 = arith.addi %mul3A_245, %add3A_247 : vector<16xi32>
      %gather3A = tpu.vector_load_idx %arg5[%add3A_248] : memref<8192xf32, #tpu.memory_space<vmem>>[vector<16xi32>], vector<16xf32>,
      %add3A_249 = arith.constant 1 : i32
      %add3A_250 = vector.broadcast %add3A_249 : i32 to vector<16xi32>
      %add3A_251 = arith.addi %add3A_248, %add3A_250 : vector<16xi32>
      %gather3A_252 = tpu.vector_load_idx %arg5[%add3A_251] : memref<8192xf32, #tpu.memory_space<vmem>>[vector<16xi32>], vector<16xf32>,
      %sign3A = tpu.bitcast %gather3A : vector<16xf32> -> vector<16xi32>
      %sign3A_253 = arith.constant -2147483648 : i32
      %sign3A_254 = vector.broadcast %sign3A_253 : i32 to vector<16xi32>
      %sign3A_255 = arith.andi %sign3A, %sign3A_254 : vector<16xi32>
      %sign3A_256 = arith.constant 1065353216 : i32
      %sign3A_257 = vector.broadcast %sign3A_256 : i32 to vector<16xi32>
      %sign3A_258 = arith.ori %sign3A_257, %sign3A_255 : vector<16xi32>
      %sign3A_259 = tpu.bitcast %sign3A_258 : vector<16xi32> -> vector<16xf32>
      %sign3A_260 = math.absf %gather3A : vector<16xf32>
      %sign3A_261 = arith.constant 0.000000e+00 : f32
      %sign3A_262 = vector.broadcast %sign3A_261 : f32 to vector<16xf32>
      %sign3A_263 = arith.cmpf ogt, %sign3A_260, %sign3A_262 : vector<16xf32>
      %sign3A_264 = arith.select %sign3A_263, %sign3A_259, %gather3A : vector<16xi1>, vector<16xf32>
      %add3A_265 = arith.constant 1.000000e+00 : f32
      %add3A_266 = vector.broadcast %add3A_265 : f32 to vector<16xf32>
      %add3A_267 = arith.addf %sign3A_264, %add3A_266 : vector<16xf32>
      %mul3A_268 = arith.constant 5.000000e-01 : f32
      %mul3A_269 = vector.broadcast %mul3A_268 : f32 to vector<16xf32>
      %mul3A_270 = arith.mulf %add3A_267, %mul3A_269 : vector<16xf32>
      %bitcast3A = vector.bitcast %mul3A_270 : vector<16xf32> to vector<16xi32>
      %sign3A_271 = tpu.bitcast %gather3A_252 : vector<16xf32> -> vector<16xi32>
      %sign3A_272 = arith.constant -2147483648 : i32
      %sign3A_273 = vector.broadcast %sign3A_272 : i32 to vector<16xi32>
      %sign3A_274 = arith.andi %sign3A_271, %sign3A_273 : vector<16xi32>
      %sign3A_275 = arith.constant 1065353216 : i32
      %sign3A_276 = vector.broadcast %sign3A_275 : i32 to vector<16xi32>
      %sign3A_277 = arith.ori %sign3A_276, %sign3A_274 : vector<16xi32>
      %sign3A_278 = tpu.bitcast %sign3A_277 : vector<16xi32> -> vector<16xf32>
      %sign3A_279 = math.absf %gather3A_252 : vector<16xf32>
      %sign3A_280 = arith.constant 0.000000e+00 : f32
      %sign3A_281 = vector.broadcast %sign3A_280 : f32 to vector<16xf32>
      %sign3A_282 = arith.cmpf ogt, %sign3A_279, %sign3A_281 : vector<16xf32>
      %sign3A_283 = arith.select %sign3A_282, %sign3A_278, %gather3A_252 : vector<16xi1>, vector<16xf32>
      %add3A_284 = arith.constant 1.000000e+00 : f32
      %add3A_285 = vector.broadcast %add3A_284 : f32 to vector<16xf32>
      %add3A_286 = arith.addf %sign3A_283, %add3A_285 : vector<16xf32>
      %mul3A_287 = arith.constant 5.000000e-01 : f32
      %mul3A_288 = vector.broadcast %mul3A_287 : f32 to vector<16xf32>
      %mul3A_289 = arith.mulf %add3A_286, %mul3A_288 : vector<16xf32>
      %bitcast3A_290 = vector.bitcast %mul3A_289 : vector<16xf32> to vector<16xi32>
      %shift_right_arithmetic3A_291 = arith.constant 16 : i32
      %shift_right_arithmetic3A_292 = vector.broadcast %shift_right_arithmetic3A_291 : i32 to vector<16xi32>
      %shift_right_arithmetic3A_293 = arith.shrsi %bitcast3A, %shift_right_arithmetic3A_292 : vector<16xi32>
      %and3A = arith.constant -65536 : i32
      %and3A_294 = vector.broadcast %and3A : i32 to vector<16xi32>
      %and3A_295 = arith.andi %bitcast3A_290, %and3A_294 : vector<16xi32>
      %or3A = arith.ori %shift_right_arithmetic3A_293, %and3A_295 : vector<16xi32>
      %mul3A_296 = arith.constant 16 : i32
      %mul3A_297 = arith.muli %scan3A_237, %mul3A_296 : i32
      %add3A_298 = arith.constant 1280 : i32
      %add3A_299 = arith.addi %add3A_298, %mul3A_297 : i32
      %swap3A = arith.index_cast %add3A_299 : i32 to index
      %swap3A_300 = tpu.vector_load %arg6[%swap3A] {strides = array<i32>} : memref<4096xi32, #tpu.memory_space<vmem>>, vector<16xi32>,
      tpu.vector_store %arg6[%swap3A], %or3A {strides = array<i32>} : memref<4096xi32, #tpu.memory_space<vmem>>, vector<16xi32>,
      %scan3A_301 = arith.constant 0 : i32
      scf.yield %scan3A_301 : i32
    }
    %scan3A_41 = arith.constant 16 : i32
    %scan3A_42 = arith.constant 0 : i32
    %scan3A_43 = arith.constant 0 : i32
    %scan3A_44 = arith.constant 16 : i32
    %scan3A_45 = arith.addi %scan3A_43, %scan3A_44 : i32
    %scan3A_46 = arith.constant 1 : i32
    %scan3A_47 = scf.for %scan3A_237 = %scan3A_43 to %scan3A_45 step %scan3A_46 iter_args(%scan3A_238 = %scan3A_42) -> (i32)  : i32 {
      %mul3A_239 = arith.constant 16 : i32
      %mul3A_240 = arith.muli %scan3A_237, %mul3A_239 : i32
      %add3A_241 = vector.broadcast %mul3A_240 : i32 to vector<16xi32>
      %add3A_242 = arith.addi %add3A_241, %iota3A : vector<16xi32>
      %mul3A_243 = arith.constant 32 : i32
      %mul3A_244 = vector.broadcast %mul3A_243 : i32 to vector<16xi32>
      %mul3A_245 = arith.muli %add3A_242, %mul3A_244 : vector<16xi32>
      %add3A_246 = arith.constant 12 : i32
      %add3A_247 = vector.broadcast %add3A_246 : i32 to vector<16xi32>
      %add3A_248 = arith.addi %mul3A_245, %add3A_247 : vector<16xi32>
      %gather3A = tpu.vector_load_idx %arg5[%add3A_248] : memref<8192xf32, #tpu.memory_space<vmem>>[vector<16xi32>], vector<16xf32>,
      %add3A_249 = arith.constant 1 : i32
      %add3A_250 = vector.broadcast %add3A_249 : i32 to vector<16xi32>
      %add3A_251 = arith.addi %add3A_248, %add3A_250 : vector<16xi32>
      %gather3A_252 = tpu.vector_load_idx %arg5[%add3A_251] : memref<8192xf32, #tpu.memory_space<vmem>>[vector<16xi32>], vector<16xf32>,
      %sign3A = tpu.bitcast %gather3A : vector<16xf32> -> vector<16xi32>
      %sign3A_253 = arith.constant -2147483648 : i32
      %sign3A_254 = vector.broadcast %sign3A_253 : i32 to vector<16xi32>
      %sign3A_255 = arith.andi %sign3A, %sign3A_254 : vector<16xi32>
      %sign3A_256 = arith.constant 1065353216 : i32
      %sign3A_257 = vector.broadcast %sign3A_256 : i32 to vector<16xi32>
      %sign3A_258 = arith.ori %sign3A_257, %sign3A_255 : vector<16xi32>
      %sign3A_259 = tpu.bitcast %sign3A_258 : vector<16xi32> -> vector<16xf32>
      %sign3A_260 = math.absf %gather3A : vector<16xf32>
      %sign3A_261 = arith.constant 0.000000e+00 : f32
      %sign3A_262 = vector.broadcast %sign3A_261 : f32 to vector<16xf32>
      %sign3A_263 = arith.cmpf ogt, %sign3A_260, %sign3A_262 : vector<16xf32>
      %sign3A_264 = arith.select %sign3A_263, %sign3A_259, %gather3A : vector<16xi1>, vector<16xf32>
      %add3A_265 = arith.constant 1.000000e+00 : f32
      %add3A_266 = vector.broadcast %add3A_265 : f32 to vector<16xf32>
      %add3A_267 = arith.addf %sign3A_264, %add3A_266 : vector<16xf32>
      %mul3A_268 = arith.constant 5.000000e-01 : f32
      %mul3A_269 = vector.broadcast %mul3A_268 : f32 to vector<16xf32>
      %mul3A_270 = arith.mulf %add3A_267, %mul3A_269 : vector<16xf32>
      %bitcast3A = vector.bitcast %mul3A_270 : vector<16xf32> to vector<16xi32>
      %sign3A_271 = tpu.bitcast %gather3A_252 : vector<16xf32> -> vector<16xi32>
      %sign3A_272 = arith.constant -2147483648 : i32
      %sign3A_273 = vector.broadcast %sign3A_272 : i32 to vector<16xi32>
      %sign3A_274 = arith.andi %sign3A_271, %sign3A_273 : vector<16xi32>
      %sign3A_275 = arith.constant 1065353216 : i32
      %sign3A_276 = vector.broadcast %sign3A_275 : i32 to vector<16xi32>
      %sign3A_277 = arith.ori %sign3A_276, %sign3A_274 : vector<16xi32>
      %sign3A_278 = tpu.bitcast %sign3A_277 : vector<16xi32> -> vector<16xf32>
      %sign3A_279 = math.absf %gather3A_252 : vector<16xf32>
      %sign3A_280 = arith.constant 0.000000e+00 : f32
      %sign3A_281 = vector.broadcast %sign3A_280 : f32 to vector<16xf32>
      %sign3A_282 = arith.cmpf ogt, %sign3A_279, %sign3A_281 : vector<16xf32>
      %sign3A_283 = arith.select %sign3A_282, %sign3A_278, %gather3A_252 : vector<16xi1>, vector<16xf32>
      %add3A_284 = arith.constant 1.000000e+00 : f32
      %add3A_285 = vector.broadcast %add3A_284 : f32 to vector<16xf32>
      %add3A_286 = arith.addf %sign3A_283, %add3A_285 : vector<16xf32>
      %mul3A_287 = arith.constant 5.000000e-01 : f32
      %mul3A_288 = vector.broadcast %mul3A_287 : f32 to vector<16xf32>
      %mul3A_289 = arith.mulf %add3A_286, %mul3A_288 : vector<16xf32>
      %bitcast3A_290 = vector.bitcast %mul3A_289 : vector<16xf32> to vector<16xi32>
      %shift_right_arithmetic3A_291 = arith.constant 16 : i32
      %shift_right_arithmetic3A_292 = vector.broadcast %shift_right_arithmetic3A_291 : i32 to vector<16xi32>
      %shift_right_arithmetic3A_293 = arith.shrsi %bitcast3A, %shift_right_arithmetic3A_292 : vector<16xi32>
      %and3A = arith.constant -65536 : i32
      %and3A_294 = vector.broadcast %and3A : i32 to vector<16xi32>
      %and3A_295 = arith.andi %bitcast3A_290, %and3A_294 : vector<16xi32>
      %or3A = arith.ori %shift_right_arithmetic3A_293, %and3A_295 : vector<16xi32>
      %mul3A_296 = arith.constant 16 : i32
      %mul3A_297 = arith.muli %scan3A_237, %mul3A_296 : i32
      %add3A_298 = arith.constant 1536 : i32
      %add3A_299 = arith.addi %add3A_298, %mul3A_297 : i32
      %swap3A = arith.index_cast %add3A_299 : i32 to index
      %swap3A_300 = tpu.vector_load %arg6[%swap3A] {strides = array<i32>} : memref<4096xi32, #tpu.memory_space<vmem>>, vector<16xi32>,
      tpu.vector_store %arg6[%swap3A], %or3A {strides = array<i32>} : memref<4096xi32, #tpu.memory_space<vmem>>, vector<16xi32>,
      %scan3A_301 = arith.constant 0 : i32
      scf.yield %scan3A_301 : i32
    }
    %scan3A_48 = arith.constant 16 : i32
    %scan3A_49 = arith.constant 0 : i32
    %scan3A_50 = arith.constant 0 : i32
    %scan3A_51 = arith.constant 16 : i32
    %scan3A_52 = arith.addi %scan3A_50, %scan3A_51 : i32
    %scan3A_53 = arith.constant 1 : i32
    %scan3A_54 = scf.for %scan3A_237 = %scan3A_50 to %scan3A_52 step %scan3A_53 iter_args(%scan3A_238 = %scan3A_49) -> (i32)  : i32 {
      %mul3A_239 = arith.constant 16 : i32
      %mul3A_240 = arith.muli %scan3A_237, %mul3A_239 : i32
      %add3A_241 = vector.broadcast %mul3A_240 : i32 to vector<16xi32>
      %add3A_242 = arith.addi %add3A_241, %iota3A : vector<16xi32>
      %mul3A_243 = arith.constant 32 : i32
      %mul3A_244 = vector.broadcast %mul3A_243 : i32 to vector<16xi32>
      %mul3A_245 = arith.muli %add3A_242, %mul3A_244 : vector<16xi32>
      %add3A_246 = arith.constant 14 : i32
      %add3A_247 = vector.broadcast %add3A_246 : i32 to vector<16xi32>
      %add3A_248 = arith.addi %mul3A_245, %add3A_247 : vector<16xi32>
      %gather3A = tpu.vector_load_idx %arg5[%add3A_248] : memref<8192xf32, #tpu.memory_space<vmem>>[vector<16xi32>], vector<16xf32>,
      %add3A_249 = arith.constant 1 : i32
      %add3A_250 = vector.broadcast %add3A_249 : i32 to vector<16xi32>
      %add3A_251 = arith.addi %add3A_248, %add3A_250 : vector<16xi32>
      %gather3A_252 = tpu.vector_load_idx %arg5[%add3A_251] : memref<8192xf32, #tpu.memory_space<vmem>>[vector<16xi32>], vector<16xf32>,
      %sign3A = tpu.bitcast %gather3A : vector<16xf32> -> vector<16xi32>
      %sign3A_253 = arith.constant -2147483648 : i32
      %sign3A_254 = vector.broadcast %sign3A_253 : i32 to vector<16xi32>
      %sign3A_255 = arith.andi %sign3A, %sign3A_254 : vector<16xi32>
      %sign3A_256 = arith.constant 1065353216 : i32
      %sign3A_257 = vector.broadcast %sign3A_256 : i32 to vector<16xi32>
      %sign3A_258 = arith.ori %sign3A_257, %sign3A_255 : vector<16xi32>
      %sign3A_259 = tpu.bitcast %sign3A_258 : vector<16xi32> -> vector<16xf32>
      %sign3A_260 = math.absf %gather3A : vector<16xf32>
      %sign3A_261 = arith.constant 0.000000e+00 : f32
      %sign3A_262 = vector.broadcast %sign3A_261 : f32 to vector<16xf32>
      %sign3A_263 = arith.cmpf ogt, %sign3A_260, %sign3A_262 : vector<16xf32>
      %sign3A_264 = arith.select %sign3A_263, %sign3A_259, %gather3A : vector<16xi1>, vector<16xf32>
      %add3A_265 = arith.constant 1.000000e+00 : f32
      %add3A_266 = vector.broadcast %add3A_265 : f32 to vector<16xf32>
      %add3A_267 = arith.addf %sign3A_264, %add3A_266 : vector<16xf32>
      %mul3A_268 = arith.constant 5.000000e-01 : f32
      %mul3A_269 = vector.broadcast %mul3A_268 : f32 to vector<16xf32>
      %mul3A_270 = arith.mulf %add3A_267, %mul3A_269 : vector<16xf32>
      %bitcast3A = vector.bitcast %mul3A_270 : vector<16xf32> to vector<16xi32>
      %sign3A_271 = tpu.bitcast %gather3A_252 : vector<16xf32> -> vector<16xi32>
      %sign3A_272 = arith.constant -2147483648 : i32
      %sign3A_273 = vector.broadcast %sign3A_272 : i32 to vector<16xi32>
      %sign3A_274 = arith.andi %sign3A_271, %sign3A_273 : vector<16xi32>
      %sign3A_275 = arith.constant 1065353216 : i32
      %sign3A_276 = vector.broadcast %sign3A_275 : i32 to vector<16xi32>
      %sign3A_277 = arith.ori %sign3A_276, %sign3A_274 : vector<16xi32>
      %sign3A_278 = tpu.bitcast %sign3A_277 : vector<16xi32> -> vector<16xf32>
      %sign3A_279 = math.absf %gather3A_252 : vector<16xf32>
      %sign3A_280 = arith.constant 0.000000e+00 : f32
      %sign3A_281 = vector.broadcast %sign3A_280 : f32 to vector<16xf32>
      %sign3A_282 = arith.cmpf ogt, %sign3A_279, %sign3A_281 : vector<16xf32>
      %sign3A_283 = arith.select %sign3A_282, %sign3A_278, %gather3A_252 : vector<16xi1>, vector<16xf32>
      %add3A_284 = arith.constant 1.000000e+00 : f32
      %add3A_285 = vector.broadcast %add3A_284 : f32 to vector<16xf32>
      %add3A_286 = arith.addf %sign3A_283, %add3A_285 : vector<16xf32>
      %mul3A_287 = arith.constant 5.000000e-01 : f32
      %mul3A_288 = vector.broadcast %mul3A_287 : f32 to vector<16xf32>
      %mul3A_289 = arith.mulf %add3A_286, %mul3A_288 : vector<16xf32>
      %bitcast3A_290 = vector.bitcast %mul3A_289 : vector<16xf32> to vector<16xi32>
      %shift_right_arithmetic3A_291 = arith.constant 16 : i32
      %shift_right_arithmetic3A_292 = vector.broadcast %shift_right_arithmetic3A_291 : i32 to vector<16xi32>
      %shift_right_arithmetic3A_293 = arith.shrsi %bitcast3A, %shift_right_arithmetic3A_292 : vector<16xi32>
      %and3A = arith.constant -65536 : i32
      %and3A_294 = vector.broadcast %and3A : i32 to vector<16xi32>
      %and3A_295 = arith.andi %bitcast3A_290, %and3A_294 : vector<16xi32>
      %or3A = arith.ori %shift_right_arithmetic3A_293, %and3A_295 : vector<16xi32>
      %mul3A_296 = arith.constant 16 : i32
      %mul3A_297 = arith.muli %scan3A_237, %mul3A_296 : i32
      %add3A_298 = arith.constant 1792 : i32
      %add3A_299 = arith.addi %add3A_298, %mul3A_297 : i32
      %swap3A = arith.index_cast %add3A_299 : i32 to index
      %swap3A_300 = tpu.vector_load %arg6[%swap3A] {strides = array<i32>} : memref<4096xi32, #tpu.memory_space<vmem>>, vector<16xi32>,
      tpu.vector_store %arg6[%swap3A], %or3A {strides = array<i32>} : memref<4096xi32, #tpu.memory_space<vmem>>, vector<16xi32>,
      %scan3A_301 = arith.constant 0 : i32
      scf.yield %scan3A_301 : i32
    }
    %scan3A_55 = arith.constant 16 : i32
    %scan3A_56 = arith.constant 0 : i32
    %scan3A_57 = arith.constant 0 : i32
    %scan3A_58 = arith.constant 16 : i32
    %scan3A_59 = arith.addi %scan3A_57, %scan3A_58 : i32
    %scan3A_60 = arith.constant 1 : i32
    %scan3A_61 = scf.for %scan3A_237 = %scan3A_57 to %scan3A_59 step %scan3A_60 iter_args(%scan3A_238 = %scan3A_56) -> (i32)  : i32 {
      %mul3A_239 = arith.constant 16 : i32
      %mul3A_240 = arith.muli %scan3A_237, %mul3A_239 : i32
      %add3A_241 = vector.broadcast %mul3A_240 : i32 to vector<16xi32>
      %add3A_242 = arith.addi %add3A_241, %iota3A : vector<16xi32>
      %mul3A_243 = arith.constant 32 : i32
      %mul3A_244 = vector.broadcast %mul3A_243 : i32 to vector<16xi32>
      %mul3A_245 = arith.muli %add3A_242, %mul3A_244 : vector<16xi32>
      %add3A_246 = arith.constant 16 : i32
      %add3A_247 = vector.broadcast %add3A_246 : i32 to vector<16xi32>
      %add3A_248 = arith.addi %mul3A_245, %add3A_247 : vector<16xi32>
      %gather3A = tpu.vector_load_idx %arg5[%add3A_248] : memref<8192xf32, #tpu.memory_space<vmem>>[vector<16xi32>], vector<16xf32>,
      %add3A_249 = arith.constant 1 : i32
      %add3A_250 = vector.broadcast %add3A_249 : i32 to vector<16xi32>
      %add3A_251 = arith.addi %add3A_248, %add3A_250 : vector<16xi32>
      %gather3A_252 = tpu.vector_load_idx %arg5[%add3A_251] : memref<8192xf32, #tpu.memory_space<vmem>>[vector<16xi32>], vector<16xf32>,
      %sign3A = tpu.bitcast %gather3A : vector<16xf32> -> vector<16xi32>
      %sign3A_253 = arith.constant -2147483648 : i32
      %sign3A_254 = vector.broadcast %sign3A_253 : i32 to vector<16xi32>
      %sign3A_255 = arith.andi %sign3A, %sign3A_254 : vector<16xi32>
      %sign3A_256 = arith.constant 1065353216 : i32
      %sign3A_257 = vector.broadcast %sign3A_256 : i32 to vector<16xi32>
      %sign3A_258 = arith.ori %sign3A_257, %sign3A_255 : vector<16xi32>
      %sign3A_259 = tpu.bitcast %sign3A_258 : vector<16xi32> -> vector<16xf32>
      %sign3A_260 = math.absf %gather3A : vector<16xf32>
      %sign3A_261 = arith.constant 0.000000e+00 : f32
      %sign3A_262 = vector.broadcast %sign3A_261 : f32 to vector<16xf32>
      %sign3A_263 = arith.cmpf ogt, %sign3A_260, %sign3A_262 : vector<16xf32>
      %sign3A_264 = arith.select %sign3A_263, %sign3A_259, %gather3A : vector<16xi1>, vector<16xf32>
      %add3A_265 = arith.constant 1.000000e+00 : f32
      %add3A_266 = vector.broadcast %add3A_265 : f32 to vector<16xf32>
      %add3A_267 = arith.addf %sign3A_264, %add3A_266 : vector<16xf32>
      %mul3A_268 = arith.constant 5.000000e-01 : f32
      %mul3A_269 = vector.broadcast %mul3A_268 : f32 to vector<16xf32>
      %mul3A_270 = arith.mulf %add3A_267, %mul3A_269 : vector<16xf32>
      %bitcast3A = vector.bitcast %mul3A_270 : vector<16xf32> to vector<16xi32>
      %sign3A_271 = tpu.bitcast %gather3A_252 : vector<16xf32> -> vector<16xi32>
      %sign3A_272 = arith.constant -2147483648 : i32
      %sign3A_273 = vector.broadcast %sign3A_272 : i32 to vector<16xi32>
      %sign3A_274 = arith.andi %sign3A_271, %sign3A_273 : vector<16xi32>
      %sign3A_275 = arith.constant 1065353216 : i32
      %sign3A_276 = vector.broadcast %sign3A_275 : i32 to vector<16xi32>
      %sign3A_277 = arith.ori %sign3A_276, %sign3A_274 : vector<16xi32>
      %sign3A_278 = tpu.bitcast %sign3A_277 : vector<16xi32> -> vector<16xf32>
      %sign3A_279 = math.absf %gather3A_252 : vector<16xf32>
      %sign3A_280 = arith.constant 0.000000e+00 : f32
      %sign3A_281 = vector.broadcast %sign3A_280 : f32 to vector<16xf32>
      %sign3A_282 = arith.cmpf ogt, %sign3A_279, %sign3A_281 : vector<16xf32>
      %sign3A_283 = arith.select %sign3A_282, %sign3A_278, %gather3A_252 : vector<16xi1>, vector<16xf32>
      %add3A_284 = arith.constant 1.000000e+00 : f32
      %add3A_285 = vector.broadcast %add3A_284 : f32 to vector<16xf32>
      %add3A_286 = arith.addf %sign3A_283, %add3A_285 : vector<16xf32>
      %mul3A_287 = arith.constant 5.000000e-01 : f32
      %mul3A_288 = vector.broadcast %mul3A_287 : f32 to vector<16xf32>
      %mul3A_289 = arith.mulf %add3A_286, %mul3A_288 : vector<16xf32>
      %bitcast3A_290 = vector.bitcast %mul3A_289 : vector<16xf32> to vector<16xi32>
      %shift_right_arithmetic3A_291 = arith.constant 16 : i32
      %shift_right_arithmetic3A_292 = vector.broadcast %shift_right_arithmetic3A_291 : i32 to vector<16xi32>
      %shift_right_arithmetic3A_293 = arith.shrsi %bitcast3A, %shift_right_arithmetic3A_292 : vector<16xi32>
      %and3A = arith.constant -65536 : i32
      %and3A_294 = vector.broadcast %and3A : i32 to vector<16xi32>
      %and3A_295 = arith.andi %bitcast3A_290, %and3A_294 : vector<16xi32>
      %or3A = arith.ori %shift_right_arithmetic3A_293, %and3A_295 : vector<16xi32>
      %mul3A_296 = arith.constant 16 : i32
      %mul3A_297 = arith.muli %scan3A_237, %mul3A_296 : i32
      %add3A_298 = arith.constant 2048 : i32
      %add3A_299 = arith.addi %add3A_298, %mul3A_297 : i32
      %swap3A = arith.index_cast %add3A_299 : i32 to index
      %swap3A_300 = tpu.vector_load %arg6[%swap3A] {strides = array<i32>} : memref<4096xi32, #tpu.memory_space<vmem>>, vector<16xi32>,
      tpu.vector_store %arg6[%swap3A], %or3A {strides = array<i32>} : memref<4096xi32, #tpu.memory_space<vmem>>, vector<16xi32>,
      %scan3A_301 = arith.constant 0 : i32
      scf.yield %scan3A_301 : i32
    }
    %scan3A_62 = arith.constant 16 : i32
    %scan3A_63 = arith.constant 0 : i32
    %scan3A_64 = arith.constant 0 : i32
    %scan3A_65 = arith.constant 16 : i32
    %scan3A_66 = arith.addi %scan3A_64, %scan3A_65 : i32
    %scan3A_67 = arith.constant 1 : i32
    %scan3A_68 = scf.for %scan3A_237 = %scan3A_64 to %scan3A_66 step %scan3A_67 iter_args(%scan3A_238 = %scan3A_63) -> (i32)  : i32 {
      %mul3A_239 = arith.constant 16 : i32
      %mul3A_240 = arith.muli %scan3A_237, %mul3A_239 : i32
      %add3A_241 = vector.broadcast %mul3A_240 : i32 to vector<16xi32>
      %add3A_242 = arith.addi %add3A_241, %iota3A : vector<16xi32>
      %mul3A_243 = arith.constant 32 : i32
      %mul3A_244 = vector.broadcast %mul3A_243 : i32 to vector<16xi32>
      %mul3A_245 = arith.muli %add3A_242, %mul3A_244 : vector<16xi32>
      %add3A_246 = arith.constant 18 : i32
      %add3A_247 = vector.broadcast %add3A_246 : i32 to vector<16xi32>
      %add3A_248 = arith.addi %mul3A_245, %add3A_247 : vector<16xi32>
      %gather3A = tpu.vector_load_idx %arg5[%add3A_248] : memref<8192xf32, #tpu.memory_space<vmem>>[vector<16xi32>], vector<16xf32>,
      %add3A_249 = arith.constant 1 : i32
      %add3A_250 = vector.broadcast %add3A_249 : i32 to vector<16xi32>
      %add3A_251 = arith.addi %add3A_248, %add3A_250 : vector<16xi32>
      %gather3A_252 = tpu.vector_load_idx %arg5[%add3A_251] : memref<8192xf32, #tpu.memory_space<vmem>>[vector<16xi32>], vector<16xf32>,
      %sign3A = tpu.bitcast %gather3A : vector<16xf32> -> vector<16xi32>
      %sign3A_253 = arith.constant -2147483648 : i32
      %sign3A_254 = vector.broadcast %sign3A_253 : i32 to vector<16xi32>
      %sign3A_255 = arith.andi %sign3A, %sign3A_254 : vector<16xi32>
      %sign3A_256 = arith.constant 1065353216 : i32
      %sign3A_257 = vector.broadcast %sign3A_256 : i32 to vector<16xi32>
      %sign3A_258 = arith.ori %sign3A_257, %sign3A_255 : vector<16xi32>
      %sign3A_259 = tpu.bitcast %sign3A_258 : vector<16xi32> -> vector<16xf32>
      %sign3A_260 = math.absf %gather3A : vector<16xf32>
      %sign3A_261 = arith.constant 0.000000e+00 : f32
      %sign3A_262 = vector.broadcast %sign3A_261 : f32 to vector<16xf32>
      %sign3A_263 = arith.cmpf ogt, %sign3A_260, %sign3A_262 : vector<16xf32>
      %sign3A_264 = arith.select %sign3A_263, %sign3A_259, %gather3A : vector<16xi1>, vector<16xf32>
      %add3A_265 = arith.constant 1.000000e+00 : f32
      %add3A_266 = vector.broadcast %add3A_265 : f32 to vector<16xf32>
      %add3A_267 = arith.addf %sign3A_264, %add3A_266 : vector<16xf32>
      %mul3A_268 = arith.constant 5.000000e-01 : f32
      %mul3A_269 = vector.broadcast %mul3A_268 : f32 to vector<16xf32>
      %mul3A_270 = arith.mulf %add3A_267, %mul3A_269 : vector<16xf32>
      %bitcast3A = vector.bitcast %mul3A_270 : vector<16xf32> to vector<16xi32>
      %sign3A_271 = tpu.bitcast %gather3A_252 : vector<16xf32> -> vector<16xi32>
      %sign3A_272 = arith.constant -2147483648 : i32
      %sign3A_273 = vector.broadcast %sign3A_272 : i32 to vector<16xi32>
      %sign3A_274 = arith.andi %sign3A_271, %sign3A_273 : vector<16xi32>
      %sign3A_275 = arith.constant 1065353216 : i32
      %sign3A_276 = vector.broadcast %sign3A_275 : i32 to vector<16xi32>
      %sign3A_277 = arith.ori %sign3A_276, %sign3A_274 : vector<16xi32>
      %sign3A_278 = tpu.bitcast %sign3A_277 : vector<16xi32> -> vector<16xf32>
      %sign3A_279 = math.absf %gather3A_252 : vector<16xf32>
      %sign3A_280 = arith.constant 0.000000e+00 : f32
      %sign3A_281 = vector.broadcast %sign3A_280 : f32 to vector<16xf32>
      %sign3A_282 = arith.cmpf ogt, %sign3A_279, %sign3A_281 : vector<16xf32>
      %sign3A_283 = arith.select %sign3A_282, %sign3A_278, %gather3A_252 : vector<16xi1>, vector<16xf32>
      %add3A_284 = arith.constant 1.000000e+00 : f32
      %add3A_285 = vector.broadcast %add3A_284 : f32 to vector<16xf32>
      %add3A_286 = arith.addf %sign3A_283, %add3A_285 : vector<16xf32>
      %mul3A_287 = arith.constant 5.000000e-01 : f32
      %mul3A_288 = vector.broadcast %mul3A_287 : f32 to vector<16xf32>
      %mul3A_289 = arith.mulf %add3A_286, %mul3A_288 : vector<16xf32>
      %bitcast3A_290 = vector.bitcast %mul3A_289 : vector<16xf32> to vector<16xi32>
      %shift_right_arithmetic3A_291 = arith.constant 16 : i32
      %shift_right_arithmetic3A_292 = vector.broadcast %shift_right_arithmetic3A_291 : i32 to vector<16xi32>
      %shift_right_arithmetic3A_293 = arith.shrsi %bitcast3A, %shift_right_arithmetic3A_292 : vector<16xi32>
      %and3A = arith.constant -65536 : i32
      %and3A_294 = vector.broadcast %and3A : i32 to vector<16xi32>
      %and3A_295 = arith.andi %bitcast3A_290, %and3A_294 : vector<16xi32>
      %or3A = arith.ori %shift_right_arithmetic3A_293, %and3A_295 : vector<16xi32>
      %mul3A_296 = arith.constant 16 : i32
      %mul3A_297 = arith.muli %scan3A_237, %mul3A_296 : i32
      %add3A_298 = arith.constant 2304 : i32
      %add3A_299 = arith.addi %add3A_298, %mul3A_297 : i32
      %swap3A = arith.index_cast %add3A_299 : i32 to index
      %swap3A_300 = tpu.vector_load %arg6[%swap3A] {strides = array<i32>} : memref<4096xi32, #tpu.memory_space<vmem>>, vector<16xi32>,
      tpu.vector_store %arg6[%swap3A], %or3A {strides = array<i32>} : memref<4096xi32, #tpu.memory_space<vmem>>, vector<16xi32>,
      %scan3A_301 = arith.constant 0 : i32
      scf.yield %scan3A_301 : i32
    }
    %scan3A_69 = arith.constant 16 : i32
    %scan3A_70 = arith.constant 0 : i32
    %scan3A_71 = arith.constant 0 : i32
    %scan3A_72 = arith.constant 16 : i32
    %scan3A_73 = arith.addi %scan3A_71, %scan3A_72 : i32
    %scan3A_74 = arith.constant 1 : i32
    %scan3A_75 = scf.for %scan3A_237 = %scan3A_71 to %scan3A_73 step %scan3A_74 iter_args(%scan3A_238 = %scan3A_70) -> (i32)  : i32 {
      %mul3A_239 = arith.constant 16 : i32
      %mul3A_240 = arith.muli %scan3A_237, %mul3A_239 : i32
      %add3A_241 = vector.broadcast %mul3A_240 : i32 to vector<16xi32>
      %add3A_242 = arith.addi %add3A_241, %iota3A : vector<16xi32>
      %mul3A_243 = arith.constant 32 : i32
      %mul3A_244 = vector.broadcast %mul3A_243 : i32 to vector<16xi32>
      %mul3A_245 = arith.muli %add3A_242, %mul3A_244 : vector<16xi32>
      %add3A_246 = arith.constant 20 : i32
      %add3A_247 = vector.broadcast %add3A_246 : i32 to vector<16xi32>
      %add3A_248 = arith.addi %mul3A_245, %add3A_247 : vector<16xi32>
      %gather3A = tpu.vector_load_idx %arg5[%add3A_248] : memref<8192xf32, #tpu.memory_space<vmem>>[vector<16xi32>], vector<16xf32>,
      %add3A_249 = arith.constant 1 : i32
      %add3A_250 = vector.broadcast %add3A_249 : i32 to vector<16xi32>
      %add3A_251 = arith.addi %add3A_248, %add3A_250 : vector<16xi32>
      %gather3A_252 = tpu.vector_load_idx %arg5[%add3A_251] : memref<8192xf32, #tpu.memory_space<vmem>>[vector<16xi32>], vector<16xf32>,
      %sign3A = tpu.bitcast %gather3A : vector<16xf32> -> vector<16xi32>
      %sign3A_253 = arith.constant -2147483648 : i32
      %sign3A_254 = vector.broadcast %sign3A_253 : i32 to vector<16xi32>
      %sign3A_255 = arith.andi %sign3A, %sign3A_254 : vector<16xi32>
      %sign3A_256 = arith.constant 1065353216 : i32
      %sign3A_257 = vector.broadcast %sign3A_256 : i32 to vector<16xi32>
      %sign3A_258 = arith.ori %sign3A_257, %sign3A_255 : vector<16xi32>
      %sign3A_259 = tpu.bitcast %sign3A_258 : vector<16xi32> -> vector<16xf32>
      %sign3A_260 = math.absf %gather3A : vector<16xf32>
      %sign3A_261 = arith.constant 0.000000e+00 : f32
      %sign3A_262 = vector.broadcast %sign3A_261 : f32 to vector<16xf32>
      %sign3A_263 = arith.cmpf ogt, %sign3A_260, %sign3A_262 : vector<16xf32>
      %sign3A_264 = arith.select %sign3A_263, %sign3A_259, %gather3A : vector<16xi1>, vector<16xf32>
      %add3A_265 = arith.constant 1.000000e+00 : f32
      %add3A_266 = vector.broadcast %add3A_265 : f32 to vector<16xf32>
      %add3A_267 = arith.addf %sign3A_264, %add3A_266 : vector<16xf32>
      %mul3A_268 = arith.constant 5.000000e-01 : f32
      %mul3A_269 = vector.broadcast %mul3A_268 : f32 to vector<16xf32>
      %mul3A_270 = arith.mulf %add3A_267, %mul3A_269 : vector<16xf32>
      %bitcast3A = vector.bitcast %mul3A_270 : vector<16xf32> to vector<16xi32>
      %sign3A_271 = tpu.bitcast %gather3A_252 : vector<16xf32> -> vector<16xi32>
      %sign3A_272 = arith.constant -2147483648 : i32
      %sign3A_273 = vector.broadcast %sign3A_272 : i32 to vector<16xi32>
      %sign3A_274 = arith.andi %sign3A_271, %sign3A_273 : vector<16xi32>
      %sign3A_275 = arith.constant 1065353216 : i32
      %sign3A_276 = vector.broadcast %sign3A_275 : i32 to vector<16xi32>
      %sign3A_277 = arith.ori %sign3A_276, %sign3A_274 : vector<16xi32>
      %sign3A_278 = tpu.bitcast %sign3A_277 : vector<16xi32> -> vector<16xf32>
      %sign3A_279 = math.absf %gather3A_252 : vector<16xf32>
      %sign3A_280 = arith.constant 0.000000e+00 : f32
      %sign3A_281 = vector.broadcast %sign3A_280 : f32 to vector<16xf32>
      %sign3A_282 = arith.cmpf ogt, %sign3A_279, %sign3A_281 : vector<16xf32>
      %sign3A_283 = arith.select %sign3A_282, %sign3A_278, %gather3A_252 : vector<16xi1>, vector<16xf32>
      %add3A_284 = arith.constant 1.000000e+00 : f32
      %add3A_285 = vector.broadcast %add3A_284 : f32 to vector<16xf32>
      %add3A_286 = arith.addf %sign3A_283, %add3A_285 : vector<16xf32>
      %mul3A_287 = arith.constant 5.000000e-01 : f32
      %mul3A_288 = vector.broadcast %mul3A_287 : f32 to vector<16xf32>
      %mul3A_289 = arith.mulf %add3A_286, %mul3A_288 : vector<16xf32>
      %bitcast3A_290 = vector.bitcast %mul3A_289 : vector<16xf32> to vector<16xi32>
      %shift_right_arithmetic3A_291 = arith.constant 16 : i32
      %shift_right_arithmetic3A_292 = vector.broadcast %shift_right_arithmetic3A_291 : i32 to vector<16xi32>
      %shift_right_arithmetic3A_293 = arith.shrsi %bitcast3A, %shift_right_arithmetic3A_292 : vector<16xi32>
      %and3A = arith.constant -65536 : i32
      %and3A_294 = vector.broadcast %and3A : i32 to vector<16xi32>
      %and3A_295 = arith.andi %bitcast3A_290, %and3A_294 : vector<16xi32>
      %or3A = arith.ori %shift_right_arithmetic3A_293, %and3A_295 : vector<16xi32>
      %mul3A_296 = arith.constant 16 : i32
      %mul3A_297 = arith.muli %scan3A_237, %mul3A_296 : i32
      %add3A_298 = arith.constant 2560 : i32
      %add3A_299 = arith.addi %add3A_298, %mul3A_297 : i32
      %swap3A = arith.index_cast %add3A_299 : i32 to index
      %swap3A_300 = tpu.vector_load %arg6[%swap3A] {strides = array<i32>} : memref<4096xi32, #tpu.memory_space<vmem>>, vector<16xi32>,
      tpu.vector_store %arg6[%swap3A], %or3A {strides = array<i32>} : memref<4096xi32, #tpu.memory_space<vmem>>, vector<16xi32>,
      %scan3A_301 = arith.constant 0 : i32
      scf.yield %scan3A_301 : i32
    }
    %scan3A_76 = arith.constant 16 : i32
    %scan3A_77 = arith.constant 0 : i32
    %scan3A_78 = arith.constant 0 : i32
    %scan3A_79 = arith.constant 16 : i32
    %scan3A_80 = arith.addi %scan3A_78, %scan3A_79 : i32
    %scan3A_81 = arith.constant 1 : i32
    %scan3A_82 = scf.for %scan3A_237 = %scan3A_78 to %scan3A_80 step %scan3A_81 iter_args(%scan3A_238 = %scan3A_77) -> (i32)  : i32 {
      %mul3A_239 = arith.constant 16 : i32
      %mul3A_240 = arith.muli %scan3A_237, %mul3A_239 : i32
      %add3A_241 = vector.broadcast %mul3A_240 : i32 to vector<16xi32>
      %add3A_242 = arith.addi %add3A_241, %iota3A : vector<16xi32>
      %mul3A_243 = arith.constant 32 : i32
      %mul3A_244 = vector.broadcast %mul3A_243 : i32 to vector<16xi32>
      %mul3A_245 = arith.muli %add3A_242, %mul3A_244 : vector<16xi32>
      %add3A_246 = arith.constant 22 : i32
      %add3A_247 = vector.broadcast %add3A_246 : i32 to vector<16xi32>
      %add3A_248 = arith.addi %mul3A_245, %add3A_247 : vector<16xi32>
      %gather3A = tpu.vector_load_idx %arg5[%add3A_248] : memref<8192xf32, #tpu.memory_space<vmem>>[vector<16xi32>], vector<16xf32>,
      %add3A_249 = arith.constant 1 : i32
      %add3A_250 = vector.broadcast %add3A_249 : i32 to vector<16xi32>
      %add3A_251 = arith.addi %add3A_248, %add3A_250 : vector<16xi32>
      %gather3A_252 = tpu.vector_load_idx %arg5[%add3A_251] : memref<8192xf32, #tpu.memory_space<vmem>>[vector<16xi32>], vector<16xf32>,
      %sign3A = tpu.bitcast %gather3A : vector<16xf32> -> vector<16xi32>
      %sign3A_253 = arith.constant -2147483648 : i32
      %sign3A_254 = vector.broadcast %sign3A_253 : i32 to vector<16xi32>
      %sign3A_255 = arith.andi %sign3A, %sign3A_254 : vector<16xi32>
      %sign3A_256 = arith.constant 1065353216 : i32
      %sign3A_257 = vector.broadcast %sign3A_256 : i32 to vector<16xi32>
      %sign3A_258 = arith.ori %sign3A_257, %sign3A_255 : vector<16xi32>
      %sign3A_259 = tpu.bitcast %sign3A_258 : vector<16xi32> -> vector<16xf32>
      %sign3A_260 = math.absf %gather3A : vector<16xf32>
      %sign3A_261 = arith.constant 0.000000e+00 : f32
      %sign3A_262 = vector.broadcast %sign3A_261 : f32 to vector<16xf32>
      %sign3A_263 = arith.cmpf ogt, %sign3A_260, %sign3A_262 : vector<16xf32>
      %sign3A_264 = arith.select %sign3A_263, %sign3A_259, %gather3A : vector<16xi1>, vector<16xf32>
      %add3A_265 = arith.constant 1.000000e+00 : f32
      %add3A_266 = vector.broadcast %add3A_265 : f32 to vector<16xf32>
      %add3A_267 = arith.addf %sign3A_264, %add3A_266 : vector<16xf32>
      %mul3A_268 = arith.constant 5.000000e-01 : f32
      %mul3A_269 = vector.broadcast %mul3A_268 : f32 to vector<16xf32>
      %mul3A_270 = arith.mulf %add3A_267, %mul3A_269 : vector<16xf32>
      %bitcast3A = vector.bitcast %mul3A_270 : vector<16xf32> to vector<16xi32>
      %sign3A_271 = tpu.bitcast %gather3A_252 : vector<16xf32> -> vector<16xi32>
      %sign3A_272 = arith.constant -2147483648 : i32
      %sign3A_273 = vector.broadcast %sign3A_272 : i32 to vector<16xi32>
      %sign3A_274 = arith.andi %sign3A_271, %sign3A_273 : vector<16xi32>
      %sign3A_275 = arith.constant 1065353216 : i32
      %sign3A_276 = vector.broadcast %sign3A_275 : i32 to vector<16xi32>
      %sign3A_277 = arith.ori %sign3A_276, %sign3A_274 : vector<16xi32>
      %sign3A_278 = tpu.bitcast %sign3A_277 : vector<16xi32> -> vector<16xf32>
      %sign3A_279 = math.absf %gather3A_252 : vector<16xf32>
      %sign3A_280 = arith.constant 0.000000e+00 : f32
      %sign3A_281 = vector.broadcast %sign3A_280 : f32 to vector<16xf32>
      %sign3A_282 = arith.cmpf ogt, %sign3A_279, %sign3A_281 : vector<16xf32>
      %sign3A_283 = arith.select %sign3A_282, %sign3A_278, %gather3A_252 : vector<16xi1>, vector<16xf32>
      %add3A_284 = arith.constant 1.000000e+00 : f32
      %add3A_285 = vector.broadcast %add3A_284 : f32 to vector<16xf32>
      %add3A_286 = arith.addf %sign3A_283, %add3A_285 : vector<16xf32>
      %mul3A_287 = arith.constant 5.000000e-01 : f32
      %mul3A_288 = vector.broadcast %mul3A_287 : f32 to vector<16xf32>
      %mul3A_289 = arith.mulf %add3A_286, %mul3A_288 : vector<16xf32>
      %bitcast3A_290 = vector.bitcast %mul3A_289 : vector<16xf32> to vector<16xi32>
      %shift_right_arithmetic3A_291 = arith.constant 16 : i32
      %shift_right_arithmetic3A_292 = vector.broadcast %shift_right_arithmetic3A_291 : i32 to vector<16xi32>
      %shift_right_arithmetic3A_293 = arith.shrsi %bitcast3A, %shift_right_arithmetic3A_292 : vector<16xi32>
      %and3A = arith.constant -65536 : i32
      %and3A_294 = vector.broadcast %and3A : i32 to vector<16xi32>
      %and3A_295 = arith.andi %bitcast3A_290, %and3A_294 : vector<16xi32>
      %or3A = arith.ori %shift_right_arithmetic3A_293, %and3A_295 : vector<16xi32>
      %mul3A_296 = arith.constant 16 : i32
      %mul3A_297 = arith.muli %scan3A_237, %mul3A_296 : i32
      %add3A_298 = arith.constant 2816 : i32
      %add3A_299 = arith.addi %add3A_298, %mul3A_297 : i32
      %swap3A = arith.index_cast %add3A_299 : i32 to index
      %swap3A_300 = tpu.vector_load %arg6[%swap3A] {strides = array<i32>} : memref<4096xi32, #tpu.memory_space<vmem>>, vector<16xi32>,
      tpu.vector_store %arg6[%swap3A], %or3A {strides = array<i32>} : memref<4096xi32, #tpu.memory_space<vmem>>, vector<16xi32>,
      %scan3A_301 = arith.constant 0 : i32
      scf.yield %scan3A_301 : i32
    }
    %scan3A_83 = arith.constant 16 : i32
    %scan3A_84 = arith.constant 0 : i32
    %scan3A_85 = arith.constant 0 : i32
    %scan3A_86 = arith.constant 16 : i32
    %scan3A_87 = arith.addi %scan3A_85, %scan3A_86 : i32
    %scan3A_88 = arith.constant 1 : i32
    %scan3A_89 = scf.for %scan3A_237 = %scan3A_85 to %scan3A_87 step %scan3A_88 iter_args(%scan3A_238 = %scan3A_84) -> (i32)  : i32 {
      %mul3A_239 = arith.constant 16 : i32
      %mul3A_240 = arith.muli %scan3A_237, %mul3A_239 : i32
      %add3A_241 = vector.broadcast %mul3A_240 : i32 to vector<16xi32>
      %add3A_242 = arith.addi %add3A_241, %iota3A : vector<16xi32>
      %mul3A_243 = arith.constant 32 : i32
      %mul3A_244 = vector.broadcast %mul3A_243 : i32 to vector<16xi32>
      %mul3A_245 = arith.muli %add3A_242, %mul3A_244 : vector<16xi32>
      %add3A_246 = arith.constant 24 : i32
      %add3A_247 = vector.broadcast %add3A_246 : i32 to vector<16xi32>
      %add3A_248 = arith.addi %mul3A_245, %add3A_247 : vector<16xi32>
      %gather3A = tpu.vector_load_idx %arg5[%add3A_248] : memref<8192xf32, #tpu.memory_space<vmem>>[vector<16xi32>], vector<16xf32>,
      %add3A_249 = arith.constant 1 : i32
      %add3A_250 = vector.broadcast %add3A_249 : i32 to vector<16xi32>
      %add3A_251 = arith.addi %add3A_248, %add3A_250 : vector<16xi32>
      %gather3A_252 = tpu.vector_load_idx %arg5[%add3A_251] : memref<8192xf32, #tpu.memory_space<vmem>>[vector<16xi32>], vector<16xf32>,
      %sign3A = tpu.bitcast %gather3A : vector<16xf32> -> vector<16xi32>
      %sign3A_253 = arith.constant -2147483648 : i32
      %sign3A_254 = vector.broadcast %sign3A_253 : i32 to vector<16xi32>
      %sign3A_255 = arith.andi %sign3A, %sign3A_254 : vector<16xi32>
      %sign3A_256 = arith.constant 1065353216 : i32
      %sign3A_257 = vector.broadcast %sign3A_256 : i32 to vector<16xi32>
      %sign3A_258 = arith.ori %sign3A_257, %sign3A_255 : vector<16xi32>
      %sign3A_259 = tpu.bitcast %sign3A_258 : vector<16xi32> -> vector<16xf32>
      %sign3A_260 = math.absf %gather3A : vector<16xf32>
      %sign3A_261 = arith.constant 0.000000e+00 : f32
      %sign3A_262 = vector.broadcast %sign3A_261 : f32 to vector<16xf32>
      %sign3A_263 = arith.cmpf ogt, %sign3A_260, %sign3A_262 : vector<16xf32>
      %sign3A_264 = arith.select %sign3A_263, %sign3A_259, %gather3A : vector<16xi1>, vector<16xf32>
      %add3A_265 = arith.constant 1.000000e+00 : f32
      %add3A_266 = vector.broadcast %add3A_265 : f32 to vector<16xf32>
      %add3A_267 = arith.addf %sign3A_264, %add3A_266 : vector<16xf32>
      %mul3A_268 = arith.constant 5.000000e-01 : f32
      %mul3A_269 = vector.broadcast %mul3A_268 : f32 to vector<16xf32>
      %mul3A_270 = arith.mulf %add3A_267, %mul3A_269 : vector<16xf32>
      %bitcast3A = vector.bitcast %mul3A_270 : vector<16xf32> to vector<16xi32>
      %sign3A_271 = tpu.bitcast %gather3A_252 : vector<16xf32> -> vector<16xi32>
      %sign3A_272 = arith.constant -2147483648 : i32
      %sign3A_273 = vector.broadcast %sign3A_272 : i32 to vector<16xi32>
      %sign3A_274 = arith.andi %sign3A_271, %sign3A_273 : vector<16xi32>
      %sign3A_275 = arith.constant 1065353216 : i32
      %sign3A_276 = vector.broadcast %sign3A_275 : i32 to vector<16xi32>
      %sign3A_277 = arith.ori %sign3A_276, %sign3A_274 : vector<16xi32>
      %sign3A_278 = tpu.bitcast %sign3A_277 : vector<16xi32> -> vector<16xf32>
      %sign3A_279 = math.absf %gather3A_252 : vector<16xf32>
      %sign3A_280 = arith.constant 0.000000e+00 : f32
      %sign3A_281 = vector.broadcast %sign3A_280 : f32 to vector<16xf32>
      %sign3A_282 = arith.cmpf ogt, %sign3A_279, %sign3A_281 : vector<16xf32>
      %sign3A_283 = arith.select %sign3A_282, %sign3A_278, %gather3A_252 : vector<16xi1>, vector<16xf32>
      %add3A_284 = arith.constant 1.000000e+00 : f32
      %add3A_285 = vector.broadcast %add3A_284 : f32 to vector<16xf32>
      %add3A_286 = arith.addf %sign3A_283, %add3A_285 : vector<16xf32>
      %mul3A_287 = arith.constant 5.000000e-01 : f32
      %mul3A_288 = vector.broadcast %mul3A_287 : f32 to vector<16xf32>
      %mul3A_289 = arith.mulf %add3A_286, %mul3A_288 : vector<16xf32>
      %bitcast3A_290 = vector.bitcast %mul3A_289 : vector<16xf32> to vector<16xi32>
      %shift_right_arithmetic3A_291 = arith.constant 16 : i32
      %shift_right_arithmetic3A_292 = vector.broadcast %shift_right_arithmetic3A_291 : i32 to vector<16xi32>
      %shift_right_arithmetic3A_293 = arith.shrsi %bitcast3A, %shift_right_arithmetic3A_292 : vector<16xi32>
      %and3A = arith.constant -65536 : i32
      %and3A_294 = vector.broadcast %and3A : i32 to vector<16xi32>
      %and3A_295 = arith.andi %bitcast3A_290, %and3A_294 : vector<16xi32>
      %or3A = arith.ori %shift_right_arithmetic3A_293, %and3A_295 : vector<16xi32>
      %mul3A_296 = arith.constant 16 : i32
      %mul3A_297 = arith.muli %scan3A_237, %mul3A_296 : i32
      %add3A_298 = arith.constant 3072 : i32
      %add3A_299 = arith.addi %add3A_298, %mul3A_297 : i32
      %swap3A = arith.index_cast %add3A_299 : i32 to index
      %swap3A_300 = tpu.vector_load %arg6[%swap3A] {strides = array<i32>} : memref<4096xi32, #tpu.memory_space<vmem>>, vector<16xi32>,
      tpu.vector_store %arg6[%swap3A], %or3A {strides = array<i32>} : memref<4096xi32, #tpu.memory_space<vmem>>, vector<16xi32>,
      %scan3A_301 = arith.constant 0 : i32
      scf.yield %scan3A_301 : i32
    }
    %scan3A_90 = arith.constant 16 : i32
    %scan3A_91 = arith.constant 0 : i32
    %scan3A_92 = arith.constant 0 : i32
    %scan3A_93 = arith.constant 16 : i32
    %scan3A_94 = arith.addi %scan3A_92, %scan3A_93 : i32
    %scan3A_95 = arith.constant 1 : i32
    %scan3A_96 = scf.for %scan3A_237 = %scan3A_92 to %scan3A_94 step %scan3A_95 iter_args(%scan3A_238 = %scan3A_91) -> (i32)  : i32 {
      %mul3A_239 = arith.constant 16 : i32
      %mul3A_240 = arith.muli %scan3A_237, %mul3A_239 : i32
      %add3A_241 = vector.broadcast %mul3A_240 : i32 to vector<16xi32>
      %add3A_242 = arith.addi %add3A_241, %iota3A : vector<16xi32>
      %mul3A_243 = arith.constant 32 : i32
      %mul3A_244 = vector.broadcast %mul3A_243 : i32 to vector<16xi32>
      %mul3A_245 = arith.muli %add3A_242, %mul3A_244 : vector<16xi32>
      %add3A_246 = arith.constant 26 : i32
      %add3A_247 = vector.broadcast %add3A_246 : i32 to vector<16xi32>
      %add3A_248 = arith.addi %mul3A_245, %add3A_247 : vector<16xi32>
      %gather3A = tpu.vector_load_idx %arg5[%add3A_248] : memref<8192xf32, #tpu.memory_space<vmem>>[vector<16xi32>], vector<16xf32>,
      %add3A_249 = arith.constant 1 : i32
      %add3A_250 = vector.broadcast %add3A_249 : i32 to vector<16xi32>
      %add3A_251 = arith.addi %add3A_248, %add3A_250 : vector<16xi32>
      %gather3A_252 = tpu.vector_load_idx %arg5[%add3A_251] : memref<8192xf32, #tpu.memory_space<vmem>>[vector<16xi32>], vector<16xf32>,
      %sign3A = tpu.bitcast %gather3A : vector<16xf32> -> vector<16xi32>
      %sign3A_253 = arith.constant -2147483648 : i32
      %sign3A_254 = vector.broadcast %sign3A_253 : i32 to vector<16xi32>
      %sign3A_255 = arith.andi %sign3A, %sign3A_254 : vector<16xi32>
      %sign3A_256 = arith.constant 1065353216 : i32
      %sign3A_257 = vector.broadcast %sign3A_256 : i32 to vector<16xi32>
      %sign3A_258 = arith.ori %sign3A_257, %sign3A_255 : vector<16xi32>
      %sign3A_259 = tpu.bitcast %sign3A_258 : vector<16xi32> -> vector<16xf32>
      %sign3A_260 = math.absf %gather3A : vector<16xf32>
      %sign3A_261 = arith.constant 0.000000e+00 : f32
      %sign3A_262 = vector.broadcast %sign3A_261 : f32 to vector<16xf32>
      %sign3A_263 = arith.cmpf ogt, %sign3A_260, %sign3A_262 : vector<16xf32>
      %sign3A_264 = arith.select %sign3A_263, %sign3A_259, %gather3A : vector<16xi1>, vector<16xf32>
      %add3A_265 = arith.constant 1.000000e+00 : f32
      %add3A_266 = vector.broadcast %add3A_265 : f32 to vector<16xf32>
      %add3A_267 = arith.addf %sign3A_264, %add3A_266 : vector<16xf32>
      %mul3A_268 = arith.constant 5.000000e-01 : f32
      %mul3A_269 = vector.broadcast %mul3A_268 : f32 to vector<16xf32>
      %mul3A_270 = arith.mulf %add3A_267, %mul3A_269 : vector<16xf32>
      %bitcast3A = vector.bitcast %mul3A_270 : vector<16xf32> to vector<16xi32>
      %sign3A_271 = tpu.bitcast %gather3A_252 : vector<16xf32> -> vector<16xi32>
      %sign3A_272 = arith.constant -2147483648 : i32
      %sign3A_273 = vector.broadcast %sign3A_272 : i32 to vector<16xi32>
      %sign3A_274 = arith.andi %sign3A_271, %sign3A_273 : vector<16xi32>
      %sign3A_275 = arith.constant 1065353216 : i32
      %sign3A_276 = vector.broadcast %sign3A_275 : i32 to vector<16xi32>
      %sign3A_277 = arith.ori %sign3A_276, %sign3A_274 : vector<16xi32>
      %sign3A_278 = tpu.bitcast %sign3A_277 : vector<16xi32> -> vector<16xf32>
      %sign3A_279 = math.absf %gather3A_252 : vector<16xf32>
      %sign3A_280 = arith.constant 0.000000e+00 : f32
      %sign3A_281 = vector.broadcast %sign3A_280 : f32 to vector<16xf32>
      %sign3A_282 = arith.cmpf ogt, %sign3A_279, %sign3A_281 : vector<16xf32>
      %sign3A_283 = arith.select %sign3A_282, %sign3A_278, %gather3A_252 : vector<16xi1>, vector<16xf32>
      %add3A_284 = arith.constant 1.000000e+00 : f32
      %add3A_285 = vector.broadcast %add3A_284 : f32 to vector<16xf32>
      %add3A_286 = arith.addf %sign3A_283, %add3A_285 : vector<16xf32>
      %mul3A_287 = arith.constant 5.000000e-01 : f32
      %mul3A_288 = vector.broadcast %mul3A_287 : f32 to vector<16xf32>
      %mul3A_289 = arith.mulf %add3A_286, %mul3A_288 : vector<16xf32>
      %bitcast3A_290 = vector.bitcast %mul3A_289 : vector<16xf32> to vector<16xi32>
      %shift_right_arithmetic3A_291 = arith.constant 16 : i32
      %shift_right_arithmetic3A_292 = vector.broadcast %shift_right_arithmetic3A_291 : i32 to vector<16xi32>
      %shift_right_arithmetic3A_293 = arith.shrsi %bitcast3A, %shift_right_arithmetic3A_292 : vector<16xi32>
      %and3A = arith.constant -65536 : i32
      %and3A_294 = vector.broadcast %and3A : i32 to vector<16xi32>
      %and3A_295 = arith.andi %bitcast3A_290, %and3A_294 : vector<16xi32>
      %or3A = arith.ori %shift_right_arithmetic3A_293, %and3A_295 : vector<16xi32>
      %mul3A_296 = arith.constant 16 : i32
      %mul3A_297 = arith.muli %scan3A_237, %mul3A_296 : i32
      %add3A_298 = arith.constant 3328 : i32
      %add3A_299 = arith.addi %add3A_298, %mul3A_297 : i32
      %swap3A = arith.index_cast %add3A_299 : i32 to index
      %swap3A_300 = tpu.vector_load %arg6[%swap3A] {strides = array<i32>} : memref<4096xi32, #tpu.memory_space<vmem>>, vector<16xi32>,
      tpu.vector_store %arg6[%swap3A], %or3A {strides = array<i32>} : memref<4096xi32, #tpu.memory_space<vmem>>, vector<16xi32>,
      %scan3A_301 = arith.constant 0 : i32
      scf.yield %scan3A_301 : i32
    }
    %scan3A_97 = arith.constant 16 : i32
    %scan3A_98 = arith.constant 0 : i32
    %scan3A_99 = arith.constant 0 : i32
    %scan3A_100 = arith.constant 16 : i32
    %scan3A_101 = arith.addi %scan3A_99, %scan3A_100 : i32
    %scan3A_102 = arith.constant 1 : i32
    %scan3A_103 = scf.for %scan3A_237 = %scan3A_99 to %scan3A_101 step %scan3A_102 iter_args(%scan3A_238 = %scan3A_98) -> (i32)  : i32 {
      %mul3A_239 = arith.constant 16 : i32
      %mul3A_240 = arith.muli %scan3A_237, %mul3A_239 : i32
      %add3A_241 = vector.broadcast %mul3A_240 : i32 to vector<16xi32>
      %add3A_242 = arith.addi %add3A_241, %iota3A : vector<16xi32>
      %mul3A_243 = arith.constant 32 : i32
      %mul3A_244 = vector.broadcast %mul3A_243 : i32 to vector<16xi32>
      %mul3A_245 = arith.muli %add3A_242, %mul3A_244 : vector<16xi32>
      %add3A_246 = arith.constant 28 : i32
      %add3A_247 = vector.broadcast %add3A_246 : i32 to vector<16xi32>
      %add3A_248 = arith.addi %mul3A_245, %add3A_247 : vector<16xi32>
      %gather3A = tpu.vector_load_idx %arg5[%add3A_248] : memref<8192xf32, #tpu.memory_space<vmem>>[vector<16xi32>], vector<16xf32>,
      %add3A_249 = arith.constant 1 : i32
      %add3A_250 = vector.broadcast %add3A_249 : i32 to vector<16xi32>
      %add3A_251 = arith.addi %add3A_248, %add3A_250 : vector<16xi32>
      %gather3A_252 = tpu.vector_load_idx %arg5[%add3A_251] : memref<8192xf32, #tpu.memory_space<vmem>>[vector<16xi32>], vector<16xf32>,
      %sign3A = tpu.bitcast %gather3A : vector<16xf32> -> vector<16xi32>
      %sign3A_253 = arith.constant -2147483648 : i32
      %sign3A_254 = vector.broadcast %sign3A_253 : i32 to vector<16xi32>
      %sign3A_255 = arith.andi %sign3A, %sign3A_254 : vector<16xi32>
      %sign3A_256 = arith.constant 1065353216 : i32
      %sign3A_257 = vector.broadcast %sign3A_256 : i32 to vector<16xi32>
      %sign3A_258 = arith.ori %sign3A_257, %sign3A_255 : vector<16xi32>
      %sign3A_259 = tpu.bitcast %sign3A_258 : vector<16xi32> -> vector<16xf32>
      %sign3A_260 = math.absf %gather3A : vector<16xf32>
      %sign3A_261 = arith.constant 0.000000e+00 : f32
      %sign3A_262 = vector.broadcast %sign3A_261 : f32 to vector<16xf32>
      %sign3A_263 = arith.cmpf ogt, %sign3A_260, %sign3A_262 : vector<16xf32>
      %sign3A_264 = arith.select %sign3A_263, %sign3A_259, %gather3A : vector<16xi1>, vector<16xf32>
      %add3A_265 = arith.constant 1.000000e+00 : f32
      %add3A_266 = vector.broadcast %add3A_265 : f32 to vector<16xf32>
      %add3A_267 = arith.addf %sign3A_264, %add3A_266 : vector<16xf32>
      %mul3A_268 = arith.constant 5.000000e-01 : f32
      %mul3A_269 = vector.broadcast %mul3A_268 : f32 to vector<16xf32>
      %mul3A_270 = arith.mulf %add3A_267, %mul3A_269 : vector<16xf32>
      %bitcast3A = vector.bitcast %mul3A_270 : vector<16xf32> to vector<16xi32>
      %sign3A_271 = tpu.bitcast %gather3A_252 : vector<16xf32> -> vector<16xi32>
      %sign3A_272 = arith.constant -2147483648 : i32
      %sign3A_273 = vector.broadcast %sign3A_272 : i32 to vector<16xi32>
      %sign3A_274 = arith.andi %sign3A_271, %sign3A_273 : vector<16xi32>
      %sign3A_275 = arith.constant 1065353216 : i32
      %sign3A_276 = vector.broadcast %sign3A_275 : i32 to vector<16xi32>
      %sign3A_277 = arith.ori %sign3A_276, %sign3A_274 : vector<16xi32>
      %sign3A_278 = tpu.bitcast %sign3A_277 : vector<16xi32> -> vector<16xf32>
      %sign3A_279 = math.absf %gather3A_252 : vector<16xf32>
      %sign3A_280 = arith.constant 0.000000e+00 : f32
      %sign3A_281 = vector.broadcast %sign3A_280 : f32 to vector<16xf32>
      %sign3A_282 = arith.cmpf ogt, %sign3A_279, %sign3A_281 : vector<16xf32>
      %sign3A_283 = arith.select %sign3A_282, %sign3A_278, %gather3A_252 : vector<16xi1>, vector<16xf32>
      %add3A_284 = arith.constant 1.000000e+00 : f32
      %add3A_285 = vector.broadcast %add3A_284 : f32 to vector<16xf32>
      %add3A_286 = arith.addf %sign3A_283, %add3A_285 : vector<16xf32>
      %mul3A_287 = arith.constant 5.000000e-01 : f32
      %mul3A_288 = vector.broadcast %mul3A_287 : f32 to vector<16xf32>
      %mul3A_289 = arith.mulf %add3A_286, %mul3A_288 : vector<16xf32>
      %bitcast3A_290 = vector.bitcast %mul3A_289 : vector<16xf32> to vector<16xi32>
      %shift_right_arithmetic3A_291 = arith.constant 16 : i32
      %shift_right_arithmetic3A_292 = vector.broadcast %shift_right_arithmetic3A_291 : i32 to vector<16xi32>
      %shift_right_arithmetic3A_293 = arith.shrsi %bitcast3A, %shift_right_arithmetic3A_292 : vector<16xi32>
      %and3A = arith.constant -65536 : i32
      %and3A_294 = vector.broadcast %and3A : i32 to vector<16xi32>
      %and3A_295 = arith.andi %bitcast3A_290, %and3A_294 : vector<16xi32>
      %or3A = arith.ori %shift_right_arithmetic3A_293, %and3A_295 : vector<16xi32>
      %mul3A_296 = arith.constant 16 : i32
      %mul3A_297 = arith.muli %scan3A_237, %mul3A_296 : i32
      %add3A_298 = arith.constant 3584 : i32
      %add3A_299 = arith.addi %add3A_298, %mul3A_297 : i32
      %swap3A = arith.index_cast %add3A_299 : i32 to index
      %swap3A_300 = tpu.vector_load %arg6[%swap3A] {strides = array<i32>} : memref<4096xi32, #tpu.memory_space<vmem>>, vector<16xi32>,
      tpu.vector_store %arg6[%swap3A], %or3A {strides = array<i32>} : memref<4096xi32, #tpu.memory_space<vmem>>, vector<16xi32>,
      %scan3A_301 = arith.constant 0 : i32
      scf.yield %scan3A_301 : i32
    }
    %scan3A_104 = arith.constant 16 : i32
    %scan3A_105 = arith.constant 0 : i32
    %scan3A_106 = arith.constant 0 : i32
    %scan3A_107 = arith.constant 16 : i32
    %scan3A_108 = arith.addi %scan3A_106, %scan3A_107 : i32
    %scan3A_109 = arith.constant 1 : i32
    %scan3A_110 = scf.for %scan3A_237 = %scan3A_106 to %scan3A_108 step %scan3A_109 iter_args(%scan3A_238 = %scan3A_105) -> (i32)  : i32 {
      %mul3A_239 = arith.constant 16 : i32
      %mul3A_240 = arith.muli %scan3A_237, %mul3A_239 : i32
      %add3A_241 = vector.broadcast %mul3A_240 : i32 to vector<16xi32>
      %add3A_242 = arith.addi %add3A_241, %iota3A : vector<16xi32>
      %mul3A_243 = arith.constant 32 : i32
      %mul3A_244 = vector.broadcast %mul3A_243 : i32 to vector<16xi32>
      %mul3A_245 = arith.muli %add3A_242, %mul3A_244 : vector<16xi32>
      %add3A_246 = arith.constant 30 : i32
      %add3A_247 = vector.broadcast %add3A_246 : i32 to vector<16xi32>
      %add3A_248 = arith.addi %mul3A_245, %add3A_247 : vector<16xi32>
      %gather3A = tpu.vector_load_idx %arg5[%add3A_248] : memref<8192xf32, #tpu.memory_space<vmem>>[vector<16xi32>], vector<16xf32>,
      %add3A_249 = arith.constant 1 : i32
      %add3A_250 = vector.broadcast %add3A_249 : i32 to vector<16xi32>
      %add3A_251 = arith.addi %add3A_248, %add3A_250 : vector<16xi32>
      %gather3A_252 = tpu.vector_load_idx %arg5[%add3A_251] : memref<8192xf32, #tpu.memory_space<vmem>>[vector<16xi32>], vector<16xf32>,
      %sign3A = tpu.bitcast %gather3A : vector<16xf32> -> vector<16xi32>
      %sign3A_253 = arith.constant -2147483648 : i32
      %sign3A_254 = vector.broadcast %sign3A_253 : i32 to vector<16xi32>
      %sign3A_255 = arith.andi %sign3A, %sign3A_254 : vector<16xi32>
      %sign3A_256 = arith.constant 1065353216 : i32
      %sign3A_257 = vector.broadcast %sign3A_256 : i32 to vector<16xi32>
      %sign3A_258 = arith.ori %sign3A_257, %sign3A_255 : vector<16xi32>
      %sign3A_259 = tpu.bitcast %sign3A_258 : vector<16xi32> -> vector<16xf32>
      %sign3A_260 = math.absf %gather3A : vector<16xf32>
      %sign3A_261 = arith.constant 0.000000e+00 : f32
      %sign3A_262 = vector.broadcast %sign3A_261 : f32 to vector<16xf32>
      %sign3A_263 = arith.cmpf ogt, %sign3A_260, %sign3A_262 : vector<16xf32>
      %sign3A_264 = arith.select %sign3A_263, %sign3A_259, %gather3A : vector<16xi1>, vector<16xf32>
      %add3A_265 = arith.constant 1.000000e+00 : f32
      %add3A_266 = vector.broadcast %add3A_265 : f32 to vector<16xf32>
      %add3A_267 = arith.addf %sign3A_264, %add3A_266 : vector<16xf32>
      %mul3A_268 = arith.constant 5.000000e-01 : f32
      %mul3A_269 = vector.broadcast %mul3A_268 : f32 to vector<16xf32>
      %mul3A_270 = arith.mulf %add3A_267, %mul3A_269 : vector<16xf32>
      %bitcast3A = vector.bitcast %mul3A_270 : vector<16xf32> to vector<16xi32>
      %sign3A_271 = tpu.bitcast %gather3A_252 : vector<16xf32> -> vector<16xi32>
      %sign3A_272 = arith.constant -2147483648 : i32
      %sign3A_273 = vector.broadcast %sign3A_272 : i32 to vector<16xi32>
      %sign3A_274 = arith.andi %sign3A_271, %sign3A_273 : vector<16xi32>
      %sign3A_275 = arith.constant 1065353216 : i32
      %sign3A_276 = vector.broadcast %sign3A_275 : i32 to vector<16xi32>
      %sign3A_277 = arith.ori %sign3A_276, %sign3A_274 : vector<16xi32>
      %sign3A_278 = tpu.bitcast %sign3A_277 : vector<16xi32> -> vector<16xf32>
      %sign3A_279 = math.absf %gather3A_252 : vector<16xf32>
      %sign3A_280 = arith.constant 0.000000e+00 : f32
      %sign3A_281 = vector.broadcast %sign3A_280 : f32 to vector<16xf32>
      %sign3A_282 = arith.cmpf ogt, %sign3A_279, %sign3A_281 : vector<16xf32>
      %sign3A_283 = arith.select %sign3A_282, %sign3A_278, %gather3A_252 : vector<16xi1>, vector<16xf32>
      %add3A_284 = arith.constant 1.000000e+00 : f32
      %add3A_285 = vector.broadcast %add3A_284 : f32 to vector<16xf32>
      %add3A_286 = arith.addf %sign3A_283, %add3A_285 : vector<16xf32>
      %mul3A_287 = arith.constant 5.000000e-01 : f32
      %mul3A_288 = vector.broadcast %mul3A_287 : f32 to vector<16xf32>
      %mul3A_289 = arith.mulf %add3A_286, %mul3A_288 : vector<16xf32>
      %bitcast3A_290 = vector.bitcast %mul3A_289 : vector<16xf32> to vector<16xi32>
      %shift_right_arithmetic3A_291 = arith.constant 16 : i32
      %shift_right_arithmetic3A_292 = vector.broadcast %shift_right_arithmetic3A_291 : i32 to vector<16xi32>
      %shift_right_arithmetic3A_293 = arith.shrsi %bitcast3A, %shift_right_arithmetic3A_292 : vector<16xi32>
      %and3A = arith.constant -65536 : i32
      %and3A_294 = vector.broadcast %and3A : i32 to vector<16xi32>
      %and3A_295 = arith.andi %bitcast3A_290, %and3A_294 : vector<16xi32>
      %or3A = arith.ori %shift_right_arithmetic3A_293, %and3A_295 : vector<16xi32>
      %mul3A_296 = arith.constant 16 : i32
      %mul3A_297 = arith.muli %scan3A_237, %mul3A_296 : i32
      %add3A_298 = arith.constant 3840 : i32
      %add3A_299 = arith.addi %add3A_298, %mul3A_297 : i32
      %swap3A = arith.index_cast %add3A_299 : i32 to index
      %swap3A_300 = tpu.vector_load %arg6[%swap3A] {strides = array<i32>} : memref<4096xi32, #tpu.memory_space<vmem>>, vector<16xi32>,
      tpu.vector_store %arg6[%swap3A], %or3A {strides = array<i32>} : memref<4096xi32, #tpu.memory_space<vmem>>, vector<16xi32>,
      %scan3A_301 = arith.constant 0 : i32
      scf.yield %scan3A_301 : i32
    }
    %scan3A_111 = arith.constant 16 : i32
    %mul3A_112 = arith.constant 54 : i32
    %mul3A_113 = arith.muli %add3A, %mul3A_112 : i32
    %mul3A_114 = arith.constant 29128 : i32
    %mul3A_115 = arith.muli %mul3A_113, %mul3A_114 : i32
    %shift_right_arithmetic3A = arith.constant 22 : i32
    %shift_right_arithmetic3A_116 = arith.shrsi %mul3A_115, %shift_right_arithmetic3A : i32
    %mul3A_117 = arith.constant 144 : i32
    %mul3A_118 = arith.muli %shift_right_arithmetic3A_116, %mul3A_117 : i32
    %sub3A = arith.subi %mul3A_113, %mul3A_118 : i32
    %mul3A_119 = arith.constant 21846 : i32
    %mul3A_120 = arith.muli %sub3A, %mul3A_119 : i32
    %shift_right_arithmetic3A_121 = arith.constant 16 : i32
    %shift_right_arithmetic3A_122 = arith.shrsi %mul3A_120, %shift_right_arithmetic3A_121 : i32
    %mul3A_123 = arith.constant 3 : i32
    %mul3A_124 = arith.muli %shift_right_arithmetic3A_122, %mul3A_123 : i32
    %sub3A_125 = arith.subi %sub3A, %mul3A_124 : i32
    %mul3A_126 = arith.constant 8 : i32
    %mul3A_127 = arith.muli %shift_right_arithmetic3A_122, %mul3A_126 : i32
    %mul3A_128 = arith.constant 128 : i32
    %mul3A_129 = arith.muli %sub3A_125, %mul3A_128 : i32
    %dma_start3A = arith.constant 0 : i32
    %dma_start3A_130 = arith.constant 0 : i32
    %dma_start3A_131 = arith.constant 0 : i32
    %dma_start3A_132 = tpu.memref_slice %arg7[%dma_start3A, %dma_start3A_130, %dma_start3A_131] : memref<2x8x128xf32, #tpu.memory_space<vmem>> -> memref<1x8x128xf32, #tpu.memory_space<vmem>>
    %dma_start3A_133 = tpu.memref_squeeze %dma_start3A_132 : memref<1x8x128xf32, #tpu.memory_space<vmem>> -> memref<8x128xf32, #tpu.memory_space<vmem>>
    %dma_start3A_134 = tpu.memref_slice %arg2[%shift_right_arithmetic3A_116, %mul3A_127, %mul3A_129] : memref<12x384x384xf32, #tpu.memory_space<hbm>> -> memref<1x8x128xf32, #tpu.memory_space<hbm>>
    %dma_start3A_135 = tpu.memref_squeeze %dma_start3A_134 : memref<1x8x128xf32, #tpu.memory_space<hbm>> -> memref<8x128xf32, #tpu.memory_space<hbm>>
    %dma_start3A_136 = arith.constant 0 : i32
    %dma_start3A_137 = arith.constant 0 : i32
    %dma_start3A_138 = tpu.memref_slice %arg7[%dma_start3A, %dma_start3A_136, %dma_start3A_137] : memref<2x8x128xf32, #tpu.memory_space<vmem>> -> memref<1x8x128xf32, #tpu.memory_space<vmem>>
    %dma_start3A_139 = tpu.memref_squeeze %dma_start3A_138 : memref<1x8x128xf32, #tpu.memory_space<vmem>> -> memref<8x128xf32, #tpu.memory_space<vmem>>
    %dma_start3A_140 = tpu.memref_slice %arg2[%shift_right_arithmetic3A_116, %mul3A_127, %mul3A_129] : memref<12x384x384xf32, #tpu.memory_space<hbm>> -> memref<1x8x128xf32, #tpu.memory_space<hbm>>
    %dma_start3A_141 = tpu.memref_squeeze %dma_start3A_140 : memref<1x8x128xf32, #tpu.memory_space<hbm>> -> memref<8x128xf32, #tpu.memory_space<hbm>>
    tpu.enqueue_dma source(%dma_start3A_141 : memref<8x128xf32, #tpu.memory_space<hbm>>) target(%dma_start3A_139 : memref<8x128xf32, #tpu.memory_space<vmem>>) target_semaphore(%arg9 : memref<!tpu.dma_semaphore, #tpu.memory_space<semaphore_mem>>)
    %add3A_142 = arith.constant 1 : i32
    %add3A_143 = arith.addi %sub3A_125, %add3A_142 : i32
    %ge3A = arith.constant 3 : i32
    %ge3A_144 = arith.cmpi sge, %add3A_143, %ge3A : i32
    %add3A_145 = arith.constant 1 : i32
    %add3A_146 = arith.addi %shift_right_arithmetic3A_122, %add3A_145 : i32
    %select_n3A = arith.select %ge3A_144, %add3A_146, %shift_right_arithmetic3A_122 : i32
    %ge3A_147 = arith.constant 48 : i32
    %ge3A_148 = arith.cmpi sge, %select_n3A, %ge3A_147 : i32
    %add3A_149 = arith.constant 1 : i32
    %add3A_150 = arith.addi %shift_right_arithmetic3A_116, %add3A_149 : i32
    %select_n3A_151 = arith.select %ge3A_148, %add3A_150, %shift_right_arithmetic3A_116 : i32
    %jit3A = arith.constant 0 : i32
    %select_n3A_152 = arith.select %ge3A_148, %jit3A, %select_n3A : i32
    %jit3A_153 = arith.constant 0 : i32
    %select_n3A_154 = arith.select %ge3A_144, %jit3A_153, %add3A_143 : i32
    %mul3A_155 = arith.constant 8 : i32
    %mul3A_156 = arith.muli %select_n3A_152, %mul3A_155 : i32
    %mul3A_157 = arith.constant 128 : i32
    %mul3A_158 = arith.muli %select_n3A_154, %mul3A_157 : i32
    %dma_start3A_159 = arith.constant 1 : i32
    %dma_start3A_160 = arith.constant 0 : i32
    %dma_start3A_161 = arith.constant 0 : i32
    %dma_start3A_162 = tpu.memref_slice %arg7[%dma_start3A_159, %dma_start3A_160, %dma_start3A_161] : memref<2x8x128xf32, #tpu.memory_space<vmem>> -> memref<1x8x128xf32, #tpu.memory_space<vmem>>
    %dma_start3A_163 = tpu.memref_squeeze %dma_start3A_162 : memref<1x8x128xf32, #tpu.memory_space<vmem>> -> memref<8x128xf32, #tpu.memory_space<vmem>>
    %dma_start3A_164 = tpu.memref_slice %arg2[%select_n3A_151, %mul3A_156, %mul3A_158] : memref<12x384x384xf32, #tpu.memory_space<hbm>> -> memref<1x8x128xf32, #tpu.memory_space<hbm>>
    %dma_start3A_165 = tpu.memref_squeeze %dma_start3A_164 : memref<1x8x128xf32, #tpu.memory_space<hbm>> -> memref<8x128xf32, #tpu.memory_space<hbm>>
    %dma_start3A_166 = arith.constant 0 : i32
    %dma_start3A_167 = arith.constant 0 : i32
    %dma_start3A_168 = tpu.memref_slice %arg7[%dma_start3A_159, %dma_start3A_166, %dma_start3A_167] : memref<2x8x128xf32, #tpu.memory_space<vmem>> -> memref<1x8x128xf32, #tpu.memory_space<vmem>>
    %dma_start3A_169 = tpu.memref_squeeze %dma_start3A_168 : memref<1x8x128xf32, #tpu.memory_space<vmem>> -> memref<8x128xf32, #tpu.memory_space<vmem>>
    %dma_start3A_170 = tpu.memref_slice %arg2[%select_n3A_151, %mul3A_156, %mul3A_158] : memref<12x384x384xf32, #tpu.memory_space<hbm>> -> memref<1x8x128xf32, #tpu.memory_space<hbm>>
    %dma_start3A_171 = tpu.memref_squeeze %dma_start3A_170 : memref<1x8x128xf32, #tpu.memory_space<hbm>> -> memref<8x128xf32, #tpu.memory_space<hbm>>
    tpu.enqueue_dma source(%dma_start3A_171 : memref<8x128xf32, #tpu.memory_space<hbm>>) target(%dma_start3A_169 : memref<8x128xf32, #tpu.memory_space<vmem>>) target_semaphore(%arg10 : memref<!tpu.dma_semaphore, #tpu.memory_space<semaphore_mem>>)
    %add3A_172 = arith.constant 1 : i32
    %add3A_173 = arith.addi %select_n3A_154, %add3A_172 : i32
    %ge3A_174 = arith.constant 3 : i32
    %ge3A_175 = arith.cmpi sge, %add3A_173, %ge3A_174 : i32
    %add3A_176 = arith.constant 1 : i32
    %add3A_177 = arith.addi %select_n3A_152, %add3A_176 : i32
    %select_n3A_178 = arith.select %ge3A_175, %add3A_177, %select_n3A_152 : i32
    %ge3A_179 = arith.constant 48 : i32
    %ge3A_180 = arith.cmpi sge, %select_n3A_178, %ge3A_179 : i32
    %add3A_181 = arith.constant 1 : i32
    %add3A_182 = arith.addi %select_n3A_151, %add3A_181 : i32
    %select_n3A_183 = arith.select %ge3A_180, %add3A_182, %select_n3A_151 : i32
    %jit3A_184 = arith.constant 0 : i32
    %select_n3A_185 = arith.select %ge3A_180, %jit3A_184, %select_n3A_178 : i32
    %jit3A_186 = arith.constant 0 : i32
    %select_n3A_187 = arith.select %ge3A_175, %jit3A_186, %add3A_173 : i32
    %scan3A_188 = arith.constant 0 : i32
    %scan3A_189 = arith.constant 27 : i32
    %scan3A_190 = arith.addi %scan3A_188, %scan3A_189 : i32
    %scan3A_191 = arith.constant 1 : i32
    %scan3A_192:3 = scf.for %scan3A_237 = %scan3A_188 to %scan3A_190 step %scan3A_191 iter_args(%scan3A_238 = %shift_right_arithmetic3A_116, %scan3A_239 = %shift_right_arithmetic3A_122, %scan3A_240 = %sub3A_125) -> (i32, i32, i32)  : i32 {
      %dma_wait3A_241 = arith.constant 0 : i32
      %dma_wait3A_242 = arith.constant 0 : i32
      %dma_wait3A_243 = arith.constant 0 : i32
      %dma_wait3A_244 = arith.constant 0 : i32
      %dma_wait3A_245 = tpu.memref_slice %arg7[%dma_wait3A_242, %dma_wait3A_243, %dma_wait3A_244] : memref<2x8x128xf32, #tpu.memory_space<vmem>> -> memref<1x8x128xf32, #tpu.memory_space<vmem>>
      %dma_wait3A_246 = tpu.memref_squeeze %dma_wait3A_245 : memref<1x8x128xf32, #tpu.memory_space<vmem>> -> memref<8x128xf32, #tpu.memory_space<vmem>>
      %dma_wait3A_247 = arith.constant 0 : i32
      %dma_wait3A_248 = arith.constant 0 : i32
      %dma_wait3A_249 = tpu.memref_slice %arg2[%dma_wait3A_241, %dma_wait3A_247, %dma_wait3A_248] : memref<12x384x384xf32, #tpu.memory_space<hbm>> -> memref<1x8x128xf32, #tpu.memory_space<hbm>>
      %dma_wait3A_250 = tpu.memref_squeeze %dma_wait3A_249 : memref<1x8x128xf32, #tpu.memory_space<hbm>> -> memref<8x128xf32, #tpu.memory_space<hbm>>
      %dma_wait3A_251 = arith.constant 0 : i32
      %dma_wait3A_252 = arith.constant 0 : i32
      %dma_wait3A_253 = tpu.memref_slice %arg7[%dma_wait3A_242, %dma_wait3A_251, %dma_wait3A_252] : memref<2x8x128xf32, #tpu.memory_space<vmem>> -> memref<1x8x128xf32, #tpu.memory_space<vmem>>
      %dma_wait3A_254 = tpu.memref_squeeze %dma_wait3A_253 : memref<1x8x128xf32, #tpu.memory_space<vmem>> -> memref<8x128xf32, #tpu.memory_space<vmem>>
      %dma_wait3A_255 = arith.constant 0 : i32
      %dma_wait3A_256 = arith.constant 0 : i32
      %dma_wait3A_257 = tpu.memref_slice %arg2[%dma_wait3A_241, %dma_wait3A_255, %dma_wait3A_256] : memref<12x384x384xf32, #tpu.memory_space<hbm>> -> memref<1x8x128xf32, #tpu.memory_space<hbm>>
      %dma_wait3A_258 = tpu.memref_squeeze %dma_wait3A_257 : memref<1x8x128xf32, #tpu.memory_space<hbm>> -> memref<8x128xf32, #tpu.memory_space<hbm>>
      tpu.wait_dma2 semaphore(%arg9 : memref<!tpu.dma_semaphore, #tpu.memory_space<semaphore_mem>>) src(%dma_wait3A_258 : memref<8x128xf32, #tpu.memory_space<hbm>>) dst(%dma_wait3A_254 : memref<8x128xf32, #tpu.memory_space<vmem>>)
      %gt3A = arith.constant 0 : i32
      %gt3A_259 = arith.cmpi sgt, %scan3A_237, %gt3A : i32
      %convert_element_type3A = arith.extui %gt3A_259 : i1 to i32
      %cond3A = arith.constant 0 : i32
      %cond3A_260 = arith.cmpi ne, %convert_element_type3A, %cond3A : i32
      scf.if %cond3A_260 {
        %dma_wait3A_447 = arith.constant 0 : i32
        %dma_wait3A_448 = arith.constant 0 : i32
        %dma_wait3A_449 = arith.constant 0 : i32
        %dma_wait3A_450 = arith.constant 0 : i32
        %dma_wait3A_451 = arith.constant 0 : i32
        %dma_wait3A_452 = tpu.memref_slice %arg8[%dma_wait3A_447, %dma_wait3A_449, %dma_wait3A_450, %dma_wait3A_451] : memref<2x32x8x128xf32, #tpu.memory_space<vmem>> -> memref<1x32x8x128xf32, #tpu.memory_space<vmem>>
        %dma_wait3A_453 = tpu.memref_squeeze %dma_wait3A_452 : memref<1x32x8x128xf32, #tpu.memory_space<vmem>> -> memref<32x8x128xf32, #tpu.memory_space<vmem>>
        %dma_wait3A_454 = arith.constant 0 : i32
        %dma_wait3A_455 = arith.constant 0 : i32
        %dma_wait3A_456 = arith.constant 0 : i32
        %dma_wait3A_457 = tpu.memref_slice %arg4[%dma_wait3A_448, %dma_wait3A_454, %dma_wait3A_455, %dma_wait3A_456] : memref<12x32x384x384xf32, #tpu.memory_space<hbm>> -> memref<1x32x8x128xf32, #tpu.memory_space<hbm>>
        %dma_wait3A_458 = tpu.memref_squeeze %dma_wait3A_457 : memref<1x32x8x128xf32, #tpu.memory_space<hbm>> -> memref<32x8x128xf32, #tpu.memory_space<hbm>>
        %dma_wait3A_459 = arith.constant 0 : i32
        %dma_wait3A_460 = arith.constant 0 : i32
        %dma_wait3A_461 = arith.constant 0 : i32
        %dma_wait3A_462 = tpu.memref_slice %arg4[%dma_wait3A_448, %dma_wait3A_459, %dma_wait3A_460, %dma_wait3A_461] : memref<12x32x384x384xf32, #tpu.memory_space<hbm>> -> memref<1x32x8x128xf32, #tpu.memory_space<hbm>>
        %dma_wait3A_463 = tpu.memref_squeeze %dma_wait3A_462 : memref<1x32x8x128xf32, #tpu.memory_space<hbm>> -> memref<32x8x128xf32, #tpu.memory_space<hbm>>
        %dma_wait3A_464 = arith.constant 0 : i32
        %dma_wait3A_465 = arith.constant 0 : i32
        %dma_wait3A_466 = arith.constant 0 : i32
        %dma_wait3A_467 = tpu.memref_slice %arg8[%dma_wait3A_447, %dma_wait3A_464, %dma_wait3A_465, %dma_wait3A_466] : memref<2x32x8x128xf32, #tpu.memory_space<vmem>> -> memref<1x32x8x128xf32, #tpu.memory_space<vmem>>
        %dma_wait3A_468 = tpu.memref_squeeze %dma_wait3A_467 : memref<1x32x8x128xf32, #tpu.memory_space<vmem>> -> memref<32x8x128xf32, #tpu.memory_space<vmem>>
        tpu.wait_dma2 semaphore(%arg11 : memref<!tpu.dma_semaphore, #tpu.memory_space<semaphore_mem>>) src(%dma_wait3A_468 : memref<32x8x128xf32, #tpu.memory_space<vmem>>) dst(%dma_wait3A_463 : memref<32x8x128xf32, #tpu.memory_space<hbm>>)
      } else {
      }
      %get3A = arith.constant 0 : i32
      %get3A_261 = arith.constant 0 : i32
      %get3A_262 = arith.index_cast %get3A : i32 to index
      %get3A_263 = arith.index_cast %get3A_261 : i32 to index
      %get3A_264 = arith.constant 0 : index
      %get3A_265 = tpu.vector_load %arg7[%get3A_262, %get3A_263, %get3A_264] {strides = array<i32>} : memref<2x8x128xf32, #tpu.memory_space<vmem>>, vector<16xf32>,
      %mul3A_266 = arith.constant 2.550000e+02 : f32
      %mul3A_267 = vector.broadcast %mul3A_266 : f32 to vector<16xf32>
      %mul3A_268 = arith.mulf %get3A_265, %mul3A_267 : vector<16xf32>
      %convert_element_type3A_269 = arith.fptosi %mul3A_268 : vector<16xf32> to vector<16xi32>
      %jit3A_270 = arith.constant 0 : i32
      %jit3A_271 = arith.constant 255 : i32
      %max3A = vector.broadcast %jit3A_270 : i32 to vector<16xi32>
      %max3A_272 = arith.maxsi %max3A, %convert_element_type3A_269 : vector<16xi32>
      %min3A = vector.broadcast %jit3A_271 : i32 to vector<16xi32>
      %min3A_273 = arith.minsi %min3A, %max3A_272 : vector<16xi32>
      %parallel_loop3A = arith.constant 0 : i32
      %parallel_loop3A_274 = arith.constant 64 : i32
      %parallel_loop3A_275 = arith.constant 1 : i32
      %parallel_loop3A_276 = scf.for %parallel_loop3A_447 = %parallel_loop3A to %parallel_loop3A_274 step %parallel_loop3A_275 iter_args(%parallel_loop3A_448 = %min3A_273) -> (vector<16xi32>)  : i32 {
        %parallel_loop3A_449 = arith.constant 1 : i32
        %parallel_loop3A_450 = arith.addi %parallel_loop3A_447, %parallel_loop3A_449 : i32
        %parallel_loop3A_451 = arith.constant 63 : i32
        %parallel_loop3A_452 = arith.minsi %parallel_loop3A_450, %parallel_loop3A_451 : i32
        %parallel_loop3A_453 = arith.constant 3 : i32
        %parallel_loop3A_454 = arith.shrsi %parallel_loop3A_452, %parallel_loop3A_453 : i32
        %parallel_loop3A_455 = arith.constant 7 : i32
        %parallel_loop3A_456 = arith.andi %parallel_loop3A_452, %parallel_loop3A_455 : i32
        %parallel_loop3A_457 = arith.constant 16 : i32
        %parallel_loop3A_458 = arith.muli %parallel_loop3A_456, %parallel_loop3A_457 : i32
        %parallel_loop3A_459 = arith.constant 0 : i32
        %parallel_loop3A_460 = arith.index_cast %parallel_loop3A_459 : i32 to index
        %parallel_loop3A_461 = arith.index_cast %parallel_loop3A_454 : i32 to index
        %parallel_loop3A_462 = arith.index_cast %parallel_loop3A_458 : i32 to index
        %parallel_loop3A_463 = tpu.vector_load %arg7[%parallel_loop3A_460, %parallel_loop3A_461, %parallel_loop3A_462] {strides = array<i32>} : memref<2x8x128xf32, #tpu.memory_space<vmem>>, vector<16xf32>,
        %parallel_loop3A_464 = arith.constant 2.550000e+02 : f32
        %parallel_loop3A_465 = vector.broadcast %parallel_loop3A_464 : f32 to vector<16xf32>
        %parallel_loop3A_466 = arith.mulf %parallel_loop3A_463, %parallel_loop3A_465 : vector<16xf32>
        %parallel_loop3A_467 = arith.fptosi %parallel_loop3A_466 : vector<16xf32> to vector<16xi32>
        %parallel_loop3A_468 = arith.constant 0 : i32
        %parallel_loop3A_469 = arith.constant 255 : i32
        %parallel_loop3A_470 = vector.broadcast %parallel_loop3A_468 : i32 to vector<16xi32>
        %parallel_loop3A_471 = arith.maxsi %parallel_loop3A_470, %parallel_loop3A_467 : vector<16xi32>
        %parallel_loop3A_472 = vector.broadcast %parallel_loop3A_469 : i32 to vector<16xi32>
        %parallel_loop3A_473 = arith.minsi %parallel_loop3A_472, %parallel_loop3A_471 : vector<16xi32>
        %parallel_loop3A_474 = arith.constant 3 : i32
        %parallel_loop3A_475 = arith.shrsi %parallel_loop3A_447, %parallel_loop3A_474 : i32
        %parallel_loop3A_476 = arith.constant 7 : i32
        %parallel_loop3A_477 = arith.andi %parallel_loop3A_447, %parallel_loop3A_476 : i32
        %parallel_loop3A_478 = arith.constant 16 : i32
        %parallel_loop3A_479 = arith.muli %parallel_loop3A_477, %parallel_loop3A_478 : i32
        %parallel_loop3A_480 = arith.constant 0 : i32
        %parallel_loop3A_481 = vector.broadcast %parallel_loop3A_480 : i32 to vector<16xi32>
        %parallel_loop3A_482 = arith.addi %parallel_loop3A_448, %parallel_loop3A_481 : vector<16xi32>
        %parallel_loop3A_483 = tpu.vector_load_idx %arg6[%parallel_loop3A_482] : memref<4096xi32, #tpu.memory_space<vmem>>[vector<16xi32>], vector<16xi32>,
        %parallel_loop3A_484 = arith.constant 256 : i32
        %parallel_loop3A_485 = vector.broadcast %parallel_loop3A_484 : i32 to vector<16xi32>
        %parallel_loop3A_486 = arith.addi %parallel_loop3A_448, %parallel_loop3A_485 : vector<16xi32>
        %parallel_loop3A_487 = tpu.vector_load_idx %arg6[%parallel_loop3A_486] : memref<4096xi32, #tpu.memory_space<vmem>>[vector<16xi32>], vector<16xi32>,
        %parallel_loop3A_488 = arith.constant 512 : i32
        %parallel_loop3A_489 = vector.broadcast %parallel_loop3A_488 : i32 to vector<16xi32>
        %parallel_loop3A_490 = arith.addi %parallel_loop3A_448, %parallel_loop3A_489 : vector<16xi32>
        %parallel_loop3A_491 = tpu.vector_load_idx %arg6[%parallel_loop3A_490] : memref<4096xi32, #tpu.memory_space<vmem>>[vector<16xi32>], vector<16xi32>,
        %parallel_loop3A_492 = arith.constant 768 : i32
        %parallel_loop3A_493 = vector.broadcast %parallel_loop3A_492 : i32 to vector<16xi32>
        %parallel_loop3A_494 = arith.addi %parallel_loop3A_448, %parallel_loop3A_493 : vector<16xi32>
        %parallel_loop3A_495 = tpu.vector_load_idx %arg6[%parallel_loop3A_494] : memref<4096xi32, #tpu.memory_space<vmem>>[vector<16xi32>], vector<16xi32>,
        %parallel_loop3A_496 = arith.constant 1024 : i32
        %parallel_loop3A_497 = vector.broadcast %parallel_loop3A_496 : i32 to vector<16xi32>
        %parallel_loop3A_498 = arith.addi %parallel_loop3A_448, %parallel_loop3A_497 : vector<16xi32>
        %parallel_loop3A_499 = tpu.vector_load_idx %arg6[%parallel_loop3A_498] : memref<4096xi32, #tpu.memory_space<vmem>>[vector<16xi32>], vector<16xi32>,
        %parallel_loop3A_500 = arith.constant 1280 : i32
        %parallel_loop3A_501 = vector.broadcast %parallel_loop3A_500 : i32 to vector<16xi32>
        %parallel_loop3A_502 = arith.addi %parallel_loop3A_448, %parallel_loop3A_501 : vector<16xi32>
        %parallel_loop3A_503 = tpu.vector_load_idx %arg6[%parallel_loop3A_502] : memref<4096xi32, #tpu.memory_space<vmem>>[vector<16xi32>], vector<16xi32>,
        %parallel_loop3A_504 = arith.constant 1536 : i32
        %parallel_loop3A_505 = vector.broadcast %parallel_loop3A_504 : i32 to vector<16xi32>
        %parallel_loop3A_506 = arith.addi %parallel_loop3A_448, %parallel_loop3A_505 : vector<16xi32>
        %parallel_loop3A_507 = tpu.vector_load_idx %arg6[%parallel_loop3A_506] : memref<4096xi32, #tpu.memory_space<vmem>>[vector<16xi32>], vector<16xi32>,
        %parallel_loop3A_508 = arith.constant 1792 : i32
        %parallel_loop3A_509 = vector.broadcast %parallel_loop3A_508 : i32 to vector<16xi32>
        %parallel_loop3A_510 = arith.addi %parallel_loop3A_448, %parallel_loop3A_509 : vector<16xi32>
        %parallel_loop3A_511 = tpu.vector_load_idx %arg6[%parallel_loop3A_510] : memref<4096xi32, #tpu.memory_space<vmem>>[vector<16xi32>], vector<16xi32>,
        %parallel_loop3A_512 = arith.constant 2048 : i32
        %parallel_loop3A_513 = vector.broadcast %parallel_loop3A_512 : i32 to vector<16xi32>
        %parallel_loop3A_514 = arith.addi %parallel_loop3A_448, %parallel_loop3A_513 : vector<16xi32>
        %parallel_loop3A_515 = tpu.vector_load_idx %arg6[%parallel_loop3A_514] : memref<4096xi32, #tpu.memory_space<vmem>>[vector<16xi32>], vector<16xi32>,
        %parallel_loop3A_516 = arith.constant 2304 : i32
        %parallel_loop3A_517 = vector.broadcast %parallel_loop3A_516 : i32 to vector<16xi32>
        %parallel_loop3A_518 = arith.addi %parallel_loop3A_448, %parallel_loop3A_517 : vector<16xi32>
        %parallel_loop3A_519 = tpu.vector_load_idx %arg6[%parallel_loop3A_518] : memref<4096xi32, #tpu.memory_space<vmem>>[vector<16xi32>], vector<16xi32>,
        %parallel_loop3A_520 = arith.constant 2560 : i32
        %parallel_loop3A_521 = vector.broadcast %parallel_loop3A_520 : i32 to vector<16xi32>
        %parallel_loop3A_522 = arith.addi %parallel_loop3A_448, %parallel_loop3A_521 : vector<16xi32>
        %parallel_loop3A_523 = tpu.vector_load_idx %arg6[%parallel_loop3A_522] : memref<4096xi32, #tpu.memory_space<vmem>>[vector<16xi32>], vector<16xi32>,
        %parallel_loop3A_524 = arith.constant 2816 : i32
        %parallel_loop3A_525 = vector.broadcast %parallel_loop3A_524 : i32 to vector<16xi32>
        %parallel_loop3A_526 = arith.addi %parallel_loop3A_448, %parallel_loop3A_525 : vector<16xi32>
        %parallel_loop3A_527 = tpu.vector_load_idx %arg6[%parallel_loop3A_526] : memref<4096xi32, #tpu.memory_space<vmem>>[vector<16xi32>], vector<16xi32>,
        %parallel_loop3A_528 = arith.constant 3072 : i32
        %parallel_loop3A_529 = vector.broadcast %parallel_loop3A_528 : i32 to vector<16xi32>
        %parallel_loop3A_530 = arith.addi %parallel_loop3A_448, %parallel_loop3A_529 : vector<16xi32>
        %parallel_loop3A_531 = tpu.vector_load_idx %arg6[%parallel_loop3A_530] : memref<4096xi32, #tpu.memory_space<vmem>>[vector<16xi32>], vector<16xi32>,
        %parallel_loop3A_532 = arith.constant 3328 : i32
        %parallel_loop3A_533 = vector.broadcast %parallel_loop3A_532 : i32 to vector<16xi32>
        %parallel_loop3A_534 = arith.addi %parallel_loop3A_448, %parallel_loop3A_533 : vector<16xi32>
        %parallel_loop3A_535 = tpu.vector_load_idx %arg6[%parallel_loop3A_534] : memref<4096xi32, #tpu.memory_space<vmem>>[vector<16xi32>], vector<16xi32>,
        %parallel_loop3A_536 = arith.constant 3584 : i32
        %parallel_loop3A_537 = vector.broadcast %parallel_loop3A_536 : i32 to vector<16xi32>
        %parallel_loop3A_538 = arith.addi %parallel_loop3A_448, %parallel_loop3A_537 : vector<16xi32>
        %parallel_loop3A_539 = tpu.vector_load_idx %arg6[%parallel_loop3A_538] : memref<4096xi32, #tpu.memory_space<vmem>>[vector<16xi32>], vector<16xi32>,
        %parallel_loop3A_540 = arith.constant 3840 : i32
        %parallel_loop3A_541 = vector.broadcast %parallel_loop3A_540 : i32 to vector<16xi32>
        %parallel_loop3A_542 = arith.addi %parallel_loop3A_448, %parallel_loop3A_541 : vector<16xi32>
        %parallel_loop3A_543 = tpu.vector_load_idx %arg6[%parallel_loop3A_542] : memref<4096xi32, #tpu.memory_space<vmem>>[vector<16xi32>], vector<16xi32>,
        %parallel_loop3A_544 = arith.constant 16 : i32
        %parallel_loop3A_545 = vector.broadcast %parallel_loop3A_544 : i32 to vector<16xi32>
        %parallel_loop3A_546 = arith.shli %parallel_loop3A_483, %parallel_loop3A_545 : vector<16xi32>
        %parallel_loop3A_547 = vector.bitcast %parallel_loop3A_546 : vector<16xi32> to vector<16xf32>
        %parallel_loop3A_548 = arith.constant 0 : i32
        %parallel_loop3A_549 = arith.constant 0 : i32
        %parallel_loop3A_550 = arith.index_cast %parallel_loop3A_548 : i32 to index
        %parallel_loop3A_551 = arith.index_cast %parallel_loop3A_549 : i32 to index
        %parallel_loop3A_552 = arith.index_cast %parallel_loop3A_475 : i32 to index
        %parallel_loop3A_553 = arith.index_cast %parallel_loop3A_479 : i32 to index
        %parallel_loop3A_554 = tpu.vector_load %arg8[%parallel_loop3A_550, %parallel_loop3A_551, %parallel_loop3A_552, %parallel_loop3A_553] {strides = array<i32>} : memref<2x32x8x128xf32, #tpu.memory_space<vmem>>, vector<16xf32>,
        tpu.vector_store %arg8[%parallel_loop3A_550, %parallel_loop3A_551, %parallel_loop3A_552, %parallel_loop3A_553], %parallel_loop3A_547 {strides = array<i32>} : memref<2x32x8x128xf32, #tpu.memory_space<vmem>>, vector<16xf32>,
        %parallel_loop3A_555 = arith.constant -65536 : i32
        %parallel_loop3A_556 = vector.broadcast %parallel_loop3A_555 : i32 to vector<16xi32>
        %parallel_loop3A_557 = arith.andi %parallel_loop3A_483, %parallel_loop3A_556 : vector<16xi32>
        %parallel_loop3A_558 = vector.bitcast %parallel_loop3A_557 : vector<16xi32> to vector<16xf32>
        %parallel_loop3A_559 = arith.constant 0 : i32
        %parallel_loop3A_560 = arith.constant 1 : i32
        %parallel_loop3A_561 = arith.index_cast %parallel_loop3A_559 : i32 to index
        %parallel_loop3A_562 = arith.index_cast %parallel_loop3A_560 : i32 to index
        %parallel_loop3A_563 = arith.index_cast %parallel_loop3A_475 : i32 to index
        %parallel_loop3A_564 = arith.index_cast %parallel_loop3A_479 : i32 to index
        %parallel_loop3A_565 = tpu.vector_load %arg8[%parallel_loop3A_561, %parallel_loop3A_562, %parallel_loop3A_563, %parallel_loop3A_564] {strides = array<i32>} : memref<2x32x8x128xf32, #tpu.memory_space<vmem>>, vector<16xf32>,
        tpu.vector_store %arg8[%parallel_loop3A_561, %parallel_loop3A_562, %parallel_loop3A_563, %parallel_loop3A_564], %parallel_loop3A_558 {strides = array<i32>} : memref<2x32x8x128xf32, #tpu.memory_space<vmem>>, vector<16xf32>,
        %parallel_loop3A_566 = arith.constant 16 : i32
        %parallel_loop3A_567 = vector.broadcast %parallel_loop3A_566 : i32 to vector<16xi32>
        %parallel_loop3A_568 = arith.shli %parallel_loop3A_487, %parallel_loop3A_567 : vector<16xi32>
        %parallel_loop3A_569 = vector.bitcast %parallel_loop3A_568 : vector<16xi32> to vector<16xf32>
        %parallel_loop3A_570 = arith.constant 0 : i32
        %parallel_loop3A_571 = arith.constant 2 : i32
        %parallel_loop3A_572 = arith.index_cast %parallel_loop3A_570 : i32 to index
        %parallel_loop3A_573 = arith.index_cast %parallel_loop3A_571 : i32 to index
        %parallel_loop3A_574 = arith.index_cast %parallel_loop3A_475 : i32 to index
        %parallel_loop3A_575 = arith.index_cast %parallel_loop3A_479 : i32 to index
        %parallel_loop3A_576 = tpu.vector_load %arg8[%parallel_loop3A_572, %parallel_loop3A_573, %parallel_loop3A_574, %parallel_loop3A_575] {strides = array<i32>} : memref<2x32x8x128xf32, #tpu.memory_space<vmem>>, vector<16xf32>,
        tpu.vector_store %arg8[%parallel_loop3A_572, %parallel_loop3A_573, %parallel_loop3A_574, %parallel_loop3A_575], %parallel_loop3A_569 {strides = array<i32>} : memref<2x32x8x128xf32, #tpu.memory_space<vmem>>, vector<16xf32>,
        %parallel_loop3A_577 = arith.constant -65536 : i32
        %parallel_loop3A_578 = vector.broadcast %parallel_loop3A_577 : i32 to vector<16xi32>
        %parallel_loop3A_579 = arith.andi %parallel_loop3A_487, %parallel_loop3A_578 : vector<16xi32>
        %parallel_loop3A_580 = vector.bitcast %parallel_loop3A_579 : vector<16xi32> to vector<16xf32>
        %parallel_loop3A_581 = arith.constant 0 : i32
        %parallel_loop3A_582 = arith.constant 3 : i32
        %parallel_loop3A_583 = arith.index_cast %parallel_loop3A_581 : i32 to index
        %parallel_loop3A_584 = arith.index_cast %parallel_loop3A_582 : i32 to index
        %parallel_loop3A_585 = arith.index_cast %parallel_loop3A_475 : i32 to index
        %parallel_loop3A_586 = arith.index_cast %parallel_loop3A_479 : i32 to index
        %parallel_loop3A_587 = tpu.vector_load %arg8[%parallel_loop3A_583, %parallel_loop3A_584, %parallel_loop3A_585, %parallel_loop3A_586] {strides = array<i32>} : memref<2x32x8x128xf32, #tpu.memory_space<vmem>>, vector<16xf32>,
        tpu.vector_store %arg8[%parallel_loop3A_583, %parallel_loop3A_584, %parallel_loop3A_585, %parallel_loop3A_586], %parallel_loop3A_580 {strides = array<i32>} : memref<2x32x8x128xf32, #tpu.memory_space<vmem>>, vector<16xf32>,
        %parallel_loop3A_588 = arith.constant 16 : i32
        %parallel_loop3A_589 = vector.broadcast %parallel_loop3A_588 : i32 to vector<16xi32>
        %parallel_loop3A_590 = arith.shli %parallel_loop3A_491, %parallel_loop3A_589 : vector<16xi32>
        %parallel_loop3A_591 = vector.bitcast %parallel_loop3A_590 : vector<16xi32> to vector<16xf32>
        %parallel_loop3A_592 = arith.constant 0 : i32
        %parallel_loop3A_593 = arith.constant 4 : i32
        %parallel_loop3A_594 = arith.index_cast %parallel_loop3A_592 : i32 to index
        %parallel_loop3A_595 = arith.index_cast %parallel_loop3A_593 : i32 to index
        %parallel_loop3A_596 = arith.index_cast %parallel_loop3A_475 : i32 to index
        %parallel_loop3A_597 = arith.index_cast %parallel_loop3A_479 : i32 to index
        %parallel_loop3A_598 = tpu.vector_load %arg8[%parallel_loop3A_594, %parallel_loop3A_595, %parallel_loop3A_596, %parallel_loop3A_597] {strides = array<i32>} : memref<2x32x8x128xf32, #tpu.memory_space<vmem>>, vector<16xf32>,
        tpu.vector_store %arg8[%parallel_loop3A_594, %parallel_loop3A_595, %parallel_loop3A_596, %parallel_loop3A_597], %parallel_loop3A_591 {strides = array<i32>} : memref<2x32x8x128xf32, #tpu.memory_space<vmem>>, vector<16xf32>,
        %parallel_loop3A_599 = arith.constant -65536 : i32
        %parallel_loop3A_600 = vector.broadcast %parallel_loop3A_599 : i32 to vector<16xi32>
        %parallel_loop3A_601 = arith.andi %parallel_loop3A_491, %parallel_loop3A_600 : vector<16xi32>
        %parallel_loop3A_602 = vector.bitcast %parallel_loop3A_601 : vector<16xi32> to vector<16xf32>
        %parallel_loop3A_603 = arith.constant 0 : i32
        %parallel_loop3A_604 = arith.constant 5 : i32
        %parallel_loop3A_605 = arith.index_cast %parallel_loop3A_603 : i32 to index
        %parallel_loop3A_606 = arith.index_cast %parallel_loop3A_604 : i32 to index
        %parallel_loop3A_607 = arith.index_cast %parallel_loop3A_475 : i32 to index
        %parallel_loop3A_608 = arith.index_cast %parallel_loop3A_479 : i32 to index
        %parallel_loop3A_609 = tpu.vector_load %arg8[%parallel_loop3A_605, %parallel_loop3A_606, %parallel_loop3A_607, %parallel_loop3A_608] {strides = array<i32>} : memref<2x32x8x128xf32, #tpu.memory_space<vmem>>, vector<16xf32>,
        tpu.vector_store %arg8[%parallel_loop3A_605, %parallel_loop3A_606, %parallel_loop3A_607, %parallel_loop3A_608], %parallel_loop3A_602 {strides = array<i32>} : memref<2x32x8x128xf32, #tpu.memory_space<vmem>>, vector<16xf32>,
        %parallel_loop3A_610 = arith.constant 16 : i32
        %parallel_loop3A_611 = vector.broadcast %parallel_loop3A_610 : i32 to vector<16xi32>
        %parallel_loop3A_612 = arith.shli %parallel_loop3A_495, %parallel_loop3A_611 : vector<16xi32>
        %parallel_loop3A_613 = vector.bitcast %parallel_loop3A_612 : vector<16xi32> to vector<16xf32>
        %parallel_loop3A_614 = arith.constant 0 : i32
        %parallel_loop3A_615 = arith.constant 6 : i32
        %parallel_loop3A_616 = arith.index_cast %parallel_loop3A_614 : i32 to index
        %parallel_loop3A_617 = arith.index_cast %parallel_loop3A_615 : i32 to index
        %parallel_loop3A_618 = arith.index_cast %parallel_loop3A_475 : i32 to index
        %parallel_loop3A_619 = arith.index_cast %parallel_loop3A_479 : i32 to index
        %parallel_loop3A_620 = tpu.vector_load %arg8[%parallel_loop3A_616, %parallel_loop3A_617, %parallel_loop3A_618, %parallel_loop3A_619] {strides = array<i32>} : memref<2x32x8x128xf32, #tpu.memory_space<vmem>>, vector<16xf32>,
        tpu.vector_store %arg8[%parallel_loop3A_616, %parallel_loop3A_617, %parallel_loop3A_618, %parallel_loop3A_619], %parallel_loop3A_613 {strides = array<i32>} : memref<2x32x8x128xf32, #tpu.memory_space<vmem>>, vector<16xf32>,
        %parallel_loop3A_621 = arith.constant -65536 : i32
        %parallel_loop3A_622 = vector.broadcast %parallel_loop3A_621 : i32 to vector<16xi32>
        %parallel_loop3A_623 = arith.andi %parallel_loop3A_495, %parallel_loop3A_622 : vector<16xi32>
        %parallel_loop3A_624 = vector.bitcast %parallel_loop3A_623 : vector<16xi32> to vector<16xf32>
        %parallel_loop3A_625 = arith.constant 0 : i32
        %parallel_loop3A_626 = arith.constant 7 : i32
        %parallel_loop3A_627 = arith.index_cast %parallel_loop3A_625 : i32 to index
        %parallel_loop3A_628 = arith.index_cast %parallel_loop3A_626 : i32 to index
        %parallel_loop3A_629 = arith.index_cast %parallel_loop3A_475 : i32 to index
        %parallel_loop3A_630 = arith.index_cast %parallel_loop3A_479 : i32 to index
        %parallel_loop3A_631 = tpu.vector_load %arg8[%parallel_loop3A_627, %parallel_loop3A_628, %parallel_loop3A_629, %parallel_loop3A_630] {strides = array<i32>} : memref<2x32x8x128xf32, #tpu.memory_space<vmem>>, vector<16xf32>,
        tpu.vector_store %arg8[%parallel_loop3A_627, %parallel_loop3A_628, %parallel_loop3A_629, %parallel_loop3A_630], %parallel_loop3A_624 {strides = array<i32>} : memref<2x32x8x128xf32, #tpu.memory_space<vmem>>, vector<16xf32>,
        %parallel_loop3A_632 = arith.constant 16 : i32
        %parallel_loop3A_633 = vector.broadcast %parallel_loop3A_632 : i32 to vector<16xi32>
        %parallel_loop3A_634 = arith.shli %parallel_loop3A_499, %parallel_loop3A_633 : vector<16xi32>
        %parallel_loop3A_635 = vector.bitcast %parallel_loop3A_634 : vector<16xi32> to vector<16xf32>
        %parallel_loop3A_636 = arith.constant 0 : i32
        %parallel_loop3A_637 = arith.constant 8 : i32
        %parallel_loop3A_638 = arith.index_cast %parallel_loop3A_636 : i32 to index
        %parallel_loop3A_639 = arith.index_cast %parallel_loop3A_637 : i32 to index
        %parallel_loop3A_640 = arith.index_cast %parallel_loop3A_475 : i32 to index
        %parallel_loop3A_641 = arith.index_cast %parallel_loop3A_479 : i32 to index
        %parallel_loop3A_642 = tpu.vector_load %arg8[%parallel_loop3A_638, %parallel_loop3A_639, %parallel_loop3A_640, %parallel_loop3A_641] {strides = array<i32>} : memref<2x32x8x128xf32, #tpu.memory_space<vmem>>, vector<16xf32>,
        tpu.vector_store %arg8[%parallel_loop3A_638, %parallel_loop3A_639, %parallel_loop3A_640, %parallel_loop3A_641], %parallel_loop3A_635 {strides = array<i32>} : memref<2x32x8x128xf32, #tpu.memory_space<vmem>>, vector<16xf32>,
        %parallel_loop3A_643 = arith.constant -65536 : i32
        %parallel_loop3A_644 = vector.broadcast %parallel_loop3A_643 : i32 to vector<16xi32>
        %parallel_loop3A_645 = arith.andi %parallel_loop3A_499, %parallel_loop3A_644 : vector<16xi32>
        %parallel_loop3A_646 = vector.bitcast %parallel_loop3A_645 : vector<16xi32> to vector<16xf32>
        %parallel_loop3A_647 = arith.constant 0 : i32
        %parallel_loop3A_648 = arith.constant 9 : i32
        %parallel_loop3A_649 = arith.index_cast %parallel_loop3A_647 : i32 to index
        %parallel_loop3A_650 = arith.index_cast %parallel_loop3A_648 : i32 to index
        %parallel_loop3A_651 = arith.index_cast %parallel_loop3A_475 : i32 to index
        %parallel_loop3A_652 = arith.index_cast %parallel_loop3A_479 : i32 to index
        %parallel_loop3A_653 = tpu.vector_load %arg8[%parallel_loop3A_649, %parallel_loop3A_650, %parallel_loop3A_651, %parallel_loop3A_652] {strides = array<i32>} : memref<2x32x8x128xf32, #tpu.memory_space<vmem>>, vector<16xf32>,
        tpu.vector_store %arg8[%parallel_loop3A_649, %parallel_loop3A_650, %parallel_loop3A_651, %parallel_loop3A_652], %parallel_loop3A_646 {strides = array<i32>} : memref<2x32x8x128xf32, #tpu.memory_space<vmem>>, vector<16xf32>,
        %parallel_loop3A_654 = arith.constant 16 : i32
        %parallel_loop3A_655 = vector.broadcast %parallel_loop3A_654 : i32 to vector<16xi32>
        %parallel_loop3A_656 = arith.shli %parallel_loop3A_503, %parallel_loop3A_655 : vector<16xi32>
        %parallel_loop3A_657 = vector.bitcast %parallel_loop3A_656 : vector<16xi32> to vector<16xf32>
        %parallel_loop3A_658 = arith.constant 0 : i32
        %parallel_loop3A_659 = arith.constant 10 : i32
        %parallel_loop3A_660 = arith.index_cast %parallel_loop3A_658 : i32 to index
        %parallel_loop3A_661 = arith.index_cast %parallel_loop3A_659 : i32 to index
        %parallel_loop3A_662 = arith.index_cast %parallel_loop3A_475 : i32 to index
        %parallel_loop3A_663 = arith.index_cast %parallel_loop3A_479 : i32 to index
        %parallel_loop3A_664 = tpu.vector_load %arg8[%parallel_loop3A_660, %parallel_loop3A_661, %parallel_loop3A_662, %parallel_loop3A_663] {strides = array<i32>} : memref<2x32x8x128xf32, #tpu.memory_space<vmem>>, vector<16xf32>,
        tpu.vector_store %arg8[%parallel_loop3A_660, %parallel_loop3A_661, %parallel_loop3A_662, %parallel_loop3A_663], %parallel_loop3A_657 {strides = array<i32>} : memref<2x32x8x128xf32, #tpu.memory_space<vmem>>, vector<16xf32>,
        %parallel_loop3A_665 = arith.constant -65536 : i32
        %parallel_loop3A_666 = vector.broadcast %parallel_loop3A_665 : i32 to vector<16xi32>
        %parallel_loop3A_667 = arith.andi %parallel_loop3A_503, %parallel_loop3A_666 : vector<16xi32>
        %parallel_loop3A_668 = vector.bitcast %parallel_loop3A_667 : vector<16xi32> to vector<16xf32>
        %parallel_loop3A_669 = arith.constant 0 : i32
        %parallel_loop3A_670 = arith.constant 11 : i32
        %parallel_loop3A_671 = arith.index_cast %parallel_loop3A_669 : i32 to index
        %parallel_loop3A_672 = arith.index_cast %parallel_loop3A_670 : i32 to index
        %parallel_loop3A_673 = arith.index_cast %parallel_loop3A_475 : i32 to index
        %parallel_loop3A_674 = arith.index_cast %parallel_loop3A_479 : i32 to index
        %parallel_loop3A_675 = tpu.vector_load %arg8[%parallel_loop3A_671, %parallel_loop3A_672, %parallel_loop3A_673, %parallel_loop3A_674] {strides = array<i32>} : memref<2x32x8x128xf32, #tpu.memory_space<vmem>>, vector<16xf32>,
        tpu.vector_store %arg8[%parallel_loop3A_671, %parallel_loop3A_672, %parallel_loop3A_673, %parallel_loop3A_674], %parallel_loop3A_668 {strides = array<i32>} : memref<2x32x8x128xf32, #tpu.memory_space<vmem>>, vector<16xf32>,
        %parallel_loop3A_676 = arith.constant 16 : i32
        %parallel_loop3A_677 = vector.broadcast %parallel_loop3A_676 : i32 to vector<16xi32>
        %parallel_loop3A_678 = arith.shli %parallel_loop3A_507, %parallel_loop3A_677 : vector<16xi32>
        %parallel_loop3A_679 = vector.bitcast %parallel_loop3A_678 : vector<16xi32> to vector<16xf32>
        %parallel_loop3A_680 = arith.constant 0 : i32
        %parallel_loop3A_681 = arith.constant 12 : i32
        %parallel_loop3A_682 = arith.index_cast %parallel_loop3A_680 : i32 to index
        %parallel_loop3A_683 = arith.index_cast %parallel_loop3A_681 : i32 to index
        %parallel_loop3A_684 = arith.index_cast %parallel_loop3A_475 : i32 to index
        %parallel_loop3A_685 = arith.index_cast %parallel_loop3A_479 : i32 to index
        %parallel_loop3A_686 = tpu.vector_load %arg8[%parallel_loop3A_682, %parallel_loop3A_683, %parallel_loop3A_684, %parallel_loop3A_685] {strides = array<i32>} : memref<2x32x8x128xf32, #tpu.memory_space<vmem>>, vector<16xf32>,
        tpu.vector_store %arg8[%parallel_loop3A_682, %parallel_loop3A_683, %parallel_loop3A_684, %parallel_loop3A_685], %parallel_loop3A_679 {strides = array<i32>} : memref<2x32x8x128xf32, #tpu.memory_space<vmem>>, vector<16xf32>,
        %parallel_loop3A_687 = arith.constant -65536 : i32
        %parallel_loop3A_688 = vector.broadcast %parallel_loop3A_687 : i32 to vector<16xi32>
        %parallel_loop3A_689 = arith.andi %parallel_loop3A_507, %parallel_loop3A_688 : vector<16xi32>
        %parallel_loop3A_690 = vector.bitcast %parallel_loop3A_689 : vector<16xi32> to vector<16xf32>
        %parallel_loop3A_691 = arith.constant 0 : i32
        %parallel_loop3A_692 = arith.constant 13 : i32
        %parallel_loop3A_693 = arith.index_cast %parallel_loop3A_691 : i32 to index
        %parallel_loop3A_694 = arith.index_cast %parallel_loop3A_692 : i32 to index
        %parallel_loop3A_695 = arith.index_cast %parallel_loop3A_475 : i32 to index
        %parallel_loop3A_696 = arith.index_cast %parallel_loop3A_479 : i32 to index
        %parallel_loop3A_697 = tpu.vector_load %arg8[%parallel_loop3A_693, %parallel_loop3A_694, %parallel_loop3A_695, %parallel_loop3A_696] {strides = array<i32>} : memref<2x32x8x128xf32, #tpu.memory_space<vmem>>, vector<16xf32>,
        tpu.vector_store %arg8[%parallel_loop3A_693, %parallel_loop3A_694, %parallel_loop3A_695, %parallel_loop3A_696], %parallel_loop3A_690 {strides = array<i32>} : memref<2x32x8x128xf32, #tpu.memory_space<vmem>>, vector<16xf32>,
        %parallel_loop3A_698 = arith.constant 16 : i32
        %parallel_loop3A_699 = vector.broadcast %parallel_loop3A_698 : i32 to vector<16xi32>
        %parallel_loop3A_700 = arith.shli %parallel_loop3A_511, %parallel_loop3A_699 : vector<16xi32>
        %parallel_loop3A_701 = vector.bitcast %parallel_loop3A_700 : vector<16xi32> to vector<16xf32>
        %parallel_loop3A_702 = arith.constant 0 : i32
        %parallel_loop3A_703 = arith.constant 14 : i32
        %parallel_loop3A_704 = arith.index_cast %parallel_loop3A_702 : i32 to index
        %parallel_loop3A_705 = arith.index_cast %parallel_loop3A_703 : i32 to index
        %parallel_loop3A_706 = arith.index_cast %parallel_loop3A_475 : i32 to index
        %parallel_loop3A_707 = arith.index_cast %parallel_loop3A_479 : i32 to index
        %parallel_loop3A_708 = tpu.vector_load %arg8[%parallel_loop3A_704, %parallel_loop3A_705, %parallel_loop3A_706, %parallel_loop3A_707] {strides = array<i32>} : memref<2x32x8x128xf32, #tpu.memory_space<vmem>>, vector<16xf32>,
        tpu.vector_store %arg8[%parallel_loop3A_704, %parallel_loop3A_705, %parallel_loop3A_706, %parallel_loop3A_707], %parallel_loop3A_701 {strides = array<i32>} : memref<2x32x8x128xf32, #tpu.memory_space<vmem>>, vector<16xf32>,
        %parallel_loop3A_709 = arith.constant -65536 : i32
        %parallel_loop3A_710 = vector.broadcast %parallel_loop3A_709 : i32 to vector<16xi32>
        %parallel_loop3A_711 = arith.andi %parallel_loop3A_511, %parallel_loop3A_710 : vector<16xi32>
        %parallel_loop3A_712 = vector.bitcast %parallel_loop3A_711 : vector<16xi32> to vector<16xf32>
        %parallel_loop3A_713 = arith.constant 0 : i32
        %parallel_loop3A_714 = arith.constant 15 : i32
        %parallel_loop3A_715 = arith.index_cast %parallel_loop3A_713 : i32 to index
        %parallel_loop3A_716 = arith.index_cast %parallel_loop3A_714 : i32 to index
        %parallel_loop3A_717 = arith.index_cast %parallel_loop3A_475 : i32 to index
        %parallel_loop3A_718 = arith.index_cast %parallel_loop3A_479 : i32 to index
        %parallel_loop3A_719 = tpu.vector_load %arg8[%parallel_loop3A_715, %parallel_loop3A_716, %parallel_loop3A_717, %parallel_loop3A_718] {strides = array<i32>} : memref<2x32x8x128xf32, #tpu.memory_space<vmem>>, vector<16xf32>,
        tpu.vector_store %arg8[%parallel_loop3A_715, %parallel_loop3A_716, %parallel_loop3A_717, %parallel_loop3A_718], %parallel_loop3A_712 {strides = array<i32>} : memref<2x32x8x128xf32, #tpu.memory_space<vmem>>, vector<16xf32>,
        %parallel_loop3A_720 = arith.constant 16 : i32
        %parallel_loop3A_721 = vector.broadcast %parallel_loop3A_720 : i32 to vector<16xi32>
        %parallel_loop3A_722 = arith.shli %parallel_loop3A_515, %parallel_loop3A_721 : vector<16xi32>
        %parallel_loop3A_723 = vector.bitcast %parallel_loop3A_722 : vector<16xi32> to vector<16xf32>
        %parallel_loop3A_724 = arith.constant 0 : i32
        %parallel_loop3A_725 = arith.constant 16 : i32
        %parallel_loop3A_726 = arith.index_cast %parallel_loop3A_724 : i32 to index
        %parallel_loop3A_727 = arith.index_cast %parallel_loop3A_725 : i32 to index
        %parallel_loop3A_728 = arith.index_cast %parallel_loop3A_475 : i32 to index
        %parallel_loop3A_729 = arith.index_cast %parallel_loop3A_479 : i32 to index
        %parallel_loop3A_730 = tpu.vector_load %arg8[%parallel_loop3A_726, %parallel_loop3A_727, %parallel_loop3A_728, %parallel_loop3A_729] {strides = array<i32>} : memref<2x32x8x128xf32, #tpu.memory_space<vmem>>, vector<16xf32>,
        tpu.vector_store %arg8[%parallel_loop3A_726, %parallel_loop3A_727, %parallel_loop3A_728, %parallel_loop3A_729], %parallel_loop3A_723 {strides = array<i32>} : memref<2x32x8x128xf32, #tpu.memory_space<vmem>>, vector<16xf32>,
        %parallel_loop3A_731 = arith.constant -65536 : i32
        %parallel_loop3A_732 = vector.broadcast %parallel_loop3A_731 : i32 to vector<16xi32>
        %parallel_loop3A_733 = arith.andi %parallel_loop3A_515, %parallel_loop3A_732 : vector<16xi32>
        %parallel_loop3A_734 = vector.bitcast %parallel_loop3A_733 : vector<16xi32> to vector<16xf32>
        %parallel_loop3A_735 = arith.constant 0 : i32
        %parallel_loop3A_736 = arith.constant 17 : i32
        %parallel_loop3A_737 = arith.index_cast %parallel_loop3A_735 : i32 to index
        %parallel_loop3A_738 = arith.index_cast %parallel_loop3A_736 : i32 to index
        %parallel_loop3A_739 = arith.index_cast %parallel_loop3A_475 : i32 to index
        %parallel_loop3A_740 = arith.index_cast %parallel_loop3A_479 : i32 to index
        %parallel_loop3A_741 = tpu.vector_load %arg8[%parallel_loop3A_737, %parallel_loop3A_738, %parallel_loop3A_739, %parallel_loop3A_740] {strides = array<i32>} : memref<2x32x8x128xf32, #tpu.memory_space<vmem>>, vector<16xf32>,
        tpu.vector_store %arg8[%parallel_loop3A_737, %parallel_loop3A_738, %parallel_loop3A_739, %parallel_loop3A_740], %parallel_loop3A_734 {strides = array<i32>} : memref<2x32x8x128xf32, #tpu.memory_space<vmem>>, vector<16xf32>,
        %parallel_loop3A_742 = arith.constant 16 : i32
        %parallel_loop3A_743 = vector.broadcast %parallel_loop3A_742 : i32 to vector<16xi32>
        %parallel_loop3A_744 = arith.shli %parallel_loop3A_519, %parallel_loop3A_743 : vector<16xi32>
        %parallel_loop3A_745 = vector.bitcast %parallel_loop3A_744 : vector<16xi32> to vector<16xf32>
        %parallel_loop3A_746 = arith.constant 0 : i32
        %parallel_loop3A_747 = arith.constant 18 : i32
        %parallel_loop3A_748 = arith.index_cast %parallel_loop3A_746 : i32 to index
        %parallel_loop3A_749 = arith.index_cast %parallel_loop3A_747 : i32 to index
        %parallel_loop3A_750 = arith.index_cast %parallel_loop3A_475 : i32 to index
        %parallel_loop3A_751 = arith.index_cast %parallel_loop3A_479 : i32 to index
        %parallel_loop3A_752 = tpu.vector_load %arg8[%parallel_loop3A_748, %parallel_loop3A_749, %parallel_loop3A_750, %parallel_loop3A_751] {strides = array<i32>} : memref<2x32x8x128xf32, #tpu.memory_space<vmem>>, vector<16xf32>,
        tpu.vector_store %arg8[%parallel_loop3A_748, %parallel_loop3A_749, %parallel_loop3A_750, %parallel_loop3A_751], %parallel_loop3A_745 {strides = array<i32>} : memref<2x32x8x128xf32, #tpu.memory_space<vmem>>, vector<16xf32>,
        %parallel_loop3A_753 = arith.constant -65536 : i32
        %parallel_loop3A_754 = vector.broadcast %parallel_loop3A_753 : i32 to vector<16xi32>
        %parallel_loop3A_755 = arith.andi %parallel_loop3A_519, %parallel_loop3A_754 : vector<16xi32>
        %parallel_loop3A_756 = vector.bitcast %parallel_loop3A_755 : vector<16xi32> to vector<16xf32>
        %parallel_loop3A_757 = arith.constant 0 : i32
        %parallel_loop3A_758 = arith.constant 19 : i32
        %parallel_loop3A_759 = arith.index_cast %parallel_loop3A_757 : i32 to index
        %parallel_loop3A_760 = arith.index_cast %parallel_loop3A_758 : i32 to index
        %parallel_loop3A_761 = arith.index_cast %parallel_loop3A_475 : i32 to index
        %parallel_loop3A_762 = arith.index_cast %parallel_loop3A_479 : i32 to index
        %parallel_loop3A_763 = tpu.vector_load %arg8[%parallel_loop3A_759, %parallel_loop3A_760, %parallel_loop3A_761, %parallel_loop3A_762] {strides = array<i32>} : memref<2x32x8x128xf32, #tpu.memory_space<vmem>>, vector<16xf32>,
        tpu.vector_store %arg8[%parallel_loop3A_759, %parallel_loop3A_760, %parallel_loop3A_761, %parallel_loop3A_762], %parallel_loop3A_756 {strides = array<i32>} : memref<2x32x8x128xf32, #tpu.memory_space<vmem>>, vector<16xf32>,
        %parallel_loop3A_764 = arith.constant 16 : i32
        %parallel_loop3A_765 = vector.broadcast %parallel_loop3A_764 : i32 to vector<16xi32>
        %parallel_loop3A_766 = arith.shli %parallel_loop3A_523, %parallel_loop3A_765 : vector<16xi32>
        %parallel_loop3A_767 = vector.bitcast %parallel_loop3A_766 : vector<16xi32> to vector<16xf32>
        %parallel_loop3A_768 = arith.constant 0 : i32
        %parallel_loop3A_769 = arith.constant 20 : i32
        %parallel_loop3A_770 = arith.index_cast %parallel_loop3A_768 : i32 to index
        %parallel_loop3A_771 = arith.index_cast %parallel_loop3A_769 : i32 to index
        %parallel_loop3A_772 = arith.index_cast %parallel_loop3A_475 : i32 to index
        %parallel_loop3A_773 = arith.index_cast %parallel_loop3A_479 : i32 to index
        %parallel_loop3A_774 = tpu.vector_load %arg8[%parallel_loop3A_770, %parallel_loop3A_771, %parallel_loop3A_772, %parallel_loop3A_773] {strides = array<i32>} : memref<2x32x8x128xf32, #tpu.memory_space<vmem>>, vector<16xf32>,
        tpu.vector_store %arg8[%parallel_loop3A_770, %parallel_loop3A_771, %parallel_loop3A_772, %parallel_loop3A_773], %parallel_loop3A_767 {strides = array<i32>} : memref<2x32x8x128xf32, #tpu.memory_space<vmem>>, vector<16xf32>,
        %parallel_loop3A_775 = arith.constant -65536 : i32
        %parallel_loop3A_776 = vector.broadcast %parallel_loop3A_775 : i32 to vector<16xi32>
        %parallel_loop3A_777 = arith.andi %parallel_loop3A_523, %parallel_loop3A_776 : vector<16xi32>
        %parallel_loop3A_778 = vector.bitcast %parallel_loop3A_777 : vector<16xi32> to vector<16xf32>
        %parallel_loop3A_779 = arith.constant 0 : i32
        %parallel_loop3A_780 = arith.constant 21 : i32
        %parallel_loop3A_781 = arith.index_cast %parallel_loop3A_779 : i32 to index
        %parallel_loop3A_782 = arith.index_cast %parallel_loop3A_780 : i32 to index
        %parallel_loop3A_783 = arith.index_cast %parallel_loop3A_475 : i32 to index
        %parallel_loop3A_784 = arith.index_cast %parallel_loop3A_479 : i32 to index
        %parallel_loop3A_785 = tpu.vector_load %arg8[%parallel_loop3A_781, %parallel_loop3A_782, %parallel_loop3A_783, %parallel_loop3A_784] {strides = array<i32>} : memref<2x32x8x128xf32, #tpu.memory_space<vmem>>, vector<16xf32>,
        tpu.vector_store %arg8[%parallel_loop3A_781, %parallel_loop3A_782, %parallel_loop3A_783, %parallel_loop3A_784], %parallel_loop3A_778 {strides = array<i32>} : memref<2x32x8x128xf32, #tpu.memory_space<vmem>>, vector<16xf32>,
        %parallel_loop3A_786 = arith.constant 16 : i32
        %parallel_loop3A_787 = vector.broadcast %parallel_loop3A_786 : i32 to vector<16xi32>
        %parallel_loop3A_788 = arith.shli %parallel_loop3A_527, %parallel_loop3A_787 : vector<16xi32>
        %parallel_loop3A_789 = vector.bitcast %parallel_loop3A_788 : vector<16xi32> to vector<16xf32>
        %parallel_loop3A_790 = arith.constant 0 : i32
        %parallel_loop3A_791 = arith.constant 22 : i32
        %parallel_loop3A_792 = arith.index_cast %parallel_loop3A_790 : i32 to index
        %parallel_loop3A_793 = arith.index_cast %parallel_loop3A_791 : i32 to index
        %parallel_loop3A_794 = arith.index_cast %parallel_loop3A_475 : i32 to index
        %parallel_loop3A_795 = arith.index_cast %parallel_loop3A_479 : i32 to index
        %parallel_loop3A_796 = tpu.vector_load %arg8[%parallel_loop3A_792, %parallel_loop3A_793, %parallel_loop3A_794, %parallel_loop3A_795] {strides = array<i32>} : memref<2x32x8x128xf32, #tpu.memory_space<vmem>>, vector<16xf32>,
        tpu.vector_store %arg8[%parallel_loop3A_792, %parallel_loop3A_793, %parallel_loop3A_794, %parallel_loop3A_795], %parallel_loop3A_789 {strides = array<i32>} : memref<2x32x8x128xf32, #tpu.memory_space<vmem>>, vector<16xf32>,
        %parallel_loop3A_797 = arith.constant -65536 : i32
        %parallel_loop3A_798 = vector.broadcast %parallel_loop3A_797 : i32 to vector<16xi32>
        %parallel_loop3A_799 = arith.andi %parallel_loop3A_527, %parallel_loop3A_798 : vector<16xi32>
        %parallel_loop3A_800 = vector.bitcast %parallel_loop3A_799 : vector<16xi32> to vector<16xf32>
        %parallel_loop3A_801 = arith.constant 0 : i32
        %parallel_loop3A_802 = arith.constant 23 : i32
        %parallel_loop3A_803 = arith.index_cast %parallel_loop3A_801 : i32 to index
        %parallel_loop3A_804 = arith.index_cast %parallel_loop3A_802 : i32 to index
        %parallel_loop3A_805 = arith.index_cast %parallel_loop3A_475 : i32 to index
        %parallel_loop3A_806 = arith.index_cast %parallel_loop3A_479 : i32 to index
        %parallel_loop3A_807 = tpu.vector_load %arg8[%parallel_loop3A_803, %parallel_loop3A_804, %parallel_loop3A_805, %parallel_loop3A_806] {strides = array<i32>} : memref<2x32x8x128xf32, #tpu.memory_space<vmem>>, vector<16xf32>,
        tpu.vector_store %arg8[%parallel_loop3A_803, %parallel_loop3A_804, %parallel_loop3A_805, %parallel_loop3A_806], %parallel_loop3A_800 {strides = array<i32>} : memref<2x32x8x128xf32, #tpu.memory_space<vmem>>, vector<16xf32>,
        %parallel_loop3A_808 = arith.constant 16 : i32
        %parallel_loop3A_809 = vector.broadcast %parallel_loop3A_808 : i32 to vector<16xi32>
        %parallel_loop3A_810 = arith.shli %parallel_loop3A_531, %parallel_loop3A_809 : vector<16xi32>
        %parallel_loop3A_811 = vector.bitcast %parallel_loop3A_810 : vector<16xi32> to vector<16xf32>
        %parallel_loop3A_812 = arith.constant 0 : i32
        %parallel_loop3A_813 = arith.constant 24 : i32
        %parallel_loop3A_814 = arith.index_cast %parallel_loop3A_812 : i32 to index
        %parallel_loop3A_815 = arith.index_cast %parallel_loop3A_813 : i32 to index
        %parallel_loop3A_816 = arith.index_cast %parallel_loop3A_475 : i32 to index
        %parallel_loop3A_817 = arith.index_cast %parallel_loop3A_479 : i32 to index
        %parallel_loop3A_818 = tpu.vector_load %arg8[%parallel_loop3A_814, %parallel_loop3A_815, %parallel_loop3A_816, %parallel_loop3A_817] {strides = array<i32>} : memref<2x32x8x128xf32, #tpu.memory_space<vmem>>, vector<16xf32>,
        tpu.vector_store %arg8[%parallel_loop3A_814, %parallel_loop3A_815, %parallel_loop3A_816, %parallel_loop3A_817], %parallel_loop3A_811 {strides = array<i32>} : memref<2x32x8x128xf32, #tpu.memory_space<vmem>>, vector<16xf32>,
        %parallel_loop3A_819 = arith.constant -65536 : i32
        %parallel_loop3A_820 = vector.broadcast %parallel_loop3A_819 : i32 to vector<16xi32>
        %parallel_loop3A_821 = arith.andi %parallel_loop3A_531, %parallel_loop3A_820 : vector<16xi32>
        %parallel_loop3A_822 = vector.bitcast %parallel_loop3A_821 : vector<16xi32> to vector<16xf32>
        %parallel_loop3A_823 = arith.constant 0 : i32
        %parallel_loop3A_824 = arith.constant 25 : i32
        %parallel_loop3A_825 = arith.index_cast %parallel_loop3A_823 : i32 to index
        %parallel_loop3A_826 = arith.index_cast %parallel_loop3A_824 : i32 to index
        %parallel_loop3A_827 = arith.index_cast %parallel_loop3A_475 : i32 to index
        %parallel_loop3A_828 = arith.index_cast %parallel_loop3A_479 : i32 to index
        %parallel_loop3A_829 = tpu.vector_load %arg8[%parallel_loop3A_825, %parallel_loop3A_826, %parallel_loop3A_827, %parallel_loop3A_828] {strides = array<i32>} : memref<2x32x8x128xf32, #tpu.memory_space<vmem>>, vector<16xf32>,
        tpu.vector_store %arg8[%parallel_loop3A_825, %parallel_loop3A_826, %parallel_loop3A_827, %parallel_loop3A_828], %parallel_loop3A_822 {strides = array<i32>} : memref<2x32x8x128xf32, #tpu.memory_space<vmem>>, vector<16xf32>,
        %parallel_loop3A_830 = arith.constant 16 : i32
        %parallel_loop3A_831 = vector.broadcast %parallel_loop3A_830 : i32 to vector<16xi32>
        %parallel_loop3A_832 = arith.shli %parallel_loop3A_535, %parallel_loop3A_831 : vector<16xi32>
        %parallel_loop3A_833 = vector.bitcast %parallel_loop3A_832 : vector<16xi32> to vector<16xf32>
        %parallel_loop3A_834 = arith.constant 0 : i32
        %parallel_loop3A_835 = arith.constant 26 : i32
        %parallel_loop3A_836 = arith.index_cast %parallel_loop3A_834 : i32 to index
        %parallel_loop3A_837 = arith.index_cast %parallel_loop3A_835 : i32 to index
        %parallel_loop3A_838 = arith.index_cast %parallel_loop3A_475 : i32 to index
        %parallel_loop3A_839 = arith.index_cast %parallel_loop3A_479 : i32 to index
        %parallel_loop3A_840 = tpu.vector_load %arg8[%parallel_loop3A_836, %parallel_loop3A_837, %parallel_loop3A_838, %parallel_loop3A_839] {strides = array<i32>} : memref<2x32x8x128xf32, #tpu.memory_space<vmem>>, vector<16xf32>,
        tpu.vector_store %arg8[%parallel_loop3A_836, %parallel_loop3A_837, %parallel_loop3A_838, %parallel_loop3A_839], %parallel_loop3A_833 {strides = array<i32>} : memref<2x32x8x128xf32, #tpu.memory_space<vmem>>, vector<16xf32>,
        %parallel_loop3A_841 = arith.constant -65536 : i32
        %parallel_loop3A_842 = vector.broadcast %parallel_loop3A_841 : i32 to vector<16xi32>
        %parallel_loop3A_843 = arith.andi %parallel_loop3A_535, %parallel_loop3A_842 : vector<16xi32>
        %parallel_loop3A_844 = vector.bitcast %parallel_loop3A_843 : vector<16xi32> to vector<16xf32>
        %parallel_loop3A_845 = arith.constant 0 : i32
        %parallel_loop3A_846 = arith.constant 27 : i32
        %parallel_loop3A_847 = arith.index_cast %parallel_loop3A_845 : i32 to index
        %parallel_loop3A_848 = arith.index_cast %parallel_loop3A_846 : i32 to index
        %parallel_loop3A_849 = arith.index_cast %parallel_loop3A_475 : i32 to index
        %parallel_loop3A_850 = arith.index_cast %parallel_loop3A_479 : i32 to index
        %parallel_loop3A_851 = tpu.vector_load %arg8[%parallel_loop3A_847, %parallel_loop3A_848, %parallel_loop3A_849, %parallel_loop3A_850] {strides = array<i32>} : memref<2x32x8x128xf32, #tpu.memory_space<vmem>>, vector<16xf32>,
        tpu.vector_store %arg8[%parallel_loop3A_847, %parallel_loop3A_848, %parallel_loop3A_849, %parallel_loop3A_850], %parallel_loop3A_844 {strides = array<i32>} : memref<2x32x8x128xf32, #tpu.memory_space<vmem>>, vector<16xf32>,
        %parallel_loop3A_852 = arith.constant 16 : i32
        %parallel_loop3A_853 = vector.broadcast %parallel_loop3A_852 : i32 to vector<16xi32>
        %parallel_loop3A_854 = arith.shli %parallel_loop3A_539, %parallel_loop3A_853 : vector<16xi32>
        %parallel_loop3A_855 = vector.bitcast %parallel_loop3A_854 : vector<16xi32> to vector<16xf32>
        %parallel_loop3A_856 = arith.constant 0 : i32
        %parallel_loop3A_857 = arith.constant 28 : i32
        %parallel_loop3A_858 = arith.index_cast %parallel_loop3A_856 : i32 to index
        %parallel_loop3A_859 = arith.index_cast %parallel_loop3A_857 : i32 to index
        %parallel_loop3A_860 = arith.index_cast %parallel_loop3A_475 : i32 to index
        %parallel_loop3A_861 = arith.index_cast %parallel_loop3A_479 : i32 to index
        %parallel_loop3A_862 = tpu.vector_load %arg8[%parallel_loop3A_858, %parallel_loop3A_859, %parallel_loop3A_860, %parallel_loop3A_861] {strides = array<i32>} : memref<2x32x8x128xf32, #tpu.memory_space<vmem>>, vector<16xf32>,
        tpu.vector_store %arg8[%parallel_loop3A_858, %parallel_loop3A_859, %parallel_loop3A_860, %parallel_loop3A_861], %parallel_loop3A_855 {strides = array<i32>} : memref<2x32x8x128xf32, #tpu.memory_space<vmem>>, vector<16xf32>,
        %parallel_loop3A_863 = arith.constant -65536 : i32
        %parallel_loop3A_864 = vector.broadcast %parallel_loop3A_863 : i32 to vector<16xi32>
        %parallel_loop3A_865 = arith.andi %parallel_loop3A_539, %parallel_loop3A_864 : vector<16xi32>
        %parallel_loop3A_866 = vector.bitcast %parallel_loop3A_865 : vector<16xi32> to vector<16xf32>
        %parallel_loop3A_867 = arith.constant 0 : i32
        %parallel_loop3A_868 = arith.constant 29 : i32
        %parallel_loop3A_869 = arith.index_cast %parallel_loop3A_867 : i32 to index
        %parallel_loop3A_870 = arith.index_cast %parallel_loop3A_868 : i32 to index
        %parallel_loop3A_871 = arith.index_cast %parallel_loop3A_475 : i32 to index
        %parallel_loop3A_872 = arith.index_cast %parallel_loop3A_479 : i32 to index
        %parallel_loop3A_873 = tpu.vector_load %arg8[%parallel_loop3A_869, %parallel_loop3A_870, %parallel_loop3A_871, %parallel_loop3A_872] {strides = array<i32>} : memref<2x32x8x128xf32, #tpu.memory_space<vmem>>, vector<16xf32>,
        tpu.vector_store %arg8[%parallel_loop3A_869, %parallel_loop3A_870, %parallel_loop3A_871, %parallel_loop3A_872], %parallel_loop3A_866 {strides = array<i32>} : memref<2x32x8x128xf32, #tpu.memory_space<vmem>>, vector<16xf32>,
        %parallel_loop3A_874 = arith.constant 16 : i32
        %parallel_loop3A_875 = vector.broadcast %parallel_loop3A_874 : i32 to vector<16xi32>
        %parallel_loop3A_876 = arith.shli %parallel_loop3A_543, %parallel_loop3A_875 : vector<16xi32>
        %parallel_loop3A_877 = vector.bitcast %parallel_loop3A_876 : vector<16xi32> to vector<16xf32>
        %parallel_loop3A_878 = arith.constant 0 : i32
        %parallel_loop3A_879 = arith.constant 30 : i32
        %parallel_loop3A_880 = arith.index_cast %parallel_loop3A_878 : i32 to index
        %parallel_loop3A_881 = arith.index_cast %parallel_loop3A_879 : i32 to index
        %parallel_loop3A_882 = arith.index_cast %parallel_loop3A_475 : i32 to index
        %parallel_loop3A_883 = arith.index_cast %parallel_loop3A_479 : i32 to index
        %parallel_loop3A_884 = tpu.vector_load %arg8[%parallel_loop3A_880, %parallel_loop3A_881, %parallel_loop3A_882, %parallel_loop3A_883] {strides = array<i32>} : memref<2x32x8x128xf32, #tpu.memory_space<vmem>>, vector<16xf32>,
        tpu.vector_store %arg8[%parallel_loop3A_880, %parallel_loop3A_881, %parallel_loop3A_882, %parallel_loop3A_883], %parallel_loop3A_877 {strides = array<i32>} : memref<2x32x8x128xf32, #tpu.memory_space<vmem>>, vector<16xf32>,
        %parallel_loop3A_885 = arith.constant -65536 : i32
        %parallel_loop3A_886 = vector.broadcast %parallel_loop3A_885 : i32 to vector<16xi32>
        %parallel_loop3A_887 = arith.andi %parallel_loop3A_543, %parallel_loop3A_886 : vector<16xi32>
        %parallel_loop3A_888 = vector.bitcast %parallel_loop3A_887 : vector<16xi32> to vector<16xf32>
        %parallel_loop3A_889 = arith.constant 0 : i32
        %parallel_loop3A_890 = arith.constant 31 : i32
        %parallel_loop3A_891 = arith.index_cast %parallel_loop3A_889 : i32 to index
        %parallel_loop3A_892 = arith.index_cast %parallel_loop3A_890 : i32 to index
        %parallel_loop3A_893 = arith.index_cast %parallel_loop3A_475 : i32 to index
        %parallel_loop3A_894 = arith.index_cast %parallel_loop3A_479 : i32 to index
        %parallel_loop3A_895 = tpu.vector_load %arg8[%parallel_loop3A_891, %parallel_loop3A_892, %parallel_loop3A_893, %parallel_loop3A_894] {strides = array<i32>} : memref<2x32x8x128xf32, #tpu.memory_space<vmem>>, vector<16xf32>,
        tpu.vector_store %arg8[%parallel_loop3A_891, %parallel_loop3A_892, %parallel_loop3A_893, %parallel_loop3A_894], %parallel_loop3A_888 {strides = array<i32>} : memref<2x32x8x128xf32, #tpu.memory_space<vmem>>, vector<16xf32>,
        scf.yield %parallel_loop3A_473 : vector<16xi32>
      } {sc.loop_unroll_factor = 1 : i64, sc.parallel_access}
      %mul3A_277 = arith.constant 8 : i32
      %mul3A_278 = arith.muli %scan3A_239, %mul3A_277 : i32
      %mul3A_279 = arith.constant 128 : i32
      %mul3A_280 = arith.muli %scan3A_240, %mul3A_279 : i32
      %dma_start3A_281 = arith.constant 0 : i32
      %dma_start3A_282 = arith.constant 0 : i32
      %dma_start3A_283 = arith.constant 0 : i32
      %dma_start3A_284 = arith.constant 0 : i32
      %dma_start3A_285 = tpu.memref_slice %arg8[%dma_start3A_281, %dma_start3A_282, %dma_start3A_283, %dma_start3A_284] : memref<2x32x8x128xf32, #tpu.memory_space<vmem>> -> memref<1x32x8x128xf32, #tpu.memory_space<vmem>>
      %dma_start3A_286 = tpu.memref_squeeze %dma_start3A_285 : memref<1x32x8x128xf32, #tpu.memory_space<vmem>> -> memref<32x8x128xf32, #tpu.memory_space<vmem>>
      %dma_start3A_287 = arith.constant 0 : i32
      %dma_start3A_288 = tpu.memref_slice %arg4[%scan3A_238, %dma_start3A_287, %mul3A_278, %mul3A_280] : memref<12x32x384x384xf32, #tpu.memory_space<hbm>> -> memref<1x32x8x128xf32, #tpu.memory_space<hbm>>
      %dma_start3A_289 = tpu.memref_squeeze %dma_start3A_288 : memref<1x32x8x128xf32, #tpu.memory_space<hbm>> -> memref<32x8x128xf32, #tpu.memory_space<hbm>>
      %dma_start3A_290 = arith.constant 0 : i32
      %dma_start3A_291 = tpu.memref_slice %arg4[%scan3A_238, %dma_start3A_290, %mul3A_278, %mul3A_280] : memref<12x32x384x384xf32, #tpu.memory_space<hbm>> -> memref<1x32x8x128xf32, #tpu.memory_space<hbm>>
      %dma_start3A_292 = tpu.memref_squeeze %dma_start3A_291 : memref<1x32x8x128xf32, #tpu.memory_space<hbm>> -> memref<32x8x128xf32, #tpu.memory_space<hbm>>
      %dma_start3A_293 = arith.constant 0 : i32
      %dma_start3A_294 = arith.constant 0 : i32
      %dma_start3A_295 = arith.constant 0 : i32
      %dma_start3A_296 = tpu.memref_slice %arg8[%dma_start3A_281, %dma_start3A_293, %dma_start3A_294, %dma_start3A_295] : memref<2x32x8x128xf32, #tpu.memory_space<vmem>> -> memref<1x32x8x128xf32, #tpu.memory_space<vmem>>
      %dma_start3A_297 = tpu.memref_squeeze %dma_start3A_296 : memref<1x32x8x128xf32, #tpu.memory_space<vmem>> -> memref<32x8x128xf32, #tpu.memory_space<vmem>>
      tpu.enqueue_dma source(%dma_start3A_297 : memref<32x8x128xf32, #tpu.memory_space<vmem>>) target(%dma_start3A_292 : memref<32x8x128xf32, #tpu.memory_space<hbm>>) target_semaphore(%arg11 : memref<!tpu.dma_semaphore, #tpu.memory_space<semaphore_mem>>)
      %add3A_298 = arith.constant 1 : i32
      %add3A_299 = arith.addi %scan3A_240, %add3A_298 : i32
      %ge3A_300 = arith.constant 3 : i32
      %ge3A_301 = arith.cmpi sge, %add3A_299, %ge3A_300 : i32
      %add3A_302 = arith.constant 1 : i32
      %add3A_303 = arith.addi %scan3A_239, %add3A_302 : i32
      %select_n3A_304 = arith.select %ge3A_301, %add3A_303, %scan3A_239 : i32
      %ge3A_305 = arith.constant 48 : i32
      %ge3A_306 = arith.cmpi sge, %select_n3A_304, %ge3A_305 : i32
      %add3A_307 = arith.constant 1 : i32
      %add3A_308 = arith.addi %scan3A_238, %add3A_307 : i32
      %select_n3A_309 = arith.select %ge3A_306, %add3A_308, %scan3A_238 : i32
      %jit3A_310 = arith.constant 0 : i32
      %select_n3A_311 = arith.select %ge3A_306, %jit3A_310, %select_n3A_304 : i32
      %jit3A_312 = arith.constant 0 : i32
      %select_n3A_313 = arith.select %ge3A_301, %jit3A_312, %add3A_299 : i32
      %add3A_314 = arith.constant 1 : i32
      %add3A_315 = arith.addi %select_n3A_313, %add3A_314 : i32
      %ge3A_316 = arith.constant 3 : i32
      %ge3A_317 = arith.cmpi sge, %add3A_315, %ge3A_316 : i32
      %add3A_318 = arith.constant 1 : i32
      %add3A_319 = arith.addi %select_n3A_311, %add3A_318 : i32
      %select_n3A_320 = arith.select %ge3A_317, %add3A_319, %select_n3A_311 : i32
      %ge3A_321 = arith.constant 48 : i32
      %ge3A_322 = arith.cmpi sge, %select_n3A_320, %ge3A_321 : i32
      %add3A_323 = arith.constant 1 : i32
      %add3A_324 = arith.addi %select_n3A_309, %add3A_323 : i32
      %select_n3A_325 = arith.select %ge3A_322, %add3A_324, %select_n3A_309 : i32
      %jit3A_326 = arith.constant 0 : i32
      %select_n3A_327 = arith.select %ge3A_322, %jit3A_326, %select_n3A_320 : i32
      %jit3A_328 = arith.constant 0 : i32
      %select_n3A_329 = arith.select %ge3A_317, %jit3A_328, %add3A_315 : i32
      %mul3A_330 = arith.constant 2 : i32
      %mul3A_331 = arith.muli %scan3A_237, %mul3A_330 : i32
      %add3A_332 = arith.constant 0 : i32
      %add3A_333 = arith.addi %mul3A_331, %add3A_332 : i32
      %add3A_334 = arith.constant 2 : i32
      %add3A_335 = arith.addi %add3A_333, %add3A_334 : i32
      %lt3A = arith.constant 54 : i32
      %lt3A_336 = arith.cmpi slt, %add3A_335, %lt3A : i32
      %convert_element_type3A_337 = arith.extui %lt3A_336 : i1 to i32
      %cond3A_338 = arith.constant 0 : i32
      %cond3A_339 = arith.cmpi ne, %convert_element_type3A_337, %cond3A_338 : i32
      scf.if %cond3A_339 {
        %mul3A_447 = arith.constant 8 : i32
        %mul3A_448 = arith.muli %select_n3A_327, %mul3A_447 : i32
        %mul3A_449 = arith.constant 128 : i32
        %mul3A_450 = arith.muli %select_n3A_329, %mul3A_449 : i32
        %dma_start3A_451 = arith.constant 0 : i32
        %dma_start3A_452 = arith.constant 0 : i32
        %dma_start3A_453 = arith.constant 0 : i32
        %dma_start3A_454 = tpu.memref_slice %arg7[%dma_start3A_451, %dma_start3A_452, %dma_start3A_453] : memref<2x8x128xf32, #tpu.memory_space<vmem>> -> memref<1x8x128xf32, #tpu.memory_space<vmem>>
        %dma_start3A_455 = tpu.memref_squeeze %dma_start3A_454 : memref<1x8x128xf32, #tpu.memory_space<vmem>> -> memref<8x128xf32, #tpu.memory_space<vmem>>
        %dma_start3A_456 = tpu.memref_slice %arg2[%select_n3A_325, %mul3A_448, %mul3A_450] : memref<12x384x384xf32, #tpu.memory_space<hbm>> -> memref<1x8x128xf32, #tpu.memory_space<hbm>>
        %dma_start3A_457 = tpu.memref_squeeze %dma_start3A_456 : memref<1x8x128xf32, #tpu.memory_space<hbm>> -> memref<8x128xf32, #tpu.memory_space<hbm>>
        %dma_start3A_458 = arith.constant 0 : i32
        %dma_start3A_459 = arith.constant 0 : i32
        %dma_start3A_460 = tpu.memref_slice %arg7[%dma_start3A_451, %dma_start3A_458, %dma_start3A_459] : memref<2x8x128xf32, #tpu.memory_space<vmem>> -> memref<1x8x128xf32, #tpu.memory_space<vmem>>
        %dma_start3A_461 = tpu.memref_squeeze %dma_start3A_460 : memref<1x8x128xf32, #tpu.memory_space<vmem>> -> memref<8x128xf32, #tpu.memory_space<vmem>>
        %dma_start3A_462 = tpu.memref_slice %arg2[%select_n3A_325, %mul3A_448, %mul3A_450] : memref<12x384x384xf32, #tpu.memory_space<hbm>> -> memref<1x8x128xf32, #tpu.memory_space<hbm>>
        %dma_start3A_463 = tpu.memref_squeeze %dma_start3A_462 : memref<1x8x128xf32, #tpu.memory_space<hbm>> -> memref<8x128xf32, #tpu.memory_space<hbm>>
        tpu.enqueue_dma source(%dma_start3A_463 : memref<8x128xf32, #tpu.memory_space<hbm>>) target(%dma_start3A_461 : memref<8x128xf32, #tpu.memory_space<vmem>>) target_semaphore(%arg9 : memref<!tpu.dma_semaphore, #tpu.memory_space<semaphore_mem>>)
      } else {
      }
      %dma_wait3A_340 = arith.constant 0 : i32
      %dma_wait3A_341 = arith.constant 1 : i32
      %dma_wait3A_342 = arith.constant 0 : i32
      %dma_wait3A_343 = arith.constant 0 : i32
      %dma_wait3A_344 = tpu.memref_slice %arg7[%dma_wait3A_341, %dma_wait3A_342, %dma_wait3A_343] : memref<2x8x128xf32, #tpu.memory_space<vmem>> -> memref<1x8x128xf32, #tpu.memory_space<vmem>>
      %dma_wait3A_345 = tpu.memref_squeeze %dma_wait3A_344 : memref<1x8x128xf32, #tpu.memory_space<vmem>> -> memref<8x128xf32, #tpu.memory_space<vmem>>
      %dma_wait3A_346 = arith.constant 0 : i32
      %dma_wait3A_347 = arith.constant 0 : i32
      %dma_wait3A_348 = tpu.memref_slice %arg2[%dma_wait3A_340, %dma_wait3A_346, %dma_wait3A_347] : memref<12x384x384xf32, #tpu.memory_space<hbm>> -> memref<1x8x128xf32, #tpu.memory_space<hbm>>
      %dma_wait3A_349 = tpu.memref_squeeze %dma_wait3A_348 : memref<1x8x128xf32, #tpu.memory_space<hbm>> -> memref<8x128xf32, #tpu.memory_space<hbm>>
      %dma_wait3A_350 = arith.constant 0 : i32
      %dma_wait3A_351 = arith.constant 0 : i32
      %dma_wait3A_352 = tpu.memref_slice %arg7[%dma_wait3A_341, %dma_wait3A_350, %dma_wait3A_351] : memref<2x8x128xf32, #tpu.memory_space<vmem>> -> memref<1x8x128xf32, #tpu.memory_space<vmem>>
      %dma_wait3A_353 = tpu.memref_squeeze %dma_wait3A_352 : memref<1x8x128xf32, #tpu.memory_space<vmem>> -> memref<8x128xf32, #tpu.memory_space<vmem>>
      %dma_wait3A_354 = arith.constant 0 : i32
      %dma_wait3A_355 = arith.constant 0 : i32
      %dma_wait3A_356 = tpu.memref_slice %arg2[%dma_wait3A_340, %dma_wait3A_354, %dma_wait3A_355] : memref<12x384x384xf32, #tpu.memory_space<hbm>> -> memref<1x8x128xf32, #tpu.memory_space<hbm>>
      %dma_wait3A_357 = tpu.memref_squeeze %dma_wait3A_356 : memref<1x8x128xf32, #tpu.memory_space<hbm>> -> memref<8x128xf32, #tpu.memory_space<hbm>>
      tpu.wait_dma2 semaphore(%arg10 : memref<!tpu.dma_semaphore, #tpu.memory_space<semaphore_mem>>) src(%dma_wait3A_357 : memref<8x128xf32, #tpu.memory_space<hbm>>) dst(%dma_wait3A_353 : memref<8x128xf32, #tpu.memory_space<vmem>>)
      %gt3A_358 = arith.constant 0 : i32
      %gt3A_359 = arith.cmpi sgt, %scan3A_237, %gt3A_358 : i32
      %convert_element_type3A_360 = arith.extui %gt3A_359 : i1 to i32
      %cond3A_361 = arith.constant 0 : i32
      %cond3A_362 = arith.cmpi ne, %convert_element_type3A_360, %cond3A_361 : i32
      scf.if %cond3A_362 {
        %dma_wait3A_447 = arith.constant 1 : i32
        %dma_wait3A_448 = arith.constant 0 : i32
        %dma_wait3A_449 = arith.constant 0 : i32
        %dma_wait3A_450 = arith.constant 0 : i32
        %dma_wait3A_451 = arith.constant 0 : i32
        %dma_wait3A_452 = tpu.memref_slice %arg8[%dma_wait3A_447, %dma_wait3A_449, %dma_wait3A_450, %dma_wait3A_451] : memref<2x32x8x128xf32, #tpu.memory_space<vmem>> -> memref<1x32x8x128xf32, #tpu.memory_space<vmem>>
        %dma_wait3A_453 = tpu.memref_squeeze %dma_wait3A_452 : memref<1x32x8x128xf32, #tpu.memory_space<vmem>> -> memref<32x8x128xf32, #tpu.memory_space<vmem>>
        %dma_wait3A_454 = arith.constant 0 : i32
        %dma_wait3A_455 = arith.constant 0 : i32
        %dma_wait3A_456 = arith.constant 0 : i32
        %dma_wait3A_457 = tpu.memref_slice %arg4[%dma_wait3A_448, %dma_wait3A_454, %dma_wait3A_455, %dma_wait3A_456] : memref<12x32x384x384xf32, #tpu.memory_space<hbm>> -> memref<1x32x8x128xf32, #tpu.memory_space<hbm>>
        %dma_wait3A_458 = tpu.memref_squeeze %dma_wait3A_457 : memref<1x32x8x128xf32, #tpu.memory_space<hbm>> -> memref<32x8x128xf32, #tpu.memory_space<hbm>>
        %dma_wait3A_459 = arith.constant 0 : i32
        %dma_wait3A_460 = arith.constant 0 : i32
        %dma_wait3A_461 = arith.constant 0 : i32
        %dma_wait3A_462 = tpu.memref_slice %arg4[%dma_wait3A_448, %dma_wait3A_459, %dma_wait3A_460, %dma_wait3A_461] : memref<12x32x384x384xf32, #tpu.memory_space<hbm>> -> memref<1x32x8x128xf32, #tpu.memory_space<hbm>>
        %dma_wait3A_463 = tpu.memref_squeeze %dma_wait3A_462 : memref<1x32x8x128xf32, #tpu.memory_space<hbm>> -> memref<32x8x128xf32, #tpu.memory_space<hbm>>
        %dma_wait3A_464 = arith.constant 0 : i32
        %dma_wait3A_465 = arith.constant 0 : i32
        %dma_wait3A_466 = arith.constant 0 : i32
        %dma_wait3A_467 = tpu.memref_slice %arg8[%dma_wait3A_447, %dma_wait3A_464, %dma_wait3A_465, %dma_wait3A_466] : memref<2x32x8x128xf32, #tpu.memory_space<vmem>> -> memref<1x32x8x128xf32, #tpu.memory_space<vmem>>
        %dma_wait3A_468 = tpu.memref_squeeze %dma_wait3A_467 : memref<1x32x8x128xf32, #tpu.memory_space<vmem>> -> memref<32x8x128xf32, #tpu.memory_space<vmem>>
        tpu.wait_dma2 semaphore(%arg12 : memref<!tpu.dma_semaphore, #tpu.memory_space<semaphore_mem>>) src(%dma_wait3A_468 : memref<32x8x128xf32, #tpu.memory_space<vmem>>) dst(%dma_wait3A_463 : memref<32x8x128xf32, #tpu.memory_space<hbm>>)
      } else {
      }
      %get3A_363 = arith.constant 1 : i32
      %get3A_364 = arith.constant 0 : i32
      %get3A_365 = arith.index_cast %get3A_363 : i32 to index
      %get3A_366 = arith.index_cast %get3A_364 : i32 to index
      %get3A_367 = arith.constant 0 : index
      %get3A_368 = tpu.vector_load %arg7[%get3A_365, %get3A_366, %get3A_367] {strides = array<i32>} : memref<2x8x128xf32, #tpu.memory_space<vmem>>, vector<16xf32>,
      %mul3A_369 = arith.constant 2.550000e+02 : f32
      %mul3A_370 = vector.broadcast %mul3A_369 : f32 to vector<16xf32>
      %mul3A_371 = arith.mulf %get3A_368, %mul3A_370 : vector<16xf32>
      %convert_element_type3A_372 = arith.fptosi %mul3A_371 : vector<16xf32> to vector<16xi32>
      %jit3A_373 = arith.constant 0 : i32
      %jit3A_374 = arith.constant 255 : i32
      %max3A_375 = vector.broadcast %jit3A_373 : i32 to vector<16xi32>
      %max3A_376 = arith.maxsi %max3A_375, %convert_element_type3A_372 : vector<16xi32>
      %min3A_377 = vector.broadcast %jit3A_374 : i32 to vector<16xi32>
      %min3A_378 = arith.minsi %min3A_377, %max3A_376 : vector<16xi32>
      %parallel_loop3A_379 = arith.constant 0 : i32
      %parallel_loop3A_380 = arith.constant 64 : i32
      %parallel_loop3A_381 = arith.constant 1 : i32
      %parallel_loop3A_382 = scf.for %parallel_loop3A_447 = %parallel_loop3A_379 to %parallel_loop3A_380 step %parallel_loop3A_381 iter_args(%parallel_loop3A_448 = %min3A_378) -> (vector<16xi32>)  : i32 {
        %parallel_loop3A_449 = arith.constant 1 : i32
        %parallel_loop3A_450 = arith.addi %parallel_loop3A_447, %parallel_loop3A_449 : i32
        %parallel_loop3A_451 = arith.constant 63 : i32
        %parallel_loop3A_452 = arith.minsi %parallel_loop3A_450, %parallel_loop3A_451 : i32
        %parallel_loop3A_453 = arith.constant 3 : i32
        %parallel_loop3A_454 = arith.shrsi %parallel_loop3A_452, %parallel_loop3A_453 : i32
        %parallel_loop3A_455 = arith.constant 7 : i32
        %parallel_loop3A_456 = arith.andi %parallel_loop3A_452, %parallel_loop3A_455 : i32
        %parallel_loop3A_457 = arith.constant 16 : i32
        %parallel_loop3A_458 = arith.muli %parallel_loop3A_456, %parallel_loop3A_457 : i32
        %parallel_loop3A_459 = arith.constant 1 : i32
        %parallel_loop3A_460 = arith.index_cast %parallel_loop3A_459 : i32 to index
        %parallel_loop3A_461 = arith.index_cast %parallel_loop3A_454 : i32 to index
        %parallel_loop3A_462 = arith.index_cast %parallel_loop3A_458 : i32 to index
        %parallel_loop3A_463 = tpu.vector_load %arg7[%parallel_loop3A_460, %parallel_loop3A_461, %parallel_loop3A_462] {strides = array<i32>} : memref<2x8x128xf32, #tpu.memory_space<vmem>>, vector<16xf32>,
        %parallel_loop3A_464 = arith.constant 2.550000e+02 : f32
        %parallel_loop3A_465 = vector.broadcast %parallel_loop3A_464 : f32 to vector<16xf32>
        %parallel_loop3A_466 = arith.mulf %parallel_loop3A_463, %parallel_loop3A_465 : vector<16xf32>
        %parallel_loop3A_467 = arith.fptosi %parallel_loop3A_466 : vector<16xf32> to vector<16xi32>
        %parallel_loop3A_468 = arith.constant 0 : i32
        %parallel_loop3A_469 = arith.constant 255 : i32
        %parallel_loop3A_470 = vector.broadcast %parallel_loop3A_468 : i32 to vector<16xi32>
        %parallel_loop3A_471 = arith.maxsi %parallel_loop3A_470, %parallel_loop3A_467 : vector<16xi32>
        %parallel_loop3A_472 = vector.broadcast %parallel_loop3A_469 : i32 to vector<16xi32>
        %parallel_loop3A_473 = arith.minsi %parallel_loop3A_472, %parallel_loop3A_471 : vector<16xi32>
        %parallel_loop3A_474 = arith.constant 3 : i32
        %parallel_loop3A_475 = arith.shrsi %parallel_loop3A_447, %parallel_loop3A_474 : i32
        %parallel_loop3A_476 = arith.constant 7 : i32
        %parallel_loop3A_477 = arith.andi %parallel_loop3A_447, %parallel_loop3A_476 : i32
        %parallel_loop3A_478 = arith.constant 16 : i32
        %parallel_loop3A_479 = arith.muli %parallel_loop3A_477, %parallel_loop3A_478 : i32
        %parallel_loop3A_480 = arith.constant 0 : i32
        %parallel_loop3A_481 = vector.broadcast %parallel_loop3A_480 : i32 to vector<16xi32>
        %parallel_loop3A_482 = arith.addi %parallel_loop3A_448, %parallel_loop3A_481 : vector<16xi32>
        %parallel_loop3A_483 = tpu.vector_load_idx %arg6[%parallel_loop3A_482] : memref<4096xi32, #tpu.memory_space<vmem>>[vector<16xi32>], vector<16xi32>,
        %parallel_loop3A_484 = arith.constant 256 : i32
        %parallel_loop3A_485 = vector.broadcast %parallel_loop3A_484 : i32 to vector<16xi32>
        %parallel_loop3A_486 = arith.addi %parallel_loop3A_448, %parallel_loop3A_485 : vector<16xi32>
        %parallel_loop3A_487 = tpu.vector_load_idx %arg6[%parallel_loop3A_486] : memref<4096xi32, #tpu.memory_space<vmem>>[vector<16xi32>], vector<16xi32>,
        %parallel_loop3A_488 = arith.constant 512 : i32
        %parallel_loop3A_489 = vector.broadcast %parallel_loop3A_488 : i32 to vector<16xi32>
        %parallel_loop3A_490 = arith.addi %parallel_loop3A_448, %parallel_loop3A_489 : vector<16xi32>
        %parallel_loop3A_491 = tpu.vector_load_idx %arg6[%parallel_loop3A_490] : memref<4096xi32, #tpu.memory_space<vmem>>[vector<16xi32>], vector<16xi32>,
        %parallel_loop3A_492 = arith.constant 768 : i32
        %parallel_loop3A_493 = vector.broadcast %parallel_loop3A_492 : i32 to vector<16xi32>
        %parallel_loop3A_494 = arith.addi %parallel_loop3A_448, %parallel_loop3A_493 : vector<16xi32>
        %parallel_loop3A_495 = tpu.vector_load_idx %arg6[%parallel_loop3A_494] : memref<4096xi32, #tpu.memory_space<vmem>>[vector<16xi32>], vector<16xi32>,
        %parallel_loop3A_496 = arith.constant 1024 : i32
        %parallel_loop3A_497 = vector.broadcast %parallel_loop3A_496 : i32 to vector<16xi32>
        %parallel_loop3A_498 = arith.addi %parallel_loop3A_448, %parallel_loop3A_497 : vector<16xi32>
        %parallel_loop3A_499 = tpu.vector_load_idx %arg6[%parallel_loop3A_498] : memref<4096xi32, #tpu.memory_space<vmem>>[vector<16xi32>], vector<16xi32>,
        %parallel_loop3A_500 = arith.constant 1280 : i32
        %parallel_loop3A_501 = vector.broadcast %parallel_loop3A_500 : i32 to vector<16xi32>
        %parallel_loop3A_502 = arith.addi %parallel_loop3A_448, %parallel_loop3A_501 : vector<16xi32>
        %parallel_loop3A_503 = tpu.vector_load_idx %arg6[%parallel_loop3A_502] : memref<4096xi32, #tpu.memory_space<vmem>>[vector<16xi32>], vector<16xi32>,
        %parallel_loop3A_504 = arith.constant 1536 : i32
        %parallel_loop3A_505 = vector.broadcast %parallel_loop3A_504 : i32 to vector<16xi32>
        %parallel_loop3A_506 = arith.addi %parallel_loop3A_448, %parallel_loop3A_505 : vector<16xi32>
        %parallel_loop3A_507 = tpu.vector_load_idx %arg6[%parallel_loop3A_506] : memref<4096xi32, #tpu.memory_space<vmem>>[vector<16xi32>], vector<16xi32>,
        %parallel_loop3A_508 = arith.constant 1792 : i32
        %parallel_loop3A_509 = vector.broadcast %parallel_loop3A_508 : i32 to vector<16xi32>
        %parallel_loop3A_510 = arith.addi %parallel_loop3A_448, %parallel_loop3A_509 : vector<16xi32>
        %parallel_loop3A_511 = tpu.vector_load_idx %arg6[%parallel_loop3A_510] : memref<4096xi32, #tpu.memory_space<vmem>>[vector<16xi32>], vector<16xi32>,
        %parallel_loop3A_512 = arith.constant 2048 : i32
        %parallel_loop3A_513 = vector.broadcast %parallel_loop3A_512 : i32 to vector<16xi32>
        %parallel_loop3A_514 = arith.addi %parallel_loop3A_448, %parallel_loop3A_513 : vector<16xi32>
        %parallel_loop3A_515 = tpu.vector_load_idx %arg6[%parallel_loop3A_514] : memref<4096xi32, #tpu.memory_space<vmem>>[vector<16xi32>], vector<16xi32>,
        %parallel_loop3A_516 = arith.constant 2304 : i32
        %parallel_loop3A_517 = vector.broadcast %parallel_loop3A_516 : i32 to vector<16xi32>
        %parallel_loop3A_518 = arith.addi %parallel_loop3A_448, %parallel_loop3A_517 : vector<16xi32>
        %parallel_loop3A_519 = tpu.vector_load_idx %arg6[%parallel_loop3A_518] : memref<4096xi32, #tpu.memory_space<vmem>>[vector<16xi32>], vector<16xi32>,
        %parallel_loop3A_520 = arith.constant 2560 : i32
        %parallel_loop3A_521 = vector.broadcast %parallel_loop3A_520 : i32 to vector<16xi32>
        %parallel_loop3A_522 = arith.addi %parallel_loop3A_448, %parallel_loop3A_521 : vector<16xi32>
        %parallel_loop3A_523 = tpu.vector_load_idx %arg6[%parallel_loop3A_522] : memref<4096xi32, #tpu.memory_space<vmem>>[vector<16xi32>], vector<16xi32>,
        %parallel_loop3A_524 = arith.constant 2816 : i32
        %parallel_loop3A_525 = vector.broadcast %parallel_loop3A_524 : i32 to vector<16xi32>
        %parallel_loop3A_526 = arith.addi %parallel_loop3A_448, %parallel_loop3A_525 : vector<16xi32>
        %parallel_loop3A_527 = tpu.vector_load_idx %arg6[%parallel_loop3A_526] : memref<4096xi32, #tpu.memory_space<vmem>>[vector<16xi32>], vector<16xi32>,
        %parallel_loop3A_528 = arith.constant 3072 : i32
        %parallel_loop3A_529 = vector.broadcast %parallel_loop3A_528 : i32 to vector<16xi32>
        %parallel_loop3A_530 = arith.addi %parallel_loop3A_448, %parallel_loop3A_529 : vector<16xi32>
        %parallel_loop3A_531 = tpu.vector_load_idx %arg6[%parallel_loop3A_530] : memref<4096xi32, #tpu.memory_space<vmem>>[vector<16xi32>], vector<16xi32>,
        %parallel_loop3A_532 = arith.constant 3328 : i32
        %parallel_loop3A_533 = vector.broadcast %parallel_loop3A_532 : i32 to vector<16xi32>
        %parallel_loop3A_534 = arith.addi %parallel_loop3A_448, %parallel_loop3A_533 : vector<16xi32>
        %parallel_loop3A_535 = tpu.vector_load_idx %arg6[%parallel_loop3A_534] : memref<4096xi32, #tpu.memory_space<vmem>>[vector<16xi32>], vector<16xi32>,
        %parallel_loop3A_536 = arith.constant 3584 : i32
        %parallel_loop3A_537 = vector.broadcast %parallel_loop3A_536 : i32 to vector<16xi32>
        %parallel_loop3A_538 = arith.addi %parallel_loop3A_448, %parallel_loop3A_537 : vector<16xi32>
        %parallel_loop3A_539 = tpu.vector_load_idx %arg6[%parallel_loop3A_538] : memref<4096xi32, #tpu.memory_space<vmem>>[vector<16xi32>], vector<16xi32>,
        %parallel_loop3A_540 = arith.constant 3840 : i32
        %parallel_loop3A_541 = vector.broadcast %parallel_loop3A_540 : i32 to vector<16xi32>
        %parallel_loop3A_542 = arith.addi %parallel_loop3A_448, %parallel_loop3A_541 : vector<16xi32>
        %parallel_loop3A_543 = tpu.vector_load_idx %arg6[%parallel_loop3A_542] : memref<4096xi32, #tpu.memory_space<vmem>>[vector<16xi32>], vector<16xi32>,
        %parallel_loop3A_544 = arith.constant 16 : i32
        %parallel_loop3A_545 = vector.broadcast %parallel_loop3A_544 : i32 to vector<16xi32>
        %parallel_loop3A_546 = arith.shli %parallel_loop3A_483, %parallel_loop3A_545 : vector<16xi32>
        %parallel_loop3A_547 = vector.bitcast %parallel_loop3A_546 : vector<16xi32> to vector<16xf32>
        %parallel_loop3A_548 = arith.constant 1 : i32
        %parallel_loop3A_549 = arith.constant 0 : i32
        %parallel_loop3A_550 = arith.index_cast %parallel_loop3A_548 : i32 to index
        %parallel_loop3A_551 = arith.index_cast %parallel_loop3A_549 : i32 to index
        %parallel_loop3A_552 = arith.index_cast %parallel_loop3A_475 : i32 to index
        %parallel_loop3A_553 = arith.index_cast %parallel_loop3A_479 : i32 to index
        %parallel_loop3A_554 = tpu.vector_load %arg8[%parallel_loop3A_550, %parallel_loop3A_551, %parallel_loop3A_552, %parallel_loop3A_553] {strides = array<i32>} : memref<2x32x8x128xf32, #tpu.memory_space<vmem>>, vector<16xf32>,
        tpu.vector_store %arg8[%parallel_loop3A_550, %parallel_loop3A_551, %parallel_loop3A_552, %parallel_loop3A_553], %parallel_loop3A_547 {strides = array<i32>} : memref<2x32x8x128xf32, #tpu.memory_space<vmem>>, vector<16xf32>,
        %parallel_loop3A_555 = arith.constant -65536 : i32
        %parallel_loop3A_556 = vector.broadcast %parallel_loop3A_555 : i32 to vector<16xi32>
        %parallel_loop3A_557 = arith.andi %parallel_loop3A_483, %parallel_loop3A_556 : vector<16xi32>
        %parallel_loop3A_558 = vector.bitcast %parallel_loop3A_557 : vector<16xi32> to vector<16xf32>
        %parallel_loop3A_559 = arith.constant 1 : i32
        %parallel_loop3A_560 = arith.constant 1 : i32
        %parallel_loop3A_561 = arith.index_cast %parallel_loop3A_559 : i32 to index
        %parallel_loop3A_562 = arith.index_cast %parallel_loop3A_560 : i32 to index
        %parallel_loop3A_563 = arith.index_cast %parallel_loop3A_475 : i32 to index
        %parallel_loop3A_564 = arith.index_cast %parallel_loop3A_479 : i32 to index
        %parallel_loop3A_565 = tpu.vector_load %arg8[%parallel_loop3A_561, %parallel_loop3A_562, %parallel_loop3A_563, %parallel_loop3A_564] {strides = array<i32>} : memref<2x32x8x128xf32, #tpu.memory_space<vmem>>, vector<16xf32>,
        tpu.vector_store %arg8[%parallel_loop3A_561, %parallel_loop3A_562, %parallel_loop3A_563, %parallel_loop3A_564], %parallel_loop3A_558 {strides = array<i32>} : memref<2x32x8x128xf32, #tpu.memory_space<vmem>>, vector<16xf32>,
        %parallel_loop3A_566 = arith.constant 16 : i32
        %parallel_loop3A_567 = vector.broadcast %parallel_loop3A_566 : i32 to vector<16xi32>
        %parallel_loop3A_568 = arith.shli %parallel_loop3A_487, %parallel_loop3A_567 : vector<16xi32>
        %parallel_loop3A_569 = vector.bitcast %parallel_loop3A_568 : vector<16xi32> to vector<16xf32>
        %parallel_loop3A_570 = arith.constant 1 : i32
        %parallel_loop3A_571 = arith.constant 2 : i32
        %parallel_loop3A_572 = arith.index_cast %parallel_loop3A_570 : i32 to index
        %parallel_loop3A_573 = arith.index_cast %parallel_loop3A_571 : i32 to index
        %parallel_loop3A_574 = arith.index_cast %parallel_loop3A_475 : i32 to index
        %parallel_loop3A_575 = arith.index_cast %parallel_loop3A_479 : i32 to index
        %parallel_loop3A_576 = tpu.vector_load %arg8[%parallel_loop3A_572, %parallel_loop3A_573, %parallel_loop3A_574, %parallel_loop3A_575] {strides = array<i32>} : memref<2x32x8x128xf32, #tpu.memory_space<vmem>>, vector<16xf32>,
        tpu.vector_store %arg8[%parallel_loop3A_572, %parallel_loop3A_573, %parallel_loop3A_574, %parallel_loop3A_575], %parallel_loop3A_569 {strides = array<i32>} : memref<2x32x8x128xf32, #tpu.memory_space<vmem>>, vector<16xf32>,
        %parallel_loop3A_577 = arith.constant -65536 : i32
        %parallel_loop3A_578 = vector.broadcast %parallel_loop3A_577 : i32 to vector<16xi32>
        %parallel_loop3A_579 = arith.andi %parallel_loop3A_487, %parallel_loop3A_578 : vector<16xi32>
        %parallel_loop3A_580 = vector.bitcast %parallel_loop3A_579 : vector<16xi32> to vector<16xf32>
        %parallel_loop3A_581 = arith.constant 1 : i32
        %parallel_loop3A_582 = arith.constant 3 : i32
        %parallel_loop3A_583 = arith.index_cast %parallel_loop3A_581 : i32 to index
        %parallel_loop3A_584 = arith.index_cast %parallel_loop3A_582 : i32 to index
        %parallel_loop3A_585 = arith.index_cast %parallel_loop3A_475 : i32 to index
        %parallel_loop3A_586 = arith.index_cast %parallel_loop3A_479 : i32 to index
        %parallel_loop3A_587 = tpu.vector_load %arg8[%parallel_loop3A_583, %parallel_loop3A_584, %parallel_loop3A_585, %parallel_loop3A_586] {strides = array<i32>} : memref<2x32x8x128xf32, #tpu.memory_space<vmem>>, vector<16xf32>,
        tpu.vector_store %arg8[%parallel_loop3A_583, %parallel_loop3A_584, %parallel_loop3A_585, %parallel_loop3A_586], %parallel_loop3A_580 {strides = array<i32>} : memref<2x32x8x128xf32, #tpu.memory_space<vmem>>, vector<16xf32>,
        %parallel_loop3A_588 = arith.constant 16 : i32
        %parallel_loop3A_589 = vector.broadcast %parallel_loop3A_588 : i32 to vector<16xi32>
        %parallel_loop3A_590 = arith.shli %parallel_loop3A_491, %parallel_loop3A_589 : vector<16xi32>
        %parallel_loop3A_591 = vector.bitcast %parallel_loop3A_590 : vector<16xi32> to vector<16xf32>
        %parallel_loop3A_592 = arith.constant 1 : i32
        %parallel_loop3A_593 = arith.constant 4 : i32
        %parallel_loop3A_594 = arith.index_cast %parallel_loop3A_592 : i32 to index
        %parallel_loop3A_595 = arith.index_cast %parallel_loop3A_593 : i32 to index
        %parallel_loop3A_596 = arith.index_cast %parallel_loop3A_475 : i32 to index
        %parallel_loop3A_597 = arith.index_cast %parallel_loop3A_479 : i32 to index
        %parallel_loop3A_598 = tpu.vector_load %arg8[%parallel_loop3A_594, %parallel_loop3A_595, %parallel_loop3A_596, %parallel_loop3A_597] {strides = array<i32>} : memref<2x32x8x128xf32, #tpu.memory_space<vmem>>, vector<16xf32>,
        tpu.vector_store %arg8[%parallel_loop3A_594, %parallel_loop3A_595, %parallel_loop3A_596, %parallel_loop3A_597], %parallel_loop3A_591 {strides = array<i32>} : memref<2x32x8x128xf32, #tpu.memory_space<vmem>>, vector<16xf32>,
        %parallel_loop3A_599 = arith.constant -65536 : i32
        %parallel_loop3A_600 = vector.broadcast %parallel_loop3A_599 : i32 to vector<16xi32>
        %parallel_loop3A_601 = arith.andi %parallel_loop3A_491, %parallel_loop3A_600 : vector<16xi32>
        %parallel_loop3A_602 = vector.bitcast %parallel_loop3A_601 : vector<16xi32> to vector<16xf32>
        %parallel_loop3A_603 = arith.constant 1 : i32
        %parallel_loop3A_604 = arith.constant 5 : i32
        %parallel_loop3A_605 = arith.index_cast %parallel_loop3A_603 : i32 to index
        %parallel_loop3A_606 = arith.index_cast %parallel_loop3A_604 : i32 to index
        %parallel_loop3A_607 = arith.index_cast %parallel_loop3A_475 : i32 to index
        %parallel_loop3A_608 = arith.index_cast %parallel_loop3A_479 : i32 to index
        %parallel_loop3A_609 = tpu.vector_load %arg8[%parallel_loop3A_605, %parallel_loop3A_606, %parallel_loop3A_607, %parallel_loop3A_608] {strides = array<i32>} : memref<2x32x8x128xf32, #tpu.memory_space<vmem>>, vector<16xf32>,
        tpu.vector_store %arg8[%parallel_loop3A_605, %parallel_loop3A_606, %parallel_loop3A_607, %parallel_loop3A_608], %parallel_loop3A_602 {strides = array<i32>} : memref<2x32x8x128xf32, #tpu.memory_space<vmem>>, vector<16xf32>,
        %parallel_loop3A_610 = arith.constant 16 : i32
        %parallel_loop3A_611 = vector.broadcast %parallel_loop3A_610 : i32 to vector<16xi32>
        %parallel_loop3A_612 = arith.shli %parallel_loop3A_495, %parallel_loop3A_611 : vector<16xi32>
        %parallel_loop3A_613 = vector.bitcast %parallel_loop3A_612 : vector<16xi32> to vector<16xf32>
        %parallel_loop3A_614 = arith.constant 1 : i32
        %parallel_loop3A_615 = arith.constant 6 : i32
        %parallel_loop3A_616 = arith.index_cast %parallel_loop3A_614 : i32 to index
        %parallel_loop3A_617 = arith.index_cast %parallel_loop3A_615 : i32 to index
        %parallel_loop3A_618 = arith.index_cast %parallel_loop3A_475 : i32 to index
        %parallel_loop3A_619 = arith.index_cast %parallel_loop3A_479 : i32 to index
        %parallel_loop3A_620 = tpu.vector_load %arg8[%parallel_loop3A_616, %parallel_loop3A_617, %parallel_loop3A_618, %parallel_loop3A_619] {strides = array<i32>} : memref<2x32x8x128xf32, #tpu.memory_space<vmem>>, vector<16xf32>,
        tpu.vector_store %arg8[%parallel_loop3A_616, %parallel_loop3A_617, %parallel_loop3A_618, %parallel_loop3A_619], %parallel_loop3A_613 {strides = array<i32>} : memref<2x32x8x128xf32, #tpu.memory_space<vmem>>, vector<16xf32>,
        %parallel_loop3A_621 = arith.constant -65536 : i32
        %parallel_loop3A_622 = vector.broadcast %parallel_loop3A_621 : i32 to vector<16xi32>
        %parallel_loop3A_623 = arith.andi %parallel_loop3A_495, %parallel_loop3A_622 : vector<16xi32>
        %parallel_loop3A_624 = vector.bitcast %parallel_loop3A_623 : vector<16xi32> to vector<16xf32>
        %parallel_loop3A_625 = arith.constant 1 : i32
        %parallel_loop3A_626 = arith.constant 7 : i32
        %parallel_loop3A_627 = arith.index_cast %parallel_loop3A_625 : i32 to index
        %parallel_loop3A_628 = arith.index_cast %parallel_loop3A_626 : i32 to index
        %parallel_loop3A_629 = arith.index_cast %parallel_loop3A_475 : i32 to index
        %parallel_loop3A_630 = arith.index_cast %parallel_loop3A_479 : i32 to index
        %parallel_loop3A_631 = tpu.vector_load %arg8[%parallel_loop3A_627, %parallel_loop3A_628, %parallel_loop3A_629, %parallel_loop3A_630] {strides = array<i32>} : memref<2x32x8x128xf32, #tpu.memory_space<vmem>>, vector<16xf32>,
        tpu.vector_store %arg8[%parallel_loop3A_627, %parallel_loop3A_628, %parallel_loop3A_629, %parallel_loop3A_630], %parallel_loop3A_624 {strides = array<i32>} : memref<2x32x8x128xf32, #tpu.memory_space<vmem>>, vector<16xf32>,
        %parallel_loop3A_632 = arith.constant 16 : i32
        %parallel_loop3A_633 = vector.broadcast %parallel_loop3A_632 : i32 to vector<16xi32>
        %parallel_loop3A_634 = arith.shli %parallel_loop3A_499, %parallel_loop3A_633 : vector<16xi32>
        %parallel_loop3A_635 = vector.bitcast %parallel_loop3A_634 : vector<16xi32> to vector<16xf32>
        %parallel_loop3A_636 = arith.constant 1 : i32
        %parallel_loop3A_637 = arith.constant 8 : i32
        %parallel_loop3A_638 = arith.index_cast %parallel_loop3A_636 : i32 to index
        %parallel_loop3A_639 = arith.index_cast %parallel_loop3A_637 : i32 to index
        %parallel_loop3A_640 = arith.index_cast %parallel_loop3A_475 : i32 to index
        %parallel_loop3A_641 = arith.index_cast %parallel_loop3A_479 : i32 to index
        %parallel_loop3A_642 = tpu.vector_load %arg8[%parallel_loop3A_638, %parallel_loop3A_639, %parallel_loop3A_640, %parallel_loop3A_641] {strides = array<i32>} : memref<2x32x8x128xf32, #tpu.memory_space<vmem>>, vector<16xf32>,
        tpu.vector_store %arg8[%parallel_loop3A_638, %parallel_loop3A_639, %parallel_loop3A_640, %parallel_loop3A_641], %parallel_loop3A_635 {strides = array<i32>} : memref<2x32x8x128xf32, #tpu.memory_space<vmem>>, vector<16xf32>,
        %parallel_loop3A_643 = arith.constant -65536 : i32
        %parallel_loop3A_644 = vector.broadcast %parallel_loop3A_643 : i32 to vector<16xi32>
        %parallel_loop3A_645 = arith.andi %parallel_loop3A_499, %parallel_loop3A_644 : vector<16xi32>
        %parallel_loop3A_646 = vector.bitcast %parallel_loop3A_645 : vector<16xi32> to vector<16xf32>
        %parallel_loop3A_647 = arith.constant 1 : i32
        %parallel_loop3A_648 = arith.constant 9 : i32
        %parallel_loop3A_649 = arith.index_cast %parallel_loop3A_647 : i32 to index
        %parallel_loop3A_650 = arith.index_cast %parallel_loop3A_648 : i32 to index
        %parallel_loop3A_651 = arith.index_cast %parallel_loop3A_475 : i32 to index
        %parallel_loop3A_652 = arith.index_cast %parallel_loop3A_479 : i32 to index
        %parallel_loop3A_653 = tpu.vector_load %arg8[%parallel_loop3A_649, %parallel_loop3A_650, %parallel_loop3A_651, %parallel_loop3A_652] {strides = array<i32>} : memref<2x32x8x128xf32, #tpu.memory_space<vmem>>, vector<16xf32>,
        tpu.vector_store %arg8[%parallel_loop3A_649, %parallel_loop3A_650, %parallel_loop3A_651, %parallel_loop3A_652], %parallel_loop3A_646 {strides = array<i32>} : memref<2x32x8x128xf32, #tpu.memory_space<vmem>>, vector<16xf32>,
        %parallel_loop3A_654 = arith.constant 16 : i32
        %parallel_loop3A_655 = vector.broadcast %parallel_loop3A_654 : i32 to vector<16xi32>
        %parallel_loop3A_656 = arith.shli %parallel_loop3A_503, %parallel_loop3A_655 : vector<16xi32>
        %parallel_loop3A_657 = vector.bitcast %parallel_loop3A_656 : vector<16xi32> to vector<16xf32>
        %parallel_loop3A_658 = arith.constant 1 : i32
        %parallel_loop3A_659 = arith.constant 10 : i32
        %parallel_loop3A_660 = arith.index_cast %parallel_loop3A_658 : i32 to index
        %parallel_loop3A_661 = arith.index_cast %parallel_loop3A_659 : i32 to index
        %parallel_loop3A_662 = arith.index_cast %parallel_loop3A_475 : i32 to index
        %parallel_loop3A_663 = arith.index_cast %parallel_loop3A_479 : i32 to index
        %parallel_loop3A_664 = tpu.vector_load %arg8[%parallel_loop3A_660, %parallel_loop3A_661, %parallel_loop3A_662, %parallel_loop3A_663] {strides = array<i32>} : memref<2x32x8x128xf32, #tpu.memory_space<vmem>>, vector<16xf32>,
        tpu.vector_store %arg8[%parallel_loop3A_660, %parallel_loop3A_661, %parallel_loop3A_662, %parallel_loop3A_663], %parallel_loop3A_657 {strides = array<i32>} : memref<2x32x8x128xf32, #tpu.memory_space<vmem>>, vector<16xf32>,
        %parallel_loop3A_665 = arith.constant -65536 : i32
        %parallel_loop3A_666 = vector.broadcast %parallel_loop3A_665 : i32 to vector<16xi32>
        %parallel_loop3A_667 = arith.andi %parallel_loop3A_503, %parallel_loop3A_666 : vector<16xi32>
        %parallel_loop3A_668 = vector.bitcast %parallel_loop3A_667 : vector<16xi32> to vector<16xf32>
        %parallel_loop3A_669 = arith.constant 1 : i32
        %parallel_loop3A_670 = arith.constant 11 : i32
        %parallel_loop3A_671 = arith.index_cast %parallel_loop3A_669 : i32 to index
        %parallel_loop3A_672 = arith.index_cast %parallel_loop3A_670 : i32 to index
        %parallel_loop3A_673 = arith.index_cast %parallel_loop3A_475 : i32 to index
        %parallel_loop3A_674 = arith.index_cast %parallel_loop3A_479 : i32 to index
        %parallel_loop3A_675 = tpu.vector_load %arg8[%parallel_loop3A_671, %parallel_loop3A_672, %parallel_loop3A_673, %parallel_loop3A_674] {strides = array<i32>} : memref<2x32x8x128xf32, #tpu.memory_space<vmem>>, vector<16xf32>,
        tpu.vector_store %arg8[%parallel_loop3A_671, %parallel_loop3A_672, %parallel_loop3A_673, %parallel_loop3A_674], %parallel_loop3A_668 {strides = array<i32>} : memref<2x32x8x128xf32, #tpu.memory_space<vmem>>, vector<16xf32>,
        %parallel_loop3A_676 = arith.constant 16 : i32
        %parallel_loop3A_677 = vector.broadcast %parallel_loop3A_676 : i32 to vector<16xi32>
        %parallel_loop3A_678 = arith.shli %parallel_loop3A_507, %parallel_loop3A_677 : vector<16xi32>
        %parallel_loop3A_679 = vector.bitcast %parallel_loop3A_678 : vector<16xi32> to vector<16xf32>
        %parallel_loop3A_680 = arith.constant 1 : i32
        %parallel_loop3A_681 = arith.constant 12 : i32
        %parallel_loop3A_682 = arith.index_cast %parallel_loop3A_680 : i32 to index
        %parallel_loop3A_683 = arith.index_cast %parallel_loop3A_681 : i32 to index
        %parallel_loop3A_684 = arith.index_cast %parallel_loop3A_475 : i32 to index
        %parallel_loop3A_685 = arith.index_cast %parallel_loop3A_479 : i32 to index
        %parallel_loop3A_686 = tpu.vector_load %arg8[%parallel_loop3A_682, %parallel_loop3A_683, %parallel_loop3A_684, %parallel_loop3A_685] {strides = array<i32>} : memref<2x32x8x128xf32, #tpu.memory_space<vmem>>, vector<16xf32>,
        tpu.vector_store %arg8[%parallel_loop3A_682, %parallel_loop3A_683, %parallel_loop3A_684, %parallel_loop3A_685], %parallel_loop3A_679 {strides = array<i32>} : memref<2x32x8x128xf32, #tpu.memory_space<vmem>>, vector<16xf32>,
        %parallel_loop3A_687 = arith.constant -65536 : i32
        %parallel_loop3A_688 = vector.broadcast %parallel_loop3A_687 : i32 to vector<16xi32>
        %parallel_loop3A_689 = arith.andi %parallel_loop3A_507, %parallel_loop3A_688 : vector<16xi32>
        %parallel_loop3A_690 = vector.bitcast %parallel_loop3A_689 : vector<16xi32> to vector<16xf32>
        %parallel_loop3A_691 = arith.constant 1 : i32
        %parallel_loop3A_692 = arith.constant 13 : i32
        %parallel_loop3A_693 = arith.index_cast %parallel_loop3A_691 : i32 to index
        %parallel_loop3A_694 = arith.index_cast %parallel_loop3A_692 : i32 to index
        %parallel_loop3A_695 = arith.index_cast %parallel_loop3A_475 : i32 to index
        %parallel_loop3A_696 = arith.index_cast %parallel_loop3A_479 : i32 to index
        %parallel_loop3A_697 = tpu.vector_load %arg8[%parallel_loop3A_693, %parallel_loop3A_694, %parallel_loop3A_695, %parallel_loop3A_696] {strides = array<i32>} : memref<2x32x8x128xf32, #tpu.memory_space<vmem>>, vector<16xf32>,
        tpu.vector_store %arg8[%parallel_loop3A_693, %parallel_loop3A_694, %parallel_loop3A_695, %parallel_loop3A_696], %parallel_loop3A_690 {strides = array<i32>} : memref<2x32x8x128xf32, #tpu.memory_space<vmem>>, vector<16xf32>,
        %parallel_loop3A_698 = arith.constant 16 : i32
        %parallel_loop3A_699 = vector.broadcast %parallel_loop3A_698 : i32 to vector<16xi32>
        %parallel_loop3A_700 = arith.shli %parallel_loop3A_511, %parallel_loop3A_699 : vector<16xi32>
        %parallel_loop3A_701 = vector.bitcast %parallel_loop3A_700 : vector<16xi32> to vector<16xf32>
        %parallel_loop3A_702 = arith.constant 1 : i32
        %parallel_loop3A_703 = arith.constant 14 : i32
        %parallel_loop3A_704 = arith.index_cast %parallel_loop3A_702 : i32 to index
        %parallel_loop3A_705 = arith.index_cast %parallel_loop3A_703 : i32 to index
        %parallel_loop3A_706 = arith.index_cast %parallel_loop3A_475 : i32 to index
        %parallel_loop3A_707 = arith.index_cast %parallel_loop3A_479 : i32 to index
        %parallel_loop3A_708 = tpu.vector_load %arg8[%parallel_loop3A_704, %parallel_loop3A_705, %parallel_loop3A_706, %parallel_loop3A_707] {strides = array<i32>} : memref<2x32x8x128xf32, #tpu.memory_space<vmem>>, vector<16xf32>,
        tpu.vector_store %arg8[%parallel_loop3A_704, %parallel_loop3A_705, %parallel_loop3A_706, %parallel_loop3A_707], %parallel_loop3A_701 {strides = array<i32>} : memref<2x32x8x128xf32, #tpu.memory_space<vmem>>, vector<16xf32>,
        %parallel_loop3A_709 = arith.constant -65536 : i32
        %parallel_loop3A_710 = vector.broadcast %parallel_loop3A_709 : i32 to vector<16xi32>
        %parallel_loop3A_711 = arith.andi %parallel_loop3A_511, %parallel_loop3A_710 : vector<16xi32>
        %parallel_loop3A_712 = vector.bitcast %parallel_loop3A_711 : vector<16xi32> to vector<16xf32>
        %parallel_loop3A_713 = arith.constant 1 : i32
        %parallel_loop3A_714 = arith.constant 15 : i32
        %parallel_loop3A_715 = arith.index_cast %parallel_loop3A_713 : i32 to index
        %parallel_loop3A_716 = arith.index_cast %parallel_loop3A_714 : i32 to index
        %parallel_loop3A_717 = arith.index_cast %parallel_loop3A_475 : i32 to index
        %parallel_loop3A_718 = arith.index_cast %parallel_loop3A_479 : i32 to index
        %parallel_loop3A_719 = tpu.vector_load %arg8[%parallel_loop3A_715, %parallel_loop3A_716, %parallel_loop3A_717, %parallel_loop3A_718] {strides = array<i32>} : memref<2x32x8x128xf32, #tpu.memory_space<vmem>>, vector<16xf32>,
        tpu.vector_store %arg8[%parallel_loop3A_715, %parallel_loop3A_716, %parallel_loop3A_717, %parallel_loop3A_718], %parallel_loop3A_712 {strides = array<i32>} : memref<2x32x8x128xf32, #tpu.memory_space<vmem>>, vector<16xf32>,
        %parallel_loop3A_720 = arith.constant 16 : i32
        %parallel_loop3A_721 = vector.broadcast %parallel_loop3A_720 : i32 to vector<16xi32>
        %parallel_loop3A_722 = arith.shli %parallel_loop3A_515, %parallel_loop3A_721 : vector<16xi32>
        %parallel_loop3A_723 = vector.bitcast %parallel_loop3A_722 : vector<16xi32> to vector<16xf32>
        %parallel_loop3A_724 = arith.constant 1 : i32
        %parallel_loop3A_725 = arith.constant 16 : i32
        %parallel_loop3A_726 = arith.index_cast %parallel_loop3A_724 : i32 to index
        %parallel_loop3A_727 = arith.index_cast %parallel_loop3A_725 : i32 to index
        %parallel_loop3A_728 = arith.index_cast %parallel_loop3A_475 : i32 to index
        %parallel_loop3A_729 = arith.index_cast %parallel_loop3A_479 : i32 to index
        %parallel_loop3A_730 = tpu.vector_load %arg8[%parallel_loop3A_726, %parallel_loop3A_727, %parallel_loop3A_728, %parallel_loop3A_729] {strides = array<i32>} : memref<2x32x8x128xf32, #tpu.memory_space<vmem>>, vector<16xf32>,
        tpu.vector_store %arg8[%parallel_loop3A_726, %parallel_loop3A_727, %parallel_loop3A_728, %parallel_loop3A_729], %parallel_loop3A_723 {strides = array<i32>} : memref<2x32x8x128xf32, #tpu.memory_space<vmem>>, vector<16xf32>,
        %parallel_loop3A_731 = arith.constant -65536 : i32
        %parallel_loop3A_732 = vector.broadcast %parallel_loop3A_731 : i32 to vector<16xi32>
        %parallel_loop3A_733 = arith.andi %parallel_loop3A_515, %parallel_loop3A_732 : vector<16xi32>
        %parallel_loop3A_734 = vector.bitcast %parallel_loop3A_733 : vector<16xi32> to vector<16xf32>
        %parallel_loop3A_735 = arith.constant 1 : i32
        %parallel_loop3A_736 = arith.constant 17 : i32
        %parallel_loop3A_737 = arith.index_cast %parallel_loop3A_735 : i32 to index
        %parallel_loop3A_738 = arith.index_cast %parallel_loop3A_736 : i32 to index
        %parallel_loop3A_739 = arith.index_cast %parallel_loop3A_475 : i32 to index
        %parallel_loop3A_740 = arith.index_cast %parallel_loop3A_479 : i32 to index
        %parallel_loop3A_741 = tpu.vector_load %arg8[%parallel_loop3A_737, %parallel_loop3A_738, %parallel_loop3A_739, %parallel_loop3A_740] {strides = array<i32>} : memref<2x32x8x128xf32, #tpu.memory_space<vmem>>, vector<16xf32>,
        tpu.vector_store %arg8[%parallel_loop3A_737, %parallel_loop3A_738, %parallel_loop3A_739, %parallel_loop3A_740], %parallel_loop3A_734 {strides = array<i32>} : memref<2x32x8x128xf32, #tpu.memory_space<vmem>>, vector<16xf32>,
        %parallel_loop3A_742 = arith.constant 16 : i32
        %parallel_loop3A_743 = vector.broadcast %parallel_loop3A_742 : i32 to vector<16xi32>
        %parallel_loop3A_744 = arith.shli %parallel_loop3A_519, %parallel_loop3A_743 : vector<16xi32>
        %parallel_loop3A_745 = vector.bitcast %parallel_loop3A_744 : vector<16xi32> to vector<16xf32>
        %parallel_loop3A_746 = arith.constant 1 : i32
        %parallel_loop3A_747 = arith.constant 18 : i32
        %parallel_loop3A_748 = arith.index_cast %parallel_loop3A_746 : i32 to index
        %parallel_loop3A_749 = arith.index_cast %parallel_loop3A_747 : i32 to index
        %parallel_loop3A_750 = arith.index_cast %parallel_loop3A_475 : i32 to index
        %parallel_loop3A_751 = arith.index_cast %parallel_loop3A_479 : i32 to index
        %parallel_loop3A_752 = tpu.vector_load %arg8[%parallel_loop3A_748, %parallel_loop3A_749, %parallel_loop3A_750, %parallel_loop3A_751] {strides = array<i32>} : memref<2x32x8x128xf32, #tpu.memory_space<vmem>>, vector<16xf32>,
        tpu.vector_store %arg8[%parallel_loop3A_748, %parallel_loop3A_749, %parallel_loop3A_750, %parallel_loop3A_751], %parallel_loop3A_745 {strides = array<i32>} : memref<2x32x8x128xf32, #tpu.memory_space<vmem>>, vector<16xf32>,
        %parallel_loop3A_753 = arith.constant -65536 : i32
        %parallel_loop3A_754 = vector.broadcast %parallel_loop3A_753 : i32 to vector<16xi32>
        %parallel_loop3A_755 = arith.andi %parallel_loop3A_519, %parallel_loop3A_754 : vector<16xi32>
        %parallel_loop3A_756 = vector.bitcast %parallel_loop3A_755 : vector<16xi32> to vector<16xf32>
        %parallel_loop3A_757 = arith.constant 1 : i32
        %parallel_loop3A_758 = arith.constant 19 : i32
        %parallel_loop3A_759 = arith.index_cast %parallel_loop3A_757 : i32 to index
        %parallel_loop3A_760 = arith.index_cast %parallel_loop3A_758 : i32 to index
        %parallel_loop3A_761 = arith.index_cast %parallel_loop3A_475 : i32 to index
        %parallel_loop3A_762 = arith.index_cast %parallel_loop3A_479 : i32 to index
        %parallel_loop3A_763 = tpu.vector_load %arg8[%parallel_loop3A_759, %parallel_loop3A_760, %parallel_loop3A_761, %parallel_loop3A_762] {strides = array<i32>} : memref<2x32x8x128xf32, #tpu.memory_space<vmem>>, vector<16xf32>,
        tpu.vector_store %arg8[%parallel_loop3A_759, %parallel_loop3A_760, %parallel_loop3A_761, %parallel_loop3A_762], %parallel_loop3A_756 {strides = array<i32>} : memref<2x32x8x128xf32, #tpu.memory_space<vmem>>, vector<16xf32>,
        %parallel_loop3A_764 = arith.constant 16 : i32
        %parallel_loop3A_765 = vector.broadcast %parallel_loop3A_764 : i32 to vector<16xi32>
        %parallel_loop3A_766 = arith.shli %parallel_loop3A_523, %parallel_loop3A_765 : vector<16xi32>
        %parallel_loop3A_767 = vector.bitcast %parallel_loop3A_766 : vector<16xi32> to vector<16xf32>
        %parallel_loop3A_768 = arith.constant 1 : i32
        %parallel_loop3A_769 = arith.constant 20 : i32
        %parallel_loop3A_770 = arith.index_cast %parallel_loop3A_768 : i32 to index
        %parallel_loop3A_771 = arith.index_cast %parallel_loop3A_769 : i32 to index
        %parallel_loop3A_772 = arith.index_cast %parallel_loop3A_475 : i32 to index
        %parallel_loop3A_773 = arith.index_cast %parallel_loop3A_479 : i32 to index
        %parallel_loop3A_774 = tpu.vector_load %arg8[%parallel_loop3A_770, %parallel_loop3A_771, %parallel_loop3A_772, %parallel_loop3A_773] {strides = array<i32>} : memref<2x32x8x128xf32, #tpu.memory_space<vmem>>, vector<16xf32>,
        tpu.vector_store %arg8[%parallel_loop3A_770, %parallel_loop3A_771, %parallel_loop3A_772, %parallel_loop3A_773], %parallel_loop3A_767 {strides = array<i32>} : memref<2x32x8x128xf32, #tpu.memory_space<vmem>>, vector<16xf32>,
        %parallel_loop3A_775 = arith.constant -65536 : i32
        %parallel_loop3A_776 = vector.broadcast %parallel_loop3A_775 : i32 to vector<16xi32>
        %parallel_loop3A_777 = arith.andi %parallel_loop3A_523, %parallel_loop3A_776 : vector<16xi32>
        %parallel_loop3A_778 = vector.bitcast %parallel_loop3A_777 : vector<16xi32> to vector<16xf32>
        %parallel_loop3A_779 = arith.constant 1 : i32
        %parallel_loop3A_780 = arith.constant 21 : i32
        %parallel_loop3A_781 = arith.index_cast %parallel_loop3A_779 : i32 to index
        %parallel_loop3A_782 = arith.index_cast %parallel_loop3A_780 : i32 to index
        %parallel_loop3A_783 = arith.index_cast %parallel_loop3A_475 : i32 to index
        %parallel_loop3A_784 = arith.index_cast %parallel_loop3A_479 : i32 to index
        %parallel_loop3A_785 = tpu.vector_load %arg8[%parallel_loop3A_781, %parallel_loop3A_782, %parallel_loop3A_783, %parallel_loop3A_784] {strides = array<i32>} : memref<2x32x8x128xf32, #tpu.memory_space<vmem>>, vector<16xf32>,
        tpu.vector_store %arg8[%parallel_loop3A_781, %parallel_loop3A_782, %parallel_loop3A_783, %parallel_loop3A_784], %parallel_loop3A_778 {strides = array<i32>} : memref<2x32x8x128xf32, #tpu.memory_space<vmem>>, vector<16xf32>,
        %parallel_loop3A_786 = arith.constant 16 : i32
        %parallel_loop3A_787 = vector.broadcast %parallel_loop3A_786 : i32 to vector<16xi32>
        %parallel_loop3A_788 = arith.shli %parallel_loop3A_527, %parallel_loop3A_787 : vector<16xi32>
        %parallel_loop3A_789 = vector.bitcast %parallel_loop3A_788 : vector<16xi32> to vector<16xf32>
        %parallel_loop3A_790 = arith.constant 1 : i32
        %parallel_loop3A_791 = arith.constant 22 : i32
        %parallel_loop3A_792 = arith.index_cast %parallel_loop3A_790 : i32 to index
        %parallel_loop3A_793 = arith.index_cast %parallel_loop3A_791 : i32 to index
        %parallel_loop3A_794 = arith.index_cast %parallel_loop3A_475 : i32 to index
        %parallel_loop3A_795 = arith.index_cast %parallel_loop3A_479 : i32 to index
        %parallel_loop3A_796 = tpu.vector_load %arg8[%parallel_loop3A_792, %parallel_loop3A_793, %parallel_loop3A_794, %parallel_loop3A_795] {strides = array<i32>} : memref<2x32x8x128xf32, #tpu.memory_space<vmem>>, vector<16xf32>,
        tpu.vector_store %arg8[%parallel_loop3A_792, %parallel_loop3A_793, %parallel_loop3A_794, %parallel_loop3A_795], %parallel_loop3A_789 {strides = array<i32>} : memref<2x32x8x128xf32, #tpu.memory_space<vmem>>, vector<16xf32>,
        %parallel_loop3A_797 = arith.constant -65536 : i32
        %parallel_loop3A_798 = vector.broadcast %parallel_loop3A_797 : i32 to vector<16xi32>
        %parallel_loop3A_799 = arith.andi %parallel_loop3A_527, %parallel_loop3A_798 : vector<16xi32>
        %parallel_loop3A_800 = vector.bitcast %parallel_loop3A_799 : vector<16xi32> to vector<16xf32>
        %parallel_loop3A_801 = arith.constant 1 : i32
        %parallel_loop3A_802 = arith.constant 23 : i32
        %parallel_loop3A_803 = arith.index_cast %parallel_loop3A_801 : i32 to index
        %parallel_loop3A_804 = arith.index_cast %parallel_loop3A_802 : i32 to index
        %parallel_loop3A_805 = arith.index_cast %parallel_loop3A_475 : i32 to index
        %parallel_loop3A_806 = arith.index_cast %parallel_loop3A_479 : i32 to index
        %parallel_loop3A_807 = tpu.vector_load %arg8[%parallel_loop3A_803, %parallel_loop3A_804, %parallel_loop3A_805, %parallel_loop3A_806] {strides = array<i32>} : memref<2x32x8x128xf32, #tpu.memory_space<vmem>>, vector<16xf32>,
        tpu.vector_store %arg8[%parallel_loop3A_803, %parallel_loop3A_804, %parallel_loop3A_805, %parallel_loop3A_806], %parallel_loop3A_800 {strides = array<i32>} : memref<2x32x8x128xf32, #tpu.memory_space<vmem>>, vector<16xf32>,
        %parallel_loop3A_808 = arith.constant 16 : i32
        %parallel_loop3A_809 = vector.broadcast %parallel_loop3A_808 : i32 to vector<16xi32>
        %parallel_loop3A_810 = arith.shli %parallel_loop3A_531, %parallel_loop3A_809 : vector<16xi32>
        %parallel_loop3A_811 = vector.bitcast %parallel_loop3A_810 : vector<16xi32> to vector<16xf32>
        %parallel_loop3A_812 = arith.constant 1 : i32
        %parallel_loop3A_813 = arith.constant 24 : i32
        %parallel_loop3A_814 = arith.index_cast %parallel_loop3A_812 : i32 to index
        %parallel_loop3A_815 = arith.index_cast %parallel_loop3A_813 : i32 to index
        %parallel_loop3A_816 = arith.index_cast %parallel_loop3A_475 : i32 to index
        %parallel_loop3A_817 = arith.index_cast %parallel_loop3A_479 : i32 to index
        %parallel_loop3A_818 = tpu.vector_load %arg8[%parallel_loop3A_814, %parallel_loop3A_815, %parallel_loop3A_816, %parallel_loop3A_817] {strides = array<i32>} : memref<2x32x8x128xf32, #tpu.memory_space<vmem>>, vector<16xf32>,
        tpu.vector_store %arg8[%parallel_loop3A_814, %parallel_loop3A_815, %parallel_loop3A_816, %parallel_loop3A_817], %parallel_loop3A_811 {strides = array<i32>} : memref<2x32x8x128xf32, #tpu.memory_space<vmem>>, vector<16xf32>,
        %parallel_loop3A_819 = arith.constant -65536 : i32
        %parallel_loop3A_820 = vector.broadcast %parallel_loop3A_819 : i32 to vector<16xi32>
        %parallel_loop3A_821 = arith.andi %parallel_loop3A_531, %parallel_loop3A_820 : vector<16xi32>
        %parallel_loop3A_822 = vector.bitcast %parallel_loop3A_821 : vector<16xi32> to vector<16xf32>
        %parallel_loop3A_823 = arith.constant 1 : i32
        %parallel_loop3A_824 = arith.constant 25 : i32
        %parallel_loop3A_825 = arith.index_cast %parallel_loop3A_823 : i32 to index
        %parallel_loop3A_826 = arith.index_cast %parallel_loop3A_824 : i32 to index
        %parallel_loop3A_827 = arith.index_cast %parallel_loop3A_475 : i32 to index
        %parallel_loop3A_828 = arith.index_cast %parallel_loop3A_479 : i32 to index
        %parallel_loop3A_829 = tpu.vector_load %arg8[%parallel_loop3A_825, %parallel_loop3A_826, %parallel_loop3A_827, %parallel_loop3A_828] {strides = array<i32>} : memref<2x32x8x128xf32, #tpu.memory_space<vmem>>, vector<16xf32>,
        tpu.vector_store %arg8[%parallel_loop3A_825, %parallel_loop3A_826, %parallel_loop3A_827, %parallel_loop3A_828], %parallel_loop3A_822 {strides = array<i32>} : memref<2x32x8x128xf32, #tpu.memory_space<vmem>>, vector<16xf32>,
        %parallel_loop3A_830 = arith.constant 16 : i32
        %parallel_loop3A_831 = vector.broadcast %parallel_loop3A_830 : i32 to vector<16xi32>
        %parallel_loop3A_832 = arith.shli %parallel_loop3A_535, %parallel_loop3A_831 : vector<16xi32>
        %parallel_loop3A_833 = vector.bitcast %parallel_loop3A_832 : vector<16xi32> to vector<16xf32>
        %parallel_loop3A_834 = arith.constant 1 : i32
        %parallel_loop3A_835 = arith.constant 26 : i32
        %parallel_loop3A_836 = arith.index_cast %parallel_loop3A_834 : i32 to index
        %parallel_loop3A_837 = arith.index_cast %parallel_loop3A_835 : i32 to index
        %parallel_loop3A_838 = arith.index_cast %parallel_loop3A_475 : i32 to index
        %parallel_loop3A_839 = arith.index_cast %parallel_loop3A_479 : i32 to index
        %parallel_loop3A_840 = tpu.vector_load %arg8[%parallel_loop3A_836, %parallel_loop3A_837, %parallel_loop3A_838, %parallel_loop3A_839] {strides = array<i32>} : memref<2x32x8x128xf32, #tpu.memory_space<vmem>>, vector<16xf32>,
        tpu.vector_store %arg8[%parallel_loop3A_836, %parallel_loop3A_837, %parallel_loop3A_838, %parallel_loop3A_839], %parallel_loop3A_833 {strides = array<i32>} : memref<2x32x8x128xf32, #tpu.memory_space<vmem>>, vector<16xf32>,
        %parallel_loop3A_841 = arith.constant -65536 : i32
        %parallel_loop3A_842 = vector.broadcast %parallel_loop3A_841 : i32 to vector<16xi32>
        %parallel_loop3A_843 = arith.andi %parallel_loop3A_535, %parallel_loop3A_842 : vector<16xi32>
        %parallel_loop3A_844 = vector.bitcast %parallel_loop3A_843 : vector<16xi32> to vector<16xf32>
        %parallel_loop3A_845 = arith.constant 1 : i32
        %parallel_loop3A_846 = arith.constant 27 : i32
        %parallel_loop3A_847 = arith.index_cast %parallel_loop3A_845 : i32 to index
        %parallel_loop3A_848 = arith.index_cast %parallel_loop3A_846 : i32 to index
        %parallel_loop3A_849 = arith.index_cast %parallel_loop3A_475 : i32 to index
        %parallel_loop3A_850 = arith.index_cast %parallel_loop3A_479 : i32 to index
        %parallel_loop3A_851 = tpu.vector_load %arg8[%parallel_loop3A_847, %parallel_loop3A_848, %parallel_loop3A_849, %parallel_loop3A_850] {strides = array<i32>} : memref<2x32x8x128xf32, #tpu.memory_space<vmem>>, vector<16xf32>,
        tpu.vector_store %arg8[%parallel_loop3A_847, %parallel_loop3A_848, %parallel_loop3A_849, %parallel_loop3A_850], %parallel_loop3A_844 {strides = array<i32>} : memref<2x32x8x128xf32, #tpu.memory_space<vmem>>, vector<16xf32>,
        %parallel_loop3A_852 = arith.constant 16 : i32
        %parallel_loop3A_853 = vector.broadcast %parallel_loop3A_852 : i32 to vector<16xi32>
        %parallel_loop3A_854 = arith.shli %parallel_loop3A_539, %parallel_loop3A_853 : vector<16xi32>
        %parallel_loop3A_855 = vector.bitcast %parallel_loop3A_854 : vector<16xi32> to vector<16xf32>
        %parallel_loop3A_856 = arith.constant 1 : i32
        %parallel_loop3A_857 = arith.constant 28 : i32
        %parallel_loop3A_858 = arith.index_cast %parallel_loop3A_856 : i32 to index
        %parallel_loop3A_859 = arith.index_cast %parallel_loop3A_857 : i32 to index
        %parallel_loop3A_860 = arith.index_cast %parallel_loop3A_475 : i32 to index
        %parallel_loop3A_861 = arith.index_cast %parallel_loop3A_479 : i32 to index
        %parallel_loop3A_862 = tpu.vector_load %arg8[%parallel_loop3A_858, %parallel_loop3A_859, %parallel_loop3A_860, %parallel_loop3A_861] {strides = array<i32>} : memref<2x32x8x128xf32, #tpu.memory_space<vmem>>, vector<16xf32>,
        tpu.vector_store %arg8[%parallel_loop3A_858, %parallel_loop3A_859, %parallel_loop3A_860, %parallel_loop3A_861], %parallel_loop3A_855 {strides = array<i32>} : memref<2x32x8x128xf32, #tpu.memory_space<vmem>>, vector<16xf32>,
        %parallel_loop3A_863 = arith.constant -65536 : i32
        %parallel_loop3A_864 = vector.broadcast %parallel_loop3A_863 : i32 to vector<16xi32>
        %parallel_loop3A_865 = arith.andi %parallel_loop3A_539, %parallel_loop3A_864 : vector<16xi32>
        %parallel_loop3A_866 = vector.bitcast %parallel_loop3A_865 : vector<16xi32> to vector<16xf32>
        %parallel_loop3A_867 = arith.constant 1 : i32
        %parallel_loop3A_868 = arith.constant 29 : i32
        %parallel_loop3A_869 = arith.index_cast %parallel_loop3A_867 : i32 to index
        %parallel_loop3A_870 = arith.index_cast %parallel_loop3A_868 : i32 to index
        %parallel_loop3A_871 = arith.index_cast %parallel_loop3A_475 : i32 to index
        %parallel_loop3A_872 = arith.index_cast %parallel_loop3A_479 : i32 to index
        %parallel_loop3A_873 = tpu.vector_load %arg8[%parallel_loop3A_869, %parallel_loop3A_870, %parallel_loop3A_871, %parallel_loop3A_872] {strides = array<i32>} : memref<2x32x8x128xf32, #tpu.memory_space<vmem>>, vector<16xf32>,
        tpu.vector_store %arg8[%parallel_loop3A_869, %parallel_loop3A_870, %parallel_loop3A_871, %parallel_loop3A_872], %parallel_loop3A_866 {strides = array<i32>} : memref<2x32x8x128xf32, #tpu.memory_space<vmem>>, vector<16xf32>,
        %parallel_loop3A_874 = arith.constant 16 : i32
        %parallel_loop3A_875 = vector.broadcast %parallel_loop3A_874 : i32 to vector<16xi32>
        %parallel_loop3A_876 = arith.shli %parallel_loop3A_543, %parallel_loop3A_875 : vector<16xi32>
        %parallel_loop3A_877 = vector.bitcast %parallel_loop3A_876 : vector<16xi32> to vector<16xf32>
        %parallel_loop3A_878 = arith.constant 1 : i32
        %parallel_loop3A_879 = arith.constant 30 : i32
        %parallel_loop3A_880 = arith.index_cast %parallel_loop3A_878 : i32 to index
        %parallel_loop3A_881 = arith.index_cast %parallel_loop3A_879 : i32 to index
        %parallel_loop3A_882 = arith.index_cast %parallel_loop3A_475 : i32 to index
        %parallel_loop3A_883 = arith.index_cast %parallel_loop3A_479 : i32 to index
        %parallel_loop3A_884 = tpu.vector_load %arg8[%parallel_loop3A_880, %parallel_loop3A_881, %parallel_loop3A_882, %parallel_loop3A_883] {strides = array<i32>} : memref<2x32x8x128xf32, #tpu.memory_space<vmem>>, vector<16xf32>,
        tpu.vector_store %arg8[%parallel_loop3A_880, %parallel_loop3A_881, %parallel_loop3A_882, %parallel_loop3A_883], %parallel_loop3A_877 {strides = array<i32>} : memref<2x32x8x128xf32, #tpu.memory_space<vmem>>, vector<16xf32>,
        %parallel_loop3A_885 = arith.constant -65536 : i32
        %parallel_loop3A_886 = vector.broadcast %parallel_loop3A_885 : i32 to vector<16xi32>
        %parallel_loop3A_887 = arith.andi %parallel_loop3A_543, %parallel_loop3A_886 : vector<16xi32>
        %parallel_loop3A_888 = vector.bitcast %parallel_loop3A_887 : vector<16xi32> to vector<16xf32>
        %parallel_loop3A_889 = arith.constant 1 : i32
        %parallel_loop3A_890 = arith.constant 31 : i32
        %parallel_loop3A_891 = arith.index_cast %parallel_loop3A_889 : i32 to index
        %parallel_loop3A_892 = arith.index_cast %parallel_loop3A_890 : i32 to index
        %parallel_loop3A_893 = arith.index_cast %parallel_loop3A_475 : i32 to index
        %parallel_loop3A_894 = arith.index_cast %parallel_loop3A_479 : i32 to index
        %parallel_loop3A_895 = tpu.vector_load %arg8[%parallel_loop3A_891, %parallel_loop3A_892, %parallel_loop3A_893, %parallel_loop3A_894] {strides = array<i32>} : memref<2x32x8x128xf32, #tpu.memory_space<vmem>>, vector<16xf32>,
        tpu.vector_store %arg8[%parallel_loop3A_891, %parallel_loop3A_892, %parallel_loop3A_893, %parallel_loop3A_894], %parallel_loop3A_888 {strides = array<i32>} : memref<2x32x8x128xf32, #tpu.memory_space<vmem>>, vector<16xf32>,
        scf.yield %parallel_loop3A_473 : vector<16xi32>
      } {sc.loop_unroll_factor = 1 : i64, sc.parallel_access}
      %mul3A_383 = arith.constant 8 : i32
      %mul3A_384 = arith.muli %select_n3A_311, %mul3A_383 : i32
      %mul3A_385 = arith.constant 128 : i32
      %mul3A_386 = arith.muli %select_n3A_313, %mul3A_385 : i32
      %dma_start3A_387 = arith.constant 1 : i32
      %dma_start3A_388 = arith.constant 0 : i32
      %dma_start3A_389 = arith.constant 0 : i32
      %dma_start3A_390 = arith.constant 0 : i32
      %dma_start3A_391 = tpu.memref_slice %arg8[%dma_start3A_387, %dma_start3A_388, %dma_start3A_389, %dma_start3A_390] : memref<2x32x8x128xf32, #tpu.memory_space<vmem>> -> memref<1x32x8x128xf32, #tpu.memory_space<vmem>>
      %dma_start3A_392 = tpu.memref_squeeze %dma_start3A_391 : memref<1x32x8x128xf32, #tpu.memory_space<vmem>> -> memref<32x8x128xf32, #tpu.memory_space<vmem>>
      %dma_start3A_393 = arith.constant 0 : i32
      %dma_start3A_394 = tpu.memref_slice %arg4[%select_n3A_309, %dma_start3A_393, %mul3A_384, %mul3A_386] : memref<12x32x384x384xf32, #tpu.memory_space<hbm>> -> memref<1x32x8x128xf32, #tpu.memory_space<hbm>>
      %dma_start3A_395 = tpu.memref_squeeze %dma_start3A_394 : memref<1x32x8x128xf32, #tpu.memory_space<hbm>> -> memref<32x8x128xf32, #tpu.memory_space<hbm>>
      %dma_start3A_396 = arith.constant 0 : i32
      %dma_start3A_397 = tpu.memref_slice %arg4[%select_n3A_309, %dma_start3A_396, %mul3A_384, %mul3A_386] : memref<12x32x384x384xf32, #tpu.memory_space<hbm>> -> memref<1x32x8x128xf32, #tpu.memory_space<hbm>>
      %dma_start3A_398 = tpu.memref_squeeze %dma_start3A_397 : memref<1x32x8x128xf32, #tpu.memory_space<hbm>> -> memref<32x8x128xf32, #tpu.memory_space<hbm>>
      %dma_start3A_399 = arith.constant 0 : i32
      %dma_start3A_400 = arith.constant 0 : i32
      %dma_start3A_401 = arith.constant 0 : i32
      %dma_start3A_402 = tpu.memref_slice %arg8[%dma_start3A_387, %dma_start3A_399, %dma_start3A_400, %dma_start3A_401] : memref<2x32x8x128xf32, #tpu.memory_space<vmem>> -> memref<1x32x8x128xf32, #tpu.memory_space<vmem>>
      %dma_start3A_403 = tpu.memref_squeeze %dma_start3A_402 : memref<1x32x8x128xf32, #tpu.memory_space<vmem>> -> memref<32x8x128xf32, #tpu.memory_space<vmem>>
      tpu.enqueue_dma source(%dma_start3A_403 : memref<32x8x128xf32, #tpu.memory_space<vmem>>) target(%dma_start3A_398 : memref<32x8x128xf32, #tpu.memory_space<hbm>>) target_semaphore(%arg12 : memref<!tpu.dma_semaphore, #tpu.memory_space<semaphore_mem>>)
      %add3A_404 = arith.constant 1 : i32
      %add3A_405 = arith.addi %select_n3A_313, %add3A_404 : i32
      %ge3A_406 = arith.constant 3 : i32
      %ge3A_407 = arith.cmpi sge, %add3A_405, %ge3A_406 : i32
      %add3A_408 = arith.constant 1 : i32
      %add3A_409 = arith.addi %select_n3A_311, %add3A_408 : i32
      %select_n3A_410 = arith.select %ge3A_407, %add3A_409, %select_n3A_311 : i32
      %ge3A_411 = arith.constant 48 : i32
      %ge3A_412 = arith.cmpi sge, %select_n3A_410, %ge3A_411 : i32
      %add3A_413 = arith.constant 1 : i32
      %add3A_414 = arith.addi %select_n3A_309, %add3A_413 : i32
      %select_n3A_415 = arith.select %ge3A_412, %add3A_414, %select_n3A_309 : i32
      %jit3A_416 = arith.constant 0 : i32
      %select_n3A_417 = arith.select %ge3A_412, %jit3A_416, %select_n3A_410 : i32
      %jit3A_418 = arith.constant 0 : i32
      %select_n3A_419 = arith.select %ge3A_407, %jit3A_418, %add3A_405 : i32
      %add3A_420 = arith.constant 1 : i32
      %add3A_421 = arith.addi %select_n3A_419, %add3A_420 : i32
      %ge3A_422 = arith.constant 3 : i32
      %ge3A_423 = arith.cmpi sge, %add3A_421, %ge3A_422 : i32
      %add3A_424 = arith.constant 1 : i32
      %add3A_425 = arith.addi %select_n3A_417, %add3A_424 : i32
      %select_n3A_426 = arith.select %ge3A_423, %add3A_425, %select_n3A_417 : i32
      %ge3A_427 = arith.constant 48 : i32
      %ge3A_428 = arith.cmpi sge, %select_n3A_426, %ge3A_427 : i32
      %add3A_429 = arith.constant 1 : i32
      %add3A_430 = arith.addi %select_n3A_415, %add3A_429 : i32
      %select_n3A_431 = arith.select %ge3A_428, %add3A_430, %select_n3A_415 : i32
      %jit3A_432 = arith.constant 0 : i32
      %select_n3A_433 = arith.select %ge3A_428, %jit3A_432, %select_n3A_426 : i32
      %jit3A_434 = arith.constant 0 : i32
      %select_n3A_435 = arith.select %ge3A_423, %jit3A_434, %add3A_421 : i32
      %mul3A_436 = arith.constant 2 : i32
      %mul3A_437 = arith.muli %scan3A_237, %mul3A_436 : i32
      %add3A_438 = arith.constant 1 : i32
      %add3A_439 = arith.addi %mul3A_437, %add3A_438 : i32
      %add3A_440 = arith.constant 2 : i32
      %add3A_441 = arith.addi %add3A_439, %add3A_440 : i32
      %lt3A_442 = arith.constant 54 : i32
      %lt3A_443 = arith.cmpi slt, %add3A_441, %lt3A_442 : i32
      %convert_element_type3A_444 = arith.extui %lt3A_443 : i1 to i32
      %cond3A_445 = arith.constant 0 : i32
      %cond3A_446 = arith.cmpi ne, %convert_element_type3A_444, %cond3A_445 : i32
      scf.if %cond3A_446 {
        %mul3A_447 = arith.constant 8 : i32
        %mul3A_448 = arith.muli %select_n3A_433, %mul3A_447 : i32
        %mul3A_449 = arith.constant 128 : i32
        %mul3A_450 = arith.muli %select_n3A_435, %mul3A_449 : i32
        %dma_start3A_451 = arith.constant 1 : i32
        %dma_start3A_452 = arith.constant 0 : i32
        %dma_start3A_453 = arith.constant 0 : i32
        %dma_start3A_454 = tpu.memref_slice %arg7[%dma_start3A_451, %dma_start3A_452, %dma_start3A_453] : memref<2x8x128xf32, #tpu.memory_space<vmem>> -> memref<1x8x128xf32, #tpu.memory_space<vmem>>
        %dma_start3A_455 = tpu.memref_squeeze %dma_start3A_454 : memref<1x8x128xf32, #tpu.memory_space<vmem>> -> memref<8x128xf32, #tpu.memory_space<vmem>>
        %dma_start3A_456 = tpu.memref_slice %arg2[%select_n3A_431, %mul3A_448, %mul3A_450] : memref<12x384x384xf32, #tpu.memory_space<hbm>> -> memref<1x8x128xf32, #tpu.memory_space<hbm>>
        %dma_start3A_457 = tpu.memref_squeeze %dma_start3A_456 : memref<1x8x128xf32, #tpu.memory_space<hbm>> -> memref<8x128xf32, #tpu.memory_space<hbm>>
        %dma_start3A_458 = arith.constant 0 : i32
        %dma_start3A_459 = arith.constant 0 : i32
        %dma_start3A_460 = tpu.memref_slice %arg7[%dma_start3A_451, %dma_start3A_458, %dma_start3A_459] : memref<2x8x128xf32, #tpu.memory_space<vmem>> -> memref<1x8x128xf32, #tpu.memory_space<vmem>>
        %dma_start3A_461 = tpu.memref_squeeze %dma_start3A_460 : memref<1x8x128xf32, #tpu.memory_space<vmem>> -> memref<8x128xf32, #tpu.memory_space<vmem>>
        %dma_start3A_462 = tpu.memref_slice %arg2[%select_n3A_431, %mul3A_448, %mul3A_450] : memref<12x384x384xf32, #tpu.memory_space<hbm>> -> memref<1x8x128xf32, #tpu.memory_space<hbm>>
        %dma_start3A_463 = tpu.memref_squeeze %dma_start3A_462 : memref<1x8x128xf32, #tpu.memory_space<hbm>> -> memref<8x128xf32, #tpu.memory_space<hbm>>
        tpu.enqueue_dma source(%dma_start3A_463 : memref<8x128xf32, #tpu.memory_space<hbm>>) target(%dma_start3A_461 : memref<8x128xf32, #tpu.memory_space<vmem>>) target_semaphore(%arg10 : memref<!tpu.dma_semaphore, #tpu.memory_space<semaphore_mem>>)
      } else {
      }
      scf.yield %select_n3A_415, %select_n3A_417, %select_n3A_419 : i32, i32, i32
    }
    %scan3A_193 = arith.constant 27 : i32
    %dma_wait3A = arith.constant 0 : i32
    %dma_wait3A_194 = arith.constant 0 : i32
    %dma_wait3A_195 = arith.constant 0 : i32
    %dma_wait3A_196 = arith.constant 0 : i32
    %dma_wait3A_197 = arith.constant 0 : i32
    %dma_wait3A_198 = tpu.memref_slice %arg8[%dma_wait3A, %dma_wait3A_195, %dma_wait3A_196, %dma_wait3A_197] : memref<2x32x8x128xf32, #tpu.memory_space<vmem>> -> memref<1x32x8x128xf32, #tpu.memory_space<vmem>>
    %dma_wait3A_199 = tpu.memref_squeeze %dma_wait3A_198 : memref<1x32x8x128xf32, #tpu.memory_space<vmem>> -> memref<32x8x128xf32, #tpu.memory_space<vmem>>
    %dma_wait3A_200 = arith.constant 0 : i32
    %dma_wait3A_201 = arith.constant 0 : i32
    %dma_wait3A_202 = arith.constant 0 : i32
    %dma_wait3A_203 = tpu.memref_slice %arg4[%dma_wait3A_194, %dma_wait3A_200, %dma_wait3A_201, %dma_wait3A_202] : memref<12x32x384x384xf32, #tpu.memory_space<hbm>> -> memref<1x32x8x128xf32, #tpu.memory_space<hbm>>
    %dma_wait3A_204 = tpu.memref_squeeze %dma_wait3A_203 : memref<1x32x8x128xf32, #tpu.memory_space<hbm>> -> memref<32x8x128xf32, #tpu.memory_space<hbm>>
    %dma_wait3A_205 = arith.constant 0 : i32
    %dma_wait3A_206 = arith.constant 0 : i32
    %dma_wait3A_207 = arith.constant 0 : i32
    %dma_wait3A_208 = tpu.memref_slice %arg4[%dma_wait3A_194, %dma_wait3A_205, %dma_wait3A_206, %dma_wait3A_207] : memref<12x32x384x384xf32, #tpu.memory_space<hbm>> -> memref<1x32x8x128xf32, #tpu.memory_space<hbm>>
    %dma_wait3A_209 = tpu.memref_squeeze %dma_wait3A_208 : memref<1x32x8x128xf32, #tpu.memory_space<hbm>> -> memref<32x8x128xf32, #tpu.memory_space<hbm>>
    %dma_wait3A_210 = arith.constant 0 : i32
    %dma_wait3A_211 = arith.constant 0 : i32
    %dma_wait3A_212 = arith.constant 0 : i32
    %dma_wait3A_213 = tpu.memref_slice %arg8[%dma_wait3A, %dma_wait3A_210, %dma_wait3A_211, %dma_wait3A_212] : memref<2x32x8x128xf32, #tpu.memory_space<vmem>> -> memref<1x32x8x128xf32, #tpu.memory_space<vmem>>
    %dma_wait3A_214 = tpu.memref_squeeze %dma_wait3A_213 : memref<1x32x8x128xf32, #tpu.memory_space<vmem>> -> memref<32x8x128xf32, #tpu.memory_space<vmem>>
    tpu.wait_dma2 semaphore(%arg11 : memref<!tpu.dma_semaphore, #tpu.memory_space<semaphore_mem>>) src(%dma_wait3A_214 : memref<32x8x128xf32, #tpu.memory_space<vmem>>) dst(%dma_wait3A_209 : memref<32x8x128xf32, #tpu.memory_space<hbm>>)
    %dma_wait3A_215 = arith.constant 1 : i32
    %dma_wait3A_216 = arith.constant 0 : i32
    %dma_wait3A_217 = arith.constant 0 : i32
    %dma_wait3A_218 = arith.constant 0 : i32
    %dma_wait3A_219 = arith.constant 0 : i32
    %dma_wait3A_220 = tpu.memref_slice %arg8[%dma_wait3A_215, %dma_wait3A_217, %dma_wait3A_218, %dma_wait3A_219] : memref<2x32x8x128xf32, #tpu.memory_space<vmem>> -> memref<1x32x8x128xf32, #tpu.memory_space<vmem>>
    %dma_wait3A_221 = tpu.memref_squeeze %dma_wait3A_220 : memref<1x32x8x128xf32, #tpu.memory_space<vmem>> -> memref<32x8x128xf32, #tpu.memory_space<vmem>>
    %dma_wait3A_222 = arith.constant 0 : i32
    %dma_wait3A_223 = arith.constant 0 : i32
    %dma_wait3A_224 = arith.constant 0 : i32
    %dma_wait3A_225 = tpu.memref_slice %arg4[%dma_wait3A_216, %dma_wait3A_222, %dma_wait3A_223, %dma_wait3A_224] : memref<12x32x384x384xf32, #tpu.memory_space<hbm>> -> memref<1x32x8x128xf32, #tpu.memory_space<hbm>>
    %dma_wait3A_226 = tpu.memref_squeeze %dma_wait3A_225 : memref<1x32x8x128xf32, #tpu.memory_space<hbm>> -> memref<32x8x128xf32, #tpu.memory_space<hbm>>
    %dma_wait3A_227 = arith.constant 0 : i32
    %dma_wait3A_228 = arith.constant 0 : i32
    %dma_wait3A_229 = arith.constant 0 : i32
    %dma_wait3A_230 = tpu.memref_slice %arg4[%dma_wait3A_216, %dma_wait3A_227, %dma_wait3A_228, %dma_wait3A_229] : memref<12x32x384x384xf32, #tpu.memory_space<hbm>> -> memref<1x32x8x128xf32, #tpu.memory_space<hbm>>
    %dma_wait3A_231 = tpu.memref_squeeze %dma_wait3A_230 : memref<1x32x8x128xf32, #tpu.memory_space<hbm>> -> memref<32x8x128xf32, #tpu.memory_space<hbm>>
    %dma_wait3A_232 = arith.constant 0 : i32
    %dma_wait3A_233 = arith.constant 0 : i32
    %dma_wait3A_234 = arith.constant 0 : i32
    %dma_wait3A_235 = tpu.memref_slice %arg8[%dma_wait3A_215, %dma_wait3A_232, %dma_wait3A_233, %dma_wait3A_234] : memref<2x32x8x128xf32, #tpu.memory_space<vmem>> -> memref<1x32x8x128xf32, #tpu.memory_space<vmem>>
    %dma_wait3A_236 = tpu.memref_squeeze %dma_wait3A_235 : memref<1x32x8x128xf32, #tpu.memory_space<vmem>> -> memref<32x8x128xf32, #tpu.memory_space<vmem>>
    tpu.wait_dma2 semaphore(%arg12 : memref<!tpu.dma_semaphore, #tpu.memory_space<semaphore_mem>>) src(%dma_wait3A_236 : memref<32x8x128xf32, #tpu.memory_space<vmem>>) dst(%dma_wait3A_231 : memref<32x8x128xf32, #tpu.memory_space<hbm>>)
    return
  }
}

</mosaic_0001>

<sc_bundles>
// kernel: kernel.3.cloned.1.call-start
scs
__scs_entry_jumppad:
0x0: {  	(pc) =	sbr.rel $0x88, $3  }
0x1: {  	(tag) =	ssettag $0x0;
	lr =	simm.s32 $0x1  }
0x2: {  	[smem:$0x3F9F] =	sst lr;
	_ =	strace $0xD0000000  }
0x3: {  	_ = 	snop  }
0x4: {  	_ = 	snop  }
0x5: {  	_ = 	snop  }
0x6: {  	_ = 	snop  }
0x7: {  	_ = 	snop  }
__scs_overlays_trampoline_lowered:
0x8: {  	[smem:$0x3FAE] =	sst s0  }
0x9: {  	[smem:$0x3FAF] =	sst s1  }
0xa: {  	[smem:$0x3FB0] =	sst s2  }
0xb: {  	[smem:$0x3FB1] =	sst s3  }
0xc: {  	[smem:$0x3FB2] =	sst s4  }
0xd: {  	[smem:$0x3FB3] =	sst s5  }
0xe: {  	[smem:$0x3FB4] =	sst s6  }
0xf: {  	[smem:$0x3FB5] =	sst s7  }
0x10: {  	[smem:$0x3FB6] =	sst s8  }
0x11: {  	[smem:$0x3FB7] =	sst s9;
	s0 =	simm.s32 @!p0 $0x0  }
0x12: {  	s1 =	sld [smem:$0x3F9D];
	s0 =	simm.s32 @p0 $0x1  }
0x13: {  	[smem:$0x3FB8] =	sst s0;
	s0 =	simm.s32 @!p1 $0x0  }
0x14: {  	s2 =	sld [smem:$0x3F9C];
	s0 =	simm.s32 @p1 $0x1  }
0x15: {  	[smem:$0x3FB9] =	sst s0;
	s0 =	simm.s32 @!p2 $0x0  }
0x16: {  	s3 =	sld [smem:$0x3FDB];
	s0 =	simm.s32 @p2 $0x1  }
0x17: {  	s4 =	simm.s32 $0x1BF5;
	[smem:$0x3FBB] =	sst s0  }
0x18: {  	s0 =	sld [smem:$0x3F9E];
	_ =	swait.ge [sflag:s4], $0x0  }
0x19: {  	s7 =	sld [smem:$0x3F9F]  }
0x1a: {  	s8 =	sadd.s32 $0xFFFFE003, lr  }
0x1b: {  	s9 =	sadd.s32 $0xFFFFFEF7, lr;
	s5 =	simm.s32 $0xFFFFFFFF;
	p2 =	slt.u32 s8, $0xFFFFF086  }
0x1c: {  	p1 =	slt.u32 s9, $0xF7A;
	s5 =	simm.s32 @!p2 $0x0  }
0x1d: {  	s5 =	simm.s32 @p1 $0x1;
	p0 =	seq.s32 s7, s2  }
0x1e: {  	s7 =	smul.u32 @!p0 $0xF7A, s2;
	p2 =	seq.s32 @!p0 s5, $0x0  }
0x1f: {  	s9 =	smul.u32 $0xF7A, s1;
	s8 =	simm.s32 @!p0 $0x1BF5;
	p2 =	por !p2, p0  }
0x20: {  	[sflag:s8] =	ssyncset.s32 @!p0 $0xFFFFF086;
	s6 =	sadd.s32 @!p0 s3, s7;
	s7 =	simm.s32 @!p0 $0x108  }
0x21: {  	s3 =	sadd.s32 s3, s9;
	s6 =	sadd.s32 @!p0 $0x88, s6;
	s7 =	simm.s32 @p2 $0x1082  }
0x22: {  	[simem:s7], [sflag:s8] =	dma.local @!p0 [hbm:s6], $0xF7A  }
0x23: {  	s9 =	sor.u32 $0xD0000000, s2;
	s6 =	simm.s32 $0x108;
	_ =	swait.ge @!p0 [sflag:s8], $0x0  }
0x24: {  	s3 =	sadd.s32 $0x88, s3;
	s6 =	simm.s32 @!p1 $0x1082;
	[sflag:s4] =	ssyncset.s32 $0xFFFFF086  }
0x25: {  	[simem:s6], [sflag:s4] =	dma.local [hbm:s3], $0xF7A  }
0x26: {  	[smem:$0x3F9F] =	sst s1;
	(tag) =	ssettag s2;
	_ =	strace s9  }
0x27: {  	s1 =	sld [smem:$0x3FAF]  }
0x28: {  	s2 =	sld [smem:$0x3FB0]  }
0x29: {  	s4 =	sld [smem:$0x3FB2]  }
0x2a: {  	p0 =	seq.s32 s5, $0x0;
	s5 =	sld [smem:$0x3FB3]  }
0x2b: {  	s6 =	sld [smem:$0x3FB4]  }
0x2c: {  	s7 =	sld [smem:$0x3FB5]  }
0x2d: {  	s3 =	simm.s32 $0x108;
	s8 =	sld [smem:$0x3FB6]  }
0x2e: {  	s3 =	simm.s32 @!p0 $0x1082;
	s9 =	sld [smem:$0x3FB7]  }
0x2f: {  	lr =	sadd.s32 s0, s3;
	s0 =	sld [smem:$0x3FAE]  }
0x30: {  	s3 =	sld [smem:$0x3FB1]  }
0x31: {  	[smem:$0x3FBA] =	sst s10  }
0x32: {  	s10 =	sld [smem:$0x3FB8];
	_ =	sdelay $0x3  }
0x33: {  	p0 =	seq.s32 s10, $0x1;
	s10 =	sld [smem:$0x3FBA];
	_ =	sdelay $0x3  }
0x34: {  	[smem:$0x3FBA] =	sst s10  }
0x35: {  	s10 =	sld [smem:$0x3FB9];
	_ =	sdelay $0x3  }
0x36: {  	p1 =	seq.s32 s10, $0x1;
	s10 =	sld [smem:$0x3FBA];
	_ =	sdelay $0x3  }
0x37: {  	[smem:$0x3FBA] =	sst s10  }
0x38: {  	s10 =	sld [smem:$0x3FBB]  }
0x39: {  	_ = 	snop;
	(pc) =	sbr.ind lr, $3  }
0x3a: {  	_ = 	snop  }
0x3b: {  	_ = 	snop  }
0x3c: {  	p2 =	seq.s32 s10, $0x1;
	s10 =	sld [smem:$0x3FBA]  }
0x3d: {  	_ =	shalt  }
0x3e: {  	_ =	shalt  }
0x3f: {  	_ =	shalt  }
0x40: {  	_ =	shalt  }
0x41: {  	_ =	shalt  }
0x42: {  	_ =	shalt  }
0x43: {  	_ =	shalt  }
0x44: {  	_ =	shalt  }
0x45: {  	_ =	shalt  }
0x46: {  	_ =	shalt  }
0x47: {  	_ =	shalt  }
0x48: {  	_ =	shalt  }
0x49: {  	_ =	shalt  }
0x4a: {  	_ =	shalt  }
0x4b: {  	_ =	shalt  }
0x4c: {  	_ =	shalt  }
0x4d: {  	_ =	shalt  }
0x4e: {  	_ =	shalt  }
0x4f: {  	_ =	shalt  }
0x50: {  	_ =	shalt  }
0x51: {  	_ =	shalt  }
0x52: {  	_ =	shalt  }
0x53: {  	_ =	shalt  }
0x54: {  	_ =	shalt  }
0x55: {  	_ =	shalt  }
0x56: {  	_ =	shalt  }
0x57: {  	_ =	shalt  }
0x58: {  	_ =	shalt  }
0x59: {  	_ =	shalt  }
0x5a: {  	_ =	shalt  }
0x5b: {  	_ =	shalt  }
0x5c: {  	_ =	shalt  }
0x5d: {  	_ =	shalt  }
0x5e: {  	_ =	shalt  }
0x5f: {  	_ =	shalt  }
0x60: {  	_ =	shalt  }
0x61: {  	_ =	shalt  }
0x62: {  	_ =	shalt  }
0x63: {  	_ =	shalt  }
0x64: {  	_ =	shalt  }
0x65: {  	_ =	shalt  }
0x66: {  	_ =	shalt  }
0x67: {  	_ =	shalt  }
0x68: {  	_ =	shalt  }
0x69: {  	_ =	shalt  }
0x6a: {  	_ =	shalt  }
0x6b: {  	_ =	shalt  }
0x6c: {  	_ =	shalt  }
0x6d: {  	_ =	shalt  }
0x6e: {  	_ =	shalt  }
0x6f: {  	_ =	shalt  }
0x70: {  	_ =	shalt  }
0x71: {  	_ =	shalt  }
0x72: {  	_ =	shalt  }
0x73: {  	_ =	shalt  }
0x74: {  	_ =	shalt  }
0x75: {  	_ =	shalt  }
0x76: {  	_ =	shalt  }
0x77: {  	_ =	shalt  }
0x78: {  	_ =	shalt  }
0x79: {  	_ =	shalt  }
0x7a: {  	_ =	shalt  }
0x7b: {  	_ =	shalt  }
0x7c: {  	_ =	shalt  }
0x7d: {  	_ =	shalt  }
0x7e: {  	_ =	shalt  }
0x7f: {  	_ =	shalt  }
0x80: {  	_ =	shalt  }
0x81: {  	_ =	shalt  }
0x82: {  	_ =	shalt  }
0x83: {  	_ =	shalt  }
0x84: {  	_ =	shalt  }
0x85: {  	_ =	shalt  }
0x86: {  	_ =	shalt  }
0x87: {  	_ =	shalt  }
.Lfunc_end0:
.L_simem_size_0:
called_computation_lowered:
.L_overlay_start_0:
0x88: {  	s2 =	sld [smem:$0x3FD9]  }
0x89: {  	s3 =	sld [smem:$0x3FFE];
	_ =	sdelay $0x1  }
0x8a: {  	s1 =	srdreg.scid  }
0x8b: {  	s0 =	sand.u32 $0x1, s1  }
0x8c: {  	s17 =	sshll.u32 s0, $0xA;
	s2 =	sadd.s32 s3, s2  }
0x8d: {  	s2 =	sadd.s32 s2, s17  }
0x8e: {  	[smem:$0x3FC6] =	sst s2  }
0x8f: {  	_ = 	snop  }
0x90: {  	s2 =	sld [smem:$0x3FC9]  }
0x91: {  	s18 =	sld [smem:$0x3FD0];
	(tm) =	ssettm $0x1  }
0x92: {  	s4 =	sld [smem:$0x3FFB];
	_ =	sdelay $0x3  }
0x93: {  	_ =	strace s4  }
0x94: {  	s4 =	sld [smem:$0x3FFC];
	_ =	sdelay $0x3  }
0x95: {  	_ =	strace s4  }
0x96: {  	s4 =	sld [smem:$0x3FFD];
	_ =	sdelay $0x3  }
0x97: {  	_ =	strace s4  }
0x98: {  	_ =	strace $0x8FFFFFFF  }
0x99: {  	s19 =	sld [smem:$0x3FDB];
	_ =	sdelay $0x1  }
0x9a: {  	s5 =	simm.s32 $_scs_section_size  }
0x9b: {  	s6 =	simm.s32 $_size__tile_overlayer_lowered;
	s7 =	simm.s32 $_tile_overlayer_lowered  }
0x9c: {  	s22 =	simm.s32 $0x1BFF;
	s21 =	sshll.u32 s7, $0x1;
	s4 =	sadd.s32 s5, s19  }
0x9d: {  	s8 =	simm.s32 $0x0;
	s20 =	sshll.u32 s6, $0x1;
	s6 =	sadd.s32 s21, s4  }
0x9e: {  	[timem:s8], [sflag:s22] =	dma.local [hbm:s6], s20  }
0x9f: {  	_ =	swait.ge [sflag:s22], s20  }
0xa0: {  	s5 =	ssub.s32 $0x0, s20;
	[sflag:s22] =	ssyncset.done $0x0  }
0xa1: {  	[sflag:s22] =	ssyncadd.s32 s5;
	_ =	sdelay $0x1  }
0xa2: {  	s23 =	simm.s32 $0x1B8B  }
0xa3: {  	_ =	swait.ge [sflag:s23], $0x1  }
0xa4: {  	[sflag:s23] =	ssyncset.done $0x0  }
0xa5: {  	s25 =	simm.s32 $0x1B8E;
	s24 =	sld [smem:$0x3FFE];
	[sflag:s23] =	ssyncadd.s32 $0xFFFFFFFF  }
0xa6: {  	s26 =	simm.s32 $execute0_lowered;
	[smem:$0x3FD2] =	sst s25  }
0xa7: {  	s6 =	sshll.u32 s26, $0x1;
	_ =	strace $0x80000046;
	[dreg:$0x1] =	wrdreg $0xFFFFFFFF  }
0xa8: {  	s28 =	simm.s32 $_size_execute0_lowered;
	s4 =	sadd.s32 s4, s6;
	[dreg:$0x0] =	wrdreg $0x0  }
0xa9: {  	s6 =	sshll.u32 s28, $0x1;
	[dreg:$0x2] =	wrdreg s4  }
0xaa: {  	[dreg:$0x3] =	wrdreg s6  }
0xab: {  	[dreg:$0x4] =	wrdreg $0xC0  }
0xac: {  	_ =	task [dreg:s8], $0x5FFFF  }
0xad: {  	[dreg:$0x1] =	wrdreg $0xFFFFFFFF  }
0xae: {  	[dreg:$0x0] =	wrdreg $0x60  }
0xaf: {  	[dreg:$0x2] =	wrdreg s2  }
0xb0: {  	[dreg:$0x3] =	wrdreg s24  }
0xb1: {  	[dreg:$0x4] =	wrdreg s18  }
0xb2: {  	[dreg:$0x5] =	wrdreg $0x9  }
0xb3: {  	_ =	task.clear_ibuf [dreg:s8], $0x6FFFF;
	_ =	strace $0x90000046  }
0xb4: {  	s29 =	simm.s32 $0x9;
	_ =	strace $0x80000048  }
0xb5: {  	_ =	swait.ge [sflag:s29], $0x1  }
0xb6: {  	[sflag:s29] =	ssyncadd.s32 $0xFFFFFFFF  }
0xb7: {  	_ =	strace $0x90000048  }
0xb8: {  	_ =	sfence  }
0xb9: {  	s30 =	sld [smem:$0x0];
	_ =	sdelay $0x2  }
0xba: {  	s31 =	sshll.u32 s1, $0xD;
	s1 =	sshrl.u32 s1, $0x2  }
0xbb: {  	s3 =	sand.u32 $0x4000, s31;
	s1 =	sadd.s32 s1, s30  }
0xbc: {  	s0 =	sor.u32 s3, s0;
	s1 =	sshll.u32 s1, $0x11  }
0xbd: {  	s0 =	sor.u32 s1, s0  }
0xbe: {  	s0 =	sadd.s32 $0x8F2B, s0  }
0xbf: {  	[sflag:s0] =	ssyncadd.remote.s32 $0x1  }
0xc0: {  	_ =	sfence.sel $0xFFFF  }
0xc1: {  	[dreg:$0x0] =	wrdreg $0xFFFFFFFF;
	(pc) =	sbr.abs _section_cstart, $3  }
0xc2: {  	[dreg:$0x1] =	wrdreg $0xFFFFFFFF  }
0xc3: {  	_ =	task.clear_ibuf [dreg:s8], $0x2FFFF;
	_ =	strace $0x9FFFFFFF  }
0xc4: {  	(tm) =	ssettm $0x7FFFFFFF  }
0xc5: {  	_ =	shalt  }
tec
execute0_lowered:
.L_overlay_start_1:
0x0: {  	(tag) =	ssettag $0x1  }
0x1: {  	s0 =	srdreg.scid;
	s1 =	stileid.u32  }
0x2: {  	s0 =	sand.u32 $0x1, s0;
	s1 =	sshll.u32 s1, $0x1  }
0x3: {  	s1 =	sor.u32 s0, s1  }
0x4: {  	s2 =	smul.u32 $0x180030, s1;
	_ =	sdelay $0x1  }
0x5: {  	s3 =	smul.u32 $0x36, s1;
	s1 =	sshrl.u32 s2, $0x16  }
0x6: {  	s2 =	smul.u32 $0xFFFFFF70, s1  }
0x7: {  	s4 =	rddreg [dreg:$0x0]  }
0x8: {  	s8 =	rddreg [dreg:$0x1];
	s3 =	sadd.s32 s3, s2  }
0x9: {  	s6 =	rddreg [dreg:$0x2];
	s7 =	simm.s32 $0x0;
	s2 =	smul.u32 $0x5556, s3  }
0xa: {  	s9 =	simm.s32 $0x1;
	s13 =	simm.s32 $0x5;
	s14 =	simm.s32 $0x3000  }
0xb: {  	s15 =	simm.s32 $0x3400;
	s16 =	simm.s32 $0x2000;
	s2 =	sshra.s32 s2, $0x10  }
0xc: {  	s17 =	simm.s32 $0x400;
	s18 =	simm.s32 $0x24000;
	s5 =	smul.u32 $0xFFFFFFFD, s2  }
0xd: {  	s19 =	simm.s32 $0x3800;
	s20 =	simm.s32 $0x2;
	s21 =	simm.s32 $0x4  }
0xe: {  	s22 =	simm.s32 $0xB800;
	s23 =	simm.s32 $0x3;
	s11 =	sadd.s32 s3, s5  }
0xf: {  	[smem:$0x7FF] =	sst s7;
	s3 =	simm.s32 $0x1;
	p0 =	sgt.s32 s11, $0x1  }
0x10: {  	s8 =	sadd.s32 $0x400, s8;
	_ =	strace $0x80000047;
	s3 =	simm.s32 @!p0 $0x0  }
0x11: {  	[dreg:$0x5] =	wrdreg s8;
	s0 =	ssub.s32 $0x2, s0;
	s3 =	sadd.s32 s3, s2  }
0x12: {  	s31 =	sshrl.u32 s0, $0x1;
	s29 =	smul.u32 $0x24000, s1;
	p1 =	sgt.s32 s3, $0x2F  }
0x13: {  	s10 =	smul.u32 $0xC00, s2;
	[dreg:$0x4] =	wrdreg s11;
	s9 =	simm.s32 @!p1 $0x0  }
0x14: {  	s11 =	sshll.u32 s11, $0xA;
	s3 =	smul.u32 $0xC00, s3;
	s9 =	sadd.s32 s9, s1  }
0x15: {  	s0 =	ssub.s32 s0, s31;
	s30 =	smul.u32 $0x24000, s9;
	s9 =	sadd.s32 $0x400, s11  }
0x16: {  	s5 =	sadd.s32 s29, s10;
	s3 =	simm.s32 @p1 $0x0;
	s9 =	simm.s32 @p0 $0x0  }
.Ltmp0:
0x17: {  	s5 =	sadd.s32 s11, s5;
	s3 =	sadd.s32 s9, s3;
	(pc) =	sbr.rel .LBB2_1-.Ltmp0, $4  }
0x18: {  	s0 =	smax.u32 s0, $0x1;
	s5 =	sshrl.u32 s5, $0x3;
	s3 =	sadd.s32 s30, s3  }
0x19: {  	v0 =	vlaneseq.u32;
	[dreg:$0x8] =	wrdreg s0;
	s5 =	sadd.s32 s4, s5;
	s3 =	sshrl.u32 s3, $0x3  }
0x1a: {  	v1 =	vimm.f32 $1.000000000e+00;
	s24 =	simm.s32 $0x0;
	v0 =	vmul.u32 $0x20, v0;
	[dreg:$0x6] =	wrdreg s5;
	s3 =	sadd.s32 s4, s3  }
0x1b: {  	s25 =	simm.s32 $0x0;
	v1 =	vand.u32 $0x7FFFFFFF, v1;
	s10 =	simm.s32 $0x1;
	[dreg:$0x7] =	wrdreg s3  }
.LBB2_89:
0x1c: {  	_ =	swait.ge [sflag:s23], $0x8000  }
0x1d: {  	[sflag:s23] =	ssyncset.done $0x0  }
0x1e: {  	[sflag:s23] =	ssyncadd.s32 $0xFFFF8000  }
0x1f: {  	_ =	swait.ge [sflag:s21], $0x8000  }
0x20: {  	s24 =	sadd.s32 $0x1, s24;
	s0 =	rddreg [dreg:$0x8]  }
0x21: {  	p0 =	sne.s32 s24, s0  }
.Ltmp1:
0x22: {  	_ = 	snop;
	(pc) =	sbr.rel @!p0 .LBB2_90-.Ltmp1, $3  }
0x23: {  	_ =	sdelay $0x1  }
0x24: {  	[sflag:s21] =	ssyncset.done $0x0  }
0x25: {  	[sflag:s21] =	ssyncadd.s32 $0xFFFF8000  }
.LBB2_1:
0x26: {  	v2 =	vmov s7  }
0x27: {  	v2 =	vshll.u32 v2, $0x5  }
0x28: {  	s0 =	rddreg [dreg:$0x5];
	v2 =	vor.u32 v0, v2  }
0x29: {  	[tilespmem:s7], [sflag:$0x5] =	stream.linear.gather [hbm4b:s0+s7], $0x2000, $0x38;
	[tilespmem:$0x13800] =	vst v63  }
0x2a: {  	_ =	swait.ge [sflag:s13], $0x2000;
	v3 =	vor.u32 $0x1, v2  }
0x2b: {  	[sflag:s13] =	ssyncset.done $0x0  }
0x2c: {  	[sflag:s13] =	ssyncadd.s32 $0xFFFFE000  }
0x2d: {  	v2 =	vld.idx.msk [tilespmem:v2+s7+$0x0], $0xffff;
	_ =	sdelay $0x1  }
0x2e: {  	v3 =	vld.idx.msk [tilespmem:v3+s7+$0x0], $0xffff;
	_ =	sdelay $0x2  }
0x2f: {  	v4 =	vand.u32 $0x80000000, v2  }
0x30: {  	vm0 =	vlt.f32 v2, $0.0e+00;
	vm1 =	vgt.f32 v2, $0.0e+00;
	v4 =	vor.u32 v4, v1  }
0x31: {  	v5 =	vand.u32 $0x80000000, v3;
	vm2 =	vlt.f32 v3, $0.0e+00;
	vm3 =	vgt.f32 v3, $0.0e+00  }
0x32: {  	vm0 =	vmor vm1, vm0;
	v5 =	vor.u32 v5, v1;
	vm10 =	vmor vm3, vm2  }
0x33: {  	s30 =	simm.s32 $0x10;
	v2 =	vsel vm0, v4, v2;
	v3 =	vsel vm10, v5, v3  }
0x34: {  	v4 =	vmov s30;
	v2 =	vadd.f32 $1.000000000e+00, v2;
	v3 =	vadd.f32 $1.000000000e+00, v3  }
0x35: {  	v4 =	vshll.u32 v4, $0x5  }
0x36: {  	v4 =	vor.u32 v0, v4;
	v2 =	vmul.f32 $5.000000000e-01, v2;
	v3 =	vmul.f32 $5.000000000e-01, v3  }
0x37: {  	v5 =	vor.u32 $0x1, v4  }
0x38: {  	v2 =	vshra.s32 v2, $0x10;
	v3 =	vand.u32 $0xFFFF0000, v3  }
0x39: {  	v2 =	vor.u32 v2, v3  }
0x3a: {  	[tilespmem:s16+$0x0] =	vst v2  }
0x3b: {  	v2 =	vld.idx.msk [tilespmem:v4+s7+$0x0], $0xffff  }
0x3c: {  	v3 =	vld.idx.msk [tilespmem:v5+s7+$0x0], $0xffff;
	_ =	sdelay $0x3  }
0x3d: {  	v4 =	vand.u32 $0x80000000, v2  }
0x3e: {  	vm11 =	vlt.f32 v2, $0.0e+00;
	vm12 =	vgt.f32 v2, $0.0e+00;
	v5 =	vand.u32 $0x80000000, v3  }
0x3f: {  	vm13 =	vlt.f32 v3, $0.0e+00;
	vm14 =	vgt.f32 v3, $0.0e+00;
	v4 =	vor.u32 v4, v1  }
0x40: {  	vm0 =	vmor vm12, vm11;
	v5 =	vor.u32 v5, v1;
	vm15 =	vmor vm14, vm13  }
0x41: {  	s31 =	simm.s32 $0x20;
	v2 =	vsel vm0, v4, v2;
	v3 =	vsel vm15, v5, v3  }
0x42: {  	v4 =	vmov s31;
	v2 =	vadd.f32 $1.000000000e+00, v2;
	v3 =	vadd.f32 $1.000000000e+00, v3  }
0x43: {  	s8 =	simm.s32 $0x30;
	s3 =	simm.s32 $0x2000;
	v4 =	vshll.u32 v4, $0x5  }
.LBB2_2:
0x44: {  	p0 =	sne.s32 s8, $0xF0;
	v4 =	vor.u32 v0, v4;
	v2 =	vmul.f32 $5.000000000e-01, v2;
	v3 =	vmul.f32 $5.000000000e-01, v3;
	_ =	sdelay $0x1  }
0x45: {  	v5 =	vor.u32 $0x1, v4;
	v2 =	vshra.s32 v2, $0x10;
	v3 =	vand.u32 $0xFFFF0000, v3  }
0x46: {  	s3 =	sadd.s32 $0x10, s3;
	v2 =	vor.u32 v2, v3  }
0x47: {  	s0 =	simm.s32 $0x0;
	[tilespmem:s3+$0x0] =	vst v2  }
0x48: {  	v2 =	vld.idx.msk [tilespmem:v4+s0+$0x0], $0xffff;
	_ =	sdelay $0x1  }
0x49: {  	v3 =	vld.idx.msk [tilespmem:v5+s0+$0x0], $0xffff;
	_ =	sdelay $0x3  }
0x4a: {  	v4 =	vand.u32 $0x80000000, v2  }
0x4b: {  	vm0 =	vlt.f32 v2, $0.0e+00;
	vm1 =	vgt.f32 v2, $0.0e+00;
	v4 =	vor.u32 v4, v1  }
.Ltmp2:
0x4c: {  	v5 =	vand.u32 $0x80000000, v3;
	vm2 =	vlt.f32 v3, $0.0e+00;
	vm3 =	vgt.f32 v3, $0.0e+00;
	(pc) =	sbr.rel @p0 .LBB2_2-.Ltmp2, $4  }
0x4d: {  	vm0 =	vmor vm1, vm0;
	v5 =	vor.u32 v5, v1;
	vm1 =	vmor vm3, vm2  }
0x4e: {  	v2 =	vsel vm0, v4, v2;
	v3 =	vsel vm1, v5, v3  }
0x4f: {  	v4 =	vmov s8;
	v2 =	vadd.f32 $1.000000000e+00, v2;
	v3 =	vadd.f32 $1.000000000e+00, v3  }
0x50: {  	s8 =	sadd.s32 $0x10, s8;
	v4 =	vshll.u32 v4, $0x5  }
0x51: {  	v4 =	vor.u32 v0, v4;
	v2 =	vmul.f32 $5.000000000e-01, v2;
	v3 =	vmul.f32 $5.000000000e-01, v3;
	_ =	sdelay $0x1  }
0x52: {  	v5 =	vor.u32 $0x1, v4;
	v2 =	vshra.s32 v2, $0x10;
	v3 =	vand.u32 $0xFFFF0000, v3  }
0x53: {  	s3 =	sadd.s32 $0x10, s3;
	v2 =	vor.u32 v2, v3  }
0x54: {  	[tilespmem:s3+$0x0] =	vst v2  }
0x55: {  	v2 =	vld.idx.msk [tilespmem:v4+s0+$0x0], $0xffff;
	_ =	sdelay $0x1  }
0x56: {  	v3 =	vld.idx.msk [tilespmem:v5+s0+$0x0], $0xffff;
	_ =	sdelay $0x2  }
0x57: {  	v4 =	vand.u32 $0x80000000, v2  }
0x58: {  	vm0 =	vlt.f32 v2, $0.0e+00;
	vm1 =	vgt.f32 v2, $0.0e+00;
	v4 =	vor.u32 v4, v1  }
0x59: {  	v5 =	vand.u32 $0x80000000, v3;
	vm2 =	vlt.f32 v3, $0.0e+00;
	vm3 =	vgt.f32 v3, $0.0e+00  }
0x5a: {  	vm0 =	vmor vm1, vm0;
	v5 =	vor.u32 v5, v1;
	vm15 =	vmor vm3, vm2  }
0x5b: {  	v2 =	vsel vm0, v4, v2;
	v3 =	vsel vm15, v5, v3  }
0x5c: {  	v2 =	vadd.f32 $1.000000000e+00, v2;
	v3 =	vadd.f32 $1.000000000e+00, v3;
	_ =	sdelay $0x1  }
0x5d: {  	v2 =	vmul.f32 $5.000000000e-01, v2;
	v3 =	vmul.f32 $5.000000000e-01, v3  }
0x5e: {  	p1 =	por $0x1, $0x1  }
.Ltmp3:
0x5f: {  	v2 =	vshra.s32 v2, $0x10;
	v3 =	vand.u32 $0xFFFF0000, v3;
	(pc) =	sbr.rel @!p1 .LBB2_7-.Ltmp3, $4  }
0x60: {  	v4 =	vmov s0;
	v3 =	vor.u32 v2, v3  }
0x61: {  	v4 =	vshll.u32 v4, $0x5  }
0x62: {  	p0 =	por $0x0, $0x0;
	s5 =	sadd.s32 $0x10, s3;
	v2 =	vor.u32 v0, v4  }
0x63: {  	s8 =	simm.s32 $0x0;
	p2 =	por $0x0, $0x0;
	s3 =	simm.s32 $0x10;
	[tilespmem:s5+$0x0] =	vst v3;
	v3 =	vmov v2  }
0x64: {  	v3 =	vor.u32 $0x2, v2  }
0x65: {  	v4 =	vor.u32 $0x3, v2;
	_ =	sdelay $0x3  }
0x66: {  	v3 =	vld.idx.msk [tilespmem:v3+s0+$0x0], $0xffff  }
0x67: {  	v4 =	vld.idx.msk [tilespmem:v4+s0+$0x0], $0xffff;
	_ =	sdelay $0x3  }
0x68: {  	v5 =	vand.u32 $0x80000000, v3  }
0x69: {  	p3 =	por $0x1, $0x1;
	vm0 =	vlt.f32 v3, $0.0e+00;
	vm1 =	vgt.f32 v3, $0.0e+00;
	v6 =	vand.u32 $0x80000000, v4  }
.Ltmp4:
0x6a: {  	vm2 =	vlt.f32 v4, $0.0e+00;
	vm3 =	vgt.f32 v4, $0.0e+00;
	v5 =	vor.u32 v5, v1;
	(pc) =	sbr.rel @!p3 .LBB2_5-.Ltmp4, $4  }
0x6b: {  	vm0 =	vmor vm1, vm0;
	v6 =	vor.u32 v6, v1;
	vm15 =	vmor vm3, vm2  }
0x6c: {  	v7 =	vmov s3;
	v3 =	vsel vm0, v5, v3;
	v5 =	vsel vm15, v6, v4  }
0x6d: {  	s11 =	simm.s32 $0x20;
	v6 =	vshll.u32 v7, $0x5;
	v4 =	vadd.f32 $1.000000000e+00, v3;
	v5 =	vadd.f32 $1.000000000e+00, v5  }
0x6e: {  	p2 =	por $0x1, $0x1;
	s9 =	simm.s32 $0x0;
	s8 =	simm.s32 $0x10;
	v3 =	vor.u32 v0, v6  }
.LBB2_6:
0x6f: {  	p3 =	sne.s32 s11, $0xF0;
	v6 =	vor.u32 $0x2, v3;
	v4 =	vmul.f32 $5.000000000e-01, v4;
	v5 =	vmul.f32 $5.000000000e-01, v5;
	_ =	sdelay $0x1  }
0x70: {  	v3 =	vor.u32 $0x3, v3;
	v4 =	vshra.s32 v4, $0x10;
	v5 =	vand.u32 $0xFFFF0000, v5  }
0x71: {  	s5 =	sand.u32 $0xF0, s9;
	s9 =	smov.u32 s8;
	s8 =	smov.u32 s11;
	v4 =	vor.u32 v4, v5  }
0x72: {  	[tilespmem:s5+$0x2100] =	vst v4  }
0x73: {  	v4 =	vld.idx.msk [tilespmem:v6+s0+$0x0], $0xffff;
	_ =	sdelay $0x1  }
0x74: {  	v3 =	vld.idx.msk [tilespmem:v3+s0+$0x0], $0xffff;
	_ =	sdelay $0x3  }
0x75: {  	v5 =	vand.u32 $0x80000000, v4  }
0x76: {  	vm0 =	vlt.f32 v4, $0.0e+00;
	vm1 =	vgt.f32 v4, $0.0e+00;
	v5 =	vor.u32 v5, v1  }
.Ltmp5:
0x77: {  	v6 =	vand.u32 $0x80000000, v3;
	vm2 =	vlt.f32 v3, $0.0e+00;
	vm3 =	vgt.f32 v3, $0.0e+00;
	(pc) =	sbr.rel @p3 .LBB2_6-.Ltmp5, $4  }
0x78: {  	vm0 =	vmor vm1, vm0;
	v6 =	vor.u32 v6, v1;
	vm1 =	vmor vm3, vm2  }
0x79: {  	v7 =	vmov s11;
	v4 =	vsel vm0, v5, v4;
	v3 =	vsel vm1, v6, v3  }
0x7a: {  	v4 =	vadd.f32 $1.000000000e+00, v4;
	v6 =	vshll.u32 v7, $0x5;
	v5 =	vadd.f32 $1.000000000e+00, v3  }
0x7b: {  	s11 =	sadd.s32 $0x10, s11;
	v3 =	vor.u32 v0, v6  }
.LBB2_7:
0x7c: {  	v6 =	vor.u32 $0x2, v3;
	v4 =	vmul.f32 @p2 $5.000000000e-01, v4;
	v5 =	vmul.f32 @p2 $5.000000000e-01, v5  }
0x7d: {  	v3 =	vor.u32 $0x3, v3  }
0x7e: {  	v4 =	vshra.s32 @p2 v4, $0x10;
	v5 =	vand.u32 @p2 $0xFFFF0000, v5  }
0x7f: {  	s5 =	sand.u32 @p2 $0xF0, s9;
	v4 =	vor.u32 @p2 v4, v5  }
0x80: {  	[tilespmem:s5+$0x2100] =	vst @p2 v4  }
0x81: {  	v4 =	vld.idx.msk [tilespmem:v6+s0+$0x0], $0xffff  }
0x82: {  	v3 =	vld.idx.msk [tilespmem:v3+s0+$0x0], $0xffff;
	_ =	sdelay $0x3  }
0x83: {  	v62 =	vand.u32 $0x80000000, v4  }
0x84: {  	vm0 =	vlt.f32 v4, $0.0e+00;
	vm1 =	vgt.f32 v4, $0.0e+00;
	v63 =	vand.u32 $0x80000000, v3  }
0x85: {  	vm2 =	vlt.f32 v3, $0.0e+00;
	vm3 =	vgt.f32 v3, $0.0e+00;
	v5 =	vor.u32 v62, v1  }
0x86: {  	vm0 =	vmor vm1, vm0;
	v6 =	vor.u32 v63, v1;
	vm15 =	vmor vm3, vm2  }
0x87: {  	v4 =	vsel vm0, v5, v4;
	v3 =	vsel vm15, v6, v3  }
0x88: {  	v4 =	vadd.f32 $1.000000000e+00, v4;
	v3 =	vadd.f32 $1.000000000e+00, v3;
	_ =	sdelay $0x1  }
.Ltmp6:
0x89: {  	v4 =	vmul.f32 $5.000000000e-01, v4;
	v3 =	vmul.f32 $5.000000000e-01, v3;
	(pc) =	sbr.rel @!p1 .LBB2_8-.Ltmp6, $4  }
0x8a: {  	_ = 	snop  }
0x8b: {  	v4 =	vshra.s32 v4, $0x10;
	v3 =	vand.u32 $0xFFFF0000, v3  }
0x8c: {  	s31 =	sand.u32 $0xF0, s8;
	v3 =	vor.u32 v4, v3  }
0x8d: {  	[tilespmem:s31+$0x2100] =	vst v3  }
0x8e: {  	v3 =	vor.u32 $0x4, v2  }
0x8f: {  	v2 =	vor.u32 $0x5, v2;
	_ =	sdelay $0x2  }
0x90: {  	s8 =	simm.s32 $0x0  }
0x91: {  	v3 =	vld.idx.msk [tilespmem:v3+s8+$0x0], $0xffff  }
0x92: {  	v2 =	vld.idx.msk [tilespmem:v2+s8+$0x0], $0xffff;
	_ =	sdelay $0x3  }
0x93: {  	v4 =	vand.u32 $0x80000000, v3  }
0x94: {  	p1 =	por $0x1, $0x1;
	vm0 =	vlt.f32 v3, $0.0e+00;
	vm1 =	vgt.f32 v3, $0.0e+00;
	v5 =	vand.u32 $0x80000000, v2  }
.Ltmp7:
0x95: {  	vm2 =	vlt.f32 v2, $0.0e+00;
	vm3 =	vgt.f32 v2, $0.0e+00;
	v4 =	vor.u32 v4, v1;
	(pc) =	sbr.rel @!p1 .LBB2_10-.Ltmp7, $4  }
0x96: {  	vm0 =	vmor vm1, vm0;
	v5 =	vor.u32 v5, v1;
	vm15 =	vmor vm3, vm2  }
0x97: {  	v6 =	vmov s3;
	v3 =	vsel vm0, v4, v3;
	v2 =	vsel vm15, v5, v2  }
0x98: {  	v5 =	vshll.u32 v6, $0x5;
	v3 =	vadd.f32 $1.000000000e+00, v3;
	v4 =	vadd.f32 $1.000000000e+00, v2  }
0x99: {  	s9 =	simm.s32 $0x20;
	p0 =	por $0x1, $0x1;
	v2 =	vor.u32 v0, v5  }
.LBB2_11:
0x9a: {  	p1 =	sne.s32 s9, $0xF0;
	v5 =	vor.u32 $0x4, v2;
	v3 =	vmul.f32 $5.000000000e-01, v3;
	v4 =	vmul.f32 $5.000000000e-01, v4;
	_ =	sdelay $0x1  }
0x9b: {  	v2 =	vor.u32 $0x5, v2;
	v3 =	vshra.s32 v3, $0x10;
	v4 =	vand.u32 $0xFFFF0000, v4  }
0x9c: {  	s5 =	sand.u32 $0xF0, s0;
	s0 =	smov.u32 s3;
	s3 =	smov.u32 s9;
	v3 =	vor.u32 v3, v4  }
0x9d: {  	[tilespmem:s5+$0x2200] =	vst v3  }
0x9e: {  	v3 =	vld.idx.msk [tilespmem:v5+s8+$0x0], $0xffff;
	_ =	sdelay $0x1  }
0x9f: {  	v2 =	vld.idx.msk [tilespmem:v2+s8+$0x0], $0xffff;
	_ =	sdelay $0x3  }
0xa0: {  	v4 =	vand.u32 $0x80000000, v3  }
0xa1: {  	vm0 =	vlt.f32 v3, $0.0e+00;
	vm1 =	vgt.f32 v3, $0.0e+00;
	v4 =	vor.u32 v4, v1  }
.Ltmp8:
0xa2: {  	v5 =	vand.u32 $0x80000000, v2;
	vm2 =	vlt.f32 v2, $0.0e+00;
	vm3 =	vgt.f32 v2, $0.0e+00;
	(pc) =	sbr.rel @p1 .LBB2_11-.Ltmp8, $4  }
0xa3: {  	vm0 =	vmor vm1, vm0;
	v5 =	vor.u32 v5, v1;
	vm1 =	vmor vm3, vm2  }
0xa4: {  	v6 =	vmov s9;
	v3 =	vsel vm0, v4, v3;
	v2 =	vsel vm1, v5, v2  }
0xa5: {  	v3 =	vadd.f32 $1.000000000e+00, v3;
	v5 =	vshll.u32 v6, $0x5;
	v4 =	vadd.f32 $1.000000000e+00, v2  }
0xa6: {  	s9 =	sadd.s32 $0x10, s9;
	v2 =	vor.u32 v0, v5  }
0xa7: {  	s5 =	smov.u32 s0;
	s0 =	smov.u32 s3  }
.LBB2_13:
0xa8: {  	v5 =	vor.u32 $0x4, v2;
	v3 =	vmul.f32 @p0 $5.000000000e-01, v3;
	v4 =	vmul.f32 @p0 $5.000000000e-01, v4  }
0xa9: {  	v2 =	vor.u32 $0x5, v2  }
0xaa: {  	v3 =	vshra.s32 @p0 v3, $0x10;
	v4 =	vand.u32 @p0 $0xFFFF0000, v4  }
0xab: {  	s5 =	sand.u32 @p0 $0xF0, s5;
	v3 =	vor.u32 @p0 v3, v4  }
0xac: {  	s3 =	simm.s32 $0x0;
	[tilespmem:s5+$0x2200] =	vst @p0 v3  }
0xad: {  	v3 =	vld.idx.msk [tilespmem:v5+s3+$0x0], $0xffff  }
0xae: {  	v2 =	vld.idx.msk [tilespmem:v2+s3+$0x0], $0xffff;
	_ =	sdelay $0x3  }
0xaf: {  	v4 =	vand.u32 $0x80000000, v3  }
0xb0: {  	vm0 =	vlt.f32 v3, $0.0e+00;
	vm1 =	vgt.f32 v3, $0.0e+00;
	v5 =	vand.u32 $0x80000000, v2  }
0xb1: {  	vm2 =	vlt.f32 v2, $0.0e+00;
	vm3 =	vgt.f32 v2, $0.0e+00;
	v4 =	vor.u32 v4, v1  }
0xb2: {  	vm0 =	vmor vm1, vm0;
	v5 =	vor.u32 v5, v1;
	vm15 =	vmor vm3, vm2  }
0xb3: {  	v3 =	vsel vm0, v4, v3;
	v2 =	vsel vm15, v5, v2  }
0xb4: {  	v3 =	vadd.f32 $1.000000000e+00, v3;
	v2 =	vadd.f32 $1.000000000e+00, v2;
	_ =	sdelay $0x1  }
0xb5: {  	v3 =	vmul.f32 $5.000000000e-01, v3;
	v2 =	vmul.f32 $5.000000000e-01, v2  }
0xb6: {  	p1 =	por $0x1, $0x1  }
.Ltmp9:
0xb7: {  	v3 =	vshra.s32 v3, $0x10;
	v2 =	vand.u32 $0xFFFF0000, v2;
	(pc) =	sbr.rel @!p1 .LBB2_17-.Ltmp9, $4  }
0xb8: {  	v4 =	vmov s3;
	v3 =	vor.u32 v3, v2  }
0xb9: {  	v4 =	vshll.u32 v4, $0x5  }
0xba: {  	s31 =	sand.u32 $0xF0, s0;
	s0 =	simm.s32 $0x10;
	v2 =	vor.u32 v0, v4  }
0xbb: {  	s8 =	simm.s32 $0x0;
	p2 =	por $0x0, $0x0;
	p0 =	por $0x0, $0x0;
	[tilespmem:s31+$0x2200] =	vst v3;
	v3 =	vmov v2  }
0xbc: {  	v3 =	vor.u32 $0x6, v2  }
0xbd: {  	v4 =	vor.u32 $0x7, v2;
	_ =	sdelay $0x3  }
0xbe: {  	v3 =	vld.idx.msk [tilespmem:v3+s3+$0x0], $0xffff  }
0xbf: {  	v4 =	vld.idx.msk [tilespmem:v4+s3+$0x0], $0xffff;
	_ =	sdelay $0x3  }
0xc0: {  	v5 =	vand.u32 $0x80000000, v3  }
0xc1: {  	p3 =	por $0x1, $0x1;
	vm0 =	vlt.f32 v3, $0.0e+00;
	vm1 =	vgt.f32 v3, $0.0e+00;
	v6 =	vand.u32 $0x80000000, v4  }
.Ltmp10:
0xc2: {  	vm2 =	vlt.f32 v4, $0.0e+00;
	vm3 =	vgt.f32 v4, $0.0e+00;
	v5 =	vor.u32 v5, v1;
	(pc) =	sbr.rel @!p3 .LBB2_15-.Ltmp10, $4  }
0xc3: {  	vm0 =	vmor vm1, vm0;
	v6 =	vor.u32 v6, v1;
	vm15 =	vmor vm3, vm2  }
0xc4: {  	v7 =	vmov s0;
	v3 =	vsel vm0, v5, v3;
	v5 =	vsel vm15, v6, v4  }
0xc5: {  	s11 =	simm.s32 $0x20;
	v6 =	vshll.u32 v7, $0x5;
	v4 =	vadd.f32 $1.000000000e+00, v3;
	v5 =	vadd.f32 $1.000000000e+00, v5  }
0xc6: {  	p2 =	por $0x1, $0x1;
	s9 =	simm.s32 $0x0;
	s8 =	simm.s32 $0x10;
	v3 =	vor.u32 v0, v6  }
.LBB2_16:
0xc7: {  	p3 =	sne.s32 s11, $0xF0;
	v6 =	vor.u32 $0x6, v3;
	v4 =	vmul.f32 $5.000000000e-01, v4;
	v5 =	vmul.f32 $5.000000000e-01, v5;
	_ =	sdelay $0x1  }
0xc8: {  	v3 =	vor.u32 $0x7, v3;
	v4 =	vshra.s32 v4, $0x10;
	v5 =	vand.u32 $0xFFFF0000, v5  }
0xc9: {  	s5 =	sand.u32 $0xF0, s9;
	s9 =	smov.u32 s8;
	s8 =	smov.u32 s11;
	v4 =	vor.u32 v4, v5  }
0xca: {  	[tilespmem:s5+$0x2300] =	vst v4  }
0xcb: {  	v4 =	vld.idx.msk [tilespmem:v6+s3+$0x0], $0xffff;
	_ =	sdelay $0x1  }
0xcc: {  	v3 =	vld.idx.msk [tilespmem:v3+s3+$0x0], $0xffff;
	_ =	sdelay $0x3  }
0xcd: {  	v5 =	vand.u32 $0x80000000, v4  }
0xce: {  	vm0 =	vlt.f32 v4, $0.0e+00;
	vm1 =	vgt.f32 v4, $0.0e+00;
	v5 =	vor.u32 v5, v1  }
.Ltmp11:
0xcf: {  	v6 =	vand.u32 $0x80000000, v3;
	vm2 =	vlt.f32 v3, $0.0e+00;
	vm3 =	vgt.f32 v3, $0.0e+00;
	(pc) =	sbr.rel @p3 .LBB2_16-.Ltmp11, $4  }
0xd0: {  	vm0 =	vmor vm1, vm0;
	v6 =	vor.u32 v6, v1;
	vm1 =	vmor vm3, vm2  }
0xd1: {  	v7 =	vmov s11;
	v4 =	vsel vm0, v5, v4;
	v3 =	vsel vm1, v6, v3  }
0xd2: {  	v4 =	vadd.f32 $1.000000000e+00, v4;
	v6 =	vshll.u32 v7, $0x5;
	v5 =	vadd.f32 $1.000000000e+00, v3  }
0xd3: {  	s11 =	sadd.s32 $0x10, s11;
	v3 =	vor.u32 v0, v6  }
.LBB2_17:
0xd4: {  	v6 =	vor.u32 $0x6, v3;
	v4 =	vmul.f32 @p2 $5.000000000e-01, v4;
	v5 =	vmul.f32 @p2 $5.000000000e-01, v5  }
0xd5: {  	v3 =	vor.u32 $0x7, v3  }
0xd6: {  	v4 =	vshra.s32 @p2 v4, $0x10;
	v5 =	vand.u32 @p2 $0xFFFF0000, v5  }
0xd7: {  	s5 =	sand.u32 @p2 $0xF0, s9;
	v4 =	vor.u32 @p2 v4, v5  }
0xd8: {  	[tilespmem:s5+$0x2300] =	vst @p2 v4  }
0xd9: {  	v4 =	vld.idx.msk [tilespmem:v6+s3+$0x0], $0xffff  }
0xda: {  	v3 =	vld.idx.msk [tilespmem:v3+s3+$0x0], $0xffff;
	_ =	sdelay $0x3  }
0xdb: {  	v62 =	vand.u32 $0x80000000, v4  }
0xdc: {  	vm0 =	vlt.f32 v4, $0.0e+00;
	vm1 =	vgt.f32 v4, $0.0e+00;
	v63 =	vand.u32 $0x80000000, v3  }
0xdd: {  	vm2 =	vlt.f32 v3, $0.0e+00;
	vm3 =	vgt.f32 v3, $0.0e+00;
	v5 =	vor.u32 v62, v1  }
0xde: {  	vm0 =	vmor vm1, vm0;
	v6 =	vor.u32 v63, v1;
	vm15 =	vmor vm3, vm2  }
0xdf: {  	v4 =	vsel vm0, v5, v4;
	v3 =	vsel vm15, v6, v3  }
0xe0: {  	v4 =	vadd.f32 $1.000000000e+00, v4;
	v3 =	vadd.f32 $1.000000000e+00, v3;
	_ =	sdelay $0x1  }
.Ltmp12:
0xe1: {  	v4 =	vmul.f32 $5.000000000e-01, v4;
	v3 =	vmul.f32 $5.000000000e-01, v3;
	(pc) =	sbr.rel @!p1 .LBB2_18-.Ltmp12, $4  }
0xe2: {  	_ = 	snop  }
0xe3: {  	v4 =	vshra.s32 v4, $0x10;
	v3 =	vand.u32 $0xFFFF0000, v3  }
0xe4: {  	s31 =	sand.u32 $0xF0, s8;
	v3 =	vor.u32 v4, v3  }
0xe5: {  	[tilespmem:s31+$0x2300] =	vst v3  }
0xe6: {  	v3 =	vor.u32 $0x8, v2  }
0xe7: {  	v2 =	vor.u32 $0x9, v2;
	_ =	sdelay $0x2  }
0xe8: {  	s8 =	simm.s32 $0x0  }
0xe9: {  	v3 =	vld.idx.msk [tilespmem:v3+s8+$0x0], $0xffff  }
0xea: {  	v2 =	vld.idx.msk [tilespmem:v2+s8+$0x0], $0xffff;
	_ =	sdelay $0x3  }
0xeb: {  	v4 =	vand.u32 $0x80000000, v3  }
0xec: {  	p1 =	por $0x1, $0x1;
	vm0 =	vlt.f32 v3, $0.0e+00;
	vm1 =	vgt.f32 v3, $0.0e+00;
	v5 =	vand.u32 $0x80000000, v2  }
.Ltmp13:
0xed: {  	vm2 =	vlt.f32 v2, $0.0e+00;
	vm3 =	vgt.f32 v2, $0.0e+00;
	v4 =	vor.u32 v4, v1;
	(pc) =	sbr.rel @!p1 .LBB2_20-.Ltmp13, $4  }
0xee: {  	vm0 =	vmor vm1, vm0;
	v5 =	vor.u32 v5, v1;
	vm15 =	vmor vm3, vm2  }
0xef: {  	v6 =	vmov s0;
	v3 =	vsel vm0, v4, v3;
	v2 =	vsel vm15, v5, v2  }
0xf0: {  	v5 =	vshll.u32 v6, $0x5;
	v3 =	vadd.f32 $1.000000000e+00, v3;
	v4 =	vadd.f32 $1.000000000e+00, v2  }
0xf1: {  	s9 =	simm.s32 $0x20;
	p0 =	por $0x1, $0x1;
	v2 =	vor.u32 v0, v5  }
.LBB2_21:
0xf2: {  	p1 =	sne.s32 s9, $0xF0;
	v5 =	vor.u32 $0x8, v2;
	v3 =	vmul.f32 $5.000000000e-01, v3;
	v4 =	vmul.f32 $5.000000000e-01, v4;
	_ =	sdelay $0x1  }
0xf3: {  	v2 =	vor.u32 $0x9, v2;
	v3 =	vshra.s32 v3, $0x10;
	v4 =	vand.u32 $0xFFFF0000, v4  }
0xf4: {  	s5 =	sand.u32 $0xF0, s3;
	s3 =	smov.u32 s0;
	s0 =	smov.u32 s9;
	v3 =	vor.u32 v3, v4  }
0xf5: {  	[tilespmem:s5+$0x2400] =	vst v3  }
0xf6: {  	v3 =	vld.idx.msk [tilespmem:v5+s8+$0x0], $0xffff;
	_ =	sdelay $0x1  }
0xf7: {  	v2 =	vld.idx.msk [tilespmem:v2+s8+$0x0], $0xffff;
	_ =	sdelay $0x3  }
0xf8: {  	v4 =	vand.u32 $0x80000000, v3  }
0xf9: {  	vm0 =	vlt.f32 v3, $0.0e+00;
	vm1 =	vgt.f32 v3, $0.0e+00;
	v4 =	vor.u32 v4, v1  }
.Ltmp14:
0xfa: {  	v5 =	vand.u32 $0x80000000, v2;
	vm2 =	vlt.f32 v2, $0.0e+00;
	vm3 =	vgt.f32 v2, $0.0e+00;
	(pc) =	sbr.rel @p1 .LBB2_21-.Ltmp14, $4  }
0xfb: {  	vm0 =	vmor vm1, vm0;
	v5 =	vor.u32 v5, v1;
	vm1 =	vmor vm3, vm2  }
0xfc: {  	v6 =	vmov s9;
	v3 =	vsel vm0, v4, v3;
	v2 =	vsel vm1, v5, v2  }
0xfd: {  	v3 =	vadd.f32 $1.000000000e+00, v3;
	v5 =	vshll.u32 v6, $0x5;
	v4 =	vadd.f32 $1.000000000e+00, v2  }
0xfe: {  	s9 =	sadd.s32 $0x10, s9;
	v2 =	vor.u32 v0, v5  }
0xff: {  	s5 =	smov.u32 s3;
	s3 =	smov.u32 s0  }
.LBB2_23:
0x100: {  	v5 =	vor.u32 $0x8, v2;
	v3 =	vmul.f32 @p0 $5.000000000e-01, v3;
	v4 =	vmul.f32 @p0 $5.000000000e-01, v4  }
0x101: {  	v2 =	vor.u32 $0x9, v2  }
0x102: {  	v3 =	vshra.s32 @p0 v3, $0x10;
	v4 =	vand.u32 @p0 $0xFFFF0000, v4  }
0x103: {  	s5 =	sand.u32 @p0 $0xF0, s5;
	v3 =	vor.u32 @p0 v3, v4  }
0x104: {  	s0 =	simm.s32 $0x0;
	[tilespmem:s5+$0x2400] =	vst @p0 v3  }
0x105: {  	v3 =	vld.idx.msk [tilespmem:v5+s0+$0x0], $0xffff  }
0x106: {  	v2 =	vld.idx.msk [tilespmem:v2+s0+$0x0], $0xffff;
	_ =	sdelay $0x3  }
0x107: {  	v4 =	vand.u32 $0x80000000, v3  }
0x108: {  	vm0 =	vlt.f32 v3, $0.0e+00;
	vm1 =	vgt.f32 v3, $0.0e+00;
	v5 =	vand.u32 $0x80000000, v2  }
0x109: {  	vm2 =	vlt.f32 v2, $0.0e+00;
	vm3 =	vgt.f32 v2, $0.0e+00;
	v4 =	vor.u32 v4, v1  }
0x10a: {  	vm0 =	vmor vm1, vm0;
	v5 =	vor.u32 v5, v1;
	vm15 =	vmor vm3, vm2  }
0x10b: {  	v3 =	vsel vm0, v4, v3;
	v2 =	vsel vm15, v5, v2  }
0x10c: {  	v3 =	vadd.f32 $1.000000000e+00, v3;
	v2 =	vadd.f32 $1.000000000e+00, v2;
	_ =	sdelay $0x1  }
0x10d: {  	v3 =	vmul.f32 $5.000000000e-01, v3;
	v2 =	vmul.f32 $5.000000000e-01, v2  }
0x10e: {  	p1 =	por $0x1, $0x1  }
.Ltmp15:
0x10f: {  	v3 =	vshra.s32 v3, $0x10;
	v2 =	vand.u32 $0xFFFF0000, v2;
	(pc) =	sbr.rel @!p1 .LBB2_27-.Ltmp15, $4  }
0x110: {  	v4 =	vmov s0;
	v3 =	vor.u32 v3, v2  }
0x111: {  	v4 =	vshll.u32 v4, $0x5  }
0x112: {  	s31 =	sand.u32 $0xF0, s3;
	s3 =	simm.s32 $0x10;
	v2 =	vor.u32 v0, v4  }
0x113: {  	s8 =	simm.s32 $0x0;
	p2 =	por $0x0, $0x0;
	p0 =	por $0x0, $0x0;
	[tilespmem:s31+$0x2400] =	vst v3;
	v3 =	vmov v2  }
0x114: {  	v3 =	vor.u32 $0xA, v2  }
0x115: {  	v4 =	vor.u32 $0xB, v2;
	_ =	sdelay $0x3  }
0x116: {  	v3 =	vld.idx.msk [tilespmem:v3+s0+$0x0], $0xffff  }
0x117: {  	v4 =	vld.idx.msk [tilespmem:v4+s0+$0x0], $0xffff;
	_ =	sdelay $0x3  }
0x118: {  	v5 =	vand.u32 $0x80000000, v3  }
0x119: {  	p3 =	por $0x1, $0x1;
	vm0 =	vlt.f32 v3, $0.0e+00;
	vm1 =	vgt.f32 v3, $0.0e+00;
	v6 =	vand.u32 $0x80000000, v4  }
.Ltmp16:
0x11a: {  	vm2 =	vlt.f32 v4, $0.0e+00;
	vm3 =	vgt.f32 v4, $0.0e+00;
	v5 =	vor.u32 v5, v1;
	(pc) =	sbr.rel @!p3 .LBB2_25-.Ltmp16, $4  }
0x11b: {  	vm0 =	vmor vm1, vm0;
	v6 =	vor.u32 v6, v1;
	vm15 =	vmor vm3, vm2  }
0x11c: {  	v7 =	vmov s3;
	v3 =	vsel vm0, v5, v3;
	v5 =	vsel vm15, v6, v4  }
0x11d: {  	s11 =	simm.s32 $0x20;
	v6 =	vshll.u32 v7, $0x5;
	v4 =	vadd.f32 $1.000000000e+00, v3;
	v5 =	vadd.f32 $1.000000000e+00, v5  }
0x11e: {  	p2 =	por $0x1, $0x1;
	s9 =	simm.s32 $0x0;
	s8 =	simm.s32 $0x10;
	v3 =	vor.u32 v0, v6  }
.LBB2_26:
0x11f: {  	p3 =	sne.s32 s11, $0xF0;
	v6 =	vor.u32 $0xA, v3;
	v4 =	vmul.f32 $5.000000000e-01, v4;
	v5 =	vmul.f32 $5.000000000e-01, v5;
	_ =	sdelay $0x1  }
0x120: {  	v3 =	vor.u32 $0xB, v3;
	v4 =	vshra.s32 v4, $0x10;
	v5 =	vand.u32 $0xFFFF0000, v5  }
0x121: {  	s5 =	sand.u32 $0xF0, s9;
	s9 =	smov.u32 s8;
	s8 =	smov.u32 s11;
	v4 =	vor.u32 v4, v5  }
0x122: {  	[tilespmem:s5+$0x2500] =	vst v4  }
0x123: {  	v4 =	vld.idx.msk [tilespmem:v6+s0+$0x0], $0xffff;
	_ =	sdelay $0x1  }
0x124: {  	v3 =	vld.idx.msk [tilespmem:v3+s0+$0x0], $0xffff;
	_ =	sdelay $0x3  }
0x125: {  	v5 =	vand.u32 $0x80000000, v4  }
0x126: {  	vm0 =	vlt.f32 v4, $0.0e+00;
	vm1 =	vgt.f32 v4, $0.0e+00;
	v5 =	vor.u32 v5, v1  }
.Ltmp17:
0x127: {  	v6 =	vand.u32 $0x80000000, v3;
	vm2 =	vlt.f32 v3, $0.0e+00;
	vm3 =	vgt.f32 v3, $0.0e+00;
	(pc) =	sbr.rel @p3 .LBB2_26-.Ltmp17, $4  }
0x128: {  	vm0 =	vmor vm1, vm0;
	v6 =	vor.u32 v6, v1;
	vm1 =	vmor vm3, vm2  }
0x129: {  	v7 =	vmov s11;
	v4 =	vsel vm0, v5, v4;
	v3 =	vsel vm1, v6, v3  }
0x12a: {  	v4 =	vadd.f32 $1.000000000e+00, v4;
	v6 =	vshll.u32 v7, $0x5;
	v5 =	vadd.f32 $1.000000000e+00, v3  }
0x12b: {  	s11 =	sadd.s32 $0x10, s11;
	v3 =	vor.u32 v0, v6  }
.LBB2_27:
0x12c: {  	v6 =	vor.u32 $0xA, v3;
	v4 =	vmul.f32 @p2 $5.000000000e-01, v4;
	v5 =	vmul.f32 @p2 $5.000000000e-01, v5  }
0x12d: {  	v3 =	vor.u32 $0xB, v3  }
0x12e: {  	v4 =	vshra.s32 @p2 v4, $0x10;
	v5 =	vand.u32 @p2 $0xFFFF0000, v5  }
0x12f: {  	s5 =	sand.u32 @p2 $0xF0, s9;
	v4 =	vor.u32 @p2 v4, v5  }
0x130: {  	[tilespmem:s5+$0x2500] =	vst @p2 v4  }
0x131: {  	v4 =	vld.idx.msk [tilespmem:v6+s0+$0x0], $0xffff  }
0x132: {  	v3 =	vld.idx.msk [tilespmem:v3+s0+$0x0], $0xffff;
	_ =	sdelay $0x3  }
0x133: {  	v62 =	vand.u32 $0x80000000, v4  }
0x134: {  	vm0 =	vlt.f32 v4, $0.0e+00;
	vm1 =	vgt.f32 v4, $0.0e+00;
	v63 =	vand.u32 $0x80000000, v3  }
0x135: {  	vm2 =	vlt.f32 v3, $0.0e+00;
	vm3 =	vgt.f32 v3, $0.0e+00;
	v5 =	vor.u32 v62, v1  }
0x136: {  	vm0 =	vmor vm1, vm0;
	v6 =	vor.u32 v63, v1;
	vm15 =	vmor vm3, vm2  }
0x137: {  	v4 =	vsel vm0, v5, v4;
	v3 =	vsel vm15, v6, v3  }
0x138: {  	v4 =	vadd.f32 $1.000000000e+00, v4;
	v3 =	vadd.f32 $1.000000000e+00, v3;
	_ =	sdelay $0x1  }
.Ltmp18:
0x139: {  	v4 =	vmul.f32 $5.000000000e-01, v4;
	v3 =	vmul.f32 $5.000000000e-01, v3;
	(pc) =	sbr.rel @!p1 .LBB2_28-.Ltmp18, $4  }
0x13a: {  	_ = 	snop  }
0x13b: {  	v4 =	vshra.s32 v4, $0x10;
	v3 =	vand.u32 $0xFFFF0000, v3  }
0x13c: {  	s31 =	sand.u32 $0xF0, s8;
	v3 =	vor.u32 v4, v3  }
0x13d: {  	[tilespmem:s31+$0x2500] =	vst v3  }
0x13e: {  	v3 =	vor.u32 $0xC, v2  }
0x13f: {  	v2 =	vor.u32 $0xD, v2;
	_ =	sdelay $0x2  }
0x140: {  	s8 =	simm.s32 $0x0  }
0x141: {  	v3 =	vld.idx.msk [tilespmem:v3+s8+$0x0], $0xffff  }
0x142: {  	v2 =	vld.idx.msk [tilespmem:v2+s8+$0x0], $0xffff;
	_ =	sdelay $0x3  }
0x143: {  	v4 =	vand.u32 $0x80000000, v3  }
0x144: {  	p1 =	por $0x1, $0x1;
	vm0 =	vlt.f32 v3, $0.0e+00;
	vm1 =	vgt.f32 v3, $0.0e+00;
	v5 =	vand.u32 $0x80000000, v2  }
.Ltmp19:
0x145: {  	vm2 =	vlt.f32 v2, $0.0e+00;
	vm3 =	vgt.f32 v2, $0.0e+00;
	v4 =	vor.u32 v4, v1;
	(pc) =	sbr.rel @!p1 .LBB2_30-.Ltmp19, $4  }
0x146: {  	vm0 =	vmor vm1, vm0;
	v5 =	vor.u32 v5, v1;
	vm15 =	vmor vm3, vm2  }
0x147: {  	v6 =	vmov s3;
	v3 =	vsel vm0, v4, v3;
	v2 =	vsel vm15, v5, v2  }
0x148: {  	v5 =	vshll.u32 v6, $0x5;
	v3 =	vadd.f32 $1.000000000e+00, v3;
	v4 =	vadd.f32 $1.000000000e+00, v2  }
0x149: {  	s9 =	simm.s32 $0x20;
	p0 =	por $0x1, $0x1;
	v2 =	vor.u32 v0, v5  }
.LBB2_31:
0x14a: {  	p1 =	sne.s32 s9, $0xF0;
	v5 =	vor.u32 $0xC, v2;
	v3 =	vmul.f32 $5.000000000e-01, v3;
	v4 =	vmul.f32 $5.000000000e-01, v4;
	_ =	sdelay $0x1  }
0x14b: {  	v2 =	vor.u32 $0xD, v2;
	v3 =	vshra.s32 v3, $0x10;
	v4 =	vand.u32 $0xFFFF0000, v4  }
0x14c: {  	s5 =	sand.u32 $0xF0, s0;
	s0 =	smov.u32 s3;
	s3 =	smov.u32 s9;
	v3 =	vor.u32 v3, v4  }
0x14d: {  	[tilespmem:s5+$0x2600] =	vst v3  }
0x14e: {  	v3 =	vld.idx.msk [tilespmem:v5+s8+$0x0], $0xffff;
	_ =	sdelay $0x1  }
0x14f: {  	v2 =	vld.idx.msk [tilespmem:v2+s8+$0x0], $0xffff;
	_ =	sdelay $0x3  }
0x150: {  	v4 =	vand.u32 $0x80000000, v3  }
0x151: {  	vm0 =	vlt.f32 v3, $0.0e+00;
	vm1 =	vgt.f32 v3, $0.0e+00;
	v4 =	vor.u32 v4, v1  }
.Ltmp20:
0x152: {  	v5 =	vand.u32 $0x80000000, v2;
	vm2 =	vlt.f32 v2, $0.0e+00;
	vm3 =	vgt.f32 v2, $0.0e+00;
	(pc) =	sbr.rel @p1 .LBB2_31-.Ltmp20, $4  }
0x153: {  	vm0 =	vmor vm1, vm0;
	v5 =	vor.u32 v5, v1;
	vm1 =	vmor vm3, vm2  }
0x154: {  	v6 =	vmov s9;
	v3 =	vsel vm0, v4, v3;
	v2 =	vsel vm1, v5, v2  }
0x155: {  	v3 =	vadd.f32 $1.000000000e+00, v3;
	v5 =	vshll.u32 v6, $0x5;
	v4 =	vadd.f32 $1.000000000e+00, v2  }
0x156: {  	s9 =	sadd.s32 $0x10, s9;
	v2 =	vor.u32 v0, v5  }
0x157: {  	s5 =	smov.u32 s0;
	s0 =	smov.u32 s3  }
.LBB2_33:
0x158: {  	v5 =	vor.u32 $0xC, v2;
	v3 =	vmul.f32 @p0 $5.000000000e-01, v3;
	v4 =	vmul.f32 @p0 $5.000000000e-01, v4  }
0x159: {  	v2 =	vor.u32 $0xD, v2  }
0x15a: {  	v3 =	vshra.s32 @p0 v3, $0x10;
	v4 =	vand.u32 @p0 $0xFFFF0000, v4  }
0x15b: {  	s5 =	sand.u32 @p0 $0xF0, s5;
	v3 =	vor.u32 @p0 v3, v4  }
0x15c: {  	s3 =	simm.s32 $0x0;
	[tilespmem:s5+$0x2600] =	vst @p0 v3  }
0x15d: {  	v3 =	vld.idx.msk [tilespmem:v5+s3+$0x0], $0xffff  }
0x15e: {  	v2 =	vld.idx.msk [tilespmem:v2+s3+$0x0], $0xffff;
	_ =	sdelay $0x3  }
0x15f: {  	v4 =	vand.u32 $0x80000000, v3  }
0x160: {  	vm0 =	vlt.f32 v3, $0.0e+00;
	vm1 =	vgt.f32 v3, $0.0e+00;
	v5 =	vand.u32 $0x80000000, v2  }
0x161: {  	vm2 =	vlt.f32 v2, $0.0e+00;
	vm3 =	vgt.f32 v2, $0.0e+00;
	v4 =	vor.u32 v4, v1  }
0x162: {  	vm0 =	vmor vm1, vm0;
	v5 =	vor.u32 v5, v1;
	vm15 =	vmor vm3, vm2  }
0x163: {  	v3 =	vsel vm0, v4, v3;
	v2 =	vsel vm15, v5, v2  }
0x164: {  	v3 =	vadd.f32 $1.000000000e+00, v3;
	v2 =	vadd.f32 $1.000000000e+00, v2;
	_ =	sdelay $0x1  }
0x165: {  	v3 =	vmul.f32 $5.000000000e-01, v3;
	v2 =	vmul.f32 $5.000000000e-01, v2  }
0x166: {  	p1 =	por $0x1, $0x1  }
.Ltmp21:
0x167: {  	v3 =	vshra.s32 v3, $0x10;
	v2 =	vand.u32 $0xFFFF0000, v2;
	(pc) =	sbr.rel @!p1 .LBB2_37-.Ltmp21, $4  }
0x168: {  	v4 =	vmov s3;
	v3 =	vor.u32 v3, v2  }
0x169: {  	v4 =	vshll.u32 v4, $0x5  }
0x16a: {  	s31 =	sand.u32 $0xF0, s0;
	s0 =	simm.s32 $0x10;
	v2 =	vor.u32 v0, v4  }
0x16b: {  	s8 =	simm.s32 $0x0;
	p2 =	por $0x0, $0x0;
	p0 =	por $0x0, $0x0;
	[tilespmem:s31+$0x2600] =	vst v3;
	v3 =	vmov v2  }
0x16c: {  	v3 =	vor.u32 $0xE, v2  }
0x16d: {  	v4 =	vor.u32 $0xF, v2;
	_ =	sdelay $0x3  }
0x16e: {  	v3 =	vld.idx.msk [tilespmem:v3+s3+$0x0], $0xffff  }
0x16f: {  	v4 =	vld.idx.msk [tilespmem:v4+s3+$0x0], $0xffff;
	_ =	sdelay $0x3  }
0x170: {  	v5 =	vand.u32 $0x80000000, v3  }
0x171: {  	p3 =	por $0x1, $0x1;
	vm0 =	vlt.f32 v3, $0.0e+00;
	vm1 =	vgt.f32 v3, $0.0e+00;
	v6 =	vand.u32 $0x80000000, v4  }
.Ltmp22:
0x172: {  	vm2 =	vlt.f32 v4, $0.0e+00;
	vm3 =	vgt.f32 v4, $0.0e+00;
	v5 =	vor.u32 v5, v1;
	(pc) =	sbr.rel @!p3 .LBB2_35-.Ltmp22, $4  }
0x173: {  	vm0 =	vmor vm1, vm0;
	v6 =	vor.u32 v6, v1;
	vm15 =	vmor vm3, vm2  }
0x174: {  	v7 =	vmov s0;
	v3 =	vsel vm0, v5, v3;
	v5 =	vsel vm15, v6, v4  }
0x175: {  	s11 =	simm.s32 $0x20;
	v6 =	vshll.u32 v7, $0x5;
	v4 =	vadd.f32 $1.000000000e+00, v3;
	v5 =	vadd.f32 $1.000000000e+00, v5  }
0x176: {  	p2 =	por $0x1, $0x1;
	s9 =	simm.s32 $0x0;
	s8 =	simm.s32 $0x10;
	v3 =	vor.u32 v0, v6  }
.LBB2_36:
0x177: {  	p3 =	sne.s32 s11, $0xF0;
	v6 =	vor.u32 $0xE, v3;
	v4 =	vmul.f32 $5.000000000e-01, v4;
	v5 =	vmul.f32 $5.000000000e-01, v5;
	_ =	sdelay $0x1  }
0x178: {  	v3 =	vor.u32 $0xF, v3;
	v4 =	vshra.s32 v4, $0x10;
	v5 =	vand.u32 $0xFFFF0000, v5  }
0x179: {  	s5 =	sand.u32 $0xF0, s9;
	s9 =	smov.u32 s8;
	s8 =	smov.u32 s11;
	v4 =	vor.u32 v4, v5  }
0x17a: {  	[tilespmem:s5+$0x2700] =	vst v4  }
0x17b: {  	v4 =	vld.idx.msk [tilespmem:v6+s3+$0x0], $0xffff;
	_ =	sdelay $0x1  }
0x17c: {  	v3 =	vld.idx.msk [tilespmem:v3+s3+$0x0], $0xffff;
	_ =	sdelay $0x3  }
0x17d: {  	v5 =	vand.u32 $0x80000000, v4  }
0x17e: {  	vm0 =	vlt.f32 v4, $0.0e+00;
	vm1 =	vgt.f32 v4, $0.0e+00;
	v5 =	vor.u32 v5, v1  }
.Ltmp23:
0x17f: {  	v6 =	vand.u32 $0x80000000, v3;
	vm2 =	vlt.f32 v3, $0.0e+00;
	vm3 =	vgt.f32 v3, $0.0e+00;
	(pc) =	sbr.rel @p3 .LBB2_36-.Ltmp23, $4  }
0x180: {  	vm0 =	vmor vm1, vm0;
	v6 =	vor.u32 v6, v1;
	vm1 =	vmor vm3, vm2  }
0x181: {  	v7 =	vmov s11;
	v4 =	vsel vm0, v5, v4;
	v3 =	vsel vm1, v6, v3  }
0x182: {  	v4 =	vadd.f32 $1.000000000e+00, v4;
	v6 =	vshll.u32 v7, $0x5;
	v5 =	vadd.f32 $1.000000000e+00, v3  }
0x183: {  	s11 =	sadd.s32 $0x10, s11;
	v3 =	vor.u32 v0, v6  }
.LBB2_37:
0x184: {  	v6 =	vor.u32 $0xE, v3;
	v4 =	vmul.f32 @p2 $5.000000000e-01, v4;
	v5 =	vmul.f32 @p2 $5.000000000e-01, v5  }
0x185: {  	v3 =	vor.u32 $0xF, v3  }
0x186: {  	v4 =	vshra.s32 @p2 v4, $0x10;
	v5 =	vand.u32 @p2 $0xFFFF0000, v5  }
0x187: {  	s5 =	sand.u32 @p2 $0xF0, s9;
	v4 =	vor.u32 @p2 v4, v5  }
0x188: {  	[tilespmem:s5+$0x2700] =	vst @p2 v4  }
0x189: {  	v4 =	vld.idx.msk [tilespmem:v6+s3+$0x0], $0xffff  }
0x18a: {  	v3 =	vld.idx.msk [tilespmem:v3+s3+$0x0], $0xffff;
	_ =	sdelay $0x3  }
0x18b: {  	v62 =	vand.u32 $0x80000000, v4  }
0x18c: {  	vm0 =	vlt.f32 v4, $0.0e+00;
	vm1 =	vgt.f32 v4, $0.0e+00;
	v63 =	vand.u32 $0x80000000, v3  }
0x18d: {  	vm2 =	vlt.f32 v3, $0.0e+00;
	vm3 =	vgt.f32 v3, $0.0e+00;
	v5 =	vor.u32 v62, v1  }
0x18e: {  	vm0 =	vmor vm1, vm0;
	v6 =	vor.u32 v63, v1;
	vm15 =	vmor vm3, vm2  }
0x18f: {  	v4 =	vsel vm0, v5, v4;
	v3 =	vsel vm15, v6, v3  }
0x190: {  	v4 =	vadd.f32 $1.000000000e+00, v4;
	v3 =	vadd.f32 $1.000000000e+00, v3;
	_ =	sdelay $0x1  }
.Ltmp24:
0x191: {  	v4 =	vmul.f32 $5.000000000e-01, v4;
	v3 =	vmul.f32 $5.000000000e-01, v3;
	(pc) =	sbr.rel @!p1 .LBB2_38-.Ltmp24, $4  }
0x192: {  	_ = 	snop  }
0x193: {  	v4 =	vshra.s32 v4, $0x10;
	v3 =	vand.u32 $0xFFFF0000, v3  }
0x194: {  	s31 =	sand.u32 $0xF0, s8;
	v3 =	vor.u32 v4, v3  }
0x195: {  	[tilespmem:s31+$0x2700] =	vst v3  }
0x196: {  	v3 =	vor.u32 $0x10, v2  }
0x197: {  	v2 =	vor.u32 $0x11, v2;
	_ =	sdelay $0x2  }
0x198: {  	s8 =	simm.s32 $0x0  }
0x199: {  	v3 =	vld.idx.msk [tilespmem:v3+s8+$0x0], $0xffff  }
0x19a: {  	v2 =	vld.idx.msk [tilespmem:v2+s8+$0x0], $0xffff;
	_ =	sdelay $0x3  }
0x19b: {  	v4 =	vand.u32 $0x80000000, v3  }
0x19c: {  	p1 =	por $0x1, $0x1;
	vm0 =	vlt.f32 v3, $0.0e+00;
	vm1 =	vgt.f32 v3, $0.0e+00;
	v5 =	vand.u32 $0x80000000, v2  }
.Ltmp25:
0x19d: {  	vm2 =	vlt.f32 v2, $0.0e+00;
	vm3 =	vgt.f32 v2, $0.0e+00;
	v4 =	vor.u32 v4, v1;
	(pc) =	sbr.rel @!p1 .LBB2_40-.Ltmp25, $4  }
0x19e: {  	vm0 =	vmor vm1, vm0;
	v5 =	vor.u32 v5, v1;
	vm15 =	vmor vm3, vm2  }
0x19f: {  	v6 =	vmov s0;
	v3 =	vsel vm0, v4, v3;
	v2 =	vsel vm15, v5, v2  }
0x1a0: {  	v5 =	vshll.u32 v6, $0x5;
	v3 =	vadd.f32 $1.000000000e+00, v3;
	v4 =	vadd.f32 $1.000000000e+00, v2  }
0x1a1: {  	s9 =	simm.s32 $0x20;
	p0 =	por $0x1, $0x1;
	v2 =	vor.u32 v0, v5  }
.LBB2_41:
0x1a2: {  	p1 =	sne.s32 s9, $0xF0;
	v5 =	vor.u32 $0x10, v2;
	v3 =	vmul.f32 $5.000000000e-01, v3;
	v4 =	vmul.f32 $5.000000000e-01, v4;
	_ =	sdelay $0x1  }
0x1a3: {  	v2 =	vor.u32 $0x11, v2;
	v3 =	vshra.s32 v3, $0x10;
	v4 =	vand.u32 $0xFFFF0000, v4  }
0x1a4: {  	s5 =	sand.u32 $0xF0, s3;
	s3 =	smov.u32 s0;
	s0 =	smov.u32 s9;
	v3 =	vor.u32 v3, v4  }
0x1a5: {  	[tilespmem:s5+$0x2800] =	vst v3  }
0x1a6: {  	v3 =	vld.idx.msk [tilespmem:v5+s8+$0x0], $0xffff;
	_ =	sdelay $0x1  }
0x1a7: {  	v2 =	vld.idx.msk [tilespmem:v2+s8+$0x0], $0xffff;
	_ =	sdelay $0x3  }
0x1a8: {  	v4 =	vand.u32 $0x80000000, v3  }
0x1a9: {  	vm0 =	vlt.f32 v3, $0.0e+00;
	vm1 =	vgt.f32 v3, $0.0e+00;
	v4 =	vor.u32 v4, v1  }
.Ltmp26:
0x1aa: {  	v5 =	vand.u32 $0x80000000, v2;
	vm2 =	vlt.f32 v2, $0.0e+00;
	vm3 =	vgt.f32 v2, $0.0e+00;
	(pc) =	sbr.rel @p1 .LBB2_41-.Ltmp26, $4  }
0x1ab: {  	vm0 =	vmor vm1, vm0;
	v5 =	vor.u32 v5, v1;
	vm1 =	vmor vm3, vm2  }
0x1ac: {  	v6 =	vmov s9;
	v3 =	vsel vm0, v4, v3;
	v2 =	vsel vm1, v5, v2  }
0x1ad: {  	v3 =	vadd.f32 $1.000000000e+00, v3;
	v5 =	vshll.u32 v6, $0x5;
	v4 =	vadd.f32 $1.000000000e+00, v2  }
0x1ae: {  	s9 =	sadd.s32 $0x10, s9;
	v2 =	vor.u32 v0, v5  }
0x1af: {  	s5 =	smov.u32 s3;
	s3 =	smov.u32 s0  }
.LBB2_43:
0x1b0: {  	v5 =	vor.u32 $0x10, v2;
	v3 =	vmul.f32 @p0 $5.000000000e-01, v3;
	v4 =	vmul.f32 @p0 $5.000000000e-01, v4  }
0x1b1: {  	v2 =	vor.u32 $0x11, v2  }
0x1b2: {  	v3 =	vshra.s32 @p0 v3, $0x10;
	v4 =	vand.u32 @p0 $0xFFFF0000, v4  }
0x1b3: {  	s5 =	sand.u32 @p0 $0xF0, s5;
	v3 =	vor.u32 @p0 v3, v4  }
0x1b4: {  	s0 =	simm.s32 $0x0;
	[tilespmem:s5+$0x2800] =	vst @p0 v3  }
0x1b5: {  	v3 =	vld.idx.msk [tilespmem:v5+s0+$0x0], $0xffff  }
0x1b6: {  	v2 =	vld.idx.msk [tilespmem:v2+s0+$0x0], $0xffff;
	_ =	sdelay $0x3  }
0x1b7: {  	v4 =	vand.u32 $0x80000000, v3  }
0x1b8: {  	vm0 =	vlt.f32 v3, $0.0e+00;
	vm1 =	vgt.f32 v3, $0.0e+00;
	v5 =	vand.u32 $0x80000000, v2  }
0x1b9: {  	vm2 =	vlt.f32 v2, $0.0e+00;
	vm3 =	vgt.f32 v2, $0.0e+00;
	v4 =	vor.u32 v4, v1  }
0x1ba: {  	vm0 =	vmor vm1, vm0;
	v5 =	vor.u32 v5, v1;
	vm15 =	vmor vm3, vm2  }
0x1bb: {  	v3 =	vsel vm0, v4, v3;
	v2 =	vsel vm15, v5, v2  }
0x1bc: {  	v3 =	vadd.f32 $1.000000000e+00, v3;
	v2 =	vadd.f32 $1.000000000e+00, v2;
	_ =	sdelay $0x1  }
0x1bd: {  	v3 =	vmul.f32 $5.000000000e-01, v3;
	v2 =	vmul.f32 $5.000000000e-01, v2  }
0x1be: {  	p1 =	por $0x1, $0x1  }
.Ltmp27:
0x1bf: {  	v3 =	vshra.s32 v3, $0x10;
	v2 =	vand.u32 $0xFFFF0000, v2;
	(pc) =	sbr.rel @!p1 .LBB2_47-.Ltmp27, $4  }
0x1c0: {  	v4 =	vmov s0;
	v3 =	vor.u32 v3, v2  }
0x1c1: {  	v4 =	vshll.u32 v4, $0x5  }
0x1c2: {  	s31 =	sand.u32 $0xF0, s3;
	s3 =	simm.s32 $0x10;
	v2 =	vor.u32 v0, v4  }
0x1c3: {  	s8 =	simm.s32 $0x0;
	p2 =	por $0x0, $0x0;
	p0 =	por $0x0, $0x0;
	[tilespmem:s31+$0x2800] =	vst v3;
	v3 =	vmov v2  }
0x1c4: {  	v3 =	vor.u32 $0x12, v2  }
0x1c5: {  	v4 =	vor.u32 $0x13, v2;
	_ =	sdelay $0x3  }
0x1c6: {  	v3 =	vld.idx.msk [tilespmem:v3+s0+$0x0], $0xffff  }
0x1c7: {  	v4 =	vld.idx.msk [tilespmem:v4+s0+$0x0], $0xffff;
	_ =	sdelay $0x3  }
0x1c8: {  	v5 =	vand.u32 $0x80000000, v3  }
0x1c9: {  	p3 =	por $0x1, $0x1;
	vm0 =	vlt.f32 v3, $0.0e+00;
	vm1 =	vgt.f32 v3, $0.0e+00;
	v6 =	vand.u32 $0x80000000, v4  }
.Ltmp28:
0x1ca: {  	vm2 =	vlt.f32 v4, $0.0e+00;
	vm3 =	vgt.f32 v4, $0.0e+00;
	v5 =	vor.u32 v5, v1;
	(pc) =	sbr.rel @!p3 .LBB2_45-.Ltmp28, $4  }
0x1cb: {  	vm0 =	vmor vm1, vm0;
	v6 =	vor.u32 v6, v1;
	vm15 =	vmor vm3, vm2  }
0x1cc: {  	v7 =	vmov s3;
	v3 =	vsel vm0, v5, v3;
	v5 =	vsel vm15, v6, v4  }
0x1cd: {  	s11 =	simm.s32 $0x20;
	v6 =	vshll.u32 v7, $0x5;
	v4 =	vadd.f32 $1.000000000e+00, v3;
	v5 =	vadd.f32 $1.000000000e+00, v5  }
0x1ce: {  	p2 =	por $0x1, $0x1;
	s9 =	simm.s32 $0x0;
	s8 =	simm.s32 $0x10;
	v3 =	vor.u32 v0, v6  }
.LBB2_46:
0x1cf: {  	p3 =	sne.s32 s11, $0xF0;
	v6 =	vor.u32 $0x12, v3;
	v4 =	vmul.f32 $5.000000000e-01, v4;
	v5 =	vmul.f32 $5.000000000e-01, v5;
	_ =	sdelay $0x1  }
0x1d0: {  	v3 =	vor.u32 $0x13, v3;
	v4 =	vshra.s32 v4, $0x10;
	v5 =	vand.u32 $0xFFFF0000, v5  }
0x1d1: {  	s5 =	sand.u32 $0xF0, s9;
	s9 =	smov.u32 s8;
	s8 =	smov.u32 s11;
	v4 =	vor.u32 v4, v5  }
0x1d2: {  	[tilespmem:s5+$0x2900] =	vst v4  }
0x1d3: {  	v4 =	vld.idx.msk [tilespmem:v6+s0+$0x0], $0xffff;
	_ =	sdelay $0x1  }
0x1d4: {  	v3 =	vld.idx.msk [tilespmem:v3+s0+$0x0], $0xffff;
	_ =	sdelay $0x3  }
0x1d5: {  	v5 =	vand.u32 $0x80000000, v4  }
0x1d6: {  	vm0 =	vlt.f32 v4, $0.0e+00;
	vm1 =	vgt.f32 v4, $0.0e+00;
	v5 =	vor.u32 v5, v1  }
.Ltmp29:
0x1d7: {  	v6 =	vand.u32 $0x80000000, v3;
	vm2 =	vlt.f32 v3, $0.0e+00;
	vm3 =	vgt.f32 v3, $0.0e+00;
	(pc) =	sbr.rel @p3 .LBB2_46-.Ltmp29, $4  }
0x1d8: {  	vm0 =	vmor vm1, vm0;
	v6 =	vor.u32 v6, v1;
	vm1 =	vmor vm3, vm2  }
0x1d9: {  	v7 =	vmov s11;
	v4 =	vsel vm0, v5, v4;
	v3 =	vsel vm1, v6, v3  }
0x1da: {  	v4 =	vadd.f32 $1.000000000e+00, v4;
	v6 =	vshll.u32 v7, $0x5;
	v5 =	vadd.f32 $1.000000000e+00, v3  }
0x1db: {  	s11 =	sadd.s32 $0x10, s11;
	v3 =	vor.u32 v0, v6  }
.LBB2_47:
0x1dc: {  	v6 =	vor.u32 $0x12, v3;
	v4 =	vmul.f32 @p2 $5.000000000e-01, v4;
	v5 =	vmul.f32 @p2 $5.000000000e-01, v5  }
0x1dd: {  	v3 =	vor.u32 $0x13, v3  }
0x1de: {  	v4 =	vshra.s32 @p2 v4, $0x10;
	v5 =	vand.u32 @p2 $0xFFFF0000, v5  }
0x1df: {  	s5 =	sand.u32 @p2 $0xF0, s9;
	v4 =	vor.u32 @p2 v4, v5  }
0x1e0: {  	[tilespmem:s5+$0x2900] =	vst @p2 v4  }
0x1e1: {  	v4 =	vld.idx.msk [tilespmem:v6+s0+$0x0], $0xffff  }
0x1e2: {  	v3 =	vld.idx.msk [tilespmem:v3+s0+$0x0], $0xffff;
	_ =	sdelay $0x3  }
0x1e3: {  	v62 =	vand.u32 $0x80000000, v4  }
0x1e4: {  	vm0 =	vlt.f32 v4, $0.0e+00;
	vm1 =	vgt.f32 v4, $0.0e+00;
	v63 =	vand.u32 $0x80000000, v3  }
0x1e5: {  	vm2 =	vlt.f32 v3, $0.0e+00;
	vm3 =	vgt.f32 v3, $0.0e+00;
	v5 =	vor.u32 v62, v1  }
0x1e6: {  	vm0 =	vmor vm1, vm0;
	v6 =	vor.u32 v63, v1;
	vm15 =	vmor vm3, vm2  }
0x1e7: {  	v4 =	vsel vm0, v5, v4;
	v3 =	vsel vm15, v6, v3  }
0x1e8: {  	v4 =	vadd.f32 $1.000000000e+00, v4;
	v3 =	vadd.f32 $1.000000000e+00, v3;
	_ =	sdelay $0x1  }
.Ltmp30:
0x1e9: {  	v4 =	vmul.f32 $5.000000000e-01, v4;
	v3 =	vmul.f32 $5.000000000e-01, v3;
	(pc) =	sbr.rel @!p1 .LBB2_48-.Ltmp30, $4  }
0x1ea: {  	_ = 	snop  }
0x1eb: {  	v4 =	vshra.s32 v4, $0x10;
	v3 =	vand.u32 $0xFFFF0000, v3  }
0x1ec: {  	s31 =	sand.u32 $0xF0, s8;
	v3 =	vor.u32 v4, v3  }
0x1ed: {  	[tilespmem:s31+$0x2900] =	vst v3  }
0x1ee: {  	v3 =	vor.u32 $0x14, v2  }
0x1ef: {  	v2 =	vor.u32 $0x15, v2;
	_ =	sdelay $0x2  }
0x1f0: {  	s8 =	simm.s32 $0x0  }
0x1f1: {  	v3 =	vld.idx.msk [tilespmem:v3+s8+$0x0], $0xffff  }
0x1f2: {  	v2 =	vld.idx.msk [tilespmem:v2+s8+$0x0], $0xffff;
	_ =	sdelay $0x3  }
0x1f3: {  	v4 =	vand.u32 $0x80000000, v3  }
0x1f4: {  	p1 =	por $0x1, $0x1;
	vm0 =	vlt.f32 v3, $0.0e+00;
	vm1 =	vgt.f32 v3, $0.0e+00;
	v5 =	vand.u32 $0x80000000, v2  }
.Ltmp31:
0x1f5: {  	vm2 =	vlt.f32 v2, $0.0e+00;
	vm3 =	vgt.f32 v2, $0.0e+00;
	v4 =	vor.u32 v4, v1;
	(pc) =	sbr.rel @!p1 .LBB2_50-.Ltmp31, $4  }
0x1f6: {  	vm0 =	vmor vm1, vm0;
	v5 =	vor.u32 v5, v1;
	vm15 =	vmor vm3, vm2  }
0x1f7: {  	v6 =	vmov s3;
	v3 =	vsel vm0, v4, v3;
	v2 =	vsel vm15, v5, v2  }
0x1f8: {  	v5 =	vshll.u32 v6, $0x5;
	v3 =	vadd.f32 $1.000000000e+00, v3;
	v4 =	vadd.f32 $1.000000000e+00, v2  }
0x1f9: {  	s9 =	simm.s32 $0x20;
	p0 =	por $0x1, $0x1;
	v2 =	vor.u32 v0, v5  }
.LBB2_51:
0x1fa: {  	p1 =	sne.s32 s9, $0xF0;
	v5 =	vor.u32 $0x14, v2;
	v3 =	vmul.f32 $5.000000000e-01, v3;
	v4 =	vmul.f32 $5.000000000e-01, v4;
	_ =	sdelay $0x1  }
0x1fb: {  	v2 =	vor.u32 $0x15, v2;
	v3 =	vshra.s32 v3, $0x10;
	v4 =	vand.u32 $0xFFFF0000, v4  }
0x1fc: {  	s5 =	sand.u32 $0xF0, s0;
	s0 =	smov.u32 s3;
	s3 =	smov.u32 s9;
	v3 =	vor.u32 v3, v4  }
0x1fd: {  	[tilespmem:s5+$0x2A00] =	vst v3  }
0x1fe: {  	v3 =	vld.idx.msk [tilespmem:v5+s8+$0x0], $0xffff;
	_ =	sdelay $0x1  }
0x1ff: {  	v2 =	vld.idx.msk [tilespmem:v2+s8+$0x0], $0xffff;
	_ =	sdelay $0x3  }
0x200: {  	v4 =	vand.u32 $0x80000000, v3  }
0x201: {  	vm0 =	vlt.f32 v3, $0.0e+00;
	vm1 =	vgt.f32 v3, $0.0e+00;
	v4 =	vor.u32 v4, v1  }
.Ltmp32:
0x202: {  	v5 =	vand.u32 $0x80000000, v2;
	vm2 =	vlt.f32 v2, $0.0e+00;
	vm3 =	vgt.f32 v2, $0.0e+00;
	(pc) =	sbr.rel @p1 .LBB2_51-.Ltmp32, $4  }
0x203: {  	vm0 =	vmor vm1, vm0;
	v5 =	vor.u32 v5, v1;
	vm1 =	vmor vm3, vm2  }
0x204: {  	v6 =	vmov s9;
	v3 =	vsel vm0, v4, v3;
	v2 =	vsel vm1, v5, v2  }
0x205: {  	v3 =	vadd.f32 $1.000000000e+00, v3;
	v5 =	vshll.u32 v6, $0x5;
	v4 =	vadd.f32 $1.000000000e+00, v2  }
0x206: {  	s9 =	sadd.s32 $0x10, s9;
	v2 =	vor.u32 v0, v5  }
0x207: {  	s5 =	smov.u32 s0;
	s0 =	smov.u32 s3  }
.LBB2_53:
0x208: {  	v5 =	vor.u32 $0x14, v2;
	v3 =	vmul.f32 @p0 $5.000000000e-01, v3;
	v4 =	vmul.f32 @p0 $5.000000000e-01, v4  }
0x209: {  	v2 =	vor.u32 $0x15, v2  }
0x20a: {  	v3 =	vshra.s32 @p0 v3, $0x10;
	v4 =	vand.u32 @p0 $0xFFFF0000, v4  }
0x20b: {  	s5 =	sand.u32 @p0 $0xF0, s5;
	v3 =	vor.u32 @p0 v3, v4  }
0x20c: {  	s3 =	simm.s32 $0x0;
	[tilespmem:s5+$0x2A00] =	vst @p0 v3  }
0x20d: {  	v3 =	vld.idx.msk [tilespmem:v5+s3+$0x0], $0xffff  }
0x20e: {  	v2 =	vld.idx.msk [tilespmem:v2+s3+$0x0], $0xffff;
	_ =	sdelay $0x3  }
0x20f: {  	v4 =	vand.u32 $0x80000000, v3  }
0x210: {  	vm0 =	vlt.f32 v3, $0.0e+00;
	vm1 =	vgt.f32 v3, $0.0e+00;
	v5 =	vand.u32 $0x80000000, v2  }
0x211: {  	vm2 =	vlt.f32 v2, $0.0e+00;
	vm3 =	vgt.f32 v2, $0.0e+00;
	v4 =	vor.u32 v4, v1  }
0x212: {  	vm0 =	vmor vm1, vm0;
	v5 =	vor.u32 v5, v1;
	vm15 =	vmor vm3, vm2  }
0x213: {  	v3 =	vsel vm0, v4, v3;
	v2 =	vsel vm15, v5, v2  }
0x214: {  	v3 =	vadd.f32 $1.000000000e+00, v3;
	v2 =	vadd.f32 $1.000000000e+00, v2;
	_ =	sdelay $0x1  }
0x215: {  	v3 =	vmul.f32 $5.000000000e-01, v3;
	v2 =	vmul.f32 $5.000000000e-01, v2  }
0x216: {  	p1 =	por $0x1, $0x1  }
.Ltmp33:
0x217: {  	v3 =	vshra.s32 v3, $0x10;
	v2 =	vand.u32 $0xFFFF0000, v2;
	(pc) =	sbr.rel @!p1 .LBB2_57-.Ltmp33, $4  }
0x218: {  	v4 =	vmov s3;
	v3 =	vor.u32 v3, v2  }
0x219: {  	v4 =	vshll.u32 v4, $0x5  }
0x21a: {  	s31 =	sand.u32 $0xF0, s0;
	s0 =	simm.s32 $0x10;
	v2 =	vor.u32 v0, v4  }
0x21b: {  	s8 =	simm.s32 $0x0;
	p2 =	por $0x0, $0x0;
	p0 =	por $0x0, $0x0;
	[tilespmem:s31+$0x2A00] =	vst v3;
	v3 =	vmov v2  }
0x21c: {  	v3 =	vor.u32 $0x16, v2  }
0x21d: {  	v4 =	vor.u32 $0x17, v2;
	_ =	sdelay $0x3  }
0x21e: {  	v3 =	vld.idx.msk [tilespmem:v3+s3+$0x0], $0xffff  }
0x21f: {  	v4 =	vld.idx.msk [tilespmem:v4+s3+$0x0], $0xffff;
	_ =	sdelay $0x3  }
0x220: {  	v5 =	vand.u32 $0x80000000, v3  }
0x221: {  	p3 =	por $0x1, $0x1;
	vm0 =	vlt.f32 v3, $0.0e+00;
	vm1 =	vgt.f32 v3, $0.0e+00;
	v6 =	vand.u32 $0x80000000, v4  }
.Ltmp34:
0x222: {  	vm2 =	vlt.f32 v4, $0.0e+00;
	vm3 =	vgt.f32 v4, $0.0e+00;
	v5 =	vor.u32 v5, v1;
	(pc) =	sbr.rel @!p3 .LBB2_55-.Ltmp34, $4  }
0x223: {  	vm0 =	vmor vm1, vm0;
	v6 =	vor.u32 v6, v1;
	vm15 =	vmor vm3, vm2  }
0x224: {  	v7 =	vmov s0;
	v3 =	vsel vm0, v5, v3;
	v5 =	vsel vm15, v6, v4  }
0x225: {  	s11 =	simm.s32 $0x20;
	v6 =	vshll.u32 v7, $0x5;
	v4 =	vadd.f32 $1.000000000e+00, v3;
	v5 =	vadd.f32 $1.000000000e+00, v5  }
0x226: {  	p2 =	por $0x1, $0x1;
	s9 =	simm.s32 $0x0;
	s8 =	simm.s32 $0x10;
	v3 =	vor.u32 v0, v6  }
.LBB2_56:
0x227: {  	p3 =	sne.s32 s11, $0xF0;
	v6 =	vor.u32 $0x16, v3;
	v4 =	vmul.f32 $5.000000000e-01, v4;
	v5 =	vmul.f32 $5.000000000e-01, v5;
	_ =	sdelay $0x1  }
0x228: {  	v3 =	vor.u32 $0x17, v3;
	v4 =	vshra.s32 v4, $0x10;
	v5 =	vand.u32 $0xFFFF0000, v5  }
0x229: {  	s5 =	sand.u32 $0xF0, s9;
	s9 =	smov.u32 s8;
	s8 =	smov.u32 s11;
	v4 =	vor.u32 v4, v5  }
0x22a: {  	[tilespmem:s5+$0x2B00] =	vst v4  }
0x22b: {  	v4 =	vld.idx.msk [tilespmem:v6+s3+$0x0], $0xffff;
	_ =	sdelay $0x1  }
0x22c: {  	v3 =	vld.idx.msk [tilespmem:v3+s3+$0x0], $0xffff;
	_ =	sdelay $0x3  }
0x22d: {  	v5 =	vand.u32 $0x80000000, v4  }
0x22e: {  	vm0 =	vlt.f32 v4, $0.0e+00;
	vm1 =	vgt.f32 v4, $0.0e+00;
	v5 =	vor.u32 v5, v1  }
.Ltmp35:
0x22f: {  	v6 =	vand.u32 $0x80000000, v3;
	vm2 =	vlt.f32 v3, $0.0e+00;
	vm3 =	vgt.f32 v3, $0.0e+00;
	(pc) =	sbr.rel @p3 .LBB2_56-.Ltmp35, $4  }
0x230: {  	vm0 =	vmor vm1, vm0;
	v6 =	vor.u32 v6, v1;
	vm1 =	vmor vm3, vm2  }
0x231: {  	v7 =	vmov s11;
	v4 =	vsel vm0, v5, v4;
	v3 =	vsel vm1, v6, v3  }
0x232: {  	v4 =	vadd.f32 $1.000000000e+00, v4;
	v6 =	vshll.u32 v7, $0x5;
	v5 =	vadd.f32 $1.000000000e+00, v3  }
0x233: {  	s11 =	sadd.s32 $0x10, s11;
	v3 =	vor.u32 v0, v6  }
.LBB2_57:
0x234: {  	v6 =	vor.u32 $0x16, v3;
	v4 =	vmul.f32 @p2 $5.000000000e-01, v4;
	v5 =	vmul.f32 @p2 $5.000000000e-01, v5  }
0x235: {  	v3 =	vor.u32 $0x17, v3  }
0x236: {  	v4 =	vshra.s32 @p2 v4, $0x10;
	v5 =	vand.u32 @p2 $0xFFFF0000, v5  }
0x237: {  	s5 =	sand.u32 @p2 $0xF0, s9;
	v4 =	vor.u32 @p2 v4, v5  }
0x238: {  	[tilespmem:s5+$0x2B00] =	vst @p2 v4  }
0x239: {  	v4 =	vld.idx.msk [tilespmem:v6+s3+$0x0], $0xffff  }
0x23a: {  	v3 =	vld.idx.msk [tilespmem:v3+s3+$0x0], $0xffff;
	_ =	sdelay $0x3  }
0x23b: {  	v62 =	vand.u32 $0x80000000, v4  }
0x23c: {  	vm0 =	vlt.f32 v4, $0.0e+00;
	vm1 =	vgt.f32 v4, $0.0e+00;
	v63 =	vand.u32 $0x80000000, v3  }
0x23d: {  	vm2 =	vlt.f32 v3, $0.0e+00;
	vm3 =	vgt.f32 v3, $0.0e+00;
	v5 =	vor.u32 v62, v1  }
0x23e: {  	vm0 =	vmor vm1, vm0;
	v6 =	vor.u32 v63, v1;
	vm15 =	vmor vm3, vm2  }
0x23f: {  	v4 =	vsel vm0, v5, v4;
	v3 =	vsel vm15, v6, v3  }
0x240: {  	v4 =	vadd.f32 $1.000000000e+00, v4;
	v3 =	vadd.f32 $1.000000000e+00, v3;
	_ =	sdelay $0x1  }
.Ltmp36:
0x241: {  	v4 =	vmul.f32 $5.000000000e-01, v4;
	v3 =	vmul.f32 $5.000000000e-01, v3;
	(pc) =	sbr.rel @!p1 .LBB2_58-.Ltmp36, $4  }
0x242: {  	_ = 	snop  }
0x243: {  	v4 =	vshra.s32 v4, $0x10;
	v3 =	vand.u32 $0xFFFF0000, v3  }
0x244: {  	s31 =	sand.u32 $0xF0, s8;
	v3 =	vor.u32 v4, v3  }
0x245: {  	[tilespmem:s31+$0x2B00] =	vst v3  }
0x246: {  	v3 =	vor.u32 $0x18, v2  }
0x247: {  	v2 =	vor.u32 $0x19, v2;
	_ =	sdelay $0x2  }
0x248: {  	s8 =	simm.s32 $0x0  }
0x249: {  	v3 =	vld.idx.msk [tilespmem:v3+s8+$0x0], $0xffff  }
0x24a: {  	v2 =	vld.idx.msk [tilespmem:v2+s8+$0x0], $0xffff;
	_ =	sdelay $0x3  }
0x24b: {  	v4 =	vand.u32 $0x80000000, v3  }
0x24c: {  	p1 =	por $0x1, $0x1;
	vm0 =	vlt.f32 v3, $0.0e+00;
	vm1 =	vgt.f32 v3, $0.0e+00;
	v5 =	vand.u32 $0x80000000, v2  }
.Ltmp37:
0x24d: {  	vm2 =	vlt.f32 v2, $0.0e+00;
	vm3 =	vgt.f32 v2, $0.0e+00;
	v4 =	vor.u32 v4, v1;
	(pc) =	sbr.rel @!p1 .LBB2_60-.Ltmp37, $4  }
0x24e: {  	vm0 =	vmor vm1, vm0;
	v5 =	vor.u32 v5, v1;
	vm15 =	vmor vm3, vm2  }
0x24f: {  	v6 =	vmov s0;
	v3 =	vsel vm0, v4, v3;
	v2 =	vsel vm15, v5, v2  }
0x250: {  	v5 =	vshll.u32 v6, $0x5;
	v3 =	vadd.f32 $1.000000000e+00, v3;
	v4 =	vadd.f32 $1.000000000e+00, v2  }
0x251: {  	s9 =	simm.s32 $0x20;
	p0 =	por $0x1, $0x1;
	v2 =	vor.u32 v0, v5  }
.LBB2_61:
0x252: {  	p1 =	sne.s32 s9, $0xF0;
	v5 =	vor.u32 $0x18, v2;
	v3 =	vmul.f32 $5.000000000e-01, v3;
	v4 =	vmul.f32 $5.000000000e-01, v4;
	_ =	sdelay $0x1  }
0x253: {  	v2 =	vor.u32 $0x19, v2;
	v3 =	vshra.s32 v3, $0x10;
	v4 =	vand.u32 $0xFFFF0000, v4  }
0x254: {  	s5 =	sand.u32 $0xF0, s3;
	s3 =	smov.u32 s0;
	s0 =	smov.u32 s9;
	v3 =	vor.u32 v3, v4  }
0x255: {  	[tilespmem:s5+$0x2C00] =	vst v3  }
0x256: {  	v3 =	vld.idx.msk [tilespmem:v5+s8+$0x0], $0xffff;
	_ =	sdelay $0x1  }
0x257: {  	v2 =	vld.idx.msk [tilespmem:v2+s8+$0x0], $0xffff;
	_ =	sdelay $0x3  }
0x258: {  	v4 =	vand.u32 $0x80000000, v3  }
0x259: {  	vm0 =	vlt.f32 v3, $0.0e+00;
	vm1 =	vgt.f32 v3, $0.0e+00;
	v4 =	vor.u32 v4, v1  }
.Ltmp38:
0x25a: {  	v5 =	vand.u32 $0x80000000, v2;
	vm2 =	vlt.f32 v2, $0.0e+00;
	vm3 =	vgt.f32 v2, $0.0e+00;
	(pc) =	sbr.rel @p1 .LBB2_61-.Ltmp38, $4  }
0x25b: {  	vm0 =	vmor vm1, vm0;
	v5 =	vor.u32 v5, v1;
	vm1 =	vmor vm3, vm2  }
0x25c: {  	v6 =	vmov s9;
	v3 =	vsel vm0, v4, v3;
	v2 =	vsel vm1, v5, v2  }
0x25d: {  	v3 =	vadd.f32 $1.000000000e+00, v3;
	v5 =	vshll.u32 v6, $0x5;
	v4 =	vadd.f32 $1.000000000e+00, v2  }
0x25e: {  	s9 =	sadd.s32 $0x10, s9;
	v2 =	vor.u32 v0, v5  }
0x25f: {  	s5 =	smov.u32 s3;
	s3 =	smov.u32 s0  }
.LBB2_63:
0x260: {  	v5 =	vor.u32 $0x18, v2;
	v3 =	vmul.f32 @p0 $5.000000000e-01, v3;
	v4 =	vmul.f32 @p0 $5.000000000e-01, v4  }
0x261: {  	v2 =	vor.u32 $0x19, v2  }
0x262: {  	v3 =	vshra.s32 @p0 v3, $0x10;
	v4 =	vand.u32 @p0 $0xFFFF0000, v4  }
0x263: {  	s5 =	sand.u32 @p0 $0xF0, s5;
	v3 =	vor.u32 @p0 v3, v4  }
0x264: {  	s0 =	simm.s32 $0x0;
	[tilespmem:s5+$0x2C00] =	vst @p0 v3  }
0x265: {  	v3 =	vld.idx.msk [tilespmem:v5+s0+$0x0], $0xffff  }
0x266: {  	v2 =	vld.idx.msk [tilespmem:v2+s0+$0x0], $0xffff;
	_ =	sdelay $0x3  }
0x267: {  	v4 =	vand.u32 $0x80000000, v3  }
0x268: {  	vm0 =	vlt.f32 v3, $0.0e+00;
	vm1 =	vgt.f32 v3, $0.0e+00;
	v5 =	vand.u32 $0x80000000, v2  }
0x269: {  	vm2 =	vlt.f32 v2, $0.0e+00;
	vm3 =	vgt.f32 v2, $0.0e+00;
	v4 =	vor.u32 v4, v1  }
0x26a: {  	vm0 =	vmor vm1, vm0;
	v5 =	vor.u32 v5, v1;
	vm15 =	vmor vm3, vm2  }
0x26b: {  	v3 =	vsel vm0, v4, v3;
	v2 =	vsel vm15, v5, v2  }
0x26c: {  	v3 =	vadd.f32 $1.000000000e+00, v3;
	v2 =	vadd.f32 $1.000000000e+00, v2;
	_ =	sdelay $0x1  }
0x26d: {  	v3 =	vmul.f32 $5.000000000e-01, v3;
	v2 =	vmul.f32 $5.000000000e-01, v2  }
0x26e: {  	p1 =	por $0x1, $0x1  }
.Ltmp39:
0x26f: {  	v3 =	vshra.s32 v3, $0x10;
	v2 =	vand.u32 $0xFFFF0000, v2;
	(pc) =	sbr.rel @!p1 .LBB2_67-.Ltmp39, $4  }
0x270: {  	v4 =	vmov s0;
	v3 =	vor.u32 v3, v2  }
0x271: {  	v4 =	vshll.u32 v4, $0x5  }
0x272: {  	s31 =	sand.u32 $0xF0, s3;
	s3 =	simm.s32 $0x10;
	v2 =	vor.u32 v0, v4  }
0x273: {  	s8 =	simm.s32 $0x0;
	p2 =	por $0x0, $0x0;
	p0 =	por $0x0, $0x0;
	[tilespmem:s31+$0x2C00] =	vst v3;
	v3 =	vmov v2  }
0x274: {  	v3 =	vor.u32 $0x1A, v2  }
0x275: {  	v4 =	vor.u32 $0x1B, v2;
	_ =	sdelay $0x3  }
0x276: {  	v3 =	vld.idx.msk [tilespmem:v3+s0+$0x0], $0xffff  }
0x277: {  	v4 =	vld.idx.msk [tilespmem:v4+s0+$0x0], $0xffff;
	_ =	sdelay $0x3  }
0x278: {  	v5 =	vand.u32 $0x80000000, v3  }
0x279: {  	p3 =	por $0x1, $0x1;
	vm0 =	vlt.f32 v3, $0.0e+00;
	vm1 =	vgt.f32 v3, $0.0e+00;
	v6 =	vand.u32 $0x80000000, v4  }
.Ltmp40:
0x27a: {  	vm2 =	vlt.f32 v4, $0.0e+00;
	vm3 =	vgt.f32 v4, $0.0e+00;
	v5 =	vor.u32 v5, v1;
	(pc) =	sbr.rel @!p3 .LBB2_65-.Ltmp40, $4  }
0x27b: {  	vm0 =	vmor vm1, vm0;
	v6 =	vor.u32 v6, v1;
	vm15 =	vmor vm3, vm2  }
0x27c: {  	v7 =	vmov s3;
	v3 =	vsel vm0, v5, v3;
	v5 =	vsel vm15, v6, v4  }
0x27d: {  	s11 =	simm.s32 $0x20;
	v6 =	vshll.u32 v7, $0x5;
	v4 =	vadd.f32 $1.000000000e+00, v3;
	v5 =	vadd.f32 $1.000000000e+00, v5  }
0x27e: {  	p2 =	por $0x1, $0x1;
	s9 =	simm.s32 $0x0;
	s8 =	simm.s32 $0x10;
	v3 =	vor.u32 v0, v6  }
.LBB2_66:
0x27f: {  	p3 =	sne.s32 s11, $0xF0;
	v6 =	vor.u32 $0x1A, v3;
	v4 =	vmul.f32 $5.000000000e-01, v4;
	v5 =	vmul.f32 $5.000000000e-01, v5;
	_ =	sdelay $0x1  }
0x280: {  	v3 =	vor.u32 $0x1B, v3;
	v4 =	vshra.s32 v4, $0x10;
	v5 =	vand.u32 $0xFFFF0000, v5  }
0x281: {  	s5 =	sand.u32 $0xF0, s9;
	s9 =	smov.u32 s8;
	s8 =	smov.u32 s11;
	v4 =	vor.u32 v4, v5  }
0x282: {  	[tilespmem:s5+$0x2D00] =	vst v4  }
0x283: {  	v4 =	vld.idx.msk [tilespmem:v6+s0+$0x0], $0xffff;
	_ =	sdelay $0x1  }
0x284: {  	v3 =	vld.idx.msk [tilespmem:v3+s0+$0x0], $0xffff;
	_ =	sdelay $0x3  }
0x285: {  	v5 =	vand.u32 $0x80000000, v4  }
0x286: {  	vm0 =	vlt.f32 v4, $0.0e+00;
	vm1 =	vgt.f32 v4, $0.0e+00;
	v5 =	vor.u32 v5, v1  }
.Ltmp41:
0x287: {  	v6 =	vand.u32 $0x80000000, v3;
	vm2 =	vlt.f32 v3, $0.0e+00;
	vm3 =	vgt.f32 v3, $0.0e+00;
	(pc) =	sbr.rel @p3 .LBB2_66-.Ltmp41, $4  }
0x288: {  	vm0 =	vmor vm1, vm0;
	v6 =	vor.u32 v6, v1;
	vm1 =	vmor vm3, vm2  }
0x289: {  	v7 =	vmov s11;
	v4 =	vsel vm0, v5, v4;
	v3 =	vsel vm1, v6, v3  }
0x28a: {  	v4 =	vadd.f32 $1.000000000e+00, v4;
	v6 =	vshll.u32 v7, $0x5;
	v5 =	vadd.f32 $1.000000000e+00, v3  }
0x28b: {  	s11 =	sadd.s32 $0x10, s11;
	v3 =	vor.u32 v0, v6  }
.LBB2_67:
0x28c: {  	v6 =	vor.u32 $0x1A, v3;
	v4 =	vmul.f32 @p2 $5.000000000e-01, v4;
	v5 =	vmul.f32 @p2 $5.000000000e-01, v5  }
0x28d: {  	v3 =	vor.u32 $0x1B, v3  }
0x28e: {  	v4 =	vshra.s32 @p2 v4, $0x10;
	v5 =	vand.u32 @p2 $0xFFFF0000, v5  }
0x28f: {  	s5 =	sand.u32 @p2 $0xF0, s9;
	v4 =	vor.u32 @p2 v4, v5  }
0x290: {  	[tilespmem:s5+$0x2D00] =	vst @p2 v4  }
0x291: {  	v4 =	vld.idx.msk [tilespmem:v6+s0+$0x0], $0xffff  }
0x292: {  	v3 =	vld.idx.msk [tilespmem:v3+s0+$0x0], $0xffff;
	_ =	sdelay $0x3  }
0x293: {  	v62 =	vand.u32 $0x80000000, v4  }
0x294: {  	vm0 =	vlt.f32 v4, $0.0e+00;
	vm1 =	vgt.f32 v4, $0.0e+00;
	v63 =	vand.u32 $0x80000000, v3  }
0x295: {  	vm2 =	vlt.f32 v3, $0.0e+00;
	vm3 =	vgt.f32 v3, $0.0e+00;
	v5 =	vor.u32 v62, v1  }
0x296: {  	vm0 =	vmor vm1, vm0;
	v6 =	vor.u32 v63, v1;
	vm15 =	vmor vm3, vm2  }
0x297: {  	v4 =	vsel vm0, v5, v4;
	v3 =	vsel vm15, v6, v3  }
0x298: {  	v4 =	vadd.f32 $1.000000000e+00, v4;
	v3 =	vadd.f32 $1.000000000e+00, v3;
	_ =	sdelay $0x1  }
.Ltmp42:
0x299: {  	v4 =	vmul.f32 $5.000000000e-01, v4;
	v3 =	vmul.f32 $5.000000000e-01, v3;
	(pc) =	sbr.rel @!p1 .LBB2_68-.Ltmp42, $4  }
0x29a: {  	_ = 	snop  }
0x29b: {  	v4 =	vshra.s32 v4, $0x10;
	v3 =	vand.u32 $0xFFFF0000, v3  }
0x29c: {  	s31 =	sand.u32 $0xF0, s8;
	v3 =	vor.u32 v4, v3  }
0x29d: {  	[tilespmem:s31+$0x2D00] =	vst v3  }
0x29e: {  	v3 =	vor.u32 $0x1C, v2  }
0x29f: {  	v2 =	vor.u32 $0x1D, v2;
	_ =	sdelay $0x2  }
0x2a0: {  	s8 =	simm.s32 $0x0  }
0x2a1: {  	v3 =	vld.idx.msk [tilespmem:v3+s8+$0x0], $0xffff  }
0x2a2: {  	v2 =	vld.idx.msk [tilespmem:v2+s8+$0x0], $0xffff;
	_ =	sdelay $0x3  }
0x2a3: {  	v4 =	vand.u32 $0x80000000, v3  }
0x2a4: {  	p1 =	por $0x1, $0x1;
	vm0 =	vlt.f32 v3, $0.0e+00;
	vm1 =	vgt.f32 v3, $0.0e+00;
	v5 =	vand.u32 $0x80000000, v2  }
.Ltmp43:
0x2a5: {  	vm2 =	vlt.f32 v2, $0.0e+00;
	vm3 =	vgt.f32 v2, $0.0e+00;
	v4 =	vor.u32 v4, v1;
	(pc) =	sbr.rel @!p1 .LBB2_70-.Ltmp43, $4  }
0x2a6: {  	vm0 =	vmor vm1, vm0;
	v5 =	vor.u32 v5, v1;
	vm15 =	vmor vm3, vm2  }
0x2a7: {  	v6 =	vmov s3;
	v3 =	vsel vm0, v4, v3;
	v2 =	vsel vm15, v5, v2  }
0x2a8: {  	v5 =	vshll.u32 v6, $0x5;
	v3 =	vadd.f32 $1.000000000e+00, v3;
	v4 =	vadd.f32 $1.000000000e+00, v2  }
0x2a9: {  	s9 =	simm.s32 $0x20;
	p0 =	por $0x1, $0x1;
	v2 =	vor.u32 v0, v5  }
.LBB2_71:
0x2aa: {  	p1 =	sne.s32 s9, $0xF0;
	v5 =	vor.u32 $0x1C, v2;
	v3 =	vmul.f32 $5.000000000e-01, v3;
	v4 =	vmul.f32 $5.000000000e-01, v4;
	_ =	sdelay $0x1  }
0x2ab: {  	v2 =	vor.u32 $0x1D, v2;
	v3 =	vshra.s32 v3, $0x10;
	v4 =	vand.u32 $0xFFFF0000, v4  }
0x2ac: {  	s5 =	sand.u32 $0xF0, s0;
	s0 =	smov.u32 s3;
	s3 =	smov.u32 s9;
	v3 =	vor.u32 v3, v4  }
0x2ad: {  	[tilespmem:s5+$0x2E00] =	vst v3  }
0x2ae: {  	v3 =	vld.idx.msk [tilespmem:v5+s8+$0x0], $0xffff;
	_ =	sdelay $0x1  }
0x2af: {  	v2 =	vld.idx.msk [tilespmem:v2+s8+$0x0], $0xffff;
	_ =	sdelay $0x3  }
0x2b0: {  	v4 =	vand.u32 $0x80000000, v3  }
0x2b1: {  	vm0 =	vlt.f32 v3, $0.0e+00;
	vm1 =	vgt.f32 v3, $0.0e+00;
	v4 =	vor.u32 v4, v1  }
.Ltmp44:
0x2b2: {  	v5 =	vand.u32 $0x80000000, v2;
	vm2 =	vlt.f32 v2, $0.0e+00;
	vm3 =	vgt.f32 v2, $0.0e+00;
	(pc) =	sbr.rel @p1 .LBB2_71-.Ltmp44, $4  }
0x2b3: {  	vm0 =	vmor vm1, vm0;
	v5 =	vor.u32 v5, v1;
	vm1 =	vmor vm3, vm2  }
0x2b4: {  	v6 =	vmov s9;
	v3 =	vsel vm0, v4, v3;
	v2 =	vsel vm1, v5, v2  }
0x2b5: {  	v3 =	vadd.f32 $1.000000000e+00, v3;
	v5 =	vshll.u32 v6, $0x5;
	v4 =	vadd.f32 $1.000000000e+00, v2  }
0x2b6: {  	s9 =	sadd.s32 $0x10, s9;
	v2 =	vor.u32 v0, v5  }
0x2b7: {  	s5 =	smov.u32 s0;
	s0 =	smov.u32 s3  }
.LBB2_73:
0x2b8: {  	v5 =	vor.u32 $0x1C, v2;
	v3 =	vmul.f32 @p0 $5.000000000e-01, v3;
	v4 =	vmul.f32 @p0 $5.000000000e-01, v4  }
0x2b9: {  	v2 =	vor.u32 $0x1D, v2  }
0x2ba: {  	v3 =	vshra.s32 @p0 v3, $0x10;
	v4 =	vand.u32 @p0 $0xFFFF0000, v4  }
0x2bb: {  	s3 =	sand.u32 @p0 $0xF0, s5;
	v3 =	vor.u32 @p0 v3, v4  }
0x2bc: {  	[tilespmem:s3+$0x2E00] =	vst @p0 v3  }
0x2bd: {  	v3 =	vld.idx.msk [tilespmem:v5+s25+$0x0], $0xffff  }
0x2be: {  	v2 =	vld.idx.msk [tilespmem:v2+s25+$0x0], $0xffff;
	_ =	sdelay $0x3  }
0x2bf: {  	v61 =	vand.u32 $0x80000000, v3  }
0x2c0: {  	vm0 =	vlt.f32 v3, $0.0e+00;
	vm1 =	vgt.f32 v3, $0.0e+00;
	v62 =	vand.u32 $0x80000000, v2  }
0x2c1: {  	vm2 =	vlt.f32 v2, $0.0e+00;
	vm3 =	vgt.f32 v2, $0.0e+00;
	v4 =	vor.u32 v61, v1  }
0x2c2: {  	vm0 =	vmor vm1, vm0;
	v5 =	vor.u32 v62, v1;
	vm15 =	vmor vm3, vm2  }
0x2c3: {  	v3 =	vsel vm0, v4, v3;
	v2 =	vsel vm15, v5, v2  }
0x2c4: {  	v3 =	vadd.f32 $1.000000000e+00, v3;
	v2 =	vadd.f32 $1.000000000e+00, v2  }
0x2c5: {  	p1 =	por $0x1, $0x1  }
.Ltmp45:
0x2c6: {  	v3 =	vmul.f32 $5.000000000e-01, v3;
	v2 =	vmul.f32 $5.000000000e-01, v2;
	(pc) =	sbr.rel @!p1 .LBB2_74-.Ltmp45, $4  }
0x2c7: {  	_ = 	snop  }
0x2c8: {  	v63 =	vmov s25;
	v3 =	vshra.s32 v3, $0x10;
	v2 =	vand.u32 $0xFFFF0000, v2  }
0x2c9: {  	s0 =	sand.u32 $0xF0, s0;
	v2 =	vor.u32 v3, v2;
	v3 =	vshll.u32 v63, $0x5  }
0x2ca: {  	p0 =	por $0x0, $0x0;
	[tilespmem:s0+$0x2E00] =	vst v2;
	v2 =	vor.u32 v0, v3;
	s0 =	simm.s32 $0x10  }
0x2cb: {  	v3 =	vor.u32 $0x1E, v2  }
0x2cc: {  	v2 =	vor.u32 $0x1F, v2;
	_ =	sdelay $0x3  }
0x2cd: {  	v3 =	vld.idx.msk [tilespmem:v3+s7+$0x0], $0xffff  }
0x2ce: {  	v2 =	vld.idx.msk [tilespmem:v2+s7+$0x0], $0xffff;
	_ =	sdelay $0x3  }
0x2cf: {  	v4 =	vand.u32 $0x80000000, v3  }
0x2d0: {  	p1 =	por $0x1, $0x1;
	vm0 =	vlt.f32 v3, $0.0e+00;
	vm1 =	vgt.f32 v3, $0.0e+00;
	v5 =	vand.u32 $0x80000000, v2  }
.Ltmp46:
0x2d1: {  	vm2 =	vlt.f32 v2, $0.0e+00;
	vm3 =	vgt.f32 v2, $0.0e+00;
	v4 =	vor.u32 v4, v1;
	(pc) =	sbr.rel @!p1 .LBB2_76-.Ltmp46, $4  }
0x2d2: {  	vm0 =	vmor vm1, vm0;
	v5 =	vor.u32 v5, v1;
	vm15 =	vmor vm3, vm2  }
0x2d3: {  	v6 =	vmov s0;
	v3 =	vsel vm0, v4, v3;
	v2 =	vsel vm15, v5, v2  }
0x2d4: {  	v5 =	vshll.u32 v6, $0x5;
	v3 =	vadd.f32 $1.000000000e+00, v3;
	v4 =	vadd.f32 $1.000000000e+00, v2  }
0x2d5: {  	s8 =	simm.s32 $0x20;
	p0 =	por $0x1, $0x1;
	s3 =	simm.s32 $0x0;
	v2 =	vor.u32 v0, v5  }
.LBB2_77:
0x2d6: {  	p1 =	sne.s32 s8, $0xF0;
	v5 =	vor.u32 $0x1E, v2;
	v3 =	vmul.f32 $5.000000000e-01, v3;
	v4 =	vmul.f32 $5.000000000e-01, v4;
	_ =	sdelay $0x1  }
0x2d7: {  	v2 =	vor.u32 $0x1F, v2;
	v3 =	vshra.s32 v3, $0x10;
	v4 =	vand.u32 $0xFFFF0000, v4  }
0x2d8: {  	s5 =	sand.u32 $0xF0, s3;
	s3 =	smov.u32 s0;
	s0 =	smov.u32 s8;
	v3 =	vor.u32 v3, v4  }
0x2d9: {  	[tilespmem:s5+$0x2F00] =	vst v3  }
0x2da: {  	v3 =	vld.idx.msk [tilespmem:v5+s7+$0x0], $0xffff;
	_ =	sdelay $0x1  }
0x2db: {  	v2 =	vld.idx.msk [tilespmem:v2+s7+$0x0], $0xffff;
	_ =	sdelay $0x3  }
0x2dc: {  	v4 =	vand.u32 $0x80000000, v3  }
0x2dd: {  	vm0 =	vlt.f32 v3, $0.0e+00;
	vm1 =	vgt.f32 v3, $0.0e+00;
	v4 =	vor.u32 v4, v1  }
.Ltmp47:
0x2de: {  	v5 =	vand.u32 $0x80000000, v2;
	vm2 =	vlt.f32 v2, $0.0e+00;
	vm3 =	vgt.f32 v2, $0.0e+00;
	(pc) =	sbr.rel @p1 .LBB2_77-.Ltmp47, $4  }
0x2df: {  	vm0 =	vmor vm1, vm0;
	v5 =	vor.u32 v5, v1;
	vm1 =	vmor vm3, vm2  }
0x2e0: {  	v6 =	vmov s8;
	v3 =	vsel vm0, v4, v3;
	v2 =	vsel vm1, v5, v2  }
0x2e1: {  	v3 =	vadd.f32 $1.000000000e+00, v3;
	v5 =	vshll.u32 v6, $0x5;
	v4 =	vadd.f32 $1.000000000e+00, v2  }
0x2e2: {  	s8 =	sadd.s32 $0x10, s8;
	v2 =	vor.u32 v0, v5  }
.LBB2_78:
0x2e3: {  	v5 =	vor.u32 $0x1E, v2;
	v3 =	vmul.f32 @p0 $5.000000000e-01, v3;
	v4 =	vmul.f32 @p0 $5.000000000e-01, v4  }
0x2e4: {  	v2 =	vor.u32 $0x1F, v2  }
0x2e5: {  	v3 =	vshra.s32 @p0 v3, $0x10;
	v4 =	vand.u32 @p0 $0xFFFF0000, v4  }
0x2e6: {  	s3 =	sand.u32 @p0 $0xF0, s3;
	v3 =	vor.u32 @p0 v3, v4  }
0x2e7: {  	[tilespmem:s3+$0x2F00] =	vst @p0 v3  }
0x2e8: {  	v3 =	vld.idx.msk [tilespmem:v5+s7+$0x0], $0xffff  }
0x2e9: {  	v2 =	vld.idx.msk [tilespmem:v2+s7+$0x0], $0xffff;
	_ =	sdelay $0x3  }
0x2ea: {  	v62 =	vand.u32 $0x80000000, v3  }
0x2eb: {  	vm0 =	vlt.f32 v3, $0.0e+00;
	vm1 =	vgt.f32 v3, $0.0e+00;
	v63 =	vand.u32 $0x80000000, v2  }
0x2ec: {  	vm2 =	vlt.f32 v2, $0.0e+00;
	vm3 =	vgt.f32 v2, $0.0e+00;
	v4 =	vor.u32 v62, v1  }
0x2ed: {  	vm0 =	vmor vm1, vm0;
	v5 =	vor.u32 v63, v1;
	vm15 =	vmor vm3, vm2  }
0x2ee: {  	v3 =	vsel vm0, v4, v3;
	v2 =	vsel vm15, v5, v2  }
0x2ef: {  	v3 =	vadd.f32 $1.000000000e+00, v3;
	v2 =	vadd.f32 $1.000000000e+00, v2;
	_ =	sdelay $0x1  }
0x2f0: {  	v3 =	vmul.f32 $5.000000000e-01, v3;
	v2 =	vmul.f32 $5.000000000e-01, v2;
	_ =	sdelay $0x1  }
0x2f1: {  	s26 =	rddreg [dreg:$0x6];
	v3 =	vshra.s32 v3, $0x10;
	v2 =	vand.u32 $0xFFFF0000, v2  }
0x2f2: {  	s0 =	sand.u32 $0xF0, s0;
	s31 =	rddreg [dreg:$0x7];
	v2 =	vor.u32 v3, v2  }
0x2f3: {  	s28 =	rddreg [dreg:$0x4];
	[tilespmem:s0+$0x2F00] =	vst v2  }
0x2f4: {  	[tilespmem:s14], [sflag:$0x1] =	stream.linear.gather [hbm4b:s26+s25], $0x400, $0x38;
	[tilespmem:$0x13800] =	vst v63  }
0x2f5: {  	s30 =	smov.u32 s2;
	s29 =	smov.u32 s1;
	s26 =	simm.s32 $0x0  }
0x2f6: {  	[tilespmem:s15], [sflag:$0x2] =	stream.linear.gather [hbm4b:s31+s25], $0x400, $0x38;
	[tilespmem:$0x13800] =	vst v63  }
.LBB2_79:
0x2f7: {  	_ =	swait.ge [sflag:s10], $0x400  }
0x2f8: {  	p0 =	seq.s32 s26, $0x0;
	[sflag:s10] =	ssyncset.done $0x0  }
0x2f9: {  	s0 =	simm.s32 @!p0 $0x3;
	[sflag:s10] =	ssyncadd.s32 $0xFFFFFC00  }
0x2fa: {  	_ =	swait.ge @!p0 [sflag:s0], $0x8000  }
0x2fb: {  	[sflag:s0] =	ssyncset.done @!p0 $0x0  }
0x2fc: {  	[sflag:s0] =	ssyncadd.s32 @!p0 $0xFFFF8000  }
0x2fd: {  	v2 =	vld [tilespmem:$0x3000];
	_ =	sdelay $0x4  }
0x2fe: {  	v2 =	vmul.f32 $2.550000000e+02, v2;
	_ =	sdelay $0x1  }
0x2ff: {  	v2 =	vtrunc.f32 v2  }
0x300: {  	v2 =	vcvt.f32.s32 v2;
	_ =	sdelay $0x1  }
0x301: {  	vm0 =	vgt.s32 v2, $0x0  }
0x302: {  	v2 =	vnsel vm0, $0x0, v2  }
0x303: {  	v2 =	vmin.u32 v2, $0xFF  }
0x304: {  	s31 =	simm.s32 $0x1;
	v3 =	vor.u32 $0x100, v2  }
0x305: {  	s0 =	smin.u32 s31, $0x3F;
	v4 =	vor.u32 $0x200, v2  }
0x306: {  	s0 =	sshll.u32 s0, $0x4;
	v5 =	vor.u32 $0x300, v2  }
0x307: {  	v18 =	vld [tilespmem:s0+$0x3000];
	v6 =	vor.u32 $0x400, v2  }
0x308: {  	v7 =	vor.u32 $0x500, v2;
	v8 =	vld.idx.msk [tilespmem:v2+s16+$0x0], $0xffff  }
0x309: {  	v9 =	vor.u32 $0x600, v2;
	v3 =	vld.idx.msk [tilespmem:v3+s16+$0x0], $0xffff  }
0x30a: {  	v10 =	vor.u32 $0x700, v2;
	v4 =	vld.idx.msk [tilespmem:v4+s16+$0x0], $0xffff  }
0x30b: {  	v11 =	vor.u32 $0x800, v2;
	v5 =	vld.idx.msk [tilespmem:v5+s16+$0x0], $0xffff  }
0x30c: {  	v12 =	vor.u32 $0x900, v2;
	v6 =	vld.idx.msk [tilespmem:v6+s16+$0x0], $0xffff  }
0x30d: {  	v13 =	vor.u32 $0xA00, v2;
	v7 =	vld.idx.msk [tilespmem:v7+s16+$0x0], $0xffff  }
0x30e: {  	v14 =	vor.u32 $0xB00, v2;
	v9 =	vld.idx.msk [tilespmem:v9+s16+$0x0], $0xffff  }
0x30f: {  	v17 =	vor.u32 $0xE00, v2;
	v10 =	vld.idx.msk [tilespmem:v10+s16+$0x0], $0xffff  }
0x310: {  	v15 =	vor.u32 $0xC00, v2;
	v11 =	vld.idx.msk [tilespmem:v11+s16+$0x0], $0xffff  }
0x311: {  	v16 =	vor.u32 $0xD00, v2;
	v12 =	vld.idx.msk [tilespmem:v12+s16+$0x0], $0xffff  }
0x312: {  	v2 =	vor.u32 $0xF00, v2;
	v13 =	vld.idx.msk [tilespmem:v13+s16+$0x0], $0xffff  }
0x313: {  	v14 =	vld.idx.msk [tilespmem:v14+s16+$0x0], $0xffff  }
0x314: {  	v17 =	vld.idx.msk [tilespmem:v17+s16+$0x0], $0xffff  }
0x315: {  	v15 =	vld.idx.msk [tilespmem:v15+s16+$0x0], $0xffff  }
0x316: {  	s0 =	sand.u32 $0x3F0, s25;
	v16 =	vld.idx.msk [tilespmem:v16+s16+$0x0], $0xffff;
	v19 =	vshll.u32 v3, $0x10  }
0x317: {  	v20 =	vld.idx.msk [tilespmem:v2+s16+$0x0], $0xffff;
	v2 =	vand.u32 $0xFFFF0000, v3;
	[tilespmem:s0+$0x4000] =	vst v19  }
0x318: {  	v3 =	vshll.u32 v4, $0x10;
	[tilespmem:s0+$0x4400] =	vst v2  }
0x319: {  	v29 =	vand.u32 $0xFFFF0000, v17;
	[tilespmem:s0+$0x4800] =	vst v3  }
0x31a: {  	v2 =	vand.u32 $0xFFFF0000, v4;
	[tilespmem:s0+$0xAC00] =	vst v29  }
0x31b: {  	v3 =	vshll.u32 v5, $0x10;
	v4 =	vmul.f32 $2.550000000e+02, v18;
	[tilespmem:s0+$0x4C00] =	vst v2  }
0x31c: {  	v2 =	vand.u32 $0xFFFF0000, v5;
	[tilespmem:s0+$0x5000] =	vst v3  }
0x31d: {  	v3 =	vshll.u32 v6, $0x10;
	[tilespmem:s0+$0x5400] =	vst v2;
	v4 =	vtrunc.f32 v4  }
0x31e: {  	v2 =	vand.u32 $0xFFFF0000, v6;
	[tilespmem:s0+$0x5800] =	vst v3;
	v4 =	vcvt.f32.s32 v4  }
0x31f: {  	v3 =	vshll.u32 v7, $0x10;
	[tilespmem:s0+$0x5C00] =	vst v2  }
0x320: {  	v2 =	vand.u32 $0xFFFF0000, v7;
	[tilespmem:s0+$0x6000] =	vst v3;
	vm15 =	vgt.s32 v4, $0x0  }
0x321: {  	v3 =	vshll.u32 v9, $0x10;
	[tilespmem:s0+$0x6400] =	vst v2;
	v4 =	vnsel vm15, $0x0, v4  }
0x322: {  	v2 =	vand.u32 $0xFFFF0000, v9;
	[tilespmem:s0+$0x6800] =	vst v3;
	v4 =	vmin.u32 v4, $0xFF  }
0x323: {  	v3 =	vshll.u32 v10, $0x10;
	[tilespmem:s0+$0x6C00] =	vst v2;
	v5 =	vor.u32 $0x100, v4  }
0x324: {  	v2 =	vand.u32 $0xFFFF0000, v10;
	[tilespmem:s0+$0x7000] =	vst v3;
	v6 =	vor.u32 $0x200, v4  }
0x325: {  	v3 =	vshll.u32 v11, $0x10;
	[tilespmem:s0+$0x7400] =	vst v2;
	v7 =	vor.u32 $0x300, v4  }
0x326: {  	v10 =	vand.u32 $0xFFFF0000, v12;
	[tilespmem:s0+$0x7800] =	vst v3;
	v9 =	vor.u32 $0x400, v4  }
0x327: {  	v2 =	vand.u32 $0xFFFF0000, v11;
	v3 =	vshll.u32 v12, $0x10;
	[tilespmem:s0+$0x8400] =	vst v10;
	v11 =	vor.u32 $0x500, v4;
	v12 =	vld.idx.msk [tilespmem:v4+s16+$0x0], $0xffff  }
0x328: {  	v30 =	vshll.u32 v20, $0x10;
	v10 =	vshll.u32 v14, $0x10;
	[tilespmem:s0+$0x7C00] =	vst v2;
	v18 =	vor.u32 $0x600, v4;
	v19 =	vld.idx.msk [tilespmem:v5+s16+$0x0], $0xffff  }
0x329: {  	v2 =	vshll.u32 v8, $0x10;
	[tilespmem:s0+$0x8000] =	vst v3;
	v3 =	vand.u32 $0xFFFF0000, v8;
	v23 =	vor.u32 $0x900, v4;
	v21 =	vld.idx.msk [tilespmem:v6+s16+$0x0], $0xffff  }
0x32a: {  	[tilespmem:s0+$0xB000] =	vst v30;
	v8 =	vshll.u32 v13, $0x10;
	v5 =	vand.u32 $0xFFFF0000, v13;
	v13 =	vor.u32 $0x700, v4;
	v25 =	vld.idx.msk [tilespmem:v7+s16+$0x0], $0xffff  }
0x32b: {  	v33 =	vand.u32 $0xFFFF0000, v20;
	[tilespmem:s0+$0x9000] =	vst v10;
	v6 =	vand.u32 $0xFFFF0000, v14;
	v14 =	vor.u32 $0x800, v4;
	v9 =	vld.idx.msk [tilespmem:v9+s16+$0x0], $0xffff  }
0x32c: {  	v10 =	vand.u32 $0xFFFF0000, v16;
	[tilespmem:s0+$0x8800] =	vst v8;
	v8 =	vshll.u32 v15, $0x10;
	v31 =	vor.u32 $0xB00, v4;
	v28 =	vld.idx.msk [tilespmem:v11+s16+$0x0], $0xffff  }
0x32d: {  	v27 =	vor.u32 $0xA00, v4;
	v34 =	vor.u32 $0xC00, v4;
	v35 =	vor.u32 $0xD00, v4;
	v32 =	vld.idx.msk [tilespmem:v18+s16+$0x0], $0xffff;
	[tilespmem:s0+$0x8C00] =	vst v5  }
0x32e: {  	v7 =	vor.u32 $0xE00, v4;
	v23 =	vld.idx.msk [tilespmem:v23+s16+$0x0], $0xffff;
	v5 =	vand.u32 $0xFFFF0000, v15;
	v15 =	vshll.u32 v16, $0x10;
	[tilespmem:s0+$0x9400] =	vst v6  }
0x32f: {  	v16 =	vshll.u32 v17, $0x10;
	v6 =	vor.u32 $0xF00, v4;
	[tilespmem:s0+$0x9C00] =	vst v5;
	v5 =	vshll.u32 v12, $0x10;
	v36 =	vld.idx.msk [tilespmem:v13+s16+$0x0], $0xffff  }
0x330: {  	[tilespmem:s0+$0xB400] =	vst v33;
	v4 =	vand.u32 $0xFFFF0000, v12;
	v22 =	vld.idx.msk [tilespmem:v14+s16+$0x0], $0xffff;
	v26 =	vshll.u32 v19, $0x10;
	v19 =	vand.u32 $0xFFFF0000, v19  }
0x331: {  	[tilespmem:s0+$0xA400] =	vst v10;
	v20 =	vld.idx.msk [tilespmem:v31+s16+$0x0], $0xffff;
	v24 =	vshll.u32 v21, $0x10;
	v18 =	vand.u32 $0xFFFF0000, v21;
	v12 =	vshll.u32 v25, $0x10  }
0x332: {  	[tilespmem:s0+$0x9800] =	vst v8;
	v17 =	vld.idx.msk [tilespmem:v27+s16+$0x0], $0xffff;
	v11 =	vand.u32 $0xFFFF0000, v25;
	v13 =	vshll.u32 v9, $0x10;
	v8 =	vand.u32 $0xFFFF0000, v9  }
0x333: {  	s3 =	simm.s32 $0x2;
	v27 =	vld.idx.msk [tilespmem:v35+s16+$0x0], $0xffff;
	[tilespmem:s0+$0xA000] =	vst v15;
	v14 =	vshll.u32 v28, $0x10;
	v9 =	vand.u32 $0xFFFF0000, v28;
	v15 =	vshll.u32 v32, $0x10  }
0x334: {  	s8 =	simm.s32 $0x20;
	s9 =	simm.s32 $0x10;
	s11 =	smin.u32 s3, $0x3F;
	[tilespmem:s0+$0xA800] =	vst v16;
	v25 =	vld.idx.msk [tilespmem:v34+s16+$0x0], $0xffff;
	v16 =	vand.u32 $0xFFFF0000, v32;
	v21 =	vshll.u32 v36, $0x10;
	v10 =	vand.u32 $0xFFFF0000, v36  }
.LBB2_80:
0x335: {  	p1 =	sne.s32 s8, $0x3F0;
	s5 =	sshll.u32 s11, $0x4;
	v7 =	vld.idx.msk [tilespmem:v7+s16+$0x0], $0xffff;
	v28 =	vshll.u32 v22, $0x10;
	v22 =	vand.u32 $0xFFFF0000, v22;
	[tilespmem:s0+$0x3800] =	vst v2;
	v2 =	vmov v5  }
0x336: {  	v29 =	vshll.u32 v23, $0x10;
	v23 =	vand.u32 $0xFFFF0000, v23;
	v5 =	vld [tilespmem:s5+$0x3000];
	[tilespmem:s0+$0x3C00] =	vst v3;
	s0 =	sand.u32 $0x3F0, s9;
	v3 =	vmov v4;
	s9 =	smov.u32 s8  }
0x337: {  	v4 =	vld.idx.msk [tilespmem:v6+s16+$0x0], $0xffff;
	[tilespmem:s0+$0x4000] =	vst v26;
	v26 =	vshll.u32 v17, $0x10;
	v17 =	vand.u32 $0xFFFF0000, v17  }
0x338: {  	[tilespmem:s0+$0x4400] =	vst v19;
	v19 =	vshll.u32 v20, $0x10;
	v20 =	vand.u32 $0xFFFF0000, v20  }
0x339: {  	[tilespmem:s0+$0x4800] =	vst v24;
	v24 =	vshll.u32 v25, $0x10;
	v25 =	vand.u32 $0xFFFF0000, v25  }
0x33a: {  	v30 =	vshll.u32 v27, $0x10;
	v27 =	vand.u32 $0xFFFF0000, v27;
	[tilespmem:s0+$0x4C00] =	vst v18  }
0x33b: {  	v31 =	vshll.u32 v7, $0x10;
	v32 =	vand.u32 $0xFFFF0000, v7;
	v5 =	vmul.f32 $2.550000000e+02, v5;
	[tilespmem:s0+$0x5000] =	vst v12  }
0x33c: {  	[tilespmem:s0+$0x5400] =	vst v11  }
0x33d: {  	v33 =	vshll.u32 v4, $0x10;
	v34 =	vand.u32 $0xFFFF0000, v4;
	v5 =	vtrunc.f32 v5;
	[tilespmem:s0+$0x5800] =	vst v13  }
0x33e: {  	v4 =	vcvt.f32.s32 v5;
	[tilespmem:s0+$0x5C00] =	vst v8  }
0x33f: {  	[tilespmem:s0+$0x6000] =	vst v14  }
0x340: {  	vm0 =	vgt.s32 v4, $0x0;
	[tilespmem:s0+$0x6400] =	vst v9  }
0x341: {  	v4 =	vnsel vm0, $0x0, v4;
	[tilespmem:s0+$0x6800] =	vst v15  }
0x342: {  	v4 =	vmin.u32 v4, $0xFF;
	[tilespmem:s0+$0x6C00] =	vst v16  }
0x343: {  	v5 =	vor.u32 $0x100, v4;
	v8 =	vor.u32 $0x200, v4;
	v9 =	vor.u32 $0x300, v4;
	[tilespmem:s0+$0x7000] =	vst v21  }
0x344: {  	v11 =	vor.u32 $0x400, v4;
	v12 =	vor.u32 $0x500, v4;
	v13 =	vor.u32 $0x600, v4;
	[tilespmem:s0+$0x7400] =	vst v10  }
0x345: {  	v14 =	vor.u32 $0x800, v4;
	v15 =	vor.u32 $0x900, v4;
	v10 =	vor.u32 $0x700, v4;
	[tilespmem:s0+$0x7800] =	vst v28  }
0x346: {  	v16 =	vor.u32 $0xA00, v4;
	v21 =	vor.u32 $0xB00, v4;
	v28 =	vor.u32 $0xC00, v4;
	[tilespmem:s0+$0x7C00] =	vst v22  }
0x347: {  	v35 =	vor.u32 $0xD00, v4;
	v7 =	vor.u32 $0xE00, v4;
	v6 =	vor.u32 $0xF00, v4;
	v18 =	vld.idx.msk [tilespmem:v4+s16+$0x0], $0xffff;
	[tilespmem:s0+$0x8000] =	vst v29  }
0x348: {  	v22 =	vld.idx.msk [tilespmem:v5+s16+$0x0], $0xffff;
	[tilespmem:s0+$0x8400] =	vst v23  }
0x349: {  	v8 =	vld.idx.msk [tilespmem:v8+s16+$0x0], $0xffff;
	[tilespmem:s0+$0x8800] =	vst v26  }
0x34a: {  	v9 =	vld.idx.msk [tilespmem:v9+s16+$0x0], $0xffff;
	[tilespmem:s0+$0x8C00] =	vst v17  }
0x34b: {  	v29 =	vld.idx.msk [tilespmem:v11+s16+$0x0], $0xffff;
	[tilespmem:s0+$0x9000] =	vst v19  }
0x34c: {  	v36 =	vld.idx.msk [tilespmem:v12+s16+$0x0], $0xffff;
	[tilespmem:s0+$0x9400] =	vst v20  }
0x34d: {  	v5 =	vshll.u32 v18, $0x10;
	v4 =	vand.u32 $0xFFFF0000, v18;
	v37 =	vld.idx.msk [tilespmem:v13+s16+$0x0], $0xffff;
	[tilespmem:s0+$0x9800] =	vst v24  }
0x34e: {  	v26 =	vshll.u32 v22, $0x10;
	v19 =	vand.u32 $0xFFFF0000, v22;
	v10 =	vld.idx.msk [tilespmem:v10+s16+$0x0], $0xffff;
	[tilespmem:s0+$0x9C00] =	vst v25  }
0x34f: {  	v24 =	vshll.u32 v8, $0x10;
	v18 =	vand.u32 $0xFFFF0000, v8;
	v22 =	vld.idx.msk [tilespmem:v14+s16+$0x0], $0xffff;
	[tilespmem:s0+$0xA000] =	vst v30  }
.Ltmp48:
0x350: {  	v12 =	vshll.u32 v9, $0x10;
	v11 =	vand.u32 $0xFFFF0000, v9;
	v23 =	vld.idx.msk [tilespmem:v15+s16+$0x0], $0xffff;
	[tilespmem:s0+$0xA400] =	vst v27;
	(pc) =	sbr.rel @p1 .LBB2_80-.Ltmp48, $4  }
0x351: {  	v13 =	vshll.u32 v29, $0x10;
	v8 =	vand.u32 $0xFFFF0000, v29;
	v17 =	vld.idx.msk [tilespmem:v16+s16+$0x0], $0xffff;
	[tilespmem:s0+$0xA800] =	vst v31  }
0x352: {  	v14 =	vshll.u32 v36, $0x10;
	v9 =	vand.u32 $0xFFFF0000, v36;
	v20 =	vld.idx.msk [tilespmem:v21+s16+$0x0], $0xffff;
	[tilespmem:s0+$0xAC00] =	vst v32  }
0x353: {  	s3 =	sadd.s32 $0x1, s3;
	v15 =	vshll.u32 v37, $0x10;
	v16 =	vand.u32 $0xFFFF0000, v37;
	v25 =	vld.idx.msk [tilespmem:v28+s16+$0x0], $0xffff;
	[tilespmem:s0+$0xB000] =	vst v33  }
0x354: {  	s11 =	smin.u32 s3, $0x3F;
	s8 =	sadd.s32 $0x10, s8;
	v21 =	vshll.u32 v10, $0x10;
	v10 =	vand.u32 $0xFFFF0000, v10;
	v27 =	vld.idx.msk [tilespmem:v35+s16+$0x0], $0xffff;
	[tilespmem:s0+$0xB400] =	vst v34  }
0x355: {  	_ =	sdelay $0x2  }
0x356: {  	[tilespmem:s0+$0x3800] =	vst v2  }
0x357: {  	v7 =	vld.idx.msk [tilespmem:v7+s16+$0x0], $0xffff;
	s3 =	sand.u32 $0x3F0, s9;
	[tilespmem:s0+$0x3C00] =	vst v3  }
0x358: {  	v2 =	vld.idx.msk [tilespmem:v6+s16+$0x0], $0xffff;
	[tilespmem:s3+$0x4000] =	vst v26  }
0x359: {  	[tilespmem:s3+$0x4400] =	vst v19  }
0x35a: {  	[tilespmem:s3+$0x4800] =	vst v24  }
0x35b: {  	[tilespmem:s3+$0x4C00] =	vst v18  }
0x35c: {  	[tilespmem:s3+$0x5000] =	vst v12  }
0x35d: {  	[tilespmem:s3+$0x5400] =	vst v11  }
0x35e: {  	[tilespmem:s3+$0x5800] =	vst v13  }
0x35f: {  	[tilespmem:s3+$0x5C00] =	vst v8  }
0x360: {  	[tilespmem:s3+$0x6000] =	vst v14  }
0x361: {  	[tilespmem:s3+$0x6400] =	vst v9  }
0x362: {  	[tilespmem:s3+$0x6800] =	vst v15  }
0x363: {  	[tilespmem:s3+$0x6C00] =	vst v16  }
0x364: {  	[tilespmem:s3+$0x7000] =	vst v21  }
0x365: {  	v3 =	vshll.u32 v22, $0x10;
	[tilespmem:s3+$0x7400] =	vst v10  }
0x366: {  	v57 =	vand.u32 $0xFFFF0000, v22;
	[tilespmem:s3+$0x7800] =	vst v3  }
0x367: {  	v58 =	vand.u32 $0xFFFF0000, v23;
	[tilespmem:s3+$0x7C00] =	vst v57  }
0x368: {  	[tilespmem:s3+$0x8400] =	vst v58  }
0x369: {  	[tilespmem:s3+$0x3800] =	vst v5  }
0x36a: {  	v3 =	vshll.u32 v23, $0x10;
	[tilespmem:s3+$0x3C00] =	vst v4  }
0x36b: {  	v59 =	vand.u32 $0xFFFF0000, v17;
	[tilespmem:s3+$0x8000] =	vst v3  }
0x36c: {  	v3 =	vshll.u32 v17, $0x10;
	[tilespmem:s3+$0x8C00] =	vst v59  }
0x36d: {  	v60 =	vand.u32 $0xFFFF0000, v20;
	[tilespmem:s3+$0x8800] =	vst v3  }
0x36e: {  	v3 =	vshll.u32 v20, $0x10;
	[tilespmem:s3+$0x9400] =	vst v60  }
0x36f: {  	v61 =	vand.u32 $0xFFFF0000, v25;
	[tilespmem:s3+$0x9000] =	vst v3  }
0x370: {  	v3 =	vshll.u32 v25, $0x10;
	[tilespmem:s3+$0x9C00] =	vst v61  }
0x371: {  	s11 =	smul.u32 $0x480000, s29;
	v62 =	vand.u32 $0xFFFF0000, v27;
	[tilespmem:s3+$0x9800] =	vst v3  }
0x372: {  	s5 =	smul.u32 $0xC00, s30;
	v3 =	vshll.u32 v27, $0x10;
	[tilespmem:s3+$0xA400] =	vst v62  }
0x373: {  	v63 =	vand.u32 $0xFFFF0000, v7;
	[tilespmem:s3+$0xA000] =	vst v3  }
0x374: {  	s12 =	sshll.u32 s28, $0xA;
	s0 =	sadd.s32 s11, s5;
	v3 =	vshll.u32 v7, $0x10;
	[tilespmem:s3+$0xAC00] =	vst v63  }
0x375: {  	s0 =	sadd.s32 s12, s0;
	[tilespmem:s3+$0xA800] =	vst v3;
	v3 =	vshll.u32 v2, $0x10  }
0x376: {  	s0 =	sshrl.u32 s0, $0x3;
	v2 =	vand.u32 $0xFFFF0000, v2;
	[tilespmem:s3+$0xB000] =	vst v3  }
0x377: {  	s31 =	sadd.s32 $0x1, s28;
	s0 =	sadd.s32 s6, s0;
	[tilespmem:s3+$0xB400] =	vst v2  }
0x378: {  	[hbm4b:s0+s17] =	stream.strided.scatter [tilespmem:s19], [sflag:$0x3], $0x8000, s18, s17, $0x38;
	[tilespmem:$0x13800] =	vst v63  }
0x379: {  	p1 =	sgt.s32 s31, $0x2;
	s0 =	simm.s32 $0x1  }
0x37a: {  	s31 =	simm.s32 @p1 $0x0;
	s0 =	simm.s32 @!p1 $0x0  }
0x37b: {  	p3 =	sne.s32 s26, $0x1A;
	s28 =	sadd.s32 $0x1, s31;
	s3 =	sadd.s32 s0, s30  }
0x37c: {  	p2 =	sgt.s32 s28, $0x2;
	s0 =	simm.s32 $0x1;
	p1 =	sgt.s32 s3, $0x2F  }
.Ltmp49:
0x37d: {  	s0 =	simm.s32 @!p2 $0x0;
	s3 =	simm.s32 @p1 $0x0;
	(pc) =	sbr.rel @p3 .LBB2_83-.Ltmp49, $4  }
0x37e: {  	s5 =	simm.s32 $0x1;
	s30 =	sadd.s32 s0, s3  }
0x37f: {  	s8 =	simm.s32 $0x1;
	s5 =	simm.s32 @!p1 $0x0;
	p1 =	sgt.s32 s30, $0x2F  }
0x380: {  	s0 =	sadd.s32 s5, s29;
	s8 =	simm.s32 @!p1 $0x0  }
0x381: {  	s28 =	simm.s32 @p2 $0x0;
	s30 =	simm.s32 @p1 $0x0;
	s29 =	sadd.s32 s8, s0  }
.Ltmp50:
0x382: {  	(pc) =	sbr.rel .LBB2_84-.Ltmp50, $4  }
0x383: {  	_ = 	snop  }
0x384: {  	_ =	swait.ge [sflag:s20], $0x400  }
0x385: {  	[sflag:s20] =	ssyncset.done $0x0  }
0x386: {  	[sflag:s20] =	ssyncadd.s32 $0xFFFFFC00  }
.LBB2_83:
0x387: {  	s5 =	smul.u32 $0xC00, s30  }
0x388: {  	s8 =	smul.u32 $0x24000, s29;
	s9 =	sshll.u32 s28, $0xA  }
0x389: {  	s5 =	sadd.s32 s9, s5  }
0x38a: {  	s5 =	sadd.s32 s8, s5  }
0x38b: {  	s5 =	sshrl.u32 s5, $0x3  }
.Ltmp51:
0x38c: {  	s5 =	sadd.s32 s4, s5;
	(pc) =	sbr.rel @p0 .LBB2_85-.Ltmp51, $4  }
0x38d: {  	[tilespmem:s14], [sflag:$0x1] =	stream.linear.gather [hbm4b:s5+s7], $0x400, $0x38;
	[tilespmem:$0x13800] =	vst v63  }
0x38e: {  	_ =	swait.ge [sflag:s20], $0x400  }
0x38f: {  	[sflag:s20] =	ssyncset.done $0x0  }
0x390: {  	[sflag:s20] =	ssyncadd.s32 $0xFFFFFC00  }
.LBB2_84:
0x391: {  	_ =	swait.ge [sflag:s21], $0x8000  }
0x392: {  	[sflag:s21] =	ssyncset.done $0x0  }
0x393: {  	[sflag:s21] =	ssyncadd.s32 $0xFFFF8000  }
.LBB2_85:
0x394: {  	v2 =	vld [tilespmem:$0x3400];
	_ =	sdelay $0x4  }
0x395: {  	v2 =	vmul.f32 $2.550000000e+02, v2;
	_ =	sdelay $0x1  }
0x396: {  	v2 =	vtrunc.f32 v2  }
0x397: {  	v2 =	vcvt.f32.s32 v2;
	_ =	sdelay $0x1  }
0x398: {  	vm0 =	vgt.s32 v2, $0x0  }
0x399: {  	v2 =	vnsel vm0, $0x0, v2  }
0x39a: {  	v2 =	vmin.u32 v2, $0xFF  }
0x39b: {  	s5 =	simm.s32 $0x1;
	v3 =	vor.u32 $0x100, v2  }
0x39c: {  	s5 =	smin.u32 s5, $0x3F;
	v4 =	vor.u32 $0x200, v2  }
0x39d: {  	s5 =	sshll.u32 s5, $0x4;
	v5 =	vor.u32 $0x300, v2  }
0x39e: {  	v18 =	vld [tilespmem:s5+$0x3400];
	v6 =	vor.u32 $0x400, v2  }
0x39f: {  	v7 =	vor.u32 $0x500, v2;
	v8 =	vld.idx.msk [tilespmem:v2+s16+$0x0], $0xffff  }
0x3a0: {  	v9 =	vor.u32 $0x600, v2;
	v3 =	vld.idx.msk [tilespmem:v3+s16+$0x0], $0xffff  }
0x3a1: {  	v10 =	vor.u32 $0x700, v2;
	v4 =	vld.idx.msk [tilespmem:v4+s16+$0x0], $0xffff  }
0x3a2: {  	v11 =	vor.u32 $0x800, v2;
	v5 =	vld.idx.msk [tilespmem:v5+s16+$0x0], $0xffff  }
0x3a3: {  	v12 =	vor.u32 $0x900, v2;
	v6 =	vld.idx.msk [tilespmem:v6+s16+$0x0], $0xffff  }
0x3a4: {  	v13 =	vor.u32 $0xA00, v2;
	v7 =	vld.idx.msk [tilespmem:v7+s16+$0x0], $0xffff  }
0x3a5: {  	v14 =	vor.u32 $0xB00, v2;
	v9 =	vld.idx.msk [tilespmem:v9+s16+$0x0], $0xffff  }
0x3a6: {  	v17 =	vor.u32 $0xE00, v2;
	v10 =	vld.idx.msk [tilespmem:v10+s16+$0x0], $0xffff  }
0x3a7: {  	v15 =	vor.u32 $0xC00, v2;
	v11 =	vld.idx.msk [tilespmem:v11+s16+$0x0], $0xffff  }
0x3a8: {  	v16 =	vor.u32 $0xD00, v2;
	v12 =	vld.idx.msk [tilespmem:v12+s16+$0x0], $0xffff  }
0x3a9: {  	v2 =	vor.u32 $0xF00, v2;
	v13 =	vld.idx.msk [tilespmem:v13+s16+$0x0], $0xffff  }
0x3aa: {  	v14 =	vld.idx.msk [tilespmem:v14+s16+$0x0], $0xffff  }
0x3ab: {  	v17 =	vld.idx.msk [tilespmem:v17+s16+$0x0], $0xffff  }
0x3ac: {  	s8 =	simm.s32 $0x0;
	v15 =	vld.idx.msk [tilespmem:v15+s16+$0x0], $0xffff  }
0x3ad: {  	s8 =	sand.u32 $0x3F0, s8;
	v16 =	vld.idx.msk [tilespmem:v16+s16+$0x0], $0xffff;
	v19 =	vshll.u32 v3, $0x10  }
0x3ae: {  	v20 =	vld.idx.msk [tilespmem:v2+s16+$0x0], $0xffff;
	v2 =	vand.u32 $0xFFFF0000, v3;
	[tilespmem:s8+$0xC000] =	vst v19  }
0x3af: {  	v3 =	vshll.u32 v4, $0x10;
	[tilespmem:s8+$0xC400] =	vst v2  }
0x3b0: {  	v27 =	vshll.u32 v17, $0x10;
	[tilespmem:s8+$0xC800] =	vst v3  }
0x3b1: {  	v2 =	vand.u32 $0xFFFF0000, v4;
	[tilespmem:s8+$0x12800] =	vst v27  }
0x3b2: {  	v3 =	vshll.u32 v5, $0x10;
	v4 =	vmul.f32 $2.550000000e+02, v18;
	[tilespmem:s8+$0xCC00] =	vst v2  }
0x3b3: {  	v2 =	vand.u32 $0xFFFF0000, v5;
	[tilespmem:s8+$0xD000] =	vst v3  }
0x3b4: {  	v3 =	vshll.u32 v6, $0x10;
	[tilespmem:s8+$0xD400] =	vst v2;
	v4 =	vtrunc.f32 v4  }
0x3b5: {  	v2 =	vand.u32 $0xFFFF0000, v6;
	[tilespmem:s8+$0xD800] =	vst v3;
	v4 =	vcvt.f32.s32 v4  }
0x3b6: {  	v3 =	vshll.u32 v7, $0x10;
	[tilespmem:s8+$0xDC00] =	vst v2  }
0x3b7: {  	v2 =	vand.u32 $0xFFFF0000, v7;
	[tilespmem:s8+$0xE000] =	vst v3;
	vm15 =	vgt.s32 v4, $0x0  }
0x3b8: {  	v3 =	vshll.u32 v9, $0x10;
	[tilespmem:s8+$0xE400] =	vst v2;
	v4 =	vnsel vm15, $0x0, v4  }
0x3b9: {  	v2 =	vand.u32 $0xFFFF0000, v9;
	[tilespmem:s8+$0xE800] =	vst v3;
	v4 =	vmin.u32 v4, $0xFF  }
0x3ba: {  	v3 =	vshll.u32 v10, $0x10;
	[tilespmem:s8+$0xEC00] =	vst v2;
	v5 =	vor.u32 $0x100, v4  }
0x3bb: {  	v2 =	vand.u32 $0xFFFF0000, v10;
	[tilespmem:s8+$0xF000] =	vst v3;
	v6 =	vor.u32 $0x200, v4  }
0x3bc: {  	v3 =	vshll.u32 v11, $0x10;
	[tilespmem:s8+$0xF400] =	vst v2;
	v7 =	vor.u32 $0x300, v4  }
0x3bd: {  	v10 =	vand.u32 $0xFFFF0000, v12;
	[tilespmem:s8+$0xF800] =	vst v3;
	v9 =	vor.u32 $0x400, v4  }
0x3be: {  	v2 =	vand.u32 $0xFFFF0000, v11;
	v3 =	vshll.u32 v12, $0x10;
	[tilespmem:s8+$0x10400] =	vst v10;
	v11 =	vor.u32 $0x500, v4;
	v12 =	vld.idx.msk [tilespmem:v4+s16+$0x0], $0xffff  }
0x3bf: {  	v28 =	vand.u32 $0xFFFF0000, v17;
	v10 =	vshll.u32 v14, $0x10;
	[tilespmem:s8+$0xFC00] =	vst v2;
	v18 =	vor.u32 $0x600, v4;
	v19 =	vld.idx.msk [tilespmem:v5+s16+$0x0], $0xffff  }
0x3c0: {  	v2 =	vshll.u32 v8, $0x10;
	[tilespmem:s8+$0x10000] =	vst v3;
	v3 =	vand.u32 $0xFFFF0000, v8;
	v22 =	vor.u32 $0x900, v4;
	v24 =	vld.idx.msk [tilespmem:v6+s16+$0x0], $0xffff  }
0x3c1: {  	[tilespmem:s8+$0x12C00] =	vst v28;
	v8 =	vshll.u32 v13, $0x10;
	v5 =	vand.u32 $0xFFFF0000, v13;
	v13 =	vor.u32 $0x700, v4;
	v25 =	vld.idx.msk [tilespmem:v7+s16+$0x0], $0xffff  }
0x3c2: {  	v29 =	vshll.u32 v20, $0x10;
	[tilespmem:s8+$0x11000] =	vst v10;
	v6 =	vand.u32 $0xFFFF0000, v14;
	v14 =	vor.u32 $0x800, v4;
	v9 =	vld.idx.msk [tilespmem:v9+s16+$0x0], $0xffff  }
0x3c3: {  	v10 =	vand.u32 $0xFFFF0000, v16;
	[tilespmem:s8+$0x10800] =	vst v8;
	v8 =	vshll.u32 v15, $0x10;
	v30 =	vor.u32 $0xB00, v4;
	v11 =	vld.idx.msk [tilespmem:v11+s16+$0x0], $0xffff  }
0x3c4: {  	v18 =	vld.idx.msk [tilespmem:v18+s16+$0x0], $0xffff;
	[tilespmem:s8+$0x10C00] =	vst v5;
	v5 =	vand.u32 $0xFFFF0000, v15;
	v15 =	vshll.u32 v16, $0x10;
	v16 =	vor.u32 $0xA00, v4  }
0x3c5: {  	v31 =	vand.u32 $0xFFFF0000, v20;
	v32 =	vor.u32 $0xC00, v4;
	v33 =	vor.u32 $0xD00, v4;
	v22 =	vld.idx.msk [tilespmem:v22+s16+$0x0], $0xffff;
	[tilespmem:s8+$0x11400] =	vst v6  }
0x3c6: {  	v7 =	vor.u32 $0xE00, v4;
	v6 =	vor.u32 $0xF00, v4;
	[tilespmem:s8+$0x11C00] =	vst v5;
	v5 =	vshll.u32 v12, $0x10;
	v34 =	vld.idx.msk [tilespmem:v13+s16+$0x0], $0xffff  }
0x3c7: {  	[tilespmem:s8+$0x13000] =	vst v29;
	v4 =	vand.u32 $0xFFFF0000, v12;
	v21 =	vld.idx.msk [tilespmem:v14+s16+$0x0], $0xffff;
	v26 =	vshll.u32 v19, $0x10;
	v19 =	vand.u32 $0xFFFF0000, v19  }
0x3c8: {  	[tilespmem:s8+$0x12400] =	vst v10;
	v20 =	vld.idx.msk [tilespmem:v30+s16+$0x0], $0xffff;
	v23 =	vshll.u32 v24, $0x10;
	v17 =	vand.u32 $0xFFFF0000, v24;
	v12 =	vshll.u32 v25, $0x10  }
0x3c9: {  	[tilespmem:s8+$0x11800] =	vst v8;
	v10 =	vand.u32 $0xFFFF0000, v25;
	v13 =	vshll.u32 v9, $0x10;
	v8 =	vand.u32 $0xFFFF0000, v9;
	v16 =	vld.idx.msk [tilespmem:v16+s16+$0x0], $0xffff  }
0x3ca: {  	s11 =	simm.s32 $0x2;
	v27 =	vld.idx.msk [tilespmem:v33+s16+$0x0], $0xffff;
	[tilespmem:s8+$0x12000] =	vst v15;
	v14 =	vshll.u32 v11, $0x10;
	v9 =	vand.u32 $0xFFFF0000, v11;
	v15 =	vshll.u32 v18, $0x10  }
0x3cb: {  	s9 =	simm.s32 $0x10;
	s12 =	simm.s32 $0x20;
	s5 =	smin.u32 s11, $0x3F;
	[tilespmem:s8+$0x13400] =	vst v31;
	v24 =	vld.idx.msk [tilespmem:v32+s16+$0x0], $0xffff;
	v18 =	vand.u32 $0xFFFF0000, v18;
	v25 =	vshll.u32 v34, $0x10;
	v11 =	vand.u32 $0xFFFF0000, v34  }
.LBB2_86:
0x3cc: {  	p0 =	sne.s32 s12, $0x3F0;
	s5 =	sshll.u32 s5, $0x4;
	v7 =	vld.idx.msk [tilespmem:v7+s16+$0x0], $0xffff;
	v28 =	vshll.u32 v21, $0x10;
	v21 =	vand.u32 $0xFFFF0000, v21;
	[tilespmem:s8+$0xB800] =	vst v2;
	v2 =	vmov v5  }
0x3cd: {  	v29 =	vshll.u32 v22, $0x10;
	v22 =	vand.u32 $0xFFFF0000, v22;
	v5 =	vld [tilespmem:s5+$0x3400];
	[tilespmem:s8+$0xBC00] =	vst v3;
	s8 =	sand.u32 $0x3F0, s9;
	v3 =	vmov v4;
	s9 =	smov.u32 s12  }
0x3ce: {  	v4 =	vld.idx.msk [tilespmem:v6+s16+$0x0], $0xffff;
	[tilespmem:s8+$0xC000] =	vst v26;
	v26 =	vshll.u32 v16, $0x10;
	v16 =	vand.u32 $0xFFFF0000, v16  }
0x3cf: {  	[tilespmem:s8+$0xC400] =	vst v19;
	v19 =	vshll.u32 v20, $0x10;
	v20 =	vand.u32 $0xFFFF0000, v20  }
0x3d0: {  	[tilespmem:s8+$0xC800] =	vst v23;
	v23 =	vshll.u32 v24, $0x10;
	v24 =	vand.u32 $0xFFFF0000, v24  }
0x3d1: {  	v30 =	vshll.u32 v27, $0x10;
	v27 =	vand.u32 $0xFFFF0000, v27;
	[tilespmem:s8+$0xCC00] =	vst v17  }
0x3d2: {  	v31 =	vshll.u32 v7, $0x10;
	v32 =	vand.u32 $0xFFFF0000, v7;
	v5 =	vmul.f32 $2.550000000e+02, v5;
	[tilespmem:s8+$0xD000] =	vst v12  }
0x3d3: {  	[tilespmem:s8+$0xD400] =	vst v10  }
0x3d4: {  	v33 =	vshll.u32 v4, $0x10;
	v34 =	vand.u32 $0xFFFF0000, v4;
	v5 =	vtrunc.f32 v5;
	[tilespmem:s8+$0xD800] =	vst v13  }
0x3d5: {  	v4 =	vcvt.f32.s32 v5;
	[tilespmem:s8+$0xDC00] =	vst v8  }
0x3d6: {  	[tilespmem:s8+$0xE000] =	vst v14  }
0x3d7: {  	vm0 =	vgt.s32 v4, $0x0;
	[tilespmem:s8+$0xE400] =	vst v9  }
0x3d8: {  	v4 =	vnsel vm0, $0x0, v4;
	[tilespmem:s8+$0xE800] =	vst v15  }
0x3d9: {  	v4 =	vmin.u32 v4, $0xFF;
	[tilespmem:s8+$0xEC00] =	vst v18  }
0x3da: {  	v5 =	vor.u32 $0x100, v4;
	v8 =	vor.u32 $0x200, v4;
	v9 =	vor.u32 $0x300, v4;
	[tilespmem:s8+$0xF000] =	vst v25  }
0x3db: {  	v10 =	vor.u32 $0x400, v4;
	v12 =	vor.u32 $0x500, v4;
	v13 =	vor.u32 $0x600, v4;
	[tilespmem:s8+$0xF400] =	vst v11  }
0x3dc: {  	v14 =	vor.u32 $0x800, v4;
	v15 =	vor.u32 $0x900, v4;
	v11 =	vor.u32 $0x700, v4;
	[tilespmem:s8+$0xF800] =	vst v28  }
0x3dd: {  	v18 =	vor.u32 $0xA00, v4;
	v25 =	vor.u32 $0xB00, v4;
	v28 =	vor.u32 $0xC00, v4;
	[tilespmem:s8+$0xFC00] =	vst v21  }
0x3de: {  	v35 =	vor.u32 $0xD00, v4;
	v7 =	vor.u32 $0xE00, v4;
	v6 =	vor.u32 $0xF00, v4;
	v17 =	vld.idx.msk [tilespmem:v4+s16+$0x0], $0xffff;
	[tilespmem:s8+$0x10000] =	vst v29  }
0x3df: {  	v21 =	vld.idx.msk [tilespmem:v5+s16+$0x0], $0xffff;
	[tilespmem:s8+$0x10400] =	vst v22  }
0x3e0: {  	v8 =	vld.idx.msk [tilespmem:v8+s16+$0x0], $0xffff;
	[tilespmem:s8+$0x10800] =	vst v26  }
0x3e1: {  	v9 =	vld.idx.msk [tilespmem:v9+s16+$0x0], $0xffff;
	[tilespmem:s8+$0x10C00] =	vst v16  }
0x3e2: {  	v29 =	vld.idx.msk [tilespmem:v10+s16+$0x0], $0xffff;
	[tilespmem:s8+$0x11000] =	vst v19  }
0x3e3: {  	v36 =	vld.idx.msk [tilespmem:v12+s16+$0x0], $0xffff;
	[tilespmem:s8+$0x11400] =	vst v20  }
0x3e4: {  	v5 =	vshll.u32 v17, $0x10;
	v4 =	vand.u32 $0xFFFF0000, v17;
	v37 =	vld.idx.msk [tilespmem:v13+s16+$0x0], $0xffff;
	[tilespmem:s8+$0x11800] =	vst v23  }
0x3e5: {  	v26 =	vshll.u32 v21, $0x10;
	v19 =	vand.u32 $0xFFFF0000, v21;
	v11 =	vld.idx.msk [tilespmem:v11+s16+$0x0], $0xffff;
	[tilespmem:s8+$0x11C00] =	vst v24  }
0x3e6: {  	v23 =	vshll.u32 v8, $0x10;
	v17 =	vand.u32 $0xFFFF0000, v8;
	v21 =	vld.idx.msk [tilespmem:v14+s16+$0x0], $0xffff;
	[tilespmem:s8+$0x12000] =	vst v30  }
.Ltmp52:
0x3e7: {  	v12 =	vshll.u32 v9, $0x10;
	v10 =	vand.u32 $0xFFFF0000, v9;
	v22 =	vld.idx.msk [tilespmem:v15+s16+$0x0], $0xffff;
	[tilespmem:s8+$0x12400] =	vst v27;
	(pc) =	sbr.rel @p0 .LBB2_86-.Ltmp52, $4  }
0x3e8: {  	v13 =	vshll.u32 v29, $0x10;
	v8 =	vand.u32 $0xFFFF0000, v29;
	v16 =	vld.idx.msk [tilespmem:v18+s16+$0x0], $0xffff;
	[tilespmem:s8+$0x12800] =	vst v31  }
0x3e9: {  	v14 =	vshll.u32 v36, $0x10;
	v9 =	vand.u32 $0xFFFF0000, v36;
	v20 =	vld.idx.msk [tilespmem:v25+s16+$0x0], $0xffff;
	[tilespmem:s8+$0x12C00] =	vst v32  }
0x3ea: {  	s11 =	sadd.s32 $0x1, s11;
	v15 =	vshll.u32 v37, $0x10;
	v18 =	vand.u32 $0xFFFF0000, v37;
	v24 =	vld.idx.msk [tilespmem:v28+s16+$0x0], $0xffff;
	[tilespmem:s8+$0x13000] =	vst v33  }
0x3eb: {  	s5 =	smin.u32 s11, $0x3F;
	s12 =	sadd.s32 $0x10, s12;
	v25 =	vshll.u32 v11, $0x10;
	v11 =	vand.u32 $0xFFFF0000, v11;
	v27 =	vld.idx.msk [tilespmem:v35+s16+$0x0], $0xffff;
	[tilespmem:s8+$0x13400] =	vst v34  }
0x3ec: {  	_ =	sdelay $0x2  }
0x3ed: {  	[tilespmem:s8+$0xB800] =	vst v2  }
0x3ee: {  	v7 =	vld.idx.msk [tilespmem:v7+s16+$0x0], $0xffff;
	s5 =	sand.u32 $0x3F0, s9;
	[tilespmem:s8+$0xBC00] =	vst v3  }
0x3ef: {  	v2 =	vld.idx.msk [tilespmem:v6+s16+$0x0], $0xffff;
	[tilespmem:s5+$0xC000] =	vst v26  }
0x3f0: {  	[tilespmem:s5+$0xC400] =	vst v19  }
0x3f1: {  	[tilespmem:s5+$0xC800] =	vst v23  }
0x3f2: {  	[tilespmem:s5+$0xCC00] =	vst v17  }
0x3f3: {  	[tilespmem:s5+$0xD000] =	vst v12  }
0x3f4: {  	[tilespmem:s5+$0xD400] =	vst v10  }
0x3f5: {  	[tilespmem:s5+$0xD800] =	vst v13  }
0x3f6: {  	[tilespmem:s5+$0xDC00] =	vst v8  }
0x3f7: {  	[tilespmem:s5+$0xE000] =	vst v14  }
0x3f8: {  	[tilespmem:s5+$0xE400] =	vst v9  }
0x3f9: {  	[tilespmem:s5+$0xE800] =	vst v15  }
0x3fa: {  	[tilespmem:s5+$0xEC00] =	vst v18  }
0x3fb: {  	[tilespmem:s5+$0xF000] =	vst v25  }
0x3fc: {  	v3 =	vshll.u32 v21, $0x10;
	[tilespmem:s5+$0xF400] =	vst v11  }
0x3fd: {  	v57 =	vand.u32 $0xFFFF0000, v21;
	[tilespmem:s5+$0xF800] =	vst v3  }
0x3fe: {  	v58 =	vand.u32 $0xFFFF0000, v22;
	[tilespmem:s5+$0xFC00] =	vst v57  }
0x3ff: {  	[tilespmem:s5+$0x10400] =	vst v58  }
0x400: {  	[tilespmem:s5+$0xB800] =	vst v5  }
0x401: {  	v3 =	vshll.u32 v22, $0x10;
	[tilespmem:s5+$0xBC00] =	vst v4  }
0x402: {  	v59 =	vand.u32 $0xFFFF0000, v16;
	[tilespmem:s5+$0x10000] =	vst v3  }
0x403: {  	v3 =	vshll.u32 v16, $0x10;
	[tilespmem:s5+$0x10C00] =	vst v59  }
0x404: {  	v60 =	vand.u32 $0xFFFF0000, v20;
	[tilespmem:s5+$0x10800] =	vst v3  }
0x405: {  	v3 =	vshll.u32 v20, $0x10;
	[tilespmem:s5+$0x11400] =	vst v60  }
0x406: {  	v61 =	vand.u32 $0xFFFF0000, v24;
	[tilespmem:s5+$0x11000] =	vst v3  }
0x407: {  	v3 =	vshll.u32 v24, $0x10;
	[tilespmem:s5+$0x11C00] =	vst v61  }
0x408: {  	v62 =	vand.u32 $0xFFFF0000, v27;
	[tilespmem:s5+$0x11800] =	vst v3  }
0x409: {  	s3 =	smul.u32 $0xC00, s3;
	v3 =	vshll.u32 v27, $0x10;
	[tilespmem:s5+$0x12400] =	vst v62  }
0x40a: {  	s0 =	smul.u32 $0x480000, s0;
	s31 =	sshll.u32 s31, $0xA;
	p0 =	seq.s32 s26, $0x1A;
	v63 =	vand.u32 $0xFFFF0000, v7;
	[tilespmem:s5+$0x12000] =	vst v3  }
.Ltmp53:
0x40b: {  	s3 =	sadd.s32 s31, s3;
	v3 =	vshll.u32 v7, $0x10;
	[tilespmem:s5+$0x12C00] =	vst v63;
	(pc) =	sbr.rel @p0 .LBB2_89-.Ltmp53, $4  }
0x40c: {  	s0 =	sadd.s32 s0, s3;
	[tilespmem:s5+$0x12800] =	vst v3;
	v3 =	vshll.u32 v2, $0x10  }
0x40d: {  	s0 =	sshrl.u32 s0, $0x3;
	v2 =	vand.u32 $0xFFFF0000, v2;
	[tilespmem:s5+$0x13000] =	vst v3  }
0x40e: {  	s0 =	sadd.s32 s6, s0;
	[tilespmem:s5+$0x13400] =	vst v2  }
0x40f: {  	[hbm4b:s0+s17] =	stream.strided.scatter [tilespmem:s22], [sflag:$0x4], $0x8000, s18, s17, $0x38;
	[tilespmem:$0x13800] =	vst v63  }
0x410: {  	s0 =	sadd.s32 $0x1, s28  }
0x411: {  	s3 =	simm.s32 $0x1;
	p0 =	sgt.s32 s0, $0x2  }
0x412: {  	s3 =	simm.s32 @!p0 $0x0  }
0x413: {  	s3 =	sadd.s32 s3, s30  }
0x414: {  	s5 =	simm.s32 $0x1;
	p1 =	sgt.s32 s3, $0x2F  }
0x415: {  	s3 =	smul.u32 $0xC00, s3;
	s5 =	simm.s32 @!p1 $0x0  }
0x416: {  	s0 =	sshll.u32 s0, $0xA;
	s5 =	sadd.s32 s5, s29  }
0x417: {  	s0 =	simm.s32 @p0 $0x0;
	s3 =	simm.s32 @p1 $0x0;
	s5 =	smul.u32 $0x24000, s5  }
.Ltmp54:
0x418: {  	s0 =	sadd.s32 s0, s3;
	(pc) =	sbr.rel .LBB2_79-.Ltmp54, $4  }
0x419: {  	s0 =	sadd.s32 s5, s0  }
0x41a: {  	s0 =	sshrl.u32 s0, $0x3  }
0x41b: {  	s26 =	sadd.s32 $0x1, s26;
	s0 =	sadd.s32 s4, s0  }
0x41c: {  	[tilespmem:s15], [sflag:$0x2] =	stream.linear.gather [hbm4b:s0+s7], $0x400, $0x38;
	[tilespmem:$0x13800] =	vst v63  }
.LBB2_8:
.Ltmp55:
0x41d: {  	(pc) =	sbr.rel .LBB2_13-.Ltmp55, $2  }
0x41e: {  	_ =	sdelay $0x2  }
0x41f: {  	_ = 	snop  }
.LBB2_18:
.Ltmp56:
0x420: {  	(pc) =	sbr.rel .LBB2_23-.Ltmp56, $2  }
0x421: {  	_ =	sdelay $0x2  }
0x422: {  	_ = 	snop  }
.LBB2_28:
.Ltmp57:
0x423: {  	(pc) =	sbr.rel .LBB2_33-.Ltmp57, $2  }
0x424: {  	_ =	sdelay $0x2  }
0x425: {  	_ = 	snop  }
.LBB2_38:
.Ltmp58:
0x426: {  	(pc) =	sbr.rel .LBB2_43-.Ltmp58, $2  }
0x427: {  	_ =	sdelay $0x2  }
0x428: {  	_ = 	snop  }
.LBB2_48:
.Ltmp59:
0x429: {  	(pc) =	sbr.rel .LBB2_53-.Ltmp59, $2  }
0x42a: {  	_ =	sdelay $0x2  }
0x42b: {  	_ = 	snop  }
.LBB2_58:
.Ltmp60:
0x42c: {  	(pc) =	sbr.rel .LBB2_63-.Ltmp60, $2  }
0x42d: {  	_ =	sdelay $0x2  }
0x42e: {  	_ = 	snop  }
.LBB2_68:
.Ltmp61:
0x42f: {  	(pc) =	sbr.rel .LBB2_73-.Ltmp61, $2  }
0x430: {  	_ =	sdelay $0x2  }
0x431: {  	_ = 	snop  }
.LBB2_74:
.Ltmp62:
0x432: {  	(pc) =	sbr.rel .LBB2_78-.Ltmp62, $2  }
0x433: {  	_ =	sdelay $0x2  }
0x434: {  	s0 =	simm.s32 $0x0  }
.LBB2_5:
.Ltmp63:
0x435: {  	(pc) =	sbr.rel .LBB2_7-.Ltmp63, $2  }
0x436: {  	_ =	sdelay $0x2  }
0x437: {  	s9 =	simm.s32 $0x0;
	s8 =	simm.s32 $0x10  }
.LBB2_10:
.Ltmp64:
0x438: {  	(pc) =	sbr.rel .LBB2_13-.Ltmp64, $2  }
0x439: {  	_ =	sdelay $0x2  }
0x43a: {  	s5 =	simm.s32 $0x0;
	s0 =	simm.s32 $0x10  }
.LBB2_15:
.Ltmp65:
0x43b: {  	(pc) =	sbr.rel .LBB2_17-.Ltmp65, $2  }
0x43c: {  	_ =	sdelay $0x2  }
0x43d: {  	s9 =	simm.s32 $0x0;
	s8 =	simm.s32 $0x10  }
.LBB2_20:
.Ltmp66:
0x43e: {  	(pc) =	sbr.rel .LBB2_23-.Ltmp66, $2  }
0x43f: {  	_ =	sdelay $0x2  }
0x440: {  	s5 =	simm.s32 $0x0;
	s3 =	simm.s32 $0x10  }
.LBB2_25:
.Ltmp67:
0x441: {  	(pc) =	sbr.rel .LBB2_27-.Ltmp67, $2  }
0x442: {  	_ =	sdelay $0x2  }
0x443: {  	s9 =	simm.s32 $0x0;
	s8 =	simm.s32 $0x10  }
.LBB2_30:
.Ltmp68:
0x444: {  	(pc) =	sbr.rel .LBB2_33-.Ltmp68, $2  }
0x445: {  	_ =	sdelay $0x2  }
0x446: {  	s5 =	simm.s32 $0x0;
	s0 =	simm.s32 $0x10  }
.LBB2_35:
.Ltmp69:
0x447: {  	(pc) =	sbr.rel .LBB2_37-.Ltmp69, $2  }
0x448: {  	_ =	sdelay $0x2  }
0x449: {  	s9 =	simm.s32 $0x0;
	s8 =	simm.s32 $0x10  }
.LBB2_40:
.Ltmp70:
0x44a: {  	(pc) =	sbr.rel .LBB2_43-.Ltmp70, $2  }
0x44b: {  	_ =	sdelay $0x2  }
0x44c: {  	s5 =	simm.s32 $0x0;
	s3 =	simm.s32 $0x10  }
.LBB2_45:
.Ltmp71:
0x44d: {  	(pc) =	sbr.rel .LBB2_47-.Ltmp71, $2  }
0x44e: {  	_ =	sdelay $0x2  }
0x44f: {  	s9 =	simm.s32 $0x0;
	s8 =	simm.s32 $0x10  }
.LBB2_50:
.Ltmp72:
0x450: {  	(pc) =	sbr.rel .LBB2_53-.Ltmp72, $2  }
0x451: {  	_ =	sdelay $0x2  }
0x452: {  	s5 =	simm.s32 $0x0;
	s0 =	simm.s32 $0x10  }
.LBB2_55:
.Ltmp73:
0x453: {  	(pc) =	sbr.rel .LBB2_57-.Ltmp73, $2  }
0x454: {  	_ =	sdelay $0x2  }
0x455: {  	s9 =	simm.s32 $0x0;
	s8 =	simm.s32 $0x10  }
.LBB2_60:
.Ltmp74:
0x456: {  	(pc) =	sbr.rel .LBB2_63-.Ltmp74, $2  }
0x457: {  	_ =	sdelay $0x2  }
0x458: {  	s5 =	simm.s32 $0x0;
	s3 =	simm.s32 $0x10  }
.LBB2_65:
.Ltmp75:
0x459: {  	(pc) =	sbr.rel .LBB2_67-.Ltmp75, $2  }
0x45a: {  	_ =	sdelay $0x2  }
0x45b: {  	s9 =	simm.s32 $0x0;
	s8 =	simm.s32 $0x10  }
.LBB2_70:
.Ltmp76:
0x45c: {  	(pc) =	sbr.rel .LBB2_73-.Ltmp76, $2  }
0x45d: {  	_ =	sdelay $0x2  }
0x45e: {  	s5 =	simm.s32 $0x0;
	s0 =	simm.s32 $0x10  }
.LBB2_76:
.Ltmp77:
0x45f: {  	(pc) =	sbr.rel .LBB2_78-.Ltmp77, $2  }
0x460: {  	_ =	sdelay $0x2  }
0x461: {  	s3 =	simm.s32 $0x0  }
.LBB2_90:
0x462: {  	_ =	sfence.sel $0x180000  }
0x463: {  	[bflag:$0x0] =	sbarrier.arrive $0xFFFF  }
0x464: {  	_ =	strace $0x90000047  }
0x465: {  	s0 =	stileid.u32;
	[bflag:$0x2] =	sbarrier.arrive $0xFFFF  }
0x466: {  	p0 =	sne.s32 s0, $0x0;
	s0 =	rddreg [dreg:$0x3]  }
0x467: {  	s0 =	sadd.s32 @!p0 $0x100000, s0  }
0x468: {  	[sflag:s0] =	ssyncadd.tile.s32 @!p0 $0x1;
	_ =	shalt  }
.Lfunc_end2:
_tile_overlayer_lowered:
.L_overlay_start_2:
0x469: {  	(tag) =	ssettag $0x2  }
0x46a: {  	s0 =	rddreg [dreg:$0x0];
	s2 =	stileid.u32  }
0x46b: {  	s1 =	rddreg [dreg:$0x1];
	p0 =	sne.s32 s2, $0x0  }
0x46c: {  	s3 =	rddreg [dreg:$0x2];
	[bflag:$0x3] =	sbarrier.arrive $0xFFFF;
	s2 =	simm.s32 @!p0 $0x1C05  }
0x46d: {  	[timem:s3], [sflag:s2] =	dma.local @!p0 [hbm:s0], s1  }
0x46e: {  	s0 =	simm.s32 @!p0 $0x5  }
0x46f: {  	_ =	swait.ge @!p0 [sflag:s0], s1  }
0x470: {  	s1 =	ssub.s32 @!p0 $0x0, s1;
	[sflag:s0] =	ssyncset.done @!p0 $0x0  }
0x471: {  	[sflag:s0] =	ssyncadd.s32 @!p0 s1  }
0x472: {  	[bflag:$0x3] =	sbarrier.arrive $0xFFFF  }
0x473: {  	_ =	shalt  }

</sc_bundles>
